<compile_context>
chip_gen: v7x
topology: tpu7x:2x2x1
jax: 0.10.2.dev20260603
libtpu: 0.0.44.dev20260713+nightly
codegen_flags: <defaults>
</compile_context>

<pallas_src>
import functools

import jax
import jax.numpy as jnp
from jax import lax
from jax.experimental import pallas as pl
from jax.experimental.pallas import tpu as pltpu
from jax.experimental.pallas import tpu_sc as plsc

N_NODES = 50000
NH = N_NODES // 2
ACC_ROWS = 25600
DUMMY = NH
EMB = 64
CHUNK = 128
EPT = 50048
E_PAD = 16 * EPT


def _spmm_body(row_hbm, col_hbm, val_hbm, feat_hbm, out_hbm,
               row_v, col_v, val_v, idx_v, rows_v, zbuf, acc, sem):
    c = lax.axis_index("c")
    s = lax.axis_index("s")
    base = c * NH

    def _zb(i, _):
        for j in range(4):
            zbuf[i, pl.ds(16 * j, 16)] = jnp.zeros((16,), jnp.float32)
        return 0
    lax.fori_loop(0, 200, _zb, 0)

    def _zacc(m, _):
        off = pl.multiple_of(s * 1600 + m * 200, 8)
        pltpu.sync_copy(zbuf, acc.at[pl.ds(off, 200)])
        return 0
    lax.fori_loop(0, 8, _zacc, 0)
    plsc.subcore_barrier()

    edge0 = s * EPT

    def _chunk(k, _):
        e0 = pl.multiple_of(edge0 + k * CHUNK, 8)
        pltpu.sync_copy(col_hbm.at[pl.ds(e0, CHUNK)], col_v)
        gather = pltpu.async_copy(feat_hbm.at[col_v], rows_v, sem)
        pltpu.sync_copy(row_hbm.at[pl.ds(e0, CHUNK)], row_v)
        pltpu.sync_copy(val_hbm.at[pl.ds(e0, CHUNK)], val_v)
        for i in range(CHUNK // 16):
            r16 = row_v[pl.ds(16 * i, 16)]
            owned = (r16 >= base) & (r16 < base + NH)
            idx_v[pl.ds(16 * i, 16)] = jnp.where(owned, r16 - base, DUMMY)
        gather.wait()

        def _scale(i, _):
            v16 = val_v[pl.ds(16 * i, 16)]
            for lane in range(16):
                r = 16 * i + lane
                v = v16[lane]
                for j in range(4):
                    rows_v[r, pl.ds(16 * j, 16)] = rows_v[r, pl.ds(16 * j, 16)] * v
            return 0
        lax.fori_loop(0, CHUNK // 16, _scale, 0)
        pltpu.sync_copy(rows_v, acc.at[idx_v], add=True)
        return 0
    lax.fori_loop(0, EPT // CHUNK, _chunk, 0)
    plsc.subcore_barrier()

    for m in range(8):
        ch = s + 16 * m

        @pl.when(ch < NH // 200)
        def _():
            src = pl.multiple_of(ch * 200, 8)
            dst = pl.multiple_of(base + ch * 200, 8)
            pltpu.sync_copy(acc.at[pl.ds(src, 200)], out_hbm.at[pl.ds(dst, 200)])


_spmm = functools.partial(
    pl.kernel,
    out_type=jax.ShapeDtypeStruct((N_NODES, EMB), jnp.float32),
    mesh=plsc.VectorSubcoreMesh(core_axis_name="c", subcore_axis_name="s"),
    compiler_params=pltpu.CompilerParams(use_tc_tiling_on_sc=False),
    scratch_types=[
        pltpu.VMEM((CHUNK,), jnp.int32),
        pltpu.VMEM((CHUNK,), jnp.int32),
        pltpu.VMEM((CHUNK,), jnp.float32),
        pltpu.VMEM((CHUNK,), jnp.int32),
        pltpu.VMEM((CHUNK, EMB), jnp.float32),
        pltpu.VMEM((200, EMB), jnp.float32),
        pltpu.VMEM_SHARED((ACC_ROWS, EMB), jnp.float32),
        pltpu.SemaphoreType.DMA,
    ],
)(_spmm_body)


def _dense(agg, feat, w1t, b1, w2t, b2):
    n = agg.shape[0]
    blk = 2000

    def body(a_ref, f_ref, w1_ref, b1_ref, w2_ref, b2_ref, nf_ref, nrm_ref):
        a = a_ref[...]
        f = f_ref[...]
        p1 = lax.dot(a, w1_ref[...], precision=lax.Precision.HIGHEST) + b1_ref[...]
        p1 = jnp.where(p1 >= 0, p1, 0.2 * p1)
        p2 = lax.dot(a * f, w2_ref[...], precision=lax.Precision.HIGHEST) + b2_ref[...]
        p2 = jnp.where(p2 >= 0, p2, 0.2 * p2)
        nf = p1 + p2
        nf_ref[...] = nf
        nrm = jnp.sqrt(jnp.sum(nf * nf, axis=1, keepdims=True))
        nrm_ref[...] = nf / jnp.maximum(nrm, 1e-12)

    return pl.pallas_call(
        body,
        grid=(n // blk,),
        in_specs=[
            pl.BlockSpec((blk, EMB), lambda i: (i, 0)),
            pl.BlockSpec((blk, EMB), lambda i: (i, 0)),
            pl.BlockSpec((EMB, EMB), lambda i: (0, 0)),
            pl.BlockSpec((1, EMB), lambda i: (0, 0)),
            pl.BlockSpec((EMB, EMB), lambda i: (0, 0)),
            pl.BlockSpec((1, EMB), lambda i: (0, 0)),
        ],
        out_specs=[
            pl.BlockSpec((blk, EMB), lambda i: (i, 0)),
            pl.BlockSpec((blk, EMB), lambda i: (i, 0)),
        ],
        out_shape=[
            jax.ShapeDtypeStruct((n, EMB), jnp.float32),
            jax.ShapeDtypeStruct((n, EMB), jnp.float32),
        ],
    )(agg, feat, w1t, b1.reshape(1, EMB), w2t, b2.reshape(1, EMB))


def kernel(edge_index, edge_values, emb_table,
           W1_0, b1_0, W2_0, b2_0, W1_1, b1_1, W2_1, b2_1):
    e = edge_values.shape[0]
    pad = E_PAD - e
    row = jnp.concatenate([edge_index[0], jnp.zeros((pad,), jnp.int32)])
    col = jnp.concatenate([edge_index[1], jnp.zeros((pad,), jnp.int32)])
    val = jnp.concatenate([edge_values, jnp.zeros((pad,), jnp.float32)])

    feat = emb_table
    outs = [emb_table]
    for (w1, b1, w2, b2) in ((W1_0, b1_0, W2_0, b2_0), (W1_1, b1_1, W2_1, b2_1)):
        agg = _spmm(row, col, val, feat)
        feat, nrm = _dense(agg, feat, w1.T, b1, w2.T, b2)
        outs.append(nrm)
    return tuple(outs)

# --- scband reference (transcript-rebuilt; emitter-appended) ---
"""Pipeline reference for scband-ngcf-3693671874623 (READ-ONLY COPY).

The authoritative reference and input builder live on the scoring server;
editing this copy changes nothing except your own understanding.
"""

import jax, jax.numpy as jnp
import numpy as np

N_USERS = 25000
N_ITEMS = 25000
N = N_USERS + N_ITEMS
E = 800000
EMB = 64
LAYERS = [64, 64]


def _xavier(key, shape):
    fan_in, fan_out = shape[1], shape[0]
    limit = float(np.sqrt(6.0 / (fan_in + fan_out)))
    return jax.random.uniform(key, shape, minval=-limit, maxval=limit, dtype=jnp.float32)


def setup_inputs(seed: int = 0) -> dict:
    key = jax.random.key(seed)
    ks = jax.random.split(key, 12)
    edge_index = jax.random.randint(ks[0], (2, E), 0, N, dtype=jnp.int32)
    edge_values = jax.random.uniform(ks[1], (E,), dtype=jnp.float32)
    # learned parameters
    limit = float(np.sqrt(6.0 / (N + EMB)))
    emb_table = jax.random.uniform(ks[2], (N, EMB), minval=-limit, maxval=limit, dtype=jnp.float32)
    dims = [EMB] + LAYERS
    params = {}
    kidx = 3
    for i in range(len(LAYERS)):
        params[f'W1_{i}'] = _xavier(ks[kidx], (dims[i + 1], dims[i])); kidx += 1
        params[f'b1_{i}'] = jnp.zeros((dims[i + 1],), dtype=jnp.float32)
        params[f'W2_{i}'] = _xavier(ks[kidx], (dims[i + 1], dims[i])); kidx += 1
        params[f'b2_{i}'] = jnp.zeros((dims[i + 1],), dtype=jnp.float32)
    return {'edge_index': edge_index, 'edge_values': edge_values, 'emb_table': emb_table, **params}


def _leaky_relu(x):
    return jnp.where(x >= 0, x, 0.2 * x)


def _l2_normalize(x):
    nrm = jnp.linalg.norm(x, axis=1, keepdims=True)
    return x / jnp.maximum(nrm, 1e-12)


def reference(edge_index, edge_values, emb_table, W1_0, b1_0, W2_0, b2_0, W1_1, b1_1, W2_1, b2_1):
    # NGCF.forward(adj): dropout layers are identity in eval mode.
    row = edge_index[0]
    col = edge_index[1]
    Ws = [(W1_0, b1_0, W2_0, b2_0), (W1_1, b1_1, W2_1, b2_1)]
    node_feat = emb_table
    all_emb = [node_feat]
    for (W1, b1, W2, b2) in Ws:
        # agg_feat = torch.sparse.mm(mat, node_feat): out[row] += val * node_feat[col]
        gathered = edge_values[:, None] * jnp.take(node_feat, col, axis=0)
        agg_feat = jax.ops.segment_sum(gathered, row, num_segments=N)
        part_1 = _leaky_relu(agg_feat @ W1.T + b1)
        part_2 = _leaky_relu((agg_feat * node_feat) @ W2.T + b2)
        node_feat = part_1 + part_2
        all_emb.append(_l2_normalize(node_feat))
    return tuple(all_emb)

if __name__ == "__main__":
    import jax
    _d = setup_inputs()
    print(jax.jit(kernel)(*tuple(_d.values())))

</pallas_src>

<mosaic_0001>
#map = affine_map<(d0, d1) -> (0)>
#map1 = affine_map<(d0, d1) -> (0, 0)>
module attributes {stable_mosaic.version = 14 : i64} {
  func.func @_spmm_body(%arg0: i32, %arg1: i32, %arg2: memref<800768xi32, #tpu.memory_space<hbm>>, %arg3: memref<800768xi32, #tpu.memory_space<hbm>>, %arg4: memref<800768xf32, #tpu.memory_space<hbm>>, %arg5: memref<50000x64xf32, #tpu.memory_space<hbm>>, %arg6: memref<50000x64xf32, #tpu.memory_space<hbm>>, %arg7: memref<128xi32, #tpu.memory_space<vmem>>, %arg8: memref<128xi32, #tpu.memory_space<vmem>>, %arg9: memref<128xf32, #tpu.memory_space<vmem>>, %arg10: memref<128xi32, #tpu.memory_space<vmem>>, %arg11: memref<128x64xf32, #tpu.memory_space<vmem>>, %arg12: memref<200x64xf32, #tpu.memory_space<vmem>>, %arg13: memref<25600x64xf32, #tpu.memory_space<vmem_shared>>, %arg14: memref<!tpu.dma_semaphore, #tpu.memory_space<semaphore_mem>>) attributes {dimension_semantics = [#tpu.dimension_semantics<core_parallel>, #tpu.dimension_semantics<subcore_parallel>], iteration_bounds = array<i64: 2, 16>, scalar_prefetch = 0 : i64, scratch_operands = 8 : i64, tpu.core_type = #tpu.core_type<sc_vector_subcore>, window_params = [{transform_indices = #map}, {transform_indices = #map}, {transform_indices = #map}, {transform_indices = #map1}, {transform_indices = #map1}]} {
    %mul3A = arith.constant 25000 : i32
    %mul3A_0 = arith.muli %arg0, %mul3A : i32
    %scan3A = arith.constant 0 : i32
    %scan3A_1 = arith.constant 0 : i32
    %scan3A_2 = arith.constant 200 : i32
    %scan3A_3 = arith.addi %scan3A_1, %scan3A_2 : i32
    %scan3A_4 = arith.constant 1 : i32
    %scan3A_5 = scf.for %scan3A_76 = %scan3A_1 to %scan3A_3 step %scan3A_4 iter_args(%scan3A_77 = %scan3A) -> (i32)  : i32 {
      %broadcast_in_dim3A = arith.constant 0.000000e+00 : f32
      %broadcast_in_dim3A_78 = vector.broadcast %broadcast_in_dim3A : f32 to vector<16xf32>
      %swap3A = arith.index_cast %scan3A_76 : i32 to index
      %swap3A_79 = arith.constant 0 : index
      %swap3A_80 = tpu.vector_load %arg12[%swap3A, %swap3A_79] {strides = array<i32>} : memref<200x64xf32, #tpu.memory_space<vmem>>, vector<1x16xf32>,
      %swap3A_81 = vector.shape_cast %swap3A_80 : vector<1x16xf32> to vector<16xf32>
      %swap3A_82 = vector.shape_cast %broadcast_in_dim3A_78 : vector<16xf32> to vector<1x16xf32>
      tpu.vector_store %arg12[%swap3A, %swap3A_79], %swap3A_82 {strides = array<i32>} : memref<200x64xf32, #tpu.memory_space<vmem>>, vector<1x16xf32>,
      %broadcast_in_dim3A_83 = arith.constant 0.000000e+00 : f32
      %broadcast_in_dim3A_84 = vector.broadcast %broadcast_in_dim3A_83 : f32 to vector<16xf32>
      %swap3A_85 = arith.index_cast %scan3A_76 : i32 to index
      %swap3A_86 = arith.constant 16 : index
      %swap3A_87 = tpu.vector_load %arg12[%swap3A_85, %swap3A_86] {strides = array<i32>} : memref<200x64xf32, #tpu.memory_space<vmem>>, vector<1x16xf32>,
      %swap3A_88 = vector.shape_cast %swap3A_87 : vector<1x16xf32> to vector<16xf32>
      %swap3A_89 = vector.shape_cast %broadcast_in_dim3A_84 : vector<16xf32> to vector<1x16xf32>
      tpu.vector_store %arg12[%swap3A_85, %swap3A_86], %swap3A_89 {strides = array<i32>} : memref<200x64xf32, #tpu.memory_space<vmem>>, vector<1x16xf32>,
      %broadcast_in_dim3A_90 = arith.constant 0.000000e+00 : f32
      %broadcast_in_dim3A_91 = vector.broadcast %broadcast_in_dim3A_90 : f32 to vector<16xf32>
      %swap3A_92 = arith.index_cast %scan3A_76 : i32 to index
      %swap3A_93 = arith.constant 32 : index
      %swap3A_94 = tpu.vector_load %arg12[%swap3A_92, %swap3A_93] {strides = array<i32>} : memref<200x64xf32, #tpu.memory_space<vmem>>, vector<1x16xf32>,
      %swap3A_95 = vector.shape_cast %swap3A_94 : vector<1x16xf32> to vector<16xf32>
      %swap3A_96 = vector.shape_cast %broadcast_in_dim3A_91 : vector<16xf32> to vector<1x16xf32>
      tpu.vector_store %arg12[%swap3A_92, %swap3A_93], %swap3A_96 {strides = array<i32>} : memref<200x64xf32, #tpu.memory_space<vmem>>, vector<1x16xf32>,
      %broadcast_in_dim3A_97 = arith.constant 0.000000e+00 : f32
      %broadcast_in_dim3A_98 = vector.broadcast %broadcast_in_dim3A_97 : f32 to vector<16xf32>
      %swap3A_99 = arith.index_cast %scan3A_76 : i32 to index
      %swap3A_100 = arith.constant 48 : index
      %swap3A_101 = tpu.vector_load %arg12[%swap3A_99, %swap3A_100] {strides = array<i32>} : memref<200x64xf32, #tpu.memory_space<vmem>>, vector<1x16xf32>,
      %swap3A_102 = vector.shape_cast %swap3A_101 : vector<1x16xf32> to vector<16xf32>
      %swap3A_103 = vector.shape_cast %broadcast_in_dim3A_98 : vector<16xf32> to vector<1x16xf32>
      tpu.vector_store %arg12[%swap3A_99, %swap3A_100], %swap3A_103 {strides = array<i32>} : memref<200x64xf32, #tpu.memory_space<vmem>>, vector<1x16xf32>,
      %scan3A_104 = arith.constant 0 : i32
      scf.yield %scan3A_104 : i32
    }
    %scan3A_6 = arith.constant 200 : i32
    %scan3A_7 = arith.constant 0 : i32
    %scan3A_8 = arith.constant 0 : i32
    %scan3A_9 = arith.constant 8 : i32
    %scan3A_10 = arith.addi %scan3A_8, %scan3A_9 : i32
    %scan3A_11 = arith.constant 1 : i32
    %scan3A_12 = scf.for %scan3A_76 = %scan3A_8 to %scan3A_10 step %scan3A_11 iter_args(%scan3A_77 = %scan3A_7) -> (i32)  : i32 {
      %mul3A_78 = arith.constant 1600 : i32
      %mul3A_79 = arith.muli %arg1, %mul3A_78 : i32
      %mul3A_80 = arith.constant 200 : i32
      %mul3A_81 = arith.muli %scan3A_76, %mul3A_80 : i32
      %add3A_82 = arith.addi %mul3A_79, %mul3A_81 : i32
      %multiple_of3A = tpu.assume_multiple %add3A_82, 8 : i32
      "tpu.region"() ({
        %run_scoped3A = tpu.sem_alloc : memref<!tpu.dma_semaphore, #tpu.memory_space<semaphore_mem>>
        %dma_start3A = arith.constant 0 : i32
        %dma_start3A_84 = tpu.memref_slice %arg13[%multiple_of3A, %dma_start3A] : memref<25600x64xf32, #tpu.memory_space<vmem_shared>> -> memref<200x64xf32, #tpu.memory_space<vmem_shared>>
        %dma_start3A_85 = arith.constant 0 : i32
        %dma_start3A_86 = tpu.memref_slice %arg13[%multiple_of3A, %dma_start3A_85] : memref<25600x64xf32, #tpu.memory_space<vmem_shared>> -> memref<200x64xf32, #tpu.memory_space<vmem_shared>>
        tpu.enqueue_dma source(%arg12 : memref<200x64xf32, #tpu.memory_space<vmem>>) target(%dma_start3A_86 : memref<200x64xf32, #tpu.memory_space<vmem_shared>>) target_semaphore(%run_scoped3A : memref<!tpu.dma_semaphore, #tpu.memory_space<semaphore_mem>>)
        %dma_wait3A = arith.constant 0 : i32
        %dma_wait3A_87 = tpu.memref_slice %arg13[%multiple_of3A, %dma_wait3A] : memref<25600x64xf32, #tpu.memory_space<vmem_shared>> -> memref<200x64xf32, #tpu.memory_space<vmem_shared>>
        %dma_wait3A_88 = arith.constant 0 : i32
        %dma_wait3A_89 = tpu.memref_slice %arg13[%multiple_of3A, %dma_wait3A_88] : memref<25600x64xf32, #tpu.memory_space<vmem_shared>> -> memref<200x64xf32, #tpu.memory_space<vmem_shared>>
        tpu.wait_dma2 semaphore(%run_scoped3A : memref<!tpu.dma_semaphore, #tpu.memory_space<semaphore_mem>>) src(%arg12 : memref<200x64xf32, #tpu.memory_space<vmem>>) dst(%dma_wait3A_89 : memref<200x64xf32, #tpu.memory_space<vmem_shared>>)
        tpu.yield
      }) : () -> ()
      %scan3A_83 = arith.constant 0 : i32
      scf.yield %scan3A_83 : i32
    }
    %scan3A_13 = arith.constant 8 : i32
    %barrier3A = arith.constant 0 : index
    tpu.barrier barrier_id(%barrier3A)
    %mul3A_14 = arith.constant 50048 : i32
    %mul3A_15 = arith.muli %arg1, %mul3A_14 : i32
    %scan3A_16 = arith.constant 0 : i32
    %scan3A_17 = arith.constant 0 : i32
    %scan3A_18 = arith.constant 391 : i32
    %scan3A_19 = arith.addi %scan3A_17, %scan3A_18 : i32
    %scan3A_20 = arith.constant 1 : i32
    %scan3A_21 = scf.for %scan3A_76 = %scan3A_17 to %scan3A_19 step %scan3A_20 iter_args(%scan3A_77 = %scan3A_16) -> (i32)  : i32 {
      %mul3A_78 = arith.constant 128 : i32
      %mul3A_79 = arith.muli %scan3A_76, %mul3A_78 : i32
      %add3A_80 = arith.addi %mul3A_15, %mul3A_79 : i32
      %multiple_of3A = tpu.assume_multiple %add3A_80, 8 : i32
      "tpu.region"() ({
        %run_scoped3A = tpu.sem_alloc : memref<!tpu.dma_semaphore, #tpu.memory_space<semaphore_mem>>
        %dma_start3A_237 = tpu.memref_slice %arg3[%multiple_of3A] : memref<800768xi32, #tpu.memory_space<hbm>> -> memref<128xi32, #tpu.memory_space<hbm>>
        %dma_start3A_238 = tpu.memref_slice %arg3[%multiple_of3A] : memref<800768xi32, #tpu.memory_space<hbm>> -> memref<128xi32, #tpu.memory_space<hbm>>
        tpu.enqueue_dma source(%dma_start3A_238 : memref<128xi32, #tpu.memory_space<hbm>>) target(%arg8 : memref<128xi32, #tpu.memory_space<vmem>>) target_semaphore(%run_scoped3A : memref<!tpu.dma_semaphore, #tpu.memory_space<semaphore_mem>>)
        %dma_wait3A_239 = tpu.memref_slice %arg3[%multiple_of3A] : memref<800768xi32, #tpu.memory_space<hbm>> -> memref<128xi32, #tpu.memory_space<hbm>>
        %dma_wait3A_240 = tpu.memref_slice %arg3[%multiple_of3A] : memref<800768xi32, #tpu.memory_space<hbm>> -> memref<128xi32, #tpu.memory_space<hbm>>
        tpu.wait_dma2 semaphore(%run_scoped3A : memref<!tpu.dma_semaphore, #tpu.memory_space<semaphore_mem>>) src(%dma_wait3A_240 : memref<128xi32, #tpu.memory_space<hbm>>) dst(%arg8 : memref<128xi32, #tpu.memory_space<vmem>>)
        tpu.yield
      }) : () -> ()
      %dma_start3A = arith.constant 0 : i32
      %dma_start3A_81 = arith.constant 0 : i32
      %dma_start3A_82 = tpu.memref_slice %arg5[%dma_start3A, %dma_start3A_81] : memref<50000x64xf32, #tpu.memory_space<hbm>> -> memref<50000x64xf32, #tpu.memory_space<hbm>>
      tpu.enqueue_indirect_dma source(%dma_start3A_82 : memref<50000x64xf32, #tpu.memory_space<hbm>>) target(%arg11 : memref<128x64xf32, #tpu.memory_space<vmem>>) offsets(%arg8 : memref<128xi32, #tpu.memory_space<vmem>>) semaphore(%arg14 : memref<!tpu.dma_semaphore, #tpu.memory_space<semaphore_mem>>)
      "tpu.region"() ({
        %run_scoped3A = tpu.sem_alloc : memref<!tpu.dma_semaphore, #tpu.memory_space<semaphore_mem>>
        %dma_start3A_237 = tpu.memref_slice %arg2[%multiple_of3A] : memref<800768xi32, #tpu.memory_space<hbm>> -> memref<128xi32, #tpu.memory_space<hbm>>
        %dma_start3A_238 = tpu.memref_slice %arg2[%multiple_of3A] : memref<800768xi32, #tpu.memory_space<hbm>> -> memref<128xi32, #tpu.memory_space<hbm>>
        tpu.enqueue_dma source(%dma_start3A_238 : memref<128xi32, #tpu.memory_space<hbm>>) target(%arg7 : memref<128xi32, #tpu.memory_space<vmem>>) target_semaphore(%run_scoped3A : memref<!tpu.dma_semaphore, #tpu.memory_space<semaphore_mem>>)
        %dma_wait3A_239 = tpu.memref_slice %arg2[%multiple_of3A] : memref<800768xi32, #tpu.memory_space<hbm>> -> memref<128xi32, #tpu.memory_space<hbm>>
        %dma_wait3A_240 = tpu.memref_slice %arg2[%multiple_of3A] : memref<800768xi32, #tpu.memory_space<hbm>> -> memref<128xi32, #tpu.memory_space<hbm>>
        tpu.wait_dma2 semaphore(%run_scoped3A : memref<!tpu.dma_semaphore, #tpu.memory_space<semaphore_mem>>) src(%dma_wait3A_240 : memref<128xi32, #tpu.memory_space<hbm>>) dst(%arg7 : memref<128xi32, #tpu.memory_space<vmem>>)
        tpu.yield
      }) : () -> ()
      "tpu.region"() ({
        %run_scoped3A = tpu.sem_alloc : memref<!tpu.dma_semaphore, #tpu.memory_space<semaphore_mem>>
        %dma_start3A_237 = tpu.memref_slice %arg4[%multiple_of3A] : memref<800768xf32, #tpu.memory_space<hbm>> -> memref<128xf32, #tpu.memory_space<hbm>>
        %dma_start3A_238 = tpu.memref_slice %arg4[%multiple_of3A] : memref<800768xf32, #tpu.memory_space<hbm>> -> memref<128xf32, #tpu.memory_space<hbm>>
        tpu.enqueue_dma source(%dma_start3A_238 : memref<128xf32, #tpu.memory_space<hbm>>) target(%arg9 : memref<128xf32, #tpu.memory_space<vmem>>) target_semaphore(%run_scoped3A : memref<!tpu.dma_semaphore, #tpu.memory_space<semaphore_mem>>)
        %dma_wait3A_239 = tpu.memref_slice %arg4[%multiple_of3A] : memref<800768xf32, #tpu.memory_space<hbm>> -> memref<128xf32, #tpu.memory_space<hbm>>
        %dma_wait3A_240 = tpu.memref_slice %arg4[%multiple_of3A] : memref<800768xf32, #tpu.memory_space<hbm>> -> memref<128xf32, #tpu.memory_space<hbm>>
        tpu.wait_dma2 semaphore(%run_scoped3A : memref<!tpu.dma_semaphore, #tpu.memory_space<semaphore_mem>>) src(%dma_wait3A_240 : memref<128xf32, #tpu.memory_space<hbm>>) dst(%arg9 : memref<128xf32, #tpu.memory_space<vmem>>)
        tpu.yield
      }) : () -> ()
      %get3A = arith.constant 0 : index
      %get3A_83 = tpu.vector_load %arg7[%get3A] {strides = array<i32>} : memref<128xi32, #tpu.memory_space<vmem>>, vector<16xi32>,
      %get3A_84 = vector.shape_cast %get3A_83 : vector<16xi32> to vector<16xi32>
      %ge3A = vector.broadcast %mul3A_0 : i32 to vector<16xi32>
      %ge3A_85 = arith.cmpi sge, %get3A_84, %ge3A : vector<16xi32>
      %add3A_86 = arith.constant 25000 : i32
      %add3A_87 = arith.addi %mul3A_0, %add3A_86 : i32
      %lt3A_88 = vector.broadcast %add3A_87 : i32 to vector<16xi32>
      %lt3A_89 = arith.cmpi slt, %get3A_84, %lt3A_88 : vector<16xi32>
      %and3A = arith.andi %ge3A_85, %lt3A_89 : vector<16xi1>
      %sub3A = vector.broadcast %mul3A_0 : i32 to vector<16xi32>
      %sub3A_90 = arith.subi %get3A_84, %sub3A : vector<16xi32>
      %jit3A = arith.constant 25000 : i32
      %broadcast_in_dim3A = vector.broadcast %jit3A : i32 to vector<16xi32>
      %select_n3A = arith.select %and3A, %sub3A_90, %broadcast_in_dim3A : vector<16xi1>, vector<16xi32>
      %swap3A = arith.constant 0 : index
      %swap3A_91 = tpu.vector_load %arg10[%swap3A] {strides = array<i32>} : memref<128xi32, #tpu.memory_space<vmem>>, vector<16xi32>,
      %swap3A_92 = vector.shape_cast %swap3A_91 : vector<16xi32> to vector<16xi32>
      %swap3A_93 = vector.shape_cast %select_n3A : vector<16xi32> to vector<16xi32>
      tpu.vector_store %arg10[%swap3A], %swap3A_93 {strides = array<i32>} : memref<128xi32, #tpu.memory_space<vmem>>, vector<16xi32>,
      %get3A_94 = arith.constant 16 : index
      %get3A_95 = tpu.vector_load %arg7[%get3A_94] {strides = array<i32>} : memref<128xi32, #tpu.memory_space<vmem>>, vector<16xi32>,
      %get3A_96 = vector.shape_cast %get3A_95 : vector<16xi32> to vector<16xi32>
      %ge3A_97 = vector.broadcast %mul3A_0 : i32 to vector<16xi32>
      %ge3A_98 = arith.cmpi sge, %get3A_96, %ge3A_97 : vector<16xi32>
      %add3A_99 = arith.constant 25000 : i32
      %add3A_100 = arith.addi %mul3A_0, %add3A_99 : i32
      %lt3A_101 = vector.broadcast %add3A_100 : i32 to vector<16xi32>
      %lt3A_102 = arith.cmpi slt, %get3A_96, %lt3A_101 : vector<16xi32>
      %and3A_103 = arith.andi %ge3A_98, %lt3A_102 : vector<16xi1>
      %sub3A_104 = vector.broadcast %mul3A_0 : i32 to vector<16xi32>
      %sub3A_105 = arith.subi %get3A_96, %sub3A_104 : vector<16xi32>
      %jit3A_106 = arith.constant 25000 : i32
      %broadcast_in_dim3A_107 = vector.broadcast %jit3A_106 : i32 to vector<16xi32>
      %select_n3A_108 = arith.select %and3A_103, %sub3A_105, %broadcast_in_dim3A_107 : vector<16xi1>, vector<16xi32>
      %swap3A_109 = arith.constant 16 : index
      %swap3A_110 = tpu.vector_load %arg10[%swap3A_109] {strides = array<i32>} : memref<128xi32, #tpu.memory_space<vmem>>, vector<16xi32>,
      %swap3A_111 = vector.shape_cast %swap3A_110 : vector<16xi32> to vector<16xi32>
      %swap3A_112 = vector.shape_cast %select_n3A_108 : vector<16xi32> to vector<16xi32>
      tpu.vector_store %arg10[%swap3A_109], %swap3A_112 {strides = array<i32>} : memref<128xi32, #tpu.memory_space<vmem>>, vector<16xi32>,
      %get3A_113 = arith.constant 32 : index
      %get3A_114 = tpu.vector_load %arg7[%get3A_113] {strides = array<i32>} : memref<128xi32, #tpu.memory_space<vmem>>, vector<16xi32>,
      %get3A_115 = vector.shape_cast %get3A_114 : vector<16xi32> to vector<16xi32>
      %ge3A_116 = vector.broadcast %mul3A_0 : i32 to vector<16xi32>
      %ge3A_117 = arith.cmpi sge, %get3A_115, %ge3A_116 : vector<16xi32>
      %add3A_118 = arith.constant 25000 : i32
      %add3A_119 = arith.addi %mul3A_0, %add3A_118 : i32
      %lt3A_120 = vector.broadcast %add3A_119 : i32 to vector<16xi32>
      %lt3A_121 = arith.cmpi slt, %get3A_115, %lt3A_120 : vector<16xi32>
      %and3A_122 = arith.andi %ge3A_117, %lt3A_121 : vector<16xi1>
      %sub3A_123 = vector.broadcast %mul3A_0 : i32 to vector<16xi32>
      %sub3A_124 = arith.subi %get3A_115, %sub3A_123 : vector<16xi32>
      %jit3A_125 = arith.constant 25000 : i32
      %broadcast_in_dim3A_126 = vector.broadcast %jit3A_125 : i32 to vector<16xi32>
      %select_n3A_127 = arith.select %and3A_122, %sub3A_124, %broadcast_in_dim3A_126 : vector<16xi1>, vector<16xi32>
      %swap3A_128 = arith.constant 32 : index
      %swap3A_129 = tpu.vector_load %arg10[%swap3A_128] {strides = array<i32>} : memref<128xi32, #tpu.memory_space<vmem>>, vector<16xi32>,
      %swap3A_130 = vector.shape_cast %swap3A_129 : vector<16xi32> to vector<16xi32>
      %swap3A_131 = vector.shape_cast %select_n3A_127 : vector<16xi32> to vector<16xi32>
      tpu.vector_store %arg10[%swap3A_128], %swap3A_131 {strides = array<i32>} : memref<128xi32, #tpu.memory_space<vmem>>, vector<16xi32>,
      %get3A_132 = arith.constant 48 : index
      %get3A_133 = tpu.vector_load %arg7[%get3A_132] {strides = array<i32>} : memref<128xi32, #tpu.memory_space<vmem>>, vector<16xi32>,
      %get3A_134 = vector.shape_cast %get3A_133 : vector<16xi32> to vector<16xi32>
      %ge3A_135 = vector.broadcast %mul3A_0 : i32 to vector<16xi32>
      %ge3A_136 = arith.cmpi sge, %get3A_134, %ge3A_135 : vector<16xi32>
      %add3A_137 = arith.constant 25000 : i32
      %add3A_138 = arith.addi %mul3A_0, %add3A_137 : i32
      %lt3A_139 = vector.broadcast %add3A_138 : i32 to vector<16xi32>
      %lt3A_140 = arith.cmpi slt, %get3A_134, %lt3A_139 : vector<16xi32>
      %and3A_141 = arith.andi %ge3A_136, %lt3A_140 : vector<16xi1>
      %sub3A_142 = vector.broadcast %mul3A_0 : i32 to vector<16xi32>
      %sub3A_143 = arith.subi %get3A_134, %sub3A_142 : vector<16xi32>
      %jit3A_144 = arith.constant 25000 : i32
      %broadcast_in_dim3A_145 = vector.broadcast %jit3A_144 : i32 to vector<16xi32>
      %select_n3A_146 = arith.select %and3A_141, %sub3A_143, %broadcast_in_dim3A_145 : vector<16xi1>, vector<16xi32>
      %swap3A_147 = arith.constant 48 : index
      %swap3A_148 = tpu.vector_load %arg10[%swap3A_147] {strides = array<i32>} : memref<128xi32, #tpu.memory_space<vmem>>, vector<16xi32>,
      %swap3A_149 = vector.shape_cast %swap3A_148 : vector<16xi32> to vector<16xi32>
      %swap3A_150 = vector.shape_cast %select_n3A_146 : vector<16xi32> to vector<16xi32>
      tpu.vector_store %arg10[%swap3A_147], %swap3A_150 {strides = array<i32>} : memref<128xi32, #tpu.memory_space<vmem>>, vector<16xi32>,
      %get3A_151 = arith.constant 64 : index
      %get3A_152 = tpu.vector_load %arg7[%get3A_151] {strides = array<i32>} : memref<128xi32, #tpu.memory_space<vmem>>, vector<16xi32>,
      %get3A_153 = vector.shape_cast %get3A_152 : vector<16xi32> to vector<16xi32>
      %ge3A_154 = vector.broadcast %mul3A_0 : i32 to vector<16xi32>
      %ge3A_155 = arith.cmpi sge, %get3A_153, %ge3A_154 : vector<16xi32>
      %add3A_156 = arith.constant 25000 : i32
      %add3A_157 = arith.addi %mul3A_0, %add3A_156 : i32
      %lt3A_158 = vector.broadcast %add3A_157 : i32 to vector<16xi32>
      %lt3A_159 = arith.cmpi slt, %get3A_153, %lt3A_158 : vector<16xi32>
      %and3A_160 = arith.andi %ge3A_155, %lt3A_159 : vector<16xi1>
      %sub3A_161 = vector.broadcast %mul3A_0 : i32 to vector<16xi32>
      %sub3A_162 = arith.subi %get3A_153, %sub3A_161 : vector<16xi32>
      %jit3A_163 = arith.constant 25000 : i32
      %broadcast_in_dim3A_164 = vector.broadcast %jit3A_163 : i32 to vector<16xi32>
      %select_n3A_165 = arith.select %and3A_160, %sub3A_162, %broadcast_in_dim3A_164 : vector<16xi1>, vector<16xi32>
      %swap3A_166 = arith.constant 64 : index
      %swap3A_167 = tpu.vector_load %arg10[%swap3A_166] {strides = array<i32>} : memref<128xi32, #tpu.memory_space<vmem>>, vector<16xi32>,
      %swap3A_168 = vector.shape_cast %swap3A_167 : vector<16xi32> to vector<16xi32>
      %swap3A_169 = vector.shape_cast %select_n3A_165 : vector<16xi32> to vector<16xi32>
      tpu.vector_store %arg10[%swap3A_166], %swap3A_169 {strides = array<i32>} : memref<128xi32, #tpu.memory_space<vmem>>, vector<16xi32>,
      %get3A_170 = arith.constant 80 : index
      %get3A_171 = tpu.vector_load %arg7[%get3A_170] {strides = array<i32>} : memref<128xi32, #tpu.memory_space<vmem>>, vector<16xi32>,
      %get3A_172 = vector.shape_cast %get3A_171 : vector<16xi32> to vector<16xi32>
      %ge3A_173 = vector.broadcast %mul3A_0 : i32 to vector<16xi32>
      %ge3A_174 = arith.cmpi sge, %get3A_172, %ge3A_173 : vector<16xi32>
      %add3A_175 = arith.constant 25000 : i32
      %add3A_176 = arith.addi %mul3A_0, %add3A_175 : i32
      %lt3A_177 = vector.broadcast %add3A_176 : i32 to vector<16xi32>
      %lt3A_178 = arith.cmpi slt, %get3A_172, %lt3A_177 : vector<16xi32>
      %and3A_179 = arith.andi %ge3A_174, %lt3A_178 : vector<16xi1>
      %sub3A_180 = vector.broadcast %mul3A_0 : i32 to vector<16xi32>
      %sub3A_181 = arith.subi %get3A_172, %sub3A_180 : vector<16xi32>
      %jit3A_182 = arith.constant 25000 : i32
      %broadcast_in_dim3A_183 = vector.broadcast %jit3A_182 : i32 to vector<16xi32>
      %select_n3A_184 = arith.select %and3A_179, %sub3A_181, %broadcast_in_dim3A_183 : vector<16xi1>, vector<16xi32>
      %swap3A_185 = arith.constant 80 : index
      %swap3A_186 = tpu.vector_load %arg10[%swap3A_185] {strides = array<i32>} : memref<128xi32, #tpu.memory_space<vmem>>, vector<16xi32>,
      %swap3A_187 = vector.shape_cast %swap3A_186 : vector<16xi32> to vector<16xi32>
      %swap3A_188 = vector.shape_cast %select_n3A_184 : vector<16xi32> to vector<16xi32>
      tpu.vector_store %arg10[%swap3A_185], %swap3A_188 {strides = array<i32>} : memref<128xi32, #tpu.memory_space<vmem>>, vector<16xi32>,
      %get3A_189 = arith.constant 96 : index
      %get3A_190 = tpu.vector_load %arg7[%get3A_189] {strides = array<i32>} : memref<128xi32, #tpu.memory_space<vmem>>, vector<16xi32>,
      %get3A_191 = vector.shape_cast %get3A_190 : vector<16xi32> to vector<16xi32>
      %ge3A_192 = vector.broadcast %mul3A_0 : i32 to vector<16xi32>
      %ge3A_193 = arith.cmpi sge, %get3A_191, %ge3A_192 : vector<16xi32>
      %add3A_194 = arith.constant 25000 : i32
      %add3A_195 = arith.addi %mul3A_0, %add3A_194 : i32
      %lt3A_196 = vector.broadcast %add3A_195 : i32 to vector<16xi32>
      %lt3A_197 = arith.cmpi slt, %get3A_191, %lt3A_196 : vector<16xi32>
      %and3A_198 = arith.andi %ge3A_193, %lt3A_197 : vector<16xi1>
      %sub3A_199 = vector.broadcast %mul3A_0 : i32 to vector<16xi32>
      %sub3A_200 = arith.subi %get3A_191, %sub3A_199 : vector<16xi32>
      %jit3A_201 = arith.constant 25000 : i32
      %broadcast_in_dim3A_202 = vector.broadcast %jit3A_201 : i32 to vector<16xi32>
      %select_n3A_203 = arith.select %and3A_198, %sub3A_200, %broadcast_in_dim3A_202 : vector<16xi1>, vector<16xi32>
      %swap3A_204 = arith.constant 96 : index
      %swap3A_205 = tpu.vector_load %arg10[%swap3A_204] {strides = array<i32>} : memref<128xi32, #tpu.memory_space<vmem>>, vector<16xi32>,
      %swap3A_206 = vector.shape_cast %swap3A_205 : vector<16xi32> to vector<16xi32>
      %swap3A_207 = vector.shape_cast %select_n3A_203 : vector<16xi32> to vector<16xi32>
      tpu.vector_store %arg10[%swap3A_204], %swap3A_207 {strides = array<i32>} : memref<128xi32, #tpu.memory_space<vmem>>, vector<16xi32>,
      %get3A_208 = arith.constant 112 : index
      %get3A_209 = tpu.vector_load %arg7[%get3A_208] {strides = array<i32>} : memref<128xi32, #tpu.memory_space<vmem>>, vector<16xi32>,
      %get3A_210 = vector.shape_cast %get3A_209 : vector<16xi32> to vector<16xi32>
      %ge3A_211 = vector.broadcast %mul3A_0 : i32 to vector<16xi32>
      %ge3A_212 = arith.cmpi sge, %get3A_210, %ge3A_211 : vector<16xi32>
      %add3A_213 = arith.constant 25000 : i32
      %add3A_214 = arith.addi %mul3A_0, %add3A_213 : i32
      %lt3A_215 = vector.broadcast %add3A_214 : i32 to vector<16xi32>
      %lt3A_216 = arith.cmpi slt, %get3A_210, %lt3A_215 : vector<16xi32>
      %and3A_217 = arith.andi %ge3A_212, %lt3A_216 : vector<16xi1>
      %sub3A_218 = vector.broadcast %mul3A_0 : i32 to vector<16xi32>
      %sub3A_219 = arith.subi %get3A_210, %sub3A_218 : vector<16xi32>
      %jit3A_220 = arith.constant 25000 : i32
      %broadcast_in_dim3A_221 = vector.broadcast %jit3A_220 : i32 to vector<16xi32>
      %select_n3A_222 = arith.select %and3A_217, %sub3A_219, %broadcast_in_dim3A_221 : vector<16xi1>, vector<16xi32>
      %swap3A_223 = arith.constant 112 : index
      %swap3A_224 = tpu.vector_load %arg10[%swap3A_223] {strides = array<i32>} : memref<128xi32, #tpu.memory_space<vmem>>, vector<16xi32>,
      %swap3A_225 = vector.shape_cast %swap3A_224 : vector<16xi32> to vector<16xi32>
      %swap3A_226 = vector.shape_cast %select_n3A_222 : vector<16xi32> to vector<16xi32>
      tpu.vector_store %arg10[%swap3A_223], %swap3A_226 {strides = array<i32>} : memref<128xi32, #tpu.memory_space<vmem>>, vector<16xi32>,
      %dma_wait3A = arith.constant 0 : i32
      %dma_wait3A_227 = arith.constant 0 : i32
      %dma_wait3A_228 = tpu.memref_slice %arg5[%dma_wait3A, %dma_wait3A_227] : memref<50000x64xf32, #tpu.memory_space<hbm>> -> memref<50000x64xf32, #tpu.memory_space<hbm>>
      tpu.wait_indirect_dma semaphore(%arg14 : memref<!tpu.dma_semaphore, #tpu.memory_space<semaphore_mem>>) src(%dma_wait3A_228 : memref<50000x64xf32, #tpu.memory_space<hbm>>) dst(%arg11 : memref<128x64xf32, #tpu.memory_space<vmem>>)
      %scan3A_229 = arith.constant 0 : i32
      %scan3A_230 = arith.constant 0 : i32
      %scan3A_231 = arith.constant 8 : i32
      %scan3A_232 = arith.addi %scan3A_230, %scan3A_231 : i32
      %scan3A_233 = arith.constant 1 : i32
      %scan3A_234 = scf.for %scan3A_237 = %scan3A_230 to %scan3A_232 step %scan3A_233 iter_args(%scan3A_238 = %scan3A_229) -> (i32)  : i32 {
        %mul3A_239 = arith.constant 16 : i32
        %mul3A_240 = arith.muli %mul3A_239, %scan3A_237 : i32
        %get3A_241 = arith.index_cast %mul3A_240 : i32 to index
        %get3A_242 = tpu.vector_load %arg9[%get3A_241] {strides = array<i32>} : memref<128xf32, #tpu.memory_space<vmem>>, vector<16xf32>,
        %get3A_243 = vector.shape_cast %get3A_242 : vector<16xf32> to vector<16xf32>
        %mul3A_244 = arith.constant 16 : i32
        %mul3A_245 = arith.muli %mul3A_244, %scan3A_237 : i32
        %add3A_246 = arith.constant 0 : i32
        %add3A_247 = arith.addi %mul3A_245, %add3A_246 : i32
        %slice3A = vector.extract_strided_slice %get3A_243 {offsets = [0], sizes = [1], strides = [1]} : vector<16xf32> to vector<1xf32>
        %squeeze3A = vector.extract %slice3A[0] : f32 from vector<1xf32>
        %get3A_248 = arith.index_cast %add3A_247 : i32 to index
        %get3A_249 = arith.constant 0 : index
        %get3A_250 = tpu.vector_load %arg11[%get3A_248, %get3A_249] {strides = array<i32>} : memref<128x64xf32, #tpu.memory_space<vmem>>, vector<1x16xf32>,
        %get3A_251 = vector.shape_cast %get3A_250 : vector<1x16xf32> to vector<16xf32>
        %mul3A_252 = vector.broadcast %squeeze3A : f32 to vector<16xf32>
        %mul3A_253 = arith.mulf %get3A_251, %mul3A_252 : vector<16xf32>
        %swap3A_254 = arith.index_cast %add3A_247 : i32 to index
        %swap3A_255 = arith.constant 0 : index
        %swap3A_256 = tpu.vector_load %arg11[%swap3A_254, %swap3A_255] {strides = array<i32>} : memref<128x64xf32, #tpu.memory_space<vmem>>, vector<1x16xf32>,
        %swap3A_257 = vector.shape_cast %swap3A_256 : vector<1x16xf32> to vector<16xf32>
        %swap3A_258 = vector.shape_cast %mul3A_253 : vector<16xf32> to vector<1x16xf32>
        tpu.vector_store %arg11[%swap3A_254, %swap3A_255], %swap3A_258 {strides = array<i32>} : memref<128x64xf32, #tpu.memory_space<vmem>>, vector<1x16xf32>,
        %get3A_259 = arith.index_cast %add3A_247 : i32 to index
        %get3A_260 = arith.constant 16 : index
        %get3A_261 = tpu.vector_load %arg11[%get3A_259, %get3A_260] {strides = array<i32>} : memref<128x64xf32, #tpu.memory_space<vmem>>, vector<1x16xf32>,
        %get3A_262 = vector.shape_cast %get3A_261 : vector<1x16xf32> to vector<16xf32>
        %mul3A_263 = vector.broadcast %squeeze3A : f32 to vector<16xf32>
        %mul3A_264 = arith.mulf %get3A_262, %mul3A_263 : vector<16xf32>
        %swap3A_265 = arith.index_cast %add3A_247 : i32 to index
        %swap3A_266 = arith.constant 16 : index
        %swap3A_267 = tpu.vector_load %arg11[%swap3A_265, %swap3A_266] {strides = array<i32>} : memref<128x64xf32, #tpu.memory_space<vmem>>, vector<1x16xf32>,
        %swap3A_268 = vector.shape_cast %swap3A_267 : vector<1x16xf32> to vector<16xf32>
        %swap3A_269 = vector.shape_cast %mul3A_264 : vector<16xf32> to vector<1x16xf32>
        tpu.vector_store %arg11[%swap3A_265, %swap3A_266], %swap3A_269 {strides = array<i32>} : memref<128x64xf32, #tpu.memory_space<vmem>>, vector<1x16xf32>,
        %get3A_270 = arith.index_cast %add3A_247 : i32 to index
        %get3A_271 = arith.constant 32 : index
        %get3A_272 = tpu.vector_load %arg11[%get3A_270, %get3A_271] {strides = array<i32>} : memref<128x64xf32, #tpu.memory_space<vmem>>, vector<1x16xf32>,
        %get3A_273 = vector.shape_cast %get3A_272 : vector<1x16xf32> to vector<16xf32>
        %mul3A_274 = vector.broadcast %squeeze3A : f32 to vector<16xf32>
        %mul3A_275 = arith.mulf %get3A_273, %mul3A_274 : vector<16xf32>
        %swap3A_276 = arith.index_cast %add3A_247 : i32 to index
        %swap3A_277 = arith.constant 32 : index
        %swap3A_278 = tpu.vector_load %arg11[%swap3A_276, %swap3A_277] {strides = array<i32>} : memref<128x64xf32, #tpu.memory_space<vmem>>, vector<1x16xf32>,
        %swap3A_279 = vector.shape_cast %swap3A_278 : vector<1x16xf32> to vector<16xf32>
        %swap3A_280 = vector.shape_cast %mul3A_275 : vector<16xf32> to vector<1x16xf32>
        tpu.vector_store %arg11[%swap3A_276, %swap3A_277], %swap3A_280 {strides = array<i32>} : memref<128x64xf32, #tpu.memory_space<vmem>>, vector<1x16xf32>,
        %get3A_281 = arith.index_cast %add3A_247 : i32 to index
        %get3A_282 = arith.constant 48 : index
        %get3A_283 = tpu.vector_load %arg11[%get3A_281, %get3A_282] {strides = array<i32>} : memref<128x64xf32, #tpu.memory_space<vmem>>, vector<1x16xf32>,
        %get3A_284 = vector.shape_cast %get3A_283 : vector<1x16xf32> to vector<16xf32>
        %mul3A_285 = vector.broadcast %squeeze3A : f32 to vector<16xf32>
        %mul3A_286 = arith.mulf %get3A_284, %mul3A_285 : vector<16xf32>
        %swap3A_287 = arith.index_cast %add3A_247 : i32 to index
        %swap3A_288 = arith.constant 48 : index
        %swap3A_289 = tpu.vector_load %arg11[%swap3A_287, %swap3A_288] {strides = array<i32>} : memref<128x64xf32, #tpu.memory_space<vmem>>, vector<1x16xf32>,
        %swap3A_290 = vector.shape_cast %swap3A_289 : vector<1x16xf32> to vector<16xf32>
        %swap3A_291 = vector.shape_cast %mul3A_286 : vector<16xf32> to vector<1x16xf32>
        tpu.vector_store %arg11[%swap3A_287, %swap3A_288], %swap3A_291 {strides = array<i32>} : memref<128x64xf32, #tpu.memory_space<vmem>>, vector<1x16xf32>,
        %mul3A_292 = arith.constant 16 : i32
        %mul3A_293 = arith.muli %mul3A_292, %scan3A_237 : i32
        %add3A_294 = arith.constant 1 : i32
        %add3A_295 = arith.addi %mul3A_293, %add3A_294 : i32
        %slice3A_296 = vector.extract_strided_slice %get3A_243 {offsets = [1], sizes = [1], strides = [1]} : vector<16xf32> to vector<1xf32>
        %squeeze3A_297 = vector.extract %slice3A_296[0] : f32 from vector<1xf32>
        %get3A_298 = arith.index_cast %add3A_295 : i32 to index
        %get3A_299 = arith.constant 0 : index
        %get3A_300 = tpu.vector_load %arg11[%get3A_298, %get3A_299] {strides = array<i32>} : memref<128x64xf32, #tpu.memory_space<vmem>>, vector<1x16xf32>,
        %get3A_301 = vector.shape_cast %get3A_300 : vector<1x16xf32> to vector<16xf32>
        %mul3A_302 = vector.broadcast %squeeze3A_297 : f32 to vector<16xf32>
        %mul3A_303 = arith.mulf %get3A_301, %mul3A_302 : vector<16xf32>
        %swap3A_304 = arith.index_cast %add3A_295 : i32 to index
        %swap3A_305 = arith.constant 0 : index
        %swap3A_306 = tpu.vector_load %arg11[%swap3A_304, %swap3A_305] {strides = array<i32>} : memref<128x64xf32, #tpu.memory_space<vmem>>, vector<1x16xf32>,
        %swap3A_307 = vector.shape_cast %swap3A_306 : vector<1x16xf32> to vector<16xf32>
        %swap3A_308 = vector.shape_cast %mul3A_303 : vector<16xf32> to vector<1x16xf32>
        tpu.vector_store %arg11[%swap3A_304, %swap3A_305], %swap3A_308 {strides = array<i32>} : memref<128x64xf32, #tpu.memory_space<vmem>>, vector<1x16xf32>,
        %get3A_309 = arith.index_cast %add3A_295 : i32 to index
        %get3A_310 = arith.constant 16 : index
        %get3A_311 = tpu.vector_load %arg11[%get3A_309, %get3A_310] {strides = array<i32>} : memref<128x64xf32, #tpu.memory_space<vmem>>, vector<1x16xf32>,
        %get3A_312 = vector.shape_cast %get3A_311 : vector<1x16xf32> to vector<16xf32>
        %mul3A_313 = vector.broadcast %squeeze3A_297 : f32 to vector<16xf32>
        %mul3A_314 = arith.mulf %get3A_312, %mul3A_313 : vector<16xf32>
        %swap3A_315 = arith.index_cast %add3A_295 : i32 to index
        %swap3A_316 = arith.constant 16 : index
        %swap3A_317 = tpu.vector_load %arg11[%swap3A_315, %swap3A_316] {strides = array<i32>} : memref<128x64xf32, #tpu.memory_space<vmem>>, vector<1x16xf32>,
        %swap3A_318 = vector.shape_cast %swap3A_317 : vector<1x16xf32> to vector<16xf32>
        %swap3A_319 = vector.shape_cast %mul3A_314 : vector<16xf32> to vector<1x16xf32>
        tpu.vector_store %arg11[%swap3A_315, %swap3A_316], %swap3A_319 {strides = array<i32>} : memref<128x64xf32, #tpu.memory_space<vmem>>, vector<1x16xf32>,
        %get3A_320 = arith.index_cast %add3A_295 : i32 to index
        %get3A_321 = arith.constant 32 : index
        %get3A_322 = tpu.vector_load %arg11[%get3A_320, %get3A_321] {strides = array<i32>} : memref<128x64xf32, #tpu.memory_space<vmem>>, vector<1x16xf32>,
        %get3A_323 = vector.shape_cast %get3A_322 : vector<1x16xf32> to vector<16xf32>
        %mul3A_324 = vector.broadcast %squeeze3A_297 : f32 to vector<16xf32>
        %mul3A_325 = arith.mulf %get3A_323, %mul3A_324 : vector<16xf32>
        %swap3A_326 = arith.index_cast %add3A_295 : i32 to index
        %swap3A_327 = arith.constant 32 : index
        %swap3A_328 = tpu.vector_load %arg11[%swap3A_326, %swap3A_327] {strides = array<i32>} : memref<128x64xf32, #tpu.memory_space<vmem>>, vector<1x16xf32>,
        %swap3A_329 = vector.shape_cast %swap3A_328 : vector<1x16xf32> to vector<16xf32>
        %swap3A_330 = vector.shape_cast %mul3A_325 : vector<16xf32> to vector<1x16xf32>
        tpu.vector_store %arg11[%swap3A_326, %swap3A_327], %swap3A_330 {strides = array<i32>} : memref<128x64xf32, #tpu.memory_space<vmem>>, vector<1x16xf32>,
        %get3A_331 = arith.index_cast %add3A_295 : i32 to index
        %get3A_332 = arith.constant 48 : index
        %get3A_333 = tpu.vector_load %arg11[%get3A_331, %get3A_332] {strides = array<i32>} : memref<128x64xf32, #tpu.memory_space<vmem>>, vector<1x16xf32>,
        %get3A_334 = vector.shape_cast %get3A_333 : vector<1x16xf32> to vector<16xf32>
        %mul3A_335 = vector.broadcast %squeeze3A_297 : f32 to vector<16xf32>
        %mul3A_336 = arith.mulf %get3A_334, %mul3A_335 : vector<16xf32>
        %swap3A_337 = arith.index_cast %add3A_295 : i32 to index
        %swap3A_338 = arith.constant 48 : index
        %swap3A_339 = tpu.vector_load %arg11[%swap3A_337, %swap3A_338] {strides = array<i32>} : memref<128x64xf32, #tpu.memory_space<vmem>>, vector<1x16xf32>,
        %swap3A_340 = vector.shape_cast %swap3A_339 : vector<1x16xf32> to vector<16xf32>
        %swap3A_341 = vector.shape_cast %mul3A_336 : vector<16xf32> to vector<1x16xf32>
        tpu.vector_store %arg11[%swap3A_337, %swap3A_338], %swap3A_341 {strides = array<i32>} : memref<128x64xf32, #tpu.memory_space<vmem>>, vector<1x16xf32>,
        %mul3A_342 = arith.constant 16 : i32
        %mul3A_343 = arith.muli %mul3A_342, %scan3A_237 : i32
        %add3A_344 = arith.constant 2 : i32
        %add3A_345 = arith.addi %mul3A_343, %add3A_344 : i32
        %slice3A_346 = vector.extract_strided_slice %get3A_243 {offsets = [2], sizes = [1], strides = [1]} : vector<16xf32> to vector<1xf32>
        %squeeze3A_347 = vector.extract %slice3A_346[0] : f32 from vector<1xf32>
        %get3A_348 = arith.index_cast %add3A_345 : i32 to index
        %get3A_349 = arith.constant 0 : index
        %get3A_350 = tpu.vector_load %arg11[%get3A_348, %get3A_349] {strides = array<i32>} : memref<128x64xf32, #tpu.memory_space<vmem>>, vector<1x16xf32>,
        %get3A_351 = vector.shape_cast %get3A_350 : vector<1x16xf32> to vector<16xf32>
        %mul3A_352 = vector.broadcast %squeeze3A_347 : f32 to vector<16xf32>
        %mul3A_353 = arith.mulf %get3A_351, %mul3A_352 : vector<16xf32>
        %swap3A_354 = arith.index_cast %add3A_345 : i32 to index
        %swap3A_355 = arith.constant 0 : index
        %swap3A_356 = tpu.vector_load %arg11[%swap3A_354, %swap3A_355] {strides = array<i32>} : memref<128x64xf32, #tpu.memory_space<vmem>>, vector<1x16xf32>,
        %swap3A_357 = vector.shape_cast %swap3A_356 : vector<1x16xf32> to vector<16xf32>
        %swap3A_358 = vector.shape_cast %mul3A_353 : vector<16xf32> to vector<1x16xf32>
        tpu.vector_store %arg11[%swap3A_354, %swap3A_355], %swap3A_358 {strides = array<i32>} : memref<128x64xf32, #tpu.memory_space<vmem>>, vector<1x16xf32>,
        %get3A_359 = arith.index_cast %add3A_345 : i32 to index
        %get3A_360 = arith.constant 16 : index
        %get3A_361 = tpu.vector_load %arg11[%get3A_359, %get3A_360] {strides = array<i32>} : memref<128x64xf32, #tpu.memory_space<vmem>>, vector<1x16xf32>,
        %get3A_362 = vector.shape_cast %get3A_361 : vector<1x16xf32> to vector<16xf32>
        %mul3A_363 = vector.broadcast %squeeze3A_347 : f32 to vector<16xf32>
        %mul3A_364 = arith.mulf %get3A_362, %mul3A_363 : vector<16xf32>
        %swap3A_365 = arith.index_cast %add3A_345 : i32 to index
        %swap3A_366 = arith.constant 16 : index
        %swap3A_367 = tpu.vector_load %arg11[%swap3A_365, %swap3A_366] {strides = array<i32>} : memref<128x64xf32, #tpu.memory_space<vmem>>, vector<1x16xf32>,
        %swap3A_368 = vector.shape_cast %swap3A_367 : vector<1x16xf32> to vector<16xf32>
        %swap3A_369 = vector.shape_cast %mul3A_364 : vector<16xf32> to vector<1x16xf32>
        tpu.vector_store %arg11[%swap3A_365, %swap3A_366], %swap3A_369 {strides = array<i32>} : memref<128x64xf32, #tpu.memory_space<vmem>>, vector<1x16xf32>,
        %get3A_370 = arith.index_cast %add3A_345 : i32 to index
        %get3A_371 = arith.constant 32 : index
        %get3A_372 = tpu.vector_load %arg11[%get3A_370, %get3A_371] {strides = array<i32>} : memref<128x64xf32, #tpu.memory_space<vmem>>, vector<1x16xf32>,
        %get3A_373 = vector.shape_cast %get3A_372 : vector<1x16xf32> to vector<16xf32>
        %mul3A_374 = vector.broadcast %squeeze3A_347 : f32 to vector<16xf32>
        %mul3A_375 = arith.mulf %get3A_373, %mul3A_374 : vector<16xf32>
        %swap3A_376 = arith.index_cast %add3A_345 : i32 to index
        %swap3A_377 = arith.constant 32 : index
        %swap3A_378 = tpu.vector_load %arg11[%swap3A_376, %swap3A_377] {strides = array<i32>} : memref<128x64xf32, #tpu.memory_space<vmem>>, vector<1x16xf32>,
        %swap3A_379 = vector.shape_cast %swap3A_378 : vector<1x16xf32> to vector<16xf32>
        %swap3A_380 = vector.shape_cast %mul3A_375 : vector<16xf32> to vector<1x16xf32>
        tpu.vector_store %arg11[%swap3A_376, %swap3A_377], %swap3A_380 {strides = array<i32>} : memref<128x64xf32, #tpu.memory_space<vmem>>, vector<1x16xf32>,
        %get3A_381 = arith.index_cast %add3A_345 : i32 to index
        %get3A_382 = arith.constant 48 : index
        %get3A_383 = tpu.vector_load %arg11[%get3A_381, %get3A_382] {strides = array<i32>} : memref<128x64xf32, #tpu.memory_space<vmem>>, vector<1x16xf32>,
        %get3A_384 = vector.shape_cast %get3A_383 : vector<1x16xf32> to vector<16xf32>
        %mul3A_385 = vector.broadcast %squeeze3A_347 : f32 to vector<16xf32>
        %mul3A_386 = arith.mulf %get3A_384, %mul3A_385 : vector<16xf32>
        %swap3A_387 = arith.index_cast %add3A_345 : i32 to index
        %swap3A_388 = arith.constant 48 : index
        %swap3A_389 = tpu.vector_load %arg11[%swap3A_387, %swap3A_388] {strides = array<i32>} : memref<128x64xf32, #tpu.memory_space<vmem>>, vector<1x16xf32>,
        %swap3A_390 = vector.shape_cast %swap3A_389 : vector<1x16xf32> to vector<16xf32>
        %swap3A_391 = vector.shape_cast %mul3A_386 : vector<16xf32> to vector<1x16xf32>
        tpu.vector_store %arg11[%swap3A_387, %swap3A_388], %swap3A_391 {strides = array<i32>} : memref<128x64xf32, #tpu.memory_space<vmem>>, vector<1x16xf32>,
        %mul3A_392 = arith.constant 16 : i32
        %mul3A_393 = arith.muli %mul3A_392, %scan3A_237 : i32
        %add3A_394 = arith.constant 3 : i32
        %add3A_395 = arith.addi %mul3A_393, %add3A_394 : i32
        %slice3A_396 = vector.extract_strided_slice %get3A_243 {offsets = [3], sizes = [1], strides = [1]} : vector<16xf32> to vector<1xf32>
        %squeeze3A_397 = vector.extract %slice3A_396[0] : f32 from vector<1xf32>
        %get3A_398 = arith.index_cast %add3A_395 : i32 to index
        %get3A_399 = arith.constant 0 : index
        %get3A_400 = tpu.vector_load %arg11[%get3A_398, %get3A_399] {strides = array<i32>} : memref<128x64xf32, #tpu.memory_space<vmem>>, vector<1x16xf32>,
        %get3A_401 = vector.shape_cast %get3A_400 : vector<1x16xf32> to vector<16xf32>
        %mul3A_402 = vector.broadcast %squeeze3A_397 : f32 to vector<16xf32>
        %mul3A_403 = arith.mulf %get3A_401, %mul3A_402 : vector<16xf32>
        %swap3A_404 = arith.index_cast %add3A_395 : i32 to index
        %swap3A_405 = arith.constant 0 : index
        %swap3A_406 = tpu.vector_load %arg11[%swap3A_404, %swap3A_405] {strides = array<i32>} : memref<128x64xf32, #tpu.memory_space<vmem>>, vector<1x16xf32>,
        %swap3A_407 = vector.shape_cast %swap3A_406 : vector<1x16xf32> to vector<16xf32>
        %swap3A_408 = vector.shape_cast %mul3A_403 : vector<16xf32> to vector<1x16xf32>
        tpu.vector_store %arg11[%swap3A_404, %swap3A_405], %swap3A_408 {strides = array<i32>} : memref<128x64xf32, #tpu.memory_space<vmem>>, vector<1x16xf32>,
        %get3A_409 = arith.index_cast %add3A_395 : i32 to index
        %get3A_410 = arith.constant 16 : index
        %get3A_411 = tpu.vector_load %arg11[%get3A_409, %get3A_410] {strides = array<i32>} : memref<128x64xf32, #tpu.memory_space<vmem>>, vector<1x16xf32>,
        %get3A_412 = vector.shape_cast %get3A_411 : vector<1x16xf32> to vector<16xf32>
        %mul3A_413 = vector.broadcast %squeeze3A_397 : f32 to vector<16xf32>
        %mul3A_414 = arith.mulf %get3A_412, %mul3A_413 : vector<16xf32>
        %swap3A_415 = arith.index_cast %add3A_395 : i32 to index
        %swap3A_416 = arith.constant 16 : index
        %swap3A_417 = tpu.vector_load %arg11[%swap3A_415, %swap3A_416] {strides = array<i32>} : memref<128x64xf32, #tpu.memory_space<vmem>>, vector<1x16xf32>,
        %swap3A_418 = vector.shape_cast %swap3A_417 : vector<1x16xf32> to vector<16xf32>
        %swap3A_419 = vector.shape_cast %mul3A_414 : vector<16xf32> to vector<1x16xf32>
        tpu.vector_store %arg11[%swap3A_415, %swap3A_416], %swap3A_419 {strides = array<i32>} : memref<128x64xf32, #tpu.memory_space<vmem>>, vector<1x16xf32>,
        %get3A_420 = arith.index_cast %add3A_395 : i32 to index
        %get3A_421 = arith.constant 32 : index
        %get3A_422 = tpu.vector_load %arg11[%get3A_420, %get3A_421] {strides = array<i32>} : memref<128x64xf32, #tpu.memory_space<vmem>>, vector<1x16xf32>,
        %get3A_423 = vector.shape_cast %get3A_422 : vector<1x16xf32> to vector<16xf32>
        %mul3A_424 = vector.broadcast %squeeze3A_397 : f32 to vector<16xf32>
        %mul3A_425 = arith.mulf %get3A_423, %mul3A_424 : vector<16xf32>
        %swap3A_426 = arith.index_cast %add3A_395 : i32 to index
        %swap3A_427 = arith.constant 32 : index
        %swap3A_428 = tpu.vector_load %arg11[%swap3A_426, %swap3A_427] {strides = array<i32>} : memref<128x64xf32, #tpu.memory_space<vmem>>, vector<1x16xf32>,
        %swap3A_429 = vector.shape_cast %swap3A_428 : vector<1x16xf32> to vector<16xf32>
        %swap3A_430 = vector.shape_cast %mul3A_425 : vector<16xf32> to vector<1x16xf32>
        tpu.vector_store %arg11[%swap3A_426, %swap3A_427], %swap3A_430 {strides = array<i32>} : memref<128x64xf32, #tpu.memory_space<vmem>>, vector<1x16xf32>,
        %get3A_431 = arith.index_cast %add3A_395 : i32 to index
        %get3A_432 = arith.constant 48 : index
        %get3A_433 = tpu.vector_load %arg11[%get3A_431, %get3A_432] {strides = array<i32>} : memref<128x64xf32, #tpu.memory_space<vmem>>, vector<1x16xf32>,
        %get3A_434 = vector.shape_cast %get3A_433 : vector<1x16xf32> to vector<16xf32>
        %mul3A_435 = vector.broadcast %squeeze3A_397 : f32 to vector<16xf32>
        %mul3A_436 = arith.mulf %get3A_434, %mul3A_435 : vector<16xf32>
        %swap3A_437 = arith.index_cast %add3A_395 : i32 to index
        %swap3A_438 = arith.constant 48 : index
        %swap3A_439 = tpu.vector_load %arg11[%swap3A_437, %swap3A_438] {strides = array<i32>} : memref<128x64xf32, #tpu.memory_space<vmem>>, vector<1x16xf32>,
        %swap3A_440 = vector.shape_cast %swap3A_439 : vector<1x16xf32> to vector<16xf32>
        %swap3A_441 = vector.shape_cast %mul3A_436 : vector<16xf32> to vector<1x16xf32>
        tpu.vector_store %arg11[%swap3A_437, %swap3A_438], %swap3A_441 {strides = array<i32>} : memref<128x64xf32, #tpu.memory_space<vmem>>, vector<1x16xf32>,
        %mul3A_442 = arith.constant 16 : i32
        %mul3A_443 = arith.muli %mul3A_442, %scan3A_237 : i32
        %add3A_444 = arith.constant 4 : i32
        %add3A_445 = arith.addi %mul3A_443, %add3A_444 : i32
        %slice3A_446 = vector.extract_strided_slice %get3A_243 {offsets = [4], sizes = [1], strides = [1]} : vector<16xf32> to vector<1xf32>
        %squeeze3A_447 = vector.extract %slice3A_446[0] : f32 from vector<1xf32>
        %get3A_448 = arith.index_cast %add3A_445 : i32 to index
        %get3A_449 = arith.constant 0 : index
        %get3A_450 = tpu.vector_load %arg11[%get3A_448, %get3A_449] {strides = array<i32>} : memref<128x64xf32, #tpu.memory_space<vmem>>, vector<1x16xf32>,
        %get3A_451 = vector.shape_cast %get3A_450 : vector<1x16xf32> to vector<16xf32>
        %mul3A_452 = vector.broadcast %squeeze3A_447 : f32 to vector<16xf32>
        %mul3A_453 = arith.mulf %get3A_451, %mul3A_452 : vector<16xf32>
        %swap3A_454 = arith.index_cast %add3A_445 : i32 to index
        %swap3A_455 = arith.constant 0 : index
        %swap3A_456 = tpu.vector_load %arg11[%swap3A_454, %swap3A_455] {strides = array<i32>} : memref<128x64xf32, #tpu.memory_space<vmem>>, vector<1x16xf32>,
        %swap3A_457 = vector.shape_cast %swap3A_456 : vector<1x16xf32> to vector<16xf32>
        %swap3A_458 = vector.shape_cast %mul3A_453 : vector<16xf32> to vector<1x16xf32>
        tpu.vector_store %arg11[%swap3A_454, %swap3A_455], %swap3A_458 {strides = array<i32>} : memref<128x64xf32, #tpu.memory_space<vmem>>, vector<1x16xf32>,
        %get3A_459 = arith.index_cast %add3A_445 : i32 to index
        %get3A_460 = arith.constant 16 : index
        %get3A_461 = tpu.vector_load %arg11[%get3A_459, %get3A_460] {strides = array<i32>} : memref<128x64xf32, #tpu.memory_space<vmem>>, vector<1x16xf32>,
        %get3A_462 = vector.shape_cast %get3A_461 : vector<1x16xf32> to vector<16xf32>
        %mul3A_463 = vector.broadcast %squeeze3A_447 : f32 to vector<16xf32>
        %mul3A_464 = arith.mulf %get3A_462, %mul3A_463 : vector<16xf32>
        %swap3A_465 = arith.index_cast %add3A_445 : i32 to index
        %swap3A_466 = arith.constant 16 : index
        %swap3A_467 = tpu.vector_load %arg11[%swap3A_465, %swap3A_466] {strides = array<i32>} : memref<128x64xf32, #tpu.memory_space<vmem>>, vector<1x16xf32>,
        %swap3A_468 = vector.shape_cast %swap3A_467 : vector<1x16xf32> to vector<16xf32>
        %swap3A_469 = vector.shape_cast %mul3A_464 : vector<16xf32> to vector<1x16xf32>
        tpu.vector_store %arg11[%swap3A_465, %swap3A_466], %swap3A_469 {strides = array<i32>} : memref<128x64xf32, #tpu.memory_space<vmem>>, vector<1x16xf32>,
        %get3A_470 = arith.index_cast %add3A_445 : i32 to index
        %get3A_471 = arith.constant 32 : index
        %get3A_472 = tpu.vector_load %arg11[%get3A_470, %get3A_471] {strides = array<i32>} : memref<128x64xf32, #tpu.memory_space<vmem>>, vector<1x16xf32>,
        %get3A_473 = vector.shape_cast %get3A_472 : vector<1x16xf32> to vector<16xf32>
        %mul3A_474 = vector.broadcast %squeeze3A_447 : f32 to vector<16xf32>
        %mul3A_475 = arith.mulf %get3A_473, %mul3A_474 : vector<16xf32>
        %swap3A_476 = arith.index_cast %add3A_445 : i32 to index
        %swap3A_477 = arith.constant 32 : index
        %swap3A_478 = tpu.vector_load %arg11[%swap3A_476, %swap3A_477] {strides = array<i32>} : memref<128x64xf32, #tpu.memory_space<vmem>>, vector<1x16xf32>,
        %swap3A_479 = vector.shape_cast %swap3A_478 : vector<1x16xf32> to vector<16xf32>
        %swap3A_480 = vector.shape_cast %mul3A_475 : vector<16xf32> to vector<1x16xf32>
        tpu.vector_store %arg11[%swap3A_476, %swap3A_477], %swap3A_480 {strides = array<i32>} : memref<128x64xf32, #tpu.memory_space<vmem>>, vector<1x16xf32>,
        %get3A_481 = arith.index_cast %add3A_445 : i32 to index
        %get3A_482 = arith.constant 48 : index
        %get3A_483 = tpu.vector_load %arg11[%get3A_481, %get3A_482] {strides = array<i32>} : memref<128x64xf32, #tpu.memory_space<vmem>>, vector<1x16xf32>,
        %get3A_484 = vector.shape_cast %get3A_483 : vector<1x16xf32> to vector<16xf32>
        %mul3A_485 = vector.broadcast %squeeze3A_447 : f32 to vector<16xf32>
        %mul3A_486 = arith.mulf %get3A_484, %mul3A_485 : vector<16xf32>
        %swap3A_487 = arith.index_cast %add3A_445 : i32 to index
        %swap3A_488 = arith.constant 48 : index
        %swap3A_489 = tpu.vector_load %arg11[%swap3A_487, %swap3A_488] {strides = array<i32>} : memref<128x64xf32, #tpu.memory_space<vmem>>, vector<1x16xf32>,
        %swap3A_490 = vector.shape_cast %swap3A_489 : vector<1x16xf32> to vector<16xf32>
        %swap3A_491 = vector.shape_cast %mul3A_486 : vector<16xf32> to vector<1x16xf32>
        tpu.vector_store %arg11[%swap3A_487, %swap3A_488], %swap3A_491 {strides = array<i32>} : memref<128x64xf32, #tpu.memory_space<vmem>>, vector<1x16xf32>,
        %mul3A_492 = arith.constant 16 : i32
        %mul3A_493 = arith.muli %mul3A_492, %scan3A_237 : i32
        %add3A_494 = arith.constant 5 : i32
        %add3A_495 = arith.addi %mul3A_493, %add3A_494 : i32
        %slice3A_496 = vector.extract_strided_slice %get3A_243 {offsets = [5], sizes = [1], strides = [1]} : vector<16xf32> to vector<1xf32>
        %squeeze3A_497 = vector.extract %slice3A_496[0] : f32 from vector<1xf32>
        %get3A_498 = arith.index_cast %add3A_495 : i32 to index
        %get3A_499 = arith.constant 0 : index
        %get3A_500 = tpu.vector_load %arg11[%get3A_498, %get3A_499] {strides = array<i32>} : memref<128x64xf32, #tpu.memory_space<vmem>>, vector<1x16xf32>,
        %get3A_501 = vector.shape_cast %get3A_500 : vector<1x16xf32> to vector<16xf32>
        %mul3A_502 = vector.broadcast %squeeze3A_497 : f32 to vector<16xf32>
        %mul3A_503 = arith.mulf %get3A_501, %mul3A_502 : vector<16xf32>
        %swap3A_504 = arith.index_cast %add3A_495 : i32 to index
        %swap3A_505 = arith.constant 0 : index
        %swap3A_506 = tpu.vector_load %arg11[%swap3A_504, %swap3A_505] {strides = array<i32>} : memref<128x64xf32, #tpu.memory_space<vmem>>, vector<1x16xf32>,
        %swap3A_507 = vector.shape_cast %swap3A_506 : vector<1x16xf32> to vector<16xf32>
        %swap3A_508 = vector.shape_cast %mul3A_503 : vector<16xf32> to vector<1x16xf32>
        tpu.vector_store %arg11[%swap3A_504, %swap3A_505], %swap3A_508 {strides = array<i32>} : memref<128x64xf32, #tpu.memory_space<vmem>>, vector<1x16xf32>,
        %get3A_509 = arith.index_cast %add3A_495 : i32 to index
        %get3A_510 = arith.constant 16 : index
        %get3A_511 = tpu.vector_load %arg11[%get3A_509, %get3A_510] {strides = array<i32>} : memref<128x64xf32, #tpu.memory_space<vmem>>, vector<1x16xf32>,
        %get3A_512 = vector.shape_cast %get3A_511 : vector<1x16xf32> to vector<16xf32>
        %mul3A_513 = vector.broadcast %squeeze3A_497 : f32 to vector<16xf32>
        %mul3A_514 = arith.mulf %get3A_512, %mul3A_513 : vector<16xf32>
        %swap3A_515 = arith.index_cast %add3A_495 : i32 to index
        %swap3A_516 = arith.constant 16 : index
        %swap3A_517 = tpu.vector_load %arg11[%swap3A_515, %swap3A_516] {strides = array<i32>} : memref<128x64xf32, #tpu.memory_space<vmem>>, vector<1x16xf32>,
        %swap3A_518 = vector.shape_cast %swap3A_517 : vector<1x16xf32> to vector<16xf32>
        %swap3A_519 = vector.shape_cast %mul3A_514 : vector<16xf32> to vector<1x16xf32>
        tpu.vector_store %arg11[%swap3A_515, %swap3A_516], %swap3A_519 {strides = array<i32>} : memref<128x64xf32, #tpu.memory_space<vmem>>, vector<1x16xf32>,
        %get3A_520 = arith.index_cast %add3A_495 : i32 to index
        %get3A_521 = arith.constant 32 : index
        %get3A_522 = tpu.vector_load %arg11[%get3A_520, %get3A_521] {strides = array<i32>} : memref<128x64xf32, #tpu.memory_space<vmem>>, vector<1x16xf32>,
        %get3A_523 = vector.shape_cast %get3A_522 : vector<1x16xf32> to vector<16xf32>
        %mul3A_524 = vector.broadcast %squeeze3A_497 : f32 to vector<16xf32>
        %mul3A_525 = arith.mulf %get3A_523, %mul3A_524 : vector<16xf32>
        %swap3A_526 = arith.index_cast %add3A_495 : i32 to index
        %swap3A_527 = arith.constant 32 : index
        %swap3A_528 = tpu.vector_load %arg11[%swap3A_526, %swap3A_527] {strides = array<i32>} : memref<128x64xf32, #tpu.memory_space<vmem>>, vector<1x16xf32>,
        %swap3A_529 = vector.shape_cast %swap3A_528 : vector<1x16xf32> to vector<16xf32>
        %swap3A_530 = vector.shape_cast %mul3A_525 : vector<16xf32> to vector<1x16xf32>
        tpu.vector_store %arg11[%swap3A_526, %swap3A_527], %swap3A_530 {strides = array<i32>} : memref<128x64xf32, #tpu.memory_space<vmem>>, vector<1x16xf32>,
        %get3A_531 = arith.index_cast %add3A_495 : i32 to index
        %get3A_532 = arith.constant 48 : index
        %get3A_533 = tpu.vector_load %arg11[%get3A_531, %get3A_532] {strides = array<i32>} : memref<128x64xf32, #tpu.memory_space<vmem>>, vector<1x16xf32>,
        %get3A_534 = vector.shape_cast %get3A_533 : vector<1x16xf32> to vector<16xf32>
        %mul3A_535 = vector.broadcast %squeeze3A_497 : f32 to vector<16xf32>
        %mul3A_536 = arith.mulf %get3A_534, %mul3A_535 : vector<16xf32>
        %swap3A_537 = arith.index_cast %add3A_495 : i32 to index
        %swap3A_538 = arith.constant 48 : index
        %swap3A_539 = tpu.vector_load %arg11[%swap3A_537, %swap3A_538] {strides = array<i32>} : memref<128x64xf32, #tpu.memory_space<vmem>>, vector<1x16xf32>,
        %swap3A_540 = vector.shape_cast %swap3A_539 : vector<1x16xf32> to vector<16xf32>
        %swap3A_541 = vector.shape_cast %mul3A_536 : vector<16xf32> to vector<1x16xf32>
        tpu.vector_store %arg11[%swap3A_537, %swap3A_538], %swap3A_541 {strides = array<i32>} : memref<128x64xf32, #tpu.memory_space<vmem>>, vector<1x16xf32>,
        %mul3A_542 = arith.constant 16 : i32
        %mul3A_543 = arith.muli %mul3A_542, %scan3A_237 : i32
        %add3A_544 = arith.constant 6 : i32
        %add3A_545 = arith.addi %mul3A_543, %add3A_544 : i32
        %slice3A_546 = vector.extract_strided_slice %get3A_243 {offsets = [6], sizes = [1], strides = [1]} : vector<16xf32> to vector<1xf32>
        %squeeze3A_547 = vector.extract %slice3A_546[0] : f32 from vector<1xf32>
        %get3A_548 = arith.index_cast %add3A_545 : i32 to index
        %get3A_549 = arith.constant 0 : index
        %get3A_550 = tpu.vector_load %arg11[%get3A_548, %get3A_549] {strides = array<i32>} : memref<128x64xf32, #tpu.memory_space<vmem>>, vector<1x16xf32>,
        %get3A_551 = vector.shape_cast %get3A_550 : vector<1x16xf32> to vector<16xf32>
        %mul3A_552 = vector.broadcast %squeeze3A_547 : f32 to vector<16xf32>
        %mul3A_553 = arith.mulf %get3A_551, %mul3A_552 : vector<16xf32>
        %swap3A_554 = arith.index_cast %add3A_545 : i32 to index
        %swap3A_555 = arith.constant 0 : index
        %swap3A_556 = tpu.vector_load %arg11[%swap3A_554, %swap3A_555] {strides = array<i32>} : memref<128x64xf32, #tpu.memory_space<vmem>>, vector<1x16xf32>,
        %swap3A_557 = vector.shape_cast %swap3A_556 : vector<1x16xf32> to vector<16xf32>
        %swap3A_558 = vector.shape_cast %mul3A_553 : vector<16xf32> to vector<1x16xf32>
        tpu.vector_store %arg11[%swap3A_554, %swap3A_555], %swap3A_558 {strides = array<i32>} : memref<128x64xf32, #tpu.memory_space<vmem>>, vector<1x16xf32>,
        %get3A_559 = arith.index_cast %add3A_545 : i32 to index
        %get3A_560 = arith.constant 16 : index
        %get3A_561 = tpu.vector_load %arg11[%get3A_559, %get3A_560] {strides = array<i32>} : memref<128x64xf32, #tpu.memory_space<vmem>>, vector<1x16xf32>,
        %get3A_562 = vector.shape_cast %get3A_561 : vector<1x16xf32> to vector<16xf32>
        %mul3A_563 = vector.broadcast %squeeze3A_547 : f32 to vector<16xf32>
        %mul3A_564 = arith.mulf %get3A_562, %mul3A_563 : vector<16xf32>
        %swap3A_565 = arith.index_cast %add3A_545 : i32 to index
        %swap3A_566 = arith.constant 16 : index
        %swap3A_567 = tpu.vector_load %arg11[%swap3A_565, %swap3A_566] {strides = array<i32>} : memref<128x64xf32, #tpu.memory_space<vmem>>, vector<1x16xf32>,
        %swap3A_568 = vector.shape_cast %swap3A_567 : vector<1x16xf32> to vector<16xf32>
        %swap3A_569 = vector.shape_cast %mul3A_564 : vector<16xf32> to vector<1x16xf32>
        tpu.vector_store %arg11[%swap3A_565, %swap3A_566], %swap3A_569 {strides = array<i32>} : memref<128x64xf32, #tpu.memory_space<vmem>>, vector<1x16xf32>,
        %get3A_570 = arith.index_cast %add3A_545 : i32 to index
        %get3A_571 = arith.constant 32 : index
        %get3A_572 = tpu.vector_load %arg11[%get3A_570, %get3A_571] {strides = array<i32>} : memref<128x64xf32, #tpu.memory_space<vmem>>, vector<1x16xf32>,
        %get3A_573 = vector.shape_cast %get3A_572 : vector<1x16xf32> to vector<16xf32>
        %mul3A_574 = vector.broadcast %squeeze3A_547 : f32 to vector<16xf32>
        %mul3A_575 = arith.mulf %get3A_573, %mul3A_574 : vector<16xf32>
        %swap3A_576 = arith.index_cast %add3A_545 : i32 to index
        %swap3A_577 = arith.constant 32 : index
        %swap3A_578 = tpu.vector_load %arg11[%swap3A_576, %swap3A_577] {strides = array<i32>} : memref<128x64xf32, #tpu.memory_space<vmem>>, vector<1x16xf32>,
        %swap3A_579 = vector.shape_cast %swap3A_578 : vector<1x16xf32> to vector<16xf32>
        %swap3A_580 = vector.shape_cast %mul3A_575 : vector<16xf32> to vector<1x16xf32>
        tpu.vector_store %arg11[%swap3A_576, %swap3A_577], %swap3A_580 {strides = array<i32>} : memref<128x64xf32, #tpu.memory_space<vmem>>, vector<1x16xf32>,
        %get3A_581 = arith.index_cast %add3A_545 : i32 to index
        %get3A_582 = arith.constant 48 : index
        %get3A_583 = tpu.vector_load %arg11[%get3A_581, %get3A_582] {strides = array<i32>} : memref<128x64xf32, #tpu.memory_space<vmem>>, vector<1x16xf32>,
        %get3A_584 = vector.shape_cast %get3A_583 : vector<1x16xf32> to vector<16xf32>
        %mul3A_585 = vector.broadcast %squeeze3A_547 : f32 to vector<16xf32>
        %mul3A_586 = arith.mulf %get3A_584, %mul3A_585 : vector<16xf32>
        %swap3A_587 = arith.index_cast %add3A_545 : i32 to index
        %swap3A_588 = arith.constant 48 : index
        %swap3A_589 = tpu.vector_load %arg11[%swap3A_587, %swap3A_588] {strides = array<i32>} : memref<128x64xf32, #tpu.memory_space<vmem>>, vector<1x16xf32>,
        %swap3A_590 = vector.shape_cast %swap3A_589 : vector<1x16xf32> to vector<16xf32>
        %swap3A_591 = vector.shape_cast %mul3A_586 : vector<16xf32> to vector<1x16xf32>
        tpu.vector_store %arg11[%swap3A_587, %swap3A_588], %swap3A_591 {strides = array<i32>} : memref<128x64xf32, #tpu.memory_space<vmem>>, vector<1x16xf32>,
        %mul3A_592 = arith.constant 16 : i32
        %mul3A_593 = arith.muli %mul3A_592, %scan3A_237 : i32
        %add3A_594 = arith.constant 7 : i32
        %add3A_595 = arith.addi %mul3A_593, %add3A_594 : i32
        %slice3A_596 = vector.extract_strided_slice %get3A_243 {offsets = [7], sizes = [1], strides = [1]} : vector<16xf32> to vector<1xf32>
        %squeeze3A_597 = vector.extract %slice3A_596[0] : f32 from vector<1xf32>
        %get3A_598 = arith.index_cast %add3A_595 : i32 to index
        %get3A_599 = arith.constant 0 : index
        %get3A_600 = tpu.vector_load %arg11[%get3A_598, %get3A_599] {strides = array<i32>} : memref<128x64xf32, #tpu.memory_space<vmem>>, vector<1x16xf32>,
        %get3A_601 = vector.shape_cast %get3A_600 : vector<1x16xf32> to vector<16xf32>
        %mul3A_602 = vector.broadcast %squeeze3A_597 : f32 to vector<16xf32>
        %mul3A_603 = arith.mulf %get3A_601, %mul3A_602 : vector<16xf32>
        %swap3A_604 = arith.index_cast %add3A_595 : i32 to index
        %swap3A_605 = arith.constant 0 : index
        %swap3A_606 = tpu.vector_load %arg11[%swap3A_604, %swap3A_605] {strides = array<i32>} : memref<128x64xf32, #tpu.memory_space<vmem>>, vector<1x16xf32>,
        %swap3A_607 = vector.shape_cast %swap3A_606 : vector<1x16xf32> to vector<16xf32>
        %swap3A_608 = vector.shape_cast %mul3A_603 : vector<16xf32> to vector<1x16xf32>
        tpu.vector_store %arg11[%swap3A_604, %swap3A_605], %swap3A_608 {strides = array<i32>} : memref<128x64xf32, #tpu.memory_space<vmem>>, vector<1x16xf32>,
        %get3A_609 = arith.index_cast %add3A_595 : i32 to index
        %get3A_610 = arith.constant 16 : index
        %get3A_611 = tpu.vector_load %arg11[%get3A_609, %get3A_610] {strides = array<i32>} : memref<128x64xf32, #tpu.memory_space<vmem>>, vector<1x16xf32>,
        %get3A_612 = vector.shape_cast %get3A_611 : vector<1x16xf32> to vector<16xf32>
        %mul3A_613 = vector.broadcast %squeeze3A_597 : f32 to vector<16xf32>
        %mul3A_614 = arith.mulf %get3A_612, %mul3A_613 : vector<16xf32>
        %swap3A_615 = arith.index_cast %add3A_595 : i32 to index
        %swap3A_616 = arith.constant 16 : index
        %swap3A_617 = tpu.vector_load %arg11[%swap3A_615, %swap3A_616] {strides = array<i32>} : memref<128x64xf32, #tpu.memory_space<vmem>>, vector<1x16xf32>,
        %swap3A_618 = vector.shape_cast %swap3A_617 : vector<1x16xf32> to vector<16xf32>
        %swap3A_619 = vector.shape_cast %mul3A_614 : vector<16xf32> to vector<1x16xf32>
        tpu.vector_store %arg11[%swap3A_615, %swap3A_616], %swap3A_619 {strides = array<i32>} : memref<128x64xf32, #tpu.memory_space<vmem>>, vector<1x16xf32>,
        %get3A_620 = arith.index_cast %add3A_595 : i32 to index
        %get3A_621 = arith.constant 32 : index
        %get3A_622 = tpu.vector_load %arg11[%get3A_620, %get3A_621] {strides = array<i32>} : memref<128x64xf32, #tpu.memory_space<vmem>>, vector<1x16xf32>,
        %get3A_623 = vector.shape_cast %get3A_622 : vector<1x16xf32> to vector<16xf32>
        %mul3A_624 = vector.broadcast %squeeze3A_597 : f32 to vector<16xf32>
        %mul3A_625 = arith.mulf %get3A_623, %mul3A_624 : vector<16xf32>
        %swap3A_626 = arith.index_cast %add3A_595 : i32 to index
        %swap3A_627 = arith.constant 32 : index
        %swap3A_628 = tpu.vector_load %arg11[%swap3A_626, %swap3A_627] {strides = array<i32>} : memref<128x64xf32, #tpu.memory_space<vmem>>, vector<1x16xf32>,
        %swap3A_629 = vector.shape_cast %swap3A_628 : vector<1x16xf32> to vector<16xf32>
        %swap3A_630 = vector.shape_cast %mul3A_625 : vector<16xf32> to vector<1x16xf32>
        tpu.vector_store %arg11[%swap3A_626, %swap3A_627], %swap3A_630 {strides = array<i32>} : memref<128x64xf32, #tpu.memory_space<vmem>>, vector<1x16xf32>,
        %get3A_631 = arith.index_cast %add3A_595 : i32 to index
        %get3A_632 = arith.constant 48 : index
        %get3A_633 = tpu.vector_load %arg11[%get3A_631, %get3A_632] {strides = array<i32>} : memref<128x64xf32, #tpu.memory_space<vmem>>, vector<1x16xf32>,
        %get3A_634 = vector.shape_cast %get3A_633 : vector<1x16xf32> to vector<16xf32>
        %mul3A_635 = vector.broadcast %squeeze3A_597 : f32 to vector<16xf32>
        %mul3A_636 = arith.mulf %get3A_634, %mul3A_635 : vector<16xf32>
        %swap3A_637 = arith.index_cast %add3A_595 : i32 to index
        %swap3A_638 = arith.constant 48 : index
        %swap3A_639 = tpu.vector_load %arg11[%swap3A_637, %swap3A_638] {strides = array<i32>} : memref<128x64xf32, #tpu.memory_space<vmem>>, vector<1x16xf32>,
        %swap3A_640 = vector.shape_cast %swap3A_639 : vector<1x16xf32> to vector<16xf32>
        %swap3A_641 = vector.shape_cast %mul3A_636 : vector<16xf32> to vector<1x16xf32>
        tpu.vector_store %arg11[%swap3A_637, %swap3A_638], %swap3A_641 {strides = array<i32>} : memref<128x64xf32, #tpu.memory_space<vmem>>, vector<1x16xf32>,
        %mul3A_642 = arith.constant 16 : i32
        %mul3A_643 = arith.muli %mul3A_642, %scan3A_237 : i32
        %add3A_644 = arith.constant 8 : i32
        %add3A_645 = arith.addi %mul3A_643, %add3A_644 : i32
        %slice3A_646 = vector.extract_strided_slice %get3A_243 {offsets = [8], sizes = [1], strides = [1]} : vector<16xf32> to vector<1xf32>
        %squeeze3A_647 = vector.extract %slice3A_646[0] : f32 from vector<1xf32>
        %get3A_648 = arith.index_cast %add3A_645 : i32 to index
        %get3A_649 = arith.constant 0 : index
        %get3A_650 = tpu.vector_load %arg11[%get3A_648, %get3A_649] {strides = array<i32>} : memref<128x64xf32, #tpu.memory_space<vmem>>, vector<1x16xf32>,
        %get3A_651 = vector.shape_cast %get3A_650 : vector<1x16xf32> to vector<16xf32>
        %mul3A_652 = vector.broadcast %squeeze3A_647 : f32 to vector<16xf32>
        %mul3A_653 = arith.mulf %get3A_651, %mul3A_652 : vector<16xf32>
        %swap3A_654 = arith.index_cast %add3A_645 : i32 to index
        %swap3A_655 = arith.constant 0 : index
        %swap3A_656 = tpu.vector_load %arg11[%swap3A_654, %swap3A_655] {strides = array<i32>} : memref<128x64xf32, #tpu.memory_space<vmem>>, vector<1x16xf32>,
        %swap3A_657 = vector.shape_cast %swap3A_656 : vector<1x16xf32> to vector<16xf32>
        %swap3A_658 = vector.shape_cast %mul3A_653 : vector<16xf32> to vector<1x16xf32>
        tpu.vector_store %arg11[%swap3A_654, %swap3A_655], %swap3A_658 {strides = array<i32>} : memref<128x64xf32, #tpu.memory_space<vmem>>, vector<1x16xf32>,
        %get3A_659 = arith.index_cast %add3A_645 : i32 to index
        %get3A_660 = arith.constant 16 : index
        %get3A_661 = tpu.vector_load %arg11[%get3A_659, %get3A_660] {strides = array<i32>} : memref<128x64xf32, #tpu.memory_space<vmem>>, vector<1x16xf32>,
        %get3A_662 = vector.shape_cast %get3A_661 : vector<1x16xf32> to vector<16xf32>
        %mul3A_663 = vector.broadcast %squeeze3A_647 : f32 to vector<16xf32>
        %mul3A_664 = arith.mulf %get3A_662, %mul3A_663 : vector<16xf32>
        %swap3A_665 = arith.index_cast %add3A_645 : i32 to index
        %swap3A_666 = arith.constant 16 : index
        %swap3A_667 = tpu.vector_load %arg11[%swap3A_665, %swap3A_666] {strides = array<i32>} : memref<128x64xf32, #tpu.memory_space<vmem>>, vector<1x16xf32>,
        %swap3A_668 = vector.shape_cast %swap3A_667 : vector<1x16xf32> to vector<16xf32>
        %swap3A_669 = vector.shape_cast %mul3A_664 : vector<16xf32> to vector<1x16xf32>
        tpu.vector_store %arg11[%swap3A_665, %swap3A_666], %swap3A_669 {strides = array<i32>} : memref<128x64xf32, #tpu.memory_space<vmem>>, vector<1x16xf32>,
        %get3A_670 = arith.index_cast %add3A_645 : i32 to index
        %get3A_671 = arith.constant 32 : index
        %get3A_672 = tpu.vector_load %arg11[%get3A_670, %get3A_671] {strides = array<i32>} : memref<128x64xf32, #tpu.memory_space<vmem>>, vector<1x16xf32>,
        %get3A_673 = vector.shape_cast %get3A_672 : vector<1x16xf32> to vector<16xf32>
        %mul3A_674 = vector.broadcast %squeeze3A_647 : f32 to vector<16xf32>
        %mul3A_675 = arith.mulf %get3A_673, %mul3A_674 : vector<16xf32>
        %swap3A_676 = arith.index_cast %add3A_645 : i32 to index
        %swap3A_677 = arith.constant 32 : index
        %swap3A_678 = tpu.vector_load %arg11[%swap3A_676, %swap3A_677] {strides = array<i32>} : memref<128x64xf32, #tpu.memory_space<vmem>>, vector<1x16xf32>,
        %swap3A_679 = vector.shape_cast %swap3A_678 : vector<1x16xf32> to vector<16xf32>
        %swap3A_680 = vector.shape_cast %mul3A_675 : vector<16xf32> to vector<1x16xf32>
        tpu.vector_store %arg11[%swap3A_676, %swap3A_677], %swap3A_680 {strides = array<i32>} : memref<128x64xf32, #tpu.memory_space<vmem>>, vector<1x16xf32>,
        %get3A_681 = arith.index_cast %add3A_645 : i32 to index
        %get3A_682 = arith.constant 48 : index
        %get3A_683 = tpu.vector_load %arg11[%get3A_681, %get3A_682] {strides = array<i32>} : memref<128x64xf32, #tpu.memory_space<vmem>>, vector<1x16xf32>,
        %get3A_684 = vector.shape_cast %get3A_683 : vector<1x16xf32> to vector<16xf32>
        %mul3A_685 = vector.broadcast %squeeze3A_647 : f32 to vector<16xf32>
        %mul3A_686 = arith.mulf %get3A_684, %mul3A_685 : vector<16xf32>
        %swap3A_687 = arith.index_cast %add3A_645 : i32 to index
        %swap3A_688 = arith.constant 48 : index
        %swap3A_689 = tpu.vector_load %arg11[%swap3A_687, %swap3A_688] {strides = array<i32>} : memref<128x64xf32, #tpu.memory_space<vmem>>, vector<1x16xf32>,
        %swap3A_690 = vector.shape_cast %swap3A_689 : vector<1x16xf32> to vector<16xf32>
        %swap3A_691 = vector.shape_cast %mul3A_686 : vector<16xf32> to vector<1x16xf32>
        tpu.vector_store %arg11[%swap3A_687, %swap3A_688], %swap3A_691 {strides = array<i32>} : memref<128x64xf32, #tpu.memory_space<vmem>>, vector<1x16xf32>,
        %mul3A_692 = arith.constant 16 : i32
        %mul3A_693 = arith.muli %mul3A_692, %scan3A_237 : i32
        %add3A_694 = arith.constant 9 : i32
        %add3A_695 = arith.addi %mul3A_693, %add3A_694 : i32
        %slice3A_696 = vector.extract_strided_slice %get3A_243 {offsets = [9], sizes = [1], strides = [1]} : vector<16xf32> to vector<1xf32>
        %squeeze3A_697 = vector.extract %slice3A_696[0] : f32 from vector<1xf32>
        %get3A_698 = arith.index_cast %add3A_695 : i32 to index
        %get3A_699 = arith.constant 0 : index
        %get3A_700 = tpu.vector_load %arg11[%get3A_698, %get3A_699] {strides = array<i32>} : memref<128x64xf32, #tpu.memory_space<vmem>>, vector<1x16xf32>,
        %get3A_701 = vector.shape_cast %get3A_700 : vector<1x16xf32> to vector<16xf32>
        %mul3A_702 = vector.broadcast %squeeze3A_697 : f32 to vector<16xf32>
        %mul3A_703 = arith.mulf %get3A_701, %mul3A_702 : vector<16xf32>
        %swap3A_704 = arith.index_cast %add3A_695 : i32 to index
        %swap3A_705 = arith.constant 0 : index
        %swap3A_706 = tpu.vector_load %arg11[%swap3A_704, %swap3A_705] {strides = array<i32>} : memref<128x64xf32, #tpu.memory_space<vmem>>, vector<1x16xf32>,
        %swap3A_707 = vector.shape_cast %swap3A_706 : vector<1x16xf32> to vector<16xf32>
        %swap3A_708 = vector.shape_cast %mul3A_703 : vector<16xf32> to vector<1x16xf32>
        tpu.vector_store %arg11[%swap3A_704, %swap3A_705], %swap3A_708 {strides = array<i32>} : memref<128x64xf32, #tpu.memory_space<vmem>>, vector<1x16xf32>,
        %get3A_709 = arith.index_cast %add3A_695 : i32 to index
        %get3A_710 = arith.constant 16 : index
        %get3A_711 = tpu.vector_load %arg11[%get3A_709, %get3A_710] {strides = array<i32>} : memref<128x64xf32, #tpu.memory_space<vmem>>, vector<1x16xf32>,
        %get3A_712 = vector.shape_cast %get3A_711 : vector<1x16xf32> to vector<16xf32>
        %mul3A_713 = vector.broadcast %squeeze3A_697 : f32 to vector<16xf32>
        %mul3A_714 = arith.mulf %get3A_712, %mul3A_713 : vector<16xf32>
        %swap3A_715 = arith.index_cast %add3A_695 : i32 to index
        %swap3A_716 = arith.constant 16 : index
        %swap3A_717 = tpu.vector_load %arg11[%swap3A_715, %swap3A_716] {strides = array<i32>} : memref<128x64xf32, #tpu.memory_space<vmem>>, vector<1x16xf32>,
        %swap3A_718 = vector.shape_cast %swap3A_717 : vector<1x16xf32> to vector<16xf32>
        %swap3A_719 = vector.shape_cast %mul3A_714 : vector<16xf32> to vector<1x16xf32>
        tpu.vector_store %arg11[%swap3A_715, %swap3A_716], %swap3A_719 {strides = array<i32>} : memref<128x64xf32, #tpu.memory_space<vmem>>, vector<1x16xf32>,
        %get3A_720 = arith.index_cast %add3A_695 : i32 to index
        %get3A_721 = arith.constant 32 : index
        %get3A_722 = tpu.vector_load %arg11[%get3A_720, %get3A_721] {strides = array<i32>} : memref<128x64xf32, #tpu.memory_space<vmem>>, vector<1x16xf32>,
        %get3A_723 = vector.shape_cast %get3A_722 : vector<1x16xf32> to vector<16xf32>
        %mul3A_724 = vector.broadcast %squeeze3A_697 : f32 to vector<16xf32>
        %mul3A_725 = arith.mulf %get3A_723, %mul3A_724 : vector<16xf32>
        %swap3A_726 = arith.index_cast %add3A_695 : i32 to index
        %swap3A_727 = arith.constant 32 : index
        %swap3A_728 = tpu.vector_load %arg11[%swap3A_726, %swap3A_727] {strides = array<i32>} : memref<128x64xf32, #tpu.memory_space<vmem>>, vector<1x16xf32>,
        %swap3A_729 = vector.shape_cast %swap3A_728 : vector<1x16xf32> to vector<16xf32>
        %swap3A_730 = vector.shape_cast %mul3A_725 : vector<16xf32> to vector<1x16xf32>
        tpu.vector_store %arg11[%swap3A_726, %swap3A_727], %swap3A_730 {strides = array<i32>} : memref<128x64xf32, #tpu.memory_space<vmem>>, vector<1x16xf32>,
        %get3A_731 = arith.index_cast %add3A_695 : i32 to index
        %get3A_732 = arith.constant 48 : index
        %get3A_733 = tpu.vector_load %arg11[%get3A_731, %get3A_732] {strides = array<i32>} : memref<128x64xf32, #tpu.memory_space<vmem>>, vector<1x16xf32>,
        %get3A_734 = vector.shape_cast %get3A_733 : vector<1x16xf32> to vector<16xf32>
        %mul3A_735 = vector.broadcast %squeeze3A_697 : f32 to vector<16xf32>
        %mul3A_736 = arith.mulf %get3A_734, %mul3A_735 : vector<16xf32>
        %swap3A_737 = arith.index_cast %add3A_695 : i32 to index
        %swap3A_738 = arith.constant 48 : index
        %swap3A_739 = tpu.vector_load %arg11[%swap3A_737, %swap3A_738] {strides = array<i32>} : memref<128x64xf32, #tpu.memory_space<vmem>>, vector<1x16xf32>,
        %swap3A_740 = vector.shape_cast %swap3A_739 : vector<1x16xf32> to vector<16xf32>
        %swap3A_741 = vector.shape_cast %mul3A_736 : vector<16xf32> to vector<1x16xf32>
        tpu.vector_store %arg11[%swap3A_737, %swap3A_738], %swap3A_741 {strides = array<i32>} : memref<128x64xf32, #tpu.memory_space<vmem>>, vector<1x16xf32>,
        %mul3A_742 = arith.constant 16 : i32
        %mul3A_743 = arith.muli %mul3A_742, %scan3A_237 : i32
        %add3A_744 = arith.constant 10 : i32
        %add3A_745 = arith.addi %mul3A_743, %add3A_744 : i32
        %slice3A_746 = vector.extract_strided_slice %get3A_243 {offsets = [10], sizes = [1], strides = [1]} : vector<16xf32> to vector<1xf32>
        %squeeze3A_747 = vector.extract %slice3A_746[0] : f32 from vector<1xf32>
        %get3A_748 = arith.index_cast %add3A_745 : i32 to index
        %get3A_749 = arith.constant 0 : index
        %get3A_750 = tpu.vector_load %arg11[%get3A_748, %get3A_749] {strides = array<i32>} : memref<128x64xf32, #tpu.memory_space<vmem>>, vector<1x16xf32>,
        %get3A_751 = vector.shape_cast %get3A_750 : vector<1x16xf32> to vector<16xf32>
        %mul3A_752 = vector.broadcast %squeeze3A_747 : f32 to vector<16xf32>
        %mul3A_753 = arith.mulf %get3A_751, %mul3A_752 : vector<16xf32>
        %swap3A_754 = arith.index_cast %add3A_745 : i32 to index
        %swap3A_755 = arith.constant 0 : index
        %swap3A_756 = tpu.vector_load %arg11[%swap3A_754, %swap3A_755] {strides = array<i32>} : memref<128x64xf32, #tpu.memory_space<vmem>>, vector<1x16xf32>,
        %swap3A_757 = vector.shape_cast %swap3A_756 : vector<1x16xf32> to vector<16xf32>
        %swap3A_758 = vector.shape_cast %mul3A_753 : vector<16xf32> to vector<1x16xf32>
        tpu.vector_store %arg11[%swap3A_754, %swap3A_755], %swap3A_758 {strides = array<i32>} : memref<128x64xf32, #tpu.memory_space<vmem>>, vector<1x16xf32>,
        %get3A_759 = arith.index_cast %add3A_745 : i32 to index
        %get3A_760 = arith.constant 16 : index
        %get3A_761 = tpu.vector_load %arg11[%get3A_759, %get3A_760] {strides = array<i32>} : memref<128x64xf32, #tpu.memory_space<vmem>>, vector<1x16xf32>,
        %get3A_762 = vector.shape_cast %get3A_761 : vector<1x16xf32> to vector<16xf32>
        %mul3A_763 = vector.broadcast %squeeze3A_747 : f32 to vector<16xf32>
        %mul3A_764 = arith.mulf %get3A_762, %mul3A_763 : vector<16xf32>
        %swap3A_765 = arith.index_cast %add3A_745 : i32 to index
        %swap3A_766 = arith.constant 16 : index
        %swap3A_767 = tpu.vector_load %arg11[%swap3A_765, %swap3A_766] {strides = array<i32>} : memref<128x64xf32, #tpu.memory_space<vmem>>, vector<1x16xf32>,
        %swap3A_768 = vector.shape_cast %swap3A_767 : vector<1x16xf32> to vector<16xf32>
        %swap3A_769 = vector.shape_cast %mul3A_764 : vector<16xf32> to vector<1x16xf32>
        tpu.vector_store %arg11[%swap3A_765, %swap3A_766], %swap3A_769 {strides = array<i32>} : memref<128x64xf32, #tpu.memory_space<vmem>>, vector<1x16xf32>,
        %get3A_770 = arith.index_cast %add3A_745 : i32 to index
        %get3A_771 = arith.constant 32 : index
        %get3A_772 = tpu.vector_load %arg11[%get3A_770, %get3A_771] {strides = array<i32>} : memref<128x64xf32, #tpu.memory_space<vmem>>, vector<1x16xf32>,
        %get3A_773 = vector.shape_cast %get3A_772 : vector<1x16xf32> to vector<16xf32>
        %mul3A_774 = vector.broadcast %squeeze3A_747 : f32 to vector<16xf32>
        %mul3A_775 = arith.mulf %get3A_773, %mul3A_774 : vector<16xf32>
        %swap3A_776 = arith.index_cast %add3A_745 : i32 to index
        %swap3A_777 = arith.constant 32 : index
        %swap3A_778 = tpu.vector_load %arg11[%swap3A_776, %swap3A_777] {strides = array<i32>} : memref<128x64xf32, #tpu.memory_space<vmem>>, vector<1x16xf32>,
        %swap3A_779 = vector.shape_cast %swap3A_778 : vector<1x16xf32> to vector<16xf32>
        %swap3A_780 = vector.shape_cast %mul3A_775 : vector<16xf32> to vector<1x16xf32>
        tpu.vector_store %arg11[%swap3A_776, %swap3A_777], %swap3A_780 {strides = array<i32>} : memref<128x64xf32, #tpu.memory_space<vmem>>, vector<1x16xf32>,
        %get3A_781 = arith.index_cast %add3A_745 : i32 to index
        %get3A_782 = arith.constant 48 : index
        %get3A_783 = tpu.vector_load %arg11[%get3A_781, %get3A_782] {strides = array<i32>} : memref<128x64xf32, #tpu.memory_space<vmem>>, vector<1x16xf32>,
        %get3A_784 = vector.shape_cast %get3A_783 : vector<1x16xf32> to vector<16xf32>
        %mul3A_785 = vector.broadcast %squeeze3A_747 : f32 to vector<16xf32>
        %mul3A_786 = arith.mulf %get3A_784, %mul3A_785 : vector<16xf32>
        %swap3A_787 = arith.index_cast %add3A_745 : i32 to index
        %swap3A_788 = arith.constant 48 : index
        %swap3A_789 = tpu.vector_load %arg11[%swap3A_787, %swap3A_788] {strides = array<i32>} : memref<128x64xf32, #tpu.memory_space<vmem>>, vector<1x16xf32>,
        %swap3A_790 = vector.shape_cast %swap3A_789 : vector<1x16xf32> to vector<16xf32>
        %swap3A_791 = vector.shape_cast %mul3A_786 : vector<16xf32> to vector<1x16xf32>
        tpu.vector_store %arg11[%swap3A_787, %swap3A_788], %swap3A_791 {strides = array<i32>} : memref<128x64xf32, #tpu.memory_space<vmem>>, vector<1x16xf32>,
        %mul3A_792 = arith.constant 16 : i32
        %mul3A_793 = arith.muli %mul3A_792, %scan3A_237 : i32
        %add3A_794 = arith.constant 11 : i32
        %add3A_795 = arith.addi %mul3A_793, %add3A_794 : i32
        %slice3A_796 = vector.extract_strided_slice %get3A_243 {offsets = [11], sizes = [1], strides = [1]} : vector<16xf32> to vector<1xf32>
        %squeeze3A_797 = vector.extract %slice3A_796[0] : f32 from vector<1xf32>
        %get3A_798 = arith.index_cast %add3A_795 : i32 to index
        %get3A_799 = arith.constant 0 : index
        %get3A_800 = tpu.vector_load %arg11[%get3A_798, %get3A_799] {strides = array<i32>} : memref<128x64xf32, #tpu.memory_space<vmem>>, vector<1x16xf32>,
        %get3A_801 = vector.shape_cast %get3A_800 : vector<1x16xf32> to vector<16xf32>
        %mul3A_802 = vector.broadcast %squeeze3A_797 : f32 to vector<16xf32>
        %mul3A_803 = arith.mulf %get3A_801, %mul3A_802 : vector<16xf32>
        %swap3A_804 = arith.index_cast %add3A_795 : i32 to index
        %swap3A_805 = arith.constant 0 : index
        %swap3A_806 = tpu.vector_load %arg11[%swap3A_804, %swap3A_805] {strides = array<i32>} : memref<128x64xf32, #tpu.memory_space<vmem>>, vector<1x16xf32>,
        %swap3A_807 = vector.shape_cast %swap3A_806 : vector<1x16xf32> to vector<16xf32>
        %swap3A_808 = vector.shape_cast %mul3A_803 : vector<16xf32> to vector<1x16xf32>
        tpu.vector_store %arg11[%swap3A_804, %swap3A_805], %swap3A_808 {strides = array<i32>} : memref<128x64xf32, #tpu.memory_space<vmem>>, vector<1x16xf32>,
        %get3A_809 = arith.index_cast %add3A_795 : i32 to index
        %get3A_810 = arith.constant 16 : index
        %get3A_811 = tpu.vector_load %arg11[%get3A_809, %get3A_810] {strides = array<i32>} : memref<128x64xf32, #tpu.memory_space<vmem>>, vector<1x16xf32>,
        %get3A_812 = vector.shape_cast %get3A_811 : vector<1x16xf32> to vector<16xf32>
        %mul3A_813 = vector.broadcast %squeeze3A_797 : f32 to vector<16xf32>
        %mul3A_814 = arith.mulf %get3A_812, %mul3A_813 : vector<16xf32>
        %swap3A_815 = arith.index_cast %add3A_795 : i32 to index
        %swap3A_816 = arith.constant 16 : index
        %swap3A_817 = tpu.vector_load %arg11[%swap3A_815, %swap3A_816] {strides = array<i32>} : memref<128x64xf32, #tpu.memory_space<vmem>>, vector<1x16xf32>,
        %swap3A_818 = vector.shape_cast %swap3A_817 : vector<1x16xf32> to vector<16xf32>
        %swap3A_819 = vector.shape_cast %mul3A_814 : vector<16xf32> to vector<1x16xf32>
        tpu.vector_store %arg11[%swap3A_815, %swap3A_816], %swap3A_819 {strides = array<i32>} : memref<128x64xf32, #tpu.memory_space<vmem>>, vector<1x16xf32>,
        %get3A_820 = arith.index_cast %add3A_795 : i32 to index
        %get3A_821 = arith.constant 32 : index
        %get3A_822 = tpu.vector_load %arg11[%get3A_820, %get3A_821] {strides = array<i32>} : memref<128x64xf32, #tpu.memory_space<vmem>>, vector<1x16xf32>,
        %get3A_823 = vector.shape_cast %get3A_822 : vector<1x16xf32> to vector<16xf32>
        %mul3A_824 = vector.broadcast %squeeze3A_797 : f32 to vector<16xf32>
        %mul3A_825 = arith.mulf %get3A_823, %mul3A_824 : vector<16xf32>
        %swap3A_826 = arith.index_cast %add3A_795 : i32 to index
        %swap3A_827 = arith.constant 32 : index
        %swap3A_828 = tpu.vector_load %arg11[%swap3A_826, %swap3A_827] {strides = array<i32>} : memref<128x64xf32, #tpu.memory_space<vmem>>, vector<1x16xf32>,
        %swap3A_829 = vector.shape_cast %swap3A_828 : vector<1x16xf32> to vector<16xf32>
        %swap3A_830 = vector.shape_cast %mul3A_825 : vector<16xf32> to vector<1x16xf32>
        tpu.vector_store %arg11[%swap3A_826, %swap3A_827], %swap3A_830 {strides = array<i32>} : memref<128x64xf32, #tpu.memory_space<vmem>>, vector<1x16xf32>,
        %get3A_831 = arith.index_cast %add3A_795 : i32 to index
        %get3A_832 = arith.constant 48 : index
        %get3A_833 = tpu.vector_load %arg11[%get3A_831, %get3A_832] {strides = array<i32>} : memref<128x64xf32, #tpu.memory_space<vmem>>, vector<1x16xf32>,
        %get3A_834 = vector.shape_cast %get3A_833 : vector<1x16xf32> to vector<16xf32>
        %mul3A_835 = vector.broadcast %squeeze3A_797 : f32 to vector<16xf32>
        %mul3A_836 = arith.mulf %get3A_834, %mul3A_835 : vector<16xf32>
        %swap3A_837 = arith.index_cast %add3A_795 : i32 to index
        %swap3A_838 = arith.constant 48 : index
        %swap3A_839 = tpu.vector_load %arg11[%swap3A_837, %swap3A_838] {strides = array<i32>} : memref<128x64xf32, #tpu.memory_space<vmem>>, vector<1x16xf32>,
        %swap3A_840 = vector.shape_cast %swap3A_839 : vector<1x16xf32> to vector<16xf32>
        %swap3A_841 = vector.shape_cast %mul3A_836 : vector<16xf32> to vector<1x16xf32>
        tpu.vector_store %arg11[%swap3A_837, %swap3A_838], %swap3A_841 {strides = array<i32>} : memref<128x64xf32, #tpu.memory_space<vmem>>, vector<1x16xf32>,
        %mul3A_842 = arith.constant 16 : i32
        %mul3A_843 = arith.muli %mul3A_842, %scan3A_237 : i32
        %add3A_844 = arith.constant 12 : i32
        %add3A_845 = arith.addi %mul3A_843, %add3A_844 : i32
        %slice3A_846 = vector.extract_strided_slice %get3A_243 {offsets = [12], sizes = [1], strides = [1]} : vector<16xf32> to vector<1xf32>
        %squeeze3A_847 = vector.extract %slice3A_846[0] : f32 from vector<1xf32>
        %get3A_848 = arith.index_cast %add3A_845 : i32 to index
        %get3A_849 = arith.constant 0 : index
        %get3A_850 = tpu.vector_load %arg11[%get3A_848, %get3A_849] {strides = array<i32>} : memref<128x64xf32, #tpu.memory_space<vmem>>, vector<1x16xf32>,
        %get3A_851 = vector.shape_cast %get3A_850 : vector<1x16xf32> to vector<16xf32>
        %mul3A_852 = vector.broadcast %squeeze3A_847 : f32 to vector<16xf32>
        %mul3A_853 = arith.mulf %get3A_851, %mul3A_852 : vector<16xf32>
        %swap3A_854 = arith.index_cast %add3A_845 : i32 to index
        %swap3A_855 = arith.constant 0 : index
        %swap3A_856 = tpu.vector_load %arg11[%swap3A_854, %swap3A_855] {strides = array<i32>} : memref<128x64xf32, #tpu.memory_space<vmem>>, vector<1x16xf32>,
        %swap3A_857 = vector.shape_cast %swap3A_856 : vector<1x16xf32> to vector<16xf32>
        %swap3A_858 = vector.shape_cast %mul3A_853 : vector<16xf32> to vector<1x16xf32>
        tpu.vector_store %arg11[%swap3A_854, %swap3A_855], %swap3A_858 {strides = array<i32>} : memref<128x64xf32, #tpu.memory_space<vmem>>, vector<1x16xf32>,
        %get3A_859 = arith.index_cast %add3A_845 : i32 to index
        %get3A_860 = arith.constant 16 : index
        %get3A_861 = tpu.vector_load %arg11[%get3A_859, %get3A_860] {strides = array<i32>} : memref<128x64xf32, #tpu.memory_space<vmem>>, vector<1x16xf32>,
        %get3A_862 = vector.shape_cast %get3A_861 : vector<1x16xf32> to vector<16xf32>
        %mul3A_863 = vector.broadcast %squeeze3A_847 : f32 to vector<16xf32>
        %mul3A_864 = arith.mulf %get3A_862, %mul3A_863 : vector<16xf32>
        %swap3A_865 = arith.index_cast %add3A_845 : i32 to index
        %swap3A_866 = arith.constant 16 : index
        %swap3A_867 = tpu.vector_load %arg11[%swap3A_865, %swap3A_866] {strides = array<i32>} : memref<128x64xf32, #tpu.memory_space<vmem>>, vector<1x16xf32>,
        %swap3A_868 = vector.shape_cast %swap3A_867 : vector<1x16xf32> to vector<16xf32>
        %swap3A_869 = vector.shape_cast %mul3A_864 : vector<16xf32> to vector<1x16xf32>
        tpu.vector_store %arg11[%swap3A_865, %swap3A_866], %swap3A_869 {strides = array<i32>} : memref<128x64xf32, #tpu.memory_space<vmem>>, vector<1x16xf32>,
        %get3A_870 = arith.index_cast %add3A_845 : i32 to index
        %get3A_871 = arith.constant 32 : index
        %get3A_872 = tpu.vector_load %arg11[%get3A_870, %get3A_871] {strides = array<i32>} : memref<128x64xf32, #tpu.memory_space<vmem>>, vector<1x16xf32>,
        %get3A_873 = vector.shape_cast %get3A_872 : vector<1x16xf32> to vector<16xf32>
        %mul3A_874 = vector.broadcast %squeeze3A_847 : f32 to vector<16xf32>
        %mul3A_875 = arith.mulf %get3A_873, %mul3A_874 : vector<16xf32>
        %swap3A_876 = arith.index_cast %add3A_845 : i32 to index
        %swap3A_877 = arith.constant 32 : index
        %swap3A_878 = tpu.vector_load %arg11[%swap3A_876, %swap3A_877] {strides = array<i32>} : memref<128x64xf32, #tpu.memory_space<vmem>>, vector<1x16xf32>,
        %swap3A_879 = vector.shape_cast %swap3A_878 : vector<1x16xf32> to vector<16xf32>
        %swap3A_880 = vector.shape_cast %mul3A_875 : vector<16xf32> to vector<1x16xf32>
        tpu.vector_store %arg11[%swap3A_876, %swap3A_877], %swap3A_880 {strides = array<i32>} : memref<128x64xf32, #tpu.memory_space<vmem>>, vector<1x16xf32>,
        %get3A_881 = arith.index_cast %add3A_845 : i32 to index
        %get3A_882 = arith.constant 48 : index
        %get3A_883 = tpu.vector_load %arg11[%get3A_881, %get3A_882] {strides = array<i32>} : memref<128x64xf32, #tpu.memory_space<vmem>>, vector<1x16xf32>,
        %get3A_884 = vector.shape_cast %get3A_883 : vector<1x16xf32> to vector<16xf32>
        %mul3A_885 = vector.broadcast %squeeze3A_847 : f32 to vector<16xf32>
        %mul3A_886 = arith.mulf %get3A_884, %mul3A_885 : vector<16xf32>
        %swap3A_887 = arith.index_cast %add3A_845 : i32 to index
        %swap3A_888 = arith.constant 48 : index
        %swap3A_889 = tpu.vector_load %arg11[%swap3A_887, %swap3A_888] {strides = array<i32>} : memref<128x64xf32, #tpu.memory_space<vmem>>, vector<1x16xf32>,
        %swap3A_890 = vector.shape_cast %swap3A_889 : vector<1x16xf32> to vector<16xf32>
        %swap3A_891 = vector.shape_cast %mul3A_886 : vector<16xf32> to vector<1x16xf32>
        tpu.vector_store %arg11[%swap3A_887, %swap3A_888], %swap3A_891 {strides = array<i32>} : memref<128x64xf32, #tpu.memory_space<vmem>>, vector<1x16xf32>,
        %mul3A_892 = arith.constant 16 : i32
        %mul3A_893 = arith.muli %mul3A_892, %scan3A_237 : i32
        %add3A_894 = arith.constant 13 : i32
        %add3A_895 = arith.addi %mul3A_893, %add3A_894 : i32
        %slice3A_896 = vector.extract_strided_slice %get3A_243 {offsets = [13], sizes = [1], strides = [1]} : vector<16xf32> to vector<1xf32>
        %squeeze3A_897 = vector.extract %slice3A_896[0] : f32 from vector<1xf32>
        %get3A_898 = arith.index_cast %add3A_895 : i32 to index
        %get3A_899 = arith.constant 0 : index
        %get3A_900 = tpu.vector_load %arg11[%get3A_898, %get3A_899] {strides = array<i32>} : memref<128x64xf32, #tpu.memory_space<vmem>>, vector<1x16xf32>,
        %get3A_901 = vector.shape_cast %get3A_900 : vector<1x16xf32> to vector<16xf32>
        %mul3A_902 = vector.broadcast %squeeze3A_897 : f32 to vector<16xf32>
        %mul3A_903 = arith.mulf %get3A_901, %mul3A_902 : vector<16xf32>
        %swap3A_904 = arith.index_cast %add3A_895 : i32 to index
        %swap3A_905 = arith.constant 0 : index
        %swap3A_906 = tpu.vector_load %arg11[%swap3A_904, %swap3A_905] {strides = array<i32>} : memref<128x64xf32, #tpu.memory_space<vmem>>, vector<1x16xf32>,
        %swap3A_907 = vector.shape_cast %swap3A_906 : vector<1x16xf32> to vector<16xf32>
        %swap3A_908 = vector.shape_cast %mul3A_903 : vector<16xf32> to vector<1x16xf32>
        tpu.vector_store %arg11[%swap3A_904, %swap3A_905], %swap3A_908 {strides = array<i32>} : memref<128x64xf32, #tpu.memory_space<vmem>>, vector<1x16xf32>,
        %get3A_909 = arith.index_cast %add3A_895 : i32 to index
        %get3A_910 = arith.constant 16 : index
        %get3A_911 = tpu.vector_load %arg11[%get3A_909, %get3A_910] {strides = array<i32>} : memref<128x64xf32, #tpu.memory_space<vmem>>, vector<1x16xf32>,
        %get3A_912 = vector.shape_cast %get3A_911 : vector<1x16xf32> to vector<16xf32>
        %mul3A_913 = vector.broadcast %squeeze3A_897 : f32 to vector<16xf32>
        %mul3A_914 = arith.mulf %get3A_912, %mul3A_913 : vector<16xf32>
        %swap3A_915 = arith.index_cast %add3A_895 : i32 to index
        %swap3A_916 = arith.constant 16 : index
        %swap3A_917 = tpu.vector_load %arg11[%swap3A_915, %swap3A_916] {strides = array<i32>} : memref<128x64xf32, #tpu.memory_space<vmem>>, vector<1x16xf32>,
        %swap3A_918 = vector.shape_cast %swap3A_917 : vector<1x16xf32> to vector<16xf32>
        %swap3A_919 = vector.shape_cast %mul3A_914 : vector<16xf32> to vector<1x16xf32>
        tpu.vector_store %arg11[%swap3A_915, %swap3A_916], %swap3A_919 {strides = array<i32>} : memref<128x64xf32, #tpu.memory_space<vmem>>, vector<1x16xf32>,
        %get3A_920 = arith.index_cast %add3A_895 : i32 to index
        %get3A_921 = arith.constant 32 : index
        %get3A_922 = tpu.vector_load %arg11[%get3A_920, %get3A_921] {strides = array<i32>} : memref<128x64xf32, #tpu.memory_space<vmem>>, vector<1x16xf32>,
        %get3A_923 = vector.shape_cast %get3A_922 : vector<1x16xf32> to vector<16xf32>
        %mul3A_924 = vector.broadcast %squeeze3A_897 : f32 to vector<16xf32>
        %mul3A_925 = arith.mulf %get3A_923, %mul3A_924 : vector<16xf32>
        %swap3A_926 = arith.index_cast %add3A_895 : i32 to index
        %swap3A_927 = arith.constant 32 : index
        %swap3A_928 = tpu.vector_load %arg11[%swap3A_926, %swap3A_927] {strides = array<i32>} : memref<128x64xf32, #tpu.memory_space<vmem>>, vector<1x16xf32>,
        %swap3A_929 = vector.shape_cast %swap3A_928 : vector<1x16xf32> to vector<16xf32>
        %swap3A_930 = vector.shape_cast %mul3A_925 : vector<16xf32> to vector<1x16xf32>
        tpu.vector_store %arg11[%swap3A_926, %swap3A_927], %swap3A_930 {strides = array<i32>} : memref<128x64xf32, #tpu.memory_space<vmem>>, vector<1x16xf32>,
        %get3A_931 = arith.index_cast %add3A_895 : i32 to index
        %get3A_932 = arith.constant 48 : index
        %get3A_933 = tpu.vector_load %arg11[%get3A_931, %get3A_932] {strides = array<i32>} : memref<128x64xf32, #tpu.memory_space<vmem>>, vector<1x16xf32>,
        %get3A_934 = vector.shape_cast %get3A_933 : vector<1x16xf32> to vector<16xf32>
        %mul3A_935 = vector.broadcast %squeeze3A_897 : f32 to vector<16xf32>
        %mul3A_936 = arith.mulf %get3A_934, %mul3A_935 : vector<16xf32>
        %swap3A_937 = arith.index_cast %add3A_895 : i32 to index
        %swap3A_938 = arith.constant 48 : index
        %swap3A_939 = tpu.vector_load %arg11[%swap3A_937, %swap3A_938] {strides = array<i32>} : memref<128x64xf32, #tpu.memory_space<vmem>>, vector<1x16xf32>,
        %swap3A_940 = vector.shape_cast %swap3A_939 : vector<1x16xf32> to vector<16xf32>
        %swap3A_941 = vector.shape_cast %mul3A_936 : vector<16xf32> to vector<1x16xf32>
        tpu.vector_store %arg11[%swap3A_937, %swap3A_938], %swap3A_941 {strides = array<i32>} : memref<128x64xf32, #tpu.memory_space<vmem>>, vector<1x16xf32>,
        %mul3A_942 = arith.constant 16 : i32
        %mul3A_943 = arith.muli %mul3A_942, %scan3A_237 : i32
        %add3A_944 = arith.constant 14 : i32
        %add3A_945 = arith.addi %mul3A_943, %add3A_944 : i32
        %slice3A_946 = vector.extract_strided_slice %get3A_243 {offsets = [14], sizes = [1], strides = [1]} : vector<16xf32> to vector<1xf32>
        %squeeze3A_947 = vector.extract %slice3A_946[0] : f32 from vector<1xf32>
        %get3A_948 = arith.index_cast %add3A_945 : i32 to index
        %get3A_949 = arith.constant 0 : index
        %get3A_950 = tpu.vector_load %arg11[%get3A_948, %get3A_949] {strides = array<i32>} : memref<128x64xf32, #tpu.memory_space<vmem>>, vector<1x16xf32>,
        %get3A_951 = vector.shape_cast %get3A_950 : vector<1x16xf32> to vector<16xf32>
        %mul3A_952 = vector.broadcast %squeeze3A_947 : f32 to vector<16xf32>
        %mul3A_953 = arith.mulf %get3A_951, %mul3A_952 : vector<16xf32>
        %swap3A_954 = arith.index_cast %add3A_945 : i32 to index
        %swap3A_955 = arith.constant 0 : index
        %swap3A_956 = tpu.vector_load %arg11[%swap3A_954, %swap3A_955] {strides = array<i32>} : memref<128x64xf32, #tpu.memory_space<vmem>>, vector<1x16xf32>,
        %swap3A_957 = vector.shape_cast %swap3A_956 : vector<1x16xf32> to vector<16xf32>
        %swap3A_958 = vector.shape_cast %mul3A_953 : vector<16xf32> to vector<1x16xf32>
        tpu.vector_store %arg11[%swap3A_954, %swap3A_955], %swap3A_958 {strides = array<i32>} : memref<128x64xf32, #tpu.memory_space<vmem>>, vector<1x16xf32>,
        %get3A_959 = arith.index_cast %add3A_945 : i32 to index
        %get3A_960 = arith.constant 16 : index
        %get3A_961 = tpu.vector_load %arg11[%get3A_959, %get3A_960] {strides = array<i32>} : memref<128x64xf32, #tpu.memory_space<vmem>>, vector<1x16xf32>,
        %get3A_962 = vector.shape_cast %get3A_961 : vector<1x16xf32> to vector<16xf32>
        %mul3A_963 = vector.broadcast %squeeze3A_947 : f32 to vector<16xf32>
        %mul3A_964 = arith.mulf %get3A_962, %mul3A_963 : vector<16xf32>
        %swap3A_965 = arith.index_cast %add3A_945 : i32 to index
        %swap3A_966 = arith.constant 16 : index
        %swap3A_967 = tpu.vector_load %arg11[%swap3A_965, %swap3A_966] {strides = array<i32>} : memref<128x64xf32, #tpu.memory_space<vmem>>, vector<1x16xf32>,
        %swap3A_968 = vector.shape_cast %swap3A_967 : vector<1x16xf32> to vector<16xf32>
        %swap3A_969 = vector.shape_cast %mul3A_964 : vector<16xf32> to vector<1x16xf32>
        tpu.vector_store %arg11[%swap3A_965, %swap3A_966], %swap3A_969 {strides = array<i32>} : memref<128x64xf32, #tpu.memory_space<vmem>>, vector<1x16xf32>,
        %get3A_970 = arith.index_cast %add3A_945 : i32 to index
        %get3A_971 = arith.constant 32 : index
        %get3A_972 = tpu.vector_load %arg11[%get3A_970, %get3A_971] {strides = array<i32>} : memref<128x64xf32, #tpu.memory_space<vmem>>, vector<1x16xf32>,
        %get3A_973 = vector.shape_cast %get3A_972 : vector<1x16xf32> to vector<16xf32>
        %mul3A_974 = vector.broadcast %squeeze3A_947 : f32 to vector<16xf32>
        %mul3A_975 = arith.mulf %get3A_973, %mul3A_974 : vector<16xf32>
        %swap3A_976 = arith.index_cast %add3A_945 : i32 to index
        %swap3A_977 = arith.constant 32 : index
        %swap3A_978 = tpu.vector_load %arg11[%swap3A_976, %swap3A_977] {strides = array<i32>} : memref<128x64xf32, #tpu.memory_space<vmem>>, vector<1x16xf32>,
        %swap3A_979 = vector.shape_cast %swap3A_978 : vector<1x16xf32> to vector<16xf32>
        %swap3A_980 = vector.shape_cast %mul3A_975 : vector<16xf32> to vector<1x16xf32>
        tpu.vector_store %arg11[%swap3A_976, %swap3A_977], %swap3A_980 {strides = array<i32>} : memref<128x64xf32, #tpu.memory_space<vmem>>, vector<1x16xf32>,
        %get3A_981 = arith.index_cast %add3A_945 : i32 to index
        %get3A_982 = arith.constant 48 : index
        %get3A_983 = tpu.vector_load %arg11[%get3A_981, %get3A_982] {strides = array<i32>} : memref<128x64xf32, #tpu.memory_space<vmem>>, vector<1x16xf32>,
        %get3A_984 = vector.shape_cast %get3A_983 : vector<1x16xf32> to vector<16xf32>
        %mul3A_985 = vector.broadcast %squeeze3A_947 : f32 to vector<16xf32>
        %mul3A_986 = arith.mulf %get3A_984, %mul3A_985 : vector<16xf32>
        %swap3A_987 = arith.index_cast %add3A_945 : i32 to index
        %swap3A_988 = arith.constant 48 : index
        %swap3A_989 = tpu.vector_load %arg11[%swap3A_987, %swap3A_988] {strides = array<i32>} : memref<128x64xf32, #tpu.memory_space<vmem>>, vector<1x16xf32>,
        %swap3A_990 = vector.shape_cast %swap3A_989 : vector<1x16xf32> to vector<16xf32>
        %swap3A_991 = vector.shape_cast %mul3A_986 : vector<16xf32> to vector<1x16xf32>
        tpu.vector_store %arg11[%swap3A_987, %swap3A_988], %swap3A_991 {strides = array<i32>} : memref<128x64xf32, #tpu.memory_space<vmem>>, vector<1x16xf32>,
        %mul3A_992 = arith.constant 16 : i32
        %mul3A_993 = arith.muli %mul3A_992, %scan3A_237 : i32
        %add3A_994 = arith.constant 15 : i32
        %add3A_995 = arith.addi %mul3A_993, %add3A_994 : i32
        %slice3A_996 = vector.extract_strided_slice %get3A_243 {offsets = [15], sizes = [1], strides = [1]} : vector<16xf32> to vector<1xf32>
        %squeeze3A_997 = vector.extract %slice3A_996[0] : f32 from vector<1xf32>
        %get3A_998 = arith.index_cast %add3A_995 : i32 to index
        %get3A_999 = arith.constant 0 : index
        %get3A_1000 = tpu.vector_load %arg11[%get3A_998, %get3A_999] {strides = array<i32>} : memref<128x64xf32, #tpu.memory_space<vmem>>, vector<1x16xf32>,
        %get3A_1001 = vector.shape_cast %get3A_1000 : vector<1x16xf32> to vector<16xf32>
        %mul3A_1002 = vector.broadcast %squeeze3A_997 : f32 to vector<16xf32>
        %mul3A_1003 = arith.mulf %get3A_1001, %mul3A_1002 : vector<16xf32>
        %swap3A_1004 = arith.index_cast %add3A_995 : i32 to index
        %swap3A_1005 = arith.constant 0 : index
        %swap3A_1006 = tpu.vector_load %arg11[%swap3A_1004, %swap3A_1005] {strides = array<i32>} : memref<128x64xf32, #tpu.memory_space<vmem>>, vector<1x16xf32>,
        %swap3A_1007 = vector.shape_cast %swap3A_1006 : vector<1x16xf32> to vector<16xf32>
        %swap3A_1008 = vector.shape_cast %mul3A_1003 : vector<16xf32> to vector<1x16xf32>
        tpu.vector_store %arg11[%swap3A_1004, %swap3A_1005], %swap3A_1008 {strides = array<i32>} : memref<128x64xf32, #tpu.memory_space<vmem>>, vector<1x16xf32>,
        %get3A_1009 = arith.index_cast %add3A_995 : i32 to index
        %get3A_1010 = arith.constant 16 : index
        %get3A_1011 = tpu.vector_load %arg11[%get3A_1009, %get3A_1010] {strides = array<i32>} : memref<128x64xf32, #tpu.memory_space<vmem>>, vector<1x16xf32>,
        %get3A_1012 = vector.shape_cast %get3A_1011 : vector<1x16xf32> to vector<16xf32>
        %mul3A_1013 = vector.broadcast %squeeze3A_997 : f32 to vector<16xf32>
        %mul3A_1014 = arith.mulf %get3A_1012, %mul3A_1013 : vector<16xf32>
        %swap3A_1015 = arith.index_cast %add3A_995 : i32 to index
        %swap3A_1016 = arith.constant 16 : index
        %swap3A_1017 = tpu.vector_load %arg11[%swap3A_1015, %swap3A_1016] {strides = array<i32>} : memref<128x64xf32, #tpu.memory_space<vmem>>, vector<1x16xf32>,
        %swap3A_1018 = vector.shape_cast %swap3A_1017 : vector<1x16xf32> to vector<16xf32>
        %swap3A_1019 = vector.shape_cast %mul3A_1014 : vector<16xf32> to vector<1x16xf32>
        tpu.vector_store %arg11[%swap3A_1015, %swap3A_1016], %swap3A_1019 {strides = array<i32>} : memref<128x64xf32, #tpu.memory_space<vmem>>, vector<1x16xf32>,
        %get3A_1020 = arith.index_cast %add3A_995 : i32 to index
        %get3A_1021 = arith.constant 32 : index
        %get3A_1022 = tpu.vector_load %arg11[%get3A_1020, %get3A_1021] {strides = array<i32>} : memref<128x64xf32, #tpu.memory_space<vmem>>, vector<1x16xf32>,
        %get3A_1023 = vector.shape_cast %get3A_1022 : vector<1x16xf32> to vector<16xf32>
        %mul3A_1024 = vector.broadcast %squeeze3A_997 : f32 to vector<16xf32>
        %mul3A_1025 = arith.mulf %get3A_1023, %mul3A_1024 : vector<16xf32>
        %swap3A_1026 = arith.index_cast %add3A_995 : i32 to index
        %swap3A_1027 = arith.constant 32 : index
        %swap3A_1028 = tpu.vector_load %arg11[%swap3A_1026, %swap3A_1027] {strides = array<i32>} : memref<128x64xf32, #tpu.memory_space<vmem>>, vector<1x16xf32>,
        %swap3A_1029 = vector.shape_cast %swap3A_1028 : vector<1x16xf32> to vector<16xf32>
        %swap3A_1030 = vector.shape_cast %mul3A_1025 : vector<16xf32> to vector<1x16xf32>
        tpu.vector_store %arg11[%swap3A_1026, %swap3A_1027], %swap3A_1030 {strides = array<i32>} : memref<128x64xf32, #tpu.memory_space<vmem>>, vector<1x16xf32>,
        %get3A_1031 = arith.index_cast %add3A_995 : i32 to index
        %get3A_1032 = arith.constant 48 : index
        %get3A_1033 = tpu.vector_load %arg11[%get3A_1031, %get3A_1032] {strides = array<i32>} : memref<128x64xf32, #tpu.memory_space<vmem>>, vector<1x16xf32>,
        %get3A_1034 = vector.shape_cast %get3A_1033 : vector<1x16xf32> to vector<16xf32>
        %mul3A_1035 = vector.broadcast %squeeze3A_997 : f32 to vector<16xf32>
        %mul3A_1036 = arith.mulf %get3A_1034, %mul3A_1035 : vector<16xf32>
        %swap3A_1037 = arith.index_cast %add3A_995 : i32 to index
        %swap3A_1038 = arith.constant 48 : index
        %swap3A_1039 = tpu.vector_load %arg11[%swap3A_1037, %swap3A_1038] {strides = array<i32>} : memref<128x64xf32, #tpu.memory_space<vmem>>, vector<1x16xf32>,
        %swap3A_1040 = vector.shape_cast %swap3A_1039 : vector<1x16xf32> to vector<16xf32>
        %swap3A_1041 = vector.shape_cast %mul3A_1036 : vector<16xf32> to vector<1x16xf32>
        tpu.vector_store %arg11[%swap3A_1037, %swap3A_1038], %swap3A_1041 {strides = array<i32>} : memref<128x64xf32, #tpu.memory_space<vmem>>, vector<1x16xf32>,
        %scan3A_1042 = arith.constant 0 : i32
        scf.yield %scan3A_1042 : i32
      }
      %scan3A_235 = arith.constant 8 : i32
      "tpu.region"() ({
        %run_scoped3A = tpu.sem_alloc : memref<!tpu.dma_semaphore, #tpu.memory_space<semaphore_mem>>
        %dma_start3A_237 = arith.constant 0 : i32
        %dma_start3A_238 = arith.constant 0 : i32
        %dma_start3A_239 = tpu.memref_slice %arg13[%dma_start3A_237, %dma_start3A_238] : memref<25600x64xf32, #tpu.memory_space<vmem_shared>> -> memref<25600x64xf32, #tpu.memory_space<vmem_shared>>
        tpu.enqueue_indirect_dma source(%arg11 : memref<128x64xf32, #tpu.memory_space<vmem>>) target(%dma_start3A_239 : memref<25600x64xf32, #tpu.memory_space<vmem_shared>>) offsets(%arg10 : memref<128xi32, #tpu.memory_space<vmem>>) semaphore(%run_scoped3A : memref<!tpu.dma_semaphore, #tpu.memory_space<semaphore_mem>>) {add = true}
        %dma_wait3A_240 = arith.constant 0 : i32
        %dma_wait3A_241 = arith.constant 0 : i32
        %dma_wait3A_242 = tpu.memref_slice %arg13[%dma_wait3A_240, %dma_wait3A_241] : memref<25600x64xf32, #tpu.memory_space<vmem_shared>> -> memref<25600x64xf32, #tpu.memory_space<vmem_shared>>
        tpu.wait_indirect_dma semaphore(%run_scoped3A : memref<!tpu.dma_semaphore, #tpu.memory_space<semaphore_mem>>) src(%arg11 : memref<128x64xf32, #tpu.memory_space<vmem>>) dst(%dma_wait3A_242 : memref<25600x64xf32, #tpu.memory_space<vmem_shared>>)
        tpu.yield
      }) : () -> ()
      %scan3A_236 = arith.constant 0 : i32
      scf.yield %scan3A_236 : i32
    }
    %scan3A_22 = arith.constant 391 : i32
    %barrier3A_23 = arith.constant 0 : index
    tpu.barrier barrier_id(%barrier3A_23)
    %add3A = arith.constant 0 : i32
    %add3A_24 = arith.addi %arg1, %add3A : i32
    %lt3A = arith.constant 125 : i32
    %lt3A_25 = arith.cmpi slt, %add3A_24, %lt3A : i32
    %convert_element_type3A = arith.extui %lt3A_25 : i1 to i32
    %cond3A = arith.constant 0 : i32
    %cond3A_26 = arith.cmpi ne, %convert_element_type3A, %cond3A : i32
    scf.if %cond3A_26 {
      %mul3A_76 = arith.constant 200 : i32
      %mul3A_77 = arith.muli %add3A_24, %mul3A_76 : i32
      %multiple_of3A = tpu.assume_multiple %mul3A_77, 8 : i32
      %mul3A_78 = arith.constant 200 : i32
      %mul3A_79 = arith.muli %add3A_24, %mul3A_78 : i32
      %add3A_80 = arith.addi %mul3A_0, %mul3A_79 : i32
      %multiple_of3A_81 = tpu.assume_multiple %add3A_80, 8 : i32
      "tpu.region"() ({
        %run_scoped3A = tpu.sem_alloc : memref<!tpu.dma_semaphore, #tpu.memory_space<semaphore_mem>>
        %dma_start3A = arith.constant 0 : i32
        %dma_start3A_82 = tpu.memref_slice %arg6[%multiple_of3A_81, %dma_start3A] : memref<50000x64xf32, #tpu.memory_space<hbm>> -> memref<200x64xf32, #tpu.memory_space<hbm>>
        %dma_start3A_83 = arith.constant 0 : i32
        %dma_start3A_84 = tpu.memref_slice %arg13[%multiple_of3A, %dma_start3A_83] : memref<25600x64xf32, #tpu.memory_space<vmem_shared>> -> memref<200x64xf32, #tpu.memory_space<vmem_shared>>
        tpu.enqueue_dma source(%dma_start3A_84 : memref<200x64xf32, #tpu.memory_space<vmem_shared>>) target(%dma_start3A_82 : memref<200x64xf32, #tpu.memory_space<hbm>>) target_semaphore(%run_scoped3A : memref<!tpu.dma_semaphore, #tpu.memory_space<semaphore_mem>>)
        %dma_wait3A = arith.constant 0 : i32
        %dma_wait3A_85 = tpu.memref_slice %arg6[%multiple_of3A_81, %dma_wait3A] : memref<50000x64xf32, #tpu.memory_space<hbm>> -> memref<200x64xf32, #tpu.memory_space<hbm>>
        %dma_wait3A_86 = arith.constant 0 : i32
        %dma_wait3A_87 = tpu.memref_slice %arg13[%multiple_of3A, %dma_wait3A_86] : memref<25600x64xf32, #tpu.memory_space<vmem_shared>> -> memref<200x64xf32, #tpu.memory_space<vmem_shared>>
        tpu.wait_dma2 semaphore(%run_scoped3A : memref<!tpu.dma_semaphore, #tpu.memory_space<semaphore_mem>>) src(%dma_wait3A_87 : memref<200x64xf32, #tpu.memory_space<vmem_shared>>) dst(%dma_wait3A_85 : memref<200x64xf32, #tpu.memory_space<hbm>>)
        tpu.yield
      }) : () -> ()
    } else {
    }
    %add3A_27 = arith.constant 16 : i32
    %add3A_28 = arith.addi %arg1, %add3A_27 : i32
    %lt3A_29 = arith.constant 125 : i32
    %lt3A_30 = arith.cmpi slt, %add3A_28, %lt3A_29 : i32
    %convert_element_type3A_31 = arith.extui %lt3A_30 : i1 to i32
    %cond3A_32 = arith.constant 0 : i32
    %cond3A_33 = arith.cmpi ne, %convert_element_type3A_31, %cond3A_32 : i32
    scf.if %cond3A_33 {
      %mul3A_76 = arith.constant 200 : i32
      %mul3A_77 = arith.muli %add3A_28, %mul3A_76 : i32
      %multiple_of3A = tpu.assume_multiple %mul3A_77, 8 : i32
      %mul3A_78 = arith.constant 200 : i32
      %mul3A_79 = arith.muli %add3A_28, %mul3A_78 : i32
      %add3A_80 = arith.addi %mul3A_0, %mul3A_79 : i32
      %multiple_of3A_81 = tpu.assume_multiple %add3A_80, 8 : i32
      "tpu.region"() ({
        %run_scoped3A = tpu.sem_alloc : memref<!tpu.dma_semaphore, #tpu.memory_space<semaphore_mem>>
        %dma_start3A = arith.constant 0 : i32
        %dma_start3A_82 = tpu.memref_slice %arg6[%multiple_of3A_81, %dma_start3A] : memref<50000x64xf32, #tpu.memory_space<hbm>> -> memref<200x64xf32, #tpu.memory_space<hbm>>
        %dma_start3A_83 = arith.constant 0 : i32
        %dma_start3A_84 = tpu.memref_slice %arg13[%multiple_of3A, %dma_start3A_83] : memref<25600x64xf32, #tpu.memory_space<vmem_shared>> -> memref<200x64xf32, #tpu.memory_space<vmem_shared>>
        tpu.enqueue_dma source(%dma_start3A_84 : memref<200x64xf32, #tpu.memory_space<vmem_shared>>) target(%dma_start3A_82 : memref<200x64xf32, #tpu.memory_space<hbm>>) target_semaphore(%run_scoped3A : memref<!tpu.dma_semaphore, #tpu.memory_space<semaphore_mem>>)
        %dma_wait3A = arith.constant 0 : i32
        %dma_wait3A_85 = tpu.memref_slice %arg6[%multiple_of3A_81, %dma_wait3A] : memref<50000x64xf32, #tpu.memory_space<hbm>> -> memref<200x64xf32, #tpu.memory_space<hbm>>
        %dma_wait3A_86 = arith.constant 0 : i32
        %dma_wait3A_87 = tpu.memref_slice %arg13[%multiple_of3A, %dma_wait3A_86] : memref<25600x64xf32, #tpu.memory_space<vmem_shared>> -> memref<200x64xf32, #tpu.memory_space<vmem_shared>>
        tpu.wait_dma2 semaphore(%run_scoped3A : memref<!tpu.dma_semaphore, #tpu.memory_space<semaphore_mem>>) src(%dma_wait3A_87 : memref<200x64xf32, #tpu.memory_space<vmem_shared>>) dst(%dma_wait3A_85 : memref<200x64xf32, #tpu.memory_space<hbm>>)
        tpu.yield
      }) : () -> ()
    } else {
    }
    %add3A_34 = arith.constant 32 : i32
    %add3A_35 = arith.addi %arg1, %add3A_34 : i32
    %lt3A_36 = arith.constant 125 : i32
    %lt3A_37 = arith.cmpi slt, %add3A_35, %lt3A_36 : i32
    %convert_element_type3A_38 = arith.extui %lt3A_37 : i1 to i32
    %cond3A_39 = arith.constant 0 : i32
    %cond3A_40 = arith.cmpi ne, %convert_element_type3A_38, %cond3A_39 : i32
    scf.if %cond3A_40 {
      %mul3A_76 = arith.constant 200 : i32
      %mul3A_77 = arith.muli %add3A_35, %mul3A_76 : i32
      %multiple_of3A = tpu.assume_multiple %mul3A_77, 8 : i32
      %mul3A_78 = arith.constant 200 : i32
      %mul3A_79 = arith.muli %add3A_35, %mul3A_78 : i32
      %add3A_80 = arith.addi %mul3A_0, %mul3A_79 : i32
      %multiple_of3A_81 = tpu.assume_multiple %add3A_80, 8 : i32
      "tpu.region"() ({
        %run_scoped3A = tpu.sem_alloc : memref<!tpu.dma_semaphore, #tpu.memory_space<semaphore_mem>>
        %dma_start3A = arith.constant 0 : i32
        %dma_start3A_82 = tpu.memref_slice %arg6[%multiple_of3A_81, %dma_start3A] : memref<50000x64xf32, #tpu.memory_space<hbm>> -> memref<200x64xf32, #tpu.memory_space<hbm>>
        %dma_start3A_83 = arith.constant 0 : i32
        %dma_start3A_84 = tpu.memref_slice %arg13[%multiple_of3A, %dma_start3A_83] : memref<25600x64xf32, #tpu.memory_space<vmem_shared>> -> memref<200x64xf32, #tpu.memory_space<vmem_shared>>
        tpu.enqueue_dma source(%dma_start3A_84 : memref<200x64xf32, #tpu.memory_space<vmem_shared>>) target(%dma_start3A_82 : memref<200x64xf32, #tpu.memory_space<hbm>>) target_semaphore(%run_scoped3A : memref<!tpu.dma_semaphore, #tpu.memory_space<semaphore_mem>>)
        %dma_wait3A = arith.constant 0 : i32
        %dma_wait3A_85 = tpu.memref_slice %arg6[%multiple_of3A_81, %dma_wait3A] : memref<50000x64xf32, #tpu.memory_space<hbm>> -> memref<200x64xf32, #tpu.memory_space<hbm>>
        %dma_wait3A_86 = arith.constant 0 : i32
        %dma_wait3A_87 = tpu.memref_slice %arg13[%multiple_of3A, %dma_wait3A_86] : memref<25600x64xf32, #tpu.memory_space<vmem_shared>> -> memref<200x64xf32, #tpu.memory_space<vmem_shared>>
        tpu.wait_dma2 semaphore(%run_scoped3A : memref<!tpu.dma_semaphore, #tpu.memory_space<semaphore_mem>>) src(%dma_wait3A_87 : memref<200x64xf32, #tpu.memory_space<vmem_shared>>) dst(%dma_wait3A_85 : memref<200x64xf32, #tpu.memory_space<hbm>>)
        tpu.yield
      }) : () -> ()
    } else {
    }
    %add3A_41 = arith.constant 48 : i32
    %add3A_42 = arith.addi %arg1, %add3A_41 : i32
    %lt3A_43 = arith.constant 125 : i32
    %lt3A_44 = arith.cmpi slt, %add3A_42, %lt3A_43 : i32
    %convert_element_type3A_45 = arith.extui %lt3A_44 : i1 to i32
    %cond3A_46 = arith.constant 0 : i32
    %cond3A_47 = arith.cmpi ne, %convert_element_type3A_45, %cond3A_46 : i32
    scf.if %cond3A_47 {
      %mul3A_76 = arith.constant 200 : i32
      %mul3A_77 = arith.muli %add3A_42, %mul3A_76 : i32
      %multiple_of3A = tpu.assume_multiple %mul3A_77, 8 : i32
      %mul3A_78 = arith.constant 200 : i32
      %mul3A_79 = arith.muli %add3A_42, %mul3A_78 : i32
      %add3A_80 = arith.addi %mul3A_0, %mul3A_79 : i32
      %multiple_of3A_81 = tpu.assume_multiple %add3A_80, 8 : i32
      "tpu.region"() ({
        %run_scoped3A = tpu.sem_alloc : memref<!tpu.dma_semaphore, #tpu.memory_space<semaphore_mem>>
        %dma_start3A = arith.constant 0 : i32
        %dma_start3A_82 = tpu.memref_slice %arg6[%multiple_of3A_81, %dma_start3A] : memref<50000x64xf32, #tpu.memory_space<hbm>> -> memref<200x64xf32, #tpu.memory_space<hbm>>
        %dma_start3A_83 = arith.constant 0 : i32
        %dma_start3A_84 = tpu.memref_slice %arg13[%multiple_of3A, %dma_start3A_83] : memref<25600x64xf32, #tpu.memory_space<vmem_shared>> -> memref<200x64xf32, #tpu.memory_space<vmem_shared>>
        tpu.enqueue_dma source(%dma_start3A_84 : memref<200x64xf32, #tpu.memory_space<vmem_shared>>) target(%dma_start3A_82 : memref<200x64xf32, #tpu.memory_space<hbm>>) target_semaphore(%run_scoped3A : memref<!tpu.dma_semaphore, #tpu.memory_space<semaphore_mem>>)
        %dma_wait3A = arith.constant 0 : i32
        %dma_wait3A_85 = tpu.memref_slice %arg6[%multiple_of3A_81, %dma_wait3A] : memref<50000x64xf32, #tpu.memory_space<hbm>> -> memref<200x64xf32, #tpu.memory_space<hbm>>
        %dma_wait3A_86 = arith.constant 0 : i32
        %dma_wait3A_87 = tpu.memref_slice %arg13[%multiple_of3A, %dma_wait3A_86] : memref<25600x64xf32, #tpu.memory_space<vmem_shared>> -> memref<200x64xf32, #tpu.memory_space<vmem_shared>>
        tpu.wait_dma2 semaphore(%run_scoped3A : memref<!tpu.dma_semaphore, #tpu.memory_space<semaphore_mem>>) src(%dma_wait3A_87 : memref<200x64xf32, #tpu.memory_space<vmem_shared>>) dst(%dma_wait3A_85 : memref<200x64xf32, #tpu.memory_space<hbm>>)
        tpu.yield
      }) : () -> ()
    } else {
    }
    %add3A_48 = arith.constant 64 : i32
    %add3A_49 = arith.addi %arg1, %add3A_48 : i32
    %lt3A_50 = arith.constant 125 : i32
    %lt3A_51 = arith.cmpi slt, %add3A_49, %lt3A_50 : i32
    %convert_element_type3A_52 = arith.extui %lt3A_51 : i1 to i32
    %cond3A_53 = arith.constant 0 : i32
    %cond3A_54 = arith.cmpi ne, %convert_element_type3A_52, %cond3A_53 : i32
    scf.if %cond3A_54 {
      %mul3A_76 = arith.constant 200 : i32
      %mul3A_77 = arith.muli %add3A_49, %mul3A_76 : i32
      %multiple_of3A = tpu.assume_multiple %mul3A_77, 8 : i32
      %mul3A_78 = arith.constant 200 : i32
      %mul3A_79 = arith.muli %add3A_49, %mul3A_78 : i32
      %add3A_80 = arith.addi %mul3A_0, %mul3A_79 : i32
      %multiple_of3A_81 = tpu.assume_multiple %add3A_80, 8 : i32
      "tpu.region"() ({
        %run_scoped3A = tpu.sem_alloc : memref<!tpu.dma_semaphore, #tpu.memory_space<semaphore_mem>>
        %dma_start3A = arith.constant 0 : i32
        %dma_start3A_82 = tpu.memref_slice %arg6[%multiple_of3A_81, %dma_start3A] : memref<50000x64xf32, #tpu.memory_space<hbm>> -> memref<200x64xf32, #tpu.memory_space<hbm>>
        %dma_start3A_83 = arith.constant 0 : i32
        %dma_start3A_84 = tpu.memref_slice %arg13[%multiple_of3A, %dma_start3A_83] : memref<25600x64xf32, #tpu.memory_space<vmem_shared>> -> memref<200x64xf32, #tpu.memory_space<vmem_shared>>
        tpu.enqueue_dma source(%dma_start3A_84 : memref<200x64xf32, #tpu.memory_space<vmem_shared>>) target(%dma_start3A_82 : memref<200x64xf32, #tpu.memory_space<hbm>>) target_semaphore(%run_scoped3A : memref<!tpu.dma_semaphore, #tpu.memory_space<semaphore_mem>>)
        %dma_wait3A = arith.constant 0 : i32
        %dma_wait3A_85 = tpu.memref_slice %arg6[%multiple_of3A_81, %dma_wait3A] : memref<50000x64xf32, #tpu.memory_space<hbm>> -> memref<200x64xf32, #tpu.memory_space<hbm>>
        %dma_wait3A_86 = arith.constant 0 : i32
        %dma_wait3A_87 = tpu.memref_slice %arg13[%multiple_of3A, %dma_wait3A_86] : memref<25600x64xf32, #tpu.memory_space<vmem_shared>> -> memref<200x64xf32, #tpu.memory_space<vmem_shared>>
        tpu.wait_dma2 semaphore(%run_scoped3A : memref<!tpu.dma_semaphore, #tpu.memory_space<semaphore_mem>>) src(%dma_wait3A_87 : memref<200x64xf32, #tpu.memory_space<vmem_shared>>) dst(%dma_wait3A_85 : memref<200x64xf32, #tpu.memory_space<hbm>>)
        tpu.yield
      }) : () -> ()
    } else {
    }
    %add3A_55 = arith.constant 80 : i32
    %add3A_56 = arith.addi %arg1, %add3A_55 : i32
    %lt3A_57 = arith.constant 125 : i32
    %lt3A_58 = arith.cmpi slt, %add3A_56, %lt3A_57 : i32
    %convert_element_type3A_59 = arith.extui %lt3A_58 : i1 to i32
    %cond3A_60 = arith.constant 0 : i32
    %cond3A_61 = arith.cmpi ne, %convert_element_type3A_59, %cond3A_60 : i32
    scf.if %cond3A_61 {
      %mul3A_76 = arith.constant 200 : i32
      %mul3A_77 = arith.muli %add3A_56, %mul3A_76 : i32
      %multiple_of3A = tpu.assume_multiple %mul3A_77, 8 : i32
      %mul3A_78 = arith.constant 200 : i32
      %mul3A_79 = arith.muli %add3A_56, %mul3A_78 : i32
      %add3A_80 = arith.addi %mul3A_0, %mul3A_79 : i32
      %multiple_of3A_81 = tpu.assume_multiple %add3A_80, 8 : i32
      "tpu.region"() ({
        %run_scoped3A = tpu.sem_alloc : memref<!tpu.dma_semaphore, #tpu.memory_space<semaphore_mem>>
        %dma_start3A = arith.constant 0 : i32
        %dma_start3A_82 = tpu.memref_slice %arg6[%multiple_of3A_81, %dma_start3A] : memref<50000x64xf32, #tpu.memory_space<hbm>> -> memref<200x64xf32, #tpu.memory_space<hbm>>
        %dma_start3A_83 = arith.constant 0 : i32
        %dma_start3A_84 = tpu.memref_slice %arg13[%multiple_of3A, %dma_start3A_83] : memref<25600x64xf32, #tpu.memory_space<vmem_shared>> -> memref<200x64xf32, #tpu.memory_space<vmem_shared>>
        tpu.enqueue_dma source(%dma_start3A_84 : memref<200x64xf32, #tpu.memory_space<vmem_shared>>) target(%dma_start3A_82 : memref<200x64xf32, #tpu.memory_space<hbm>>) target_semaphore(%run_scoped3A : memref<!tpu.dma_semaphore, #tpu.memory_space<semaphore_mem>>)
        %dma_wait3A = arith.constant 0 : i32
        %dma_wait3A_85 = tpu.memref_slice %arg6[%multiple_of3A_81, %dma_wait3A] : memref<50000x64xf32, #tpu.memory_space<hbm>> -> memref<200x64xf32, #tpu.memory_space<hbm>>
        %dma_wait3A_86 = arith.constant 0 : i32
        %dma_wait3A_87 = tpu.memref_slice %arg13[%multiple_of3A, %dma_wait3A_86] : memref<25600x64xf32, #tpu.memory_space<vmem_shared>> -> memref<200x64xf32, #tpu.memory_space<vmem_shared>>
        tpu.wait_dma2 semaphore(%run_scoped3A : memref<!tpu.dma_semaphore, #tpu.memory_space<semaphore_mem>>) src(%dma_wait3A_87 : memref<200x64xf32, #tpu.memory_space<vmem_shared>>) dst(%dma_wait3A_85 : memref<200x64xf32, #tpu.memory_space<hbm>>)
        tpu.yield
      }) : () -> ()
    } else {
    }
    %add3A_62 = arith.constant 96 : i32
    %add3A_63 = arith.addi %arg1, %add3A_62 : i32
    %lt3A_64 = arith.constant 125 : i32
    %lt3A_65 = arith.cmpi slt, %add3A_63, %lt3A_64 : i32
    %convert_element_type3A_66 = arith.extui %lt3A_65 : i1 to i32
    %cond3A_67 = arith.constant 0 : i32
    %cond3A_68 = arith.cmpi ne, %convert_element_type3A_66, %cond3A_67 : i32
    scf.if %cond3A_68 {
      %mul3A_76 = arith.constant 200 : i32
      %mul3A_77 = arith.muli %add3A_63, %mul3A_76 : i32
      %multiple_of3A = tpu.assume_multiple %mul3A_77, 8 : i32
      %mul3A_78 = arith.constant 200 : i32
      %mul3A_79 = arith.muli %add3A_63, %mul3A_78 : i32
      %add3A_80 = arith.addi %mul3A_0, %mul3A_79 : i32
      %multiple_of3A_81 = tpu.assume_multiple %add3A_80, 8 : i32
      "tpu.region"() ({
        %run_scoped3A = tpu.sem_alloc : memref<!tpu.dma_semaphore, #tpu.memory_space<semaphore_mem>>
        %dma_start3A = arith.constant 0 : i32
        %dma_start3A_82 = tpu.memref_slice %arg6[%multiple_of3A_81, %dma_start3A] : memref<50000x64xf32, #tpu.memory_space<hbm>> -> memref<200x64xf32, #tpu.memory_space<hbm>>
        %dma_start3A_83 = arith.constant 0 : i32
        %dma_start3A_84 = tpu.memref_slice %arg13[%multiple_of3A, %dma_start3A_83] : memref<25600x64xf32, #tpu.memory_space<vmem_shared>> -> memref<200x64xf32, #tpu.memory_space<vmem_shared>>
        tpu.enqueue_dma source(%dma_start3A_84 : memref<200x64xf32, #tpu.memory_space<vmem_shared>>) target(%dma_start3A_82 : memref<200x64xf32, #tpu.memory_space<hbm>>) target_semaphore(%run_scoped3A : memref<!tpu.dma_semaphore, #tpu.memory_space<semaphore_mem>>)
        %dma_wait3A = arith.constant 0 : i32
        %dma_wait3A_85 = tpu.memref_slice %arg6[%multiple_of3A_81, %dma_wait3A] : memref<50000x64xf32, #tpu.memory_space<hbm>> -> memref<200x64xf32, #tpu.memory_space<hbm>>
        %dma_wait3A_86 = arith.constant 0 : i32
        %dma_wait3A_87 = tpu.memref_slice %arg13[%multiple_of3A, %dma_wait3A_86] : memref<25600x64xf32, #tpu.memory_space<vmem_shared>> -> memref<200x64xf32, #tpu.memory_space<vmem_shared>>
        tpu.wait_dma2 semaphore(%run_scoped3A : memref<!tpu.dma_semaphore, #tpu.memory_space<semaphore_mem>>) src(%dma_wait3A_87 : memref<200x64xf32, #tpu.memory_space<vmem_shared>>) dst(%dma_wait3A_85 : memref<200x64xf32, #tpu.memory_space<hbm>>)
        tpu.yield
      }) : () -> ()
    } else {
    }
    %add3A_69 = arith.constant 112 : i32
    %add3A_70 = arith.addi %arg1, %add3A_69 : i32
    %lt3A_71 = arith.constant 125 : i32
    %lt3A_72 = arith.cmpi slt, %add3A_70, %lt3A_71 : i32
    %convert_element_type3A_73 = arith.extui %lt3A_72 : i1 to i32
    %cond3A_74 = arith.constant 0 : i32
    %cond3A_75 = arith.cmpi ne, %convert_element_type3A_73, %cond3A_74 : i32
    scf.if %cond3A_75 {
      %mul3A_76 = arith.constant 200 : i32
      %mul3A_77 = arith.muli %add3A_70, %mul3A_76 : i32
      %multiple_of3A = tpu.assume_multiple %mul3A_77, 8 : i32
      %mul3A_78 = arith.constant 200 : i32
      %mul3A_79 = arith.muli %add3A_70, %mul3A_78 : i32
      %add3A_80 = arith.addi %mul3A_0, %mul3A_79 : i32
      %multiple_of3A_81 = tpu.assume_multiple %add3A_80, 8 : i32
      "tpu.region"() ({
        %run_scoped3A = tpu.sem_alloc : memref<!tpu.dma_semaphore, #tpu.memory_space<semaphore_mem>>
        %dma_start3A = arith.constant 0 : i32
        %dma_start3A_82 = tpu.memref_slice %arg6[%multiple_of3A_81, %dma_start3A] : memref<50000x64xf32, #tpu.memory_space<hbm>> -> memref<200x64xf32, #tpu.memory_space<hbm>>
        %dma_start3A_83 = arith.constant 0 : i32
        %dma_start3A_84 = tpu.memref_slice %arg13[%multiple_of3A, %dma_start3A_83] : memref<25600x64xf32, #tpu.memory_space<vmem_shared>> -> memref<200x64xf32, #tpu.memory_space<vmem_shared>>
        tpu.enqueue_dma source(%dma_start3A_84 : memref<200x64xf32, #tpu.memory_space<vmem_shared>>) target(%dma_start3A_82 : memref<200x64xf32, #tpu.memory_space<hbm>>) target_semaphore(%run_scoped3A : memref<!tpu.dma_semaphore, #tpu.memory_space<semaphore_mem>>)
        %dma_wait3A = arith.constant 0 : i32
        %dma_wait3A_85 = tpu.memref_slice %arg6[%multiple_of3A_81, %dma_wait3A] : memref<50000x64xf32, #tpu.memory_space<hbm>> -> memref<200x64xf32, #tpu.memory_space<hbm>>
        %dma_wait3A_86 = arith.constant 0 : i32
        %dma_wait3A_87 = tpu.memref_slice %arg13[%multiple_of3A, %dma_wait3A_86] : memref<25600x64xf32, #tpu.memory_space<vmem_shared>> -> memref<200x64xf32, #tpu.memory_space<vmem_shared>>
        tpu.wait_dma2 semaphore(%run_scoped3A : memref<!tpu.dma_semaphore, #tpu.memory_space<semaphore_mem>>) src(%dma_wait3A_87 : memref<200x64xf32, #tpu.memory_space<vmem_shared>>) dst(%dma_wait3A_85 : memref<200x64xf32, #tpu.memory_space<hbm>>)
        tpu.yield
      }) : () -> ()
    } else {
    }
    return
  }
}

#map = affine_map<(d0, d1) -> (0)>
#map1 = affine_map<(d0, d1) -> (0, 0)>
module attributes {stable_mosaic.version = 14 : i64} {
  func.func @_spmm_body(%arg0: i32, %arg1: i32, %arg2: memref<800768xi32, #tpu.memory_space<hbm>>, %arg3: memref<800768xi32, #tpu.memory_space<hbm>>, %arg4: memref<800768xf32, #tpu.memory_space<hbm>>, %arg5: memref<50000x64xf32, #tpu.memory_space<hbm>>, %arg6: memref<50000x64xf32, #tpu.memory_space<hbm>>, %arg7: memref<128xi32, #tpu.memory_space<vmem>>, %arg8: memref<128xi32, #tpu.memory_space<vmem>>, %arg9: memref<128xf32, #tpu.memory_space<vmem>>, %arg10: memref<128xi32, #tpu.memory_space<vmem>>, %arg11: memref<128x64xf32, #tpu.memory_space<vmem>>, %arg12: memref<200x64xf32, #tpu.memory_space<vmem>>, %arg13: memref<25600x64xf32, #tpu.memory_space<vmem_shared>>, %arg14: memref<!tpu.dma_semaphore, #tpu.memory_space<semaphore_mem>>) attributes {dimension_semantics = [#tpu.dimension_semantics<core_parallel>, #tpu.dimension_semantics<subcore_parallel>], iteration_bounds = array<i64: 2, 16>, scalar_prefetch = 0 : i64, scratch_operands = 8 : i64, tpu.core_type = #tpu.core_type<sc_vector_subcore>, window_params = [{transform_indices = #map}, {transform_indices = #map}, {transform_indices = #map}, {transform_indices = #map1}, {transform_indices = #map1}]} {
    %mul3A = arith.constant 25000 : i32
    %mul3A_0 = arith.muli %arg0, %mul3A : i32
    %scan3A = arith.constant 0 : i32
    %scan3A_1 = arith.constant 0 : i32
    %scan3A_2 = arith.constant 200 : i32
    %scan3A_3 = arith.addi %scan3A_1, %scan3A_2 : i32
    %scan3A_4 = arith.constant 1 : i32
    %scan3A_5 = scf.for %scan3A_76 = %scan3A_1 to %scan3A_3 step %scan3A_4 iter_args(%scan3A_77 = %scan3A) -> (i32)  : i32 {
      %broadcast_in_dim3A = arith.constant 0.000000e+00 : f32
      %broadcast_in_dim3A_78 = vector.broadcast %broadcast_in_dim3A : f32 to vector<16xf32>
      %swap3A = arith.index_cast %scan3A_76 : i32 to index
      %swap3A_79 = arith.constant 0 : index
      %swap3A_80 = tpu.vector_load %arg12[%swap3A, %swap3A_79] {strides = array<i32>} : memref<200x64xf32, #tpu.memory_space<vmem>>, vector<1x16xf32>,
      %swap3A_81 = vector.shape_cast %swap3A_80 : vector<1x16xf32> to vector<16xf32>
      %swap3A_82 = vector.shape_cast %broadcast_in_dim3A_78 : vector<16xf32> to vector<1x16xf32>
      tpu.vector_store %arg12[%swap3A, %swap3A_79], %swap3A_82 {strides = array<i32>} : memref<200x64xf32, #tpu.memory_space<vmem>>, vector<1x16xf32>,
      %broadcast_in_dim3A_83 = arith.constant 0.000000e+00 : f32
      %broadcast_in_dim3A_84 = vector.broadcast %broadcast_in_dim3A_83 : f32 to vector<16xf32>
      %swap3A_85 = arith.index_cast %scan3A_76 : i32 to index
      %swap3A_86 = arith.constant 16 : index
      %swap3A_87 = tpu.vector_load %arg12[%swap3A_85, %swap3A_86] {strides = array<i32>} : memref<200x64xf32, #tpu.memory_space<vmem>>, vector<1x16xf32>,
      %swap3A_88 = vector.shape_cast %swap3A_87 : vector<1x16xf32> to vector<16xf32>
      %swap3A_89 = vector.shape_cast %broadcast_in_dim3A_84 : vector<16xf32> to vector<1x16xf32>
      tpu.vector_store %arg12[%swap3A_85, %swap3A_86], %swap3A_89 {strides = array<i32>} : memref<200x64xf32, #tpu.memory_space<vmem>>, vector<1x16xf32>,
      %broadcast_in_dim3A_90 = arith.constant 0.000000e+00 : f32
      %broadcast_in_dim3A_91 = vector.broadcast %broadcast_in_dim3A_90 : f32 to vector<16xf32>
      %swap3A_92 = arith.index_cast %scan3A_76 : i32 to index
      %swap3A_93 = arith.constant 32 : index
      %swap3A_94 = tpu.vector_load %arg12[%swap3A_92, %swap3A_93] {strides = array<i32>} : memref<200x64xf32, #tpu.memory_space<vmem>>, vector<1x16xf32>,
      %swap3A_95 = vector.shape_cast %swap3A_94 : vector<1x16xf32> to vector<16xf32>
      %swap3A_96 = vector.shape_cast %broadcast_in_dim3A_91 : vector<16xf32> to vector<1x16xf32>
      tpu.vector_store %arg12[%swap3A_92, %swap3A_93], %swap3A_96 {strides = array<i32>} : memref<200x64xf32, #tpu.memory_space<vmem>>, vector<1x16xf32>,
      %broadcast_in_dim3A_97 = arith.constant 0.000000e+00 : f32
      %broadcast_in_dim3A_98 = vector.broadcast %broadcast_in_dim3A_97 : f32 to vector<16xf32>
      %swap3A_99 = arith.index_cast %scan3A_76 : i32 to index
      %swap3A_100 = arith.constant 48 : index
      %swap3A_101 = tpu.vector_load %arg12[%swap3A_99, %swap3A_100] {strides = array<i32>} : memref<200x64xf32, #tpu.memory_space<vmem>>, vector<1x16xf32>,
      %swap3A_102 = vector.shape_cast %swap3A_101 : vector<1x16xf32> to vector<16xf32>
      %swap3A_103 = vector.shape_cast %broadcast_in_dim3A_98 : vector<16xf32> to vector<1x16xf32>
      tpu.vector_store %arg12[%swap3A_99, %swap3A_100], %swap3A_103 {strides = array<i32>} : memref<200x64xf32, #tpu.memory_space<vmem>>, vector<1x16xf32>,
      %scan3A_104 = arith.constant 0 : i32
      scf.yield %scan3A_104 : i32
    }
    %scan3A_6 = arith.constant 200 : i32
    %scan3A_7 = arith.constant 0 : i32
    %scan3A_8 = arith.constant 0 : i32
    %scan3A_9 = arith.constant 8 : i32
    %scan3A_10 = arith.addi %scan3A_8, %scan3A_9 : i32
    %scan3A_11 = arith.constant 1 : i32
    %scan3A_12 = scf.for %scan3A_76 = %scan3A_8 to %scan3A_10 step %scan3A_11 iter_args(%scan3A_77 = %scan3A_7) -> (i32)  : i32 {
      %mul3A_78 = arith.constant 1600 : i32
      %mul3A_79 = arith.muli %arg1, %mul3A_78 : i32
      %mul3A_80 = arith.constant 200 : i32
      %mul3A_81 = arith.muli %scan3A_76, %mul3A_80 : i32
      %add3A_82 = arith.addi %mul3A_79, %mul3A_81 : i32
      %multiple_of3A = tpu.assume_multiple %add3A_82, 8 : i32
      "tpu.region"() ({
        %run_scoped3A = tpu.sem_alloc : memref<!tpu.dma_semaphore, #tpu.memory_space<semaphore_mem>>
        %dma_start3A = arith.constant 0 : i32
        %dma_start3A_84 = tpu.memref_slice %arg13[%multiple_of3A, %dma_start3A] : memref<25600x64xf32, #tpu.memory_space<vmem_shared>> -> memref<200x64xf32, #tpu.memory_space<vmem_shared>>
        %dma_start3A_85 = arith.constant 0 : i32
        %dma_start3A_86 = tpu.memref_slice %arg13[%multiple_of3A, %dma_start3A_85] : memref<25600x64xf32, #tpu.memory_space<vmem_shared>> -> memref<200x64xf32, #tpu.memory_space<vmem_shared>>
        tpu.enqueue_dma source(%arg12 : memref<200x64xf32, #tpu.memory_space<vmem>>) target(%dma_start3A_86 : memref<200x64xf32, #tpu.memory_space<vmem_shared>>) target_semaphore(%run_scoped3A : memref<!tpu.dma_semaphore, #tpu.memory_space<semaphore_mem>>)
        %dma_wait3A = arith.constant 0 : i32
        %dma_wait3A_87 = tpu.memref_slice %arg13[%multiple_of3A, %dma_wait3A] : memref<25600x64xf32, #tpu.memory_space<vmem_shared>> -> memref<200x64xf32, #tpu.memory_space<vmem_shared>>
        %dma_wait3A_88 = arith.constant 0 : i32
        %dma_wait3A_89 = tpu.memref_slice %arg13[%multiple_of3A, %dma_wait3A_88] : memref<25600x64xf32, #tpu.memory_space<vmem_shared>> -> memref<200x64xf32, #tpu.memory_space<vmem_shared>>
        tpu.wait_dma2 semaphore(%run_scoped3A : memref<!tpu.dma_semaphore, #tpu.memory_space<semaphore_mem>>) src(%arg12 : memref<200x64xf32, #tpu.memory_space<vmem>>) dst(%dma_wait3A_89 : memref<200x64xf32, #tpu.memory_space<vmem_shared>>)
        tpu.yield
      }) : () -> ()
      %scan3A_83 = arith.constant 0 : i32
      scf.yield %scan3A_83 : i32
    }
    %scan3A_13 = arith.constant 8 : i32
    %barrier3A = arith.constant 0 : index
    tpu.barrier barrier_id(%barrier3A)
    %mul3A_14 = arith.constant 50048 : i32
    %mul3A_15 = arith.muli %arg1, %mul3A_14 : i32
    %scan3A_16 = arith.constant 0 : i32
    %scan3A_17 = arith.constant 0 : i32
    %scan3A_18 = arith.constant 391 : i32
    %scan3A_19 = arith.addi %scan3A_17, %scan3A_18 : i32
    %scan3A_20 = arith.constant 1 : i32
    %scan3A_21 = scf.for %scan3A_76 = %scan3A_17 to %scan3A_19 step %scan3A_20 iter_args(%scan3A_77 = %scan3A_16) -> (i32)  : i32 {
      %mul3A_78 = arith.constant 128 : i32
      %mul3A_79 = arith.muli %scan3A_76, %mul3A_78 : i32
      %add3A_80 = arith.addi %mul3A_15, %mul3A_79 : i32
      %multiple_of3A = tpu.assume_multiple %add3A_80, 8 : i32
      "tpu.region"() ({
        %run_scoped3A = tpu.sem_alloc : memref<!tpu.dma_semaphore, #tpu.memory_space<semaphore_mem>>
        %dma_start3A_237 = tpu.memref_slice %arg3[%multiple_of3A] : memref<800768xi32, #tpu.memory_space<hbm>> -> memref<128xi32, #tpu.memory_space<hbm>>
        %dma_start3A_238 = tpu.memref_slice %arg3[%multiple_of3A] : memref<800768xi32, #tpu.memory_space<hbm>> -> memref<128xi32, #tpu.memory_space<hbm>>
        tpu.enqueue_dma source(%dma_start3A_238 : memref<128xi32, #tpu.memory_space<hbm>>) target(%arg8 : memref<128xi32, #tpu.memory_space<vmem>>) target_semaphore(%run_scoped3A : memref<!tpu.dma_semaphore, #tpu.memory_space<semaphore_mem>>)
        %dma_wait3A_239 = tpu.memref_slice %arg3[%multiple_of3A] : memref<800768xi32, #tpu.memory_space<hbm>> -> memref<128xi32, #tpu.memory_space<hbm>>
        %dma_wait3A_240 = tpu.memref_slice %arg3[%multiple_of3A] : memref<800768xi32, #tpu.memory_space<hbm>> -> memref<128xi32, #tpu.memory_space<hbm>>
        tpu.wait_dma2 semaphore(%run_scoped3A : memref<!tpu.dma_semaphore, #tpu.memory_space<semaphore_mem>>) src(%dma_wait3A_240 : memref<128xi32, #tpu.memory_space<hbm>>) dst(%arg8 : memref<128xi32, #tpu.memory_space<vmem>>)
        tpu.yield
      }) : () -> ()
      %dma_start3A = arith.constant 0 : i32
      %dma_start3A_81 = arith.constant 0 : i32
      %dma_start3A_82 = tpu.memref_slice %arg5[%dma_start3A, %dma_start3A_81] : memref<50000x64xf32, #tpu.memory_space<hbm>> -> memref<50000x64xf32, #tpu.memory_space<hbm>>
      tpu.enqueue_indirect_dma source(%dma_start3A_82 : memref<50000x64xf32, #tpu.memory_space<hbm>>) target(%arg11 : memref<128x64xf32, #tpu.memory_space<vmem>>) offsets(%arg8 : memref<128xi32, #tpu.memory_space<vmem>>) semaphore(%arg14 : memref<!tpu.dma_semaphore, #tpu.memory_space<semaphore_mem>>)
      "tpu.region"() ({
        %run_scoped3A = tpu.sem_alloc : memref<!tpu.dma_semaphore, #tpu.memory_space<semaphore_mem>>
        %dma_start3A_237 = tpu.memref_slice %arg2[%multiple_of3A] : memref<800768xi32, #tpu.memory_space<hbm>> -> memref<128xi32, #tpu.memory_space<hbm>>
        %dma_start3A_238 = tpu.memref_slice %arg2[%multiple_of3A] : memref<800768xi32, #tpu.memory_space<hbm>> -> memref<128xi32, #tpu.memory_space<hbm>>
        tpu.enqueue_dma source(%dma_start3A_238 : memref<128xi32, #tpu.memory_space<hbm>>) target(%arg7 : memref<128xi32, #tpu.memory_space<vmem>>) target_semaphore(%run_scoped3A : memref<!tpu.dma_semaphore, #tpu.memory_space<semaphore_mem>>)
        %dma_wait3A_239 = tpu.memref_slice %arg2[%multiple_of3A] : memref<800768xi32, #tpu.memory_space<hbm>> -> memref<128xi32, #tpu.memory_space<hbm>>
        %dma_wait3A_240 = tpu.memref_slice %arg2[%multiple_of3A] : memref<800768xi32, #tpu.memory_space<hbm>> -> memref<128xi32, #tpu.memory_space<hbm>>
        tpu.wait_dma2 semaphore(%run_scoped3A : memref<!tpu.dma_semaphore, #tpu.memory_space<semaphore_mem>>) src(%dma_wait3A_240 : memref<128xi32, #tpu.memory_space<hbm>>) dst(%arg7 : memref<128xi32, #tpu.memory_space<vmem>>)
        tpu.yield
      }) : () -> ()
      "tpu.region"() ({
        %run_scoped3A = tpu.sem_alloc : memref<!tpu.dma_semaphore, #tpu.memory_space<semaphore_mem>>
        %dma_start3A_237 = tpu.memref_slice %arg4[%multiple_of3A] : memref<800768xf32, #tpu.memory_space<hbm>> -> memref<128xf32, #tpu.memory_space<hbm>>
        %dma_start3A_238 = tpu.memref_slice %arg4[%multiple_of3A] : memref<800768xf32, #tpu.memory_space<hbm>> -> memref<128xf32, #tpu.memory_space<hbm>>
        tpu.enqueue_dma source(%dma_start3A_238 : memref<128xf32, #tpu.memory_space<hbm>>) target(%arg9 : memref<128xf32, #tpu.memory_space<vmem>>) target_semaphore(%run_scoped3A : memref<!tpu.dma_semaphore, #tpu.memory_space<semaphore_mem>>)
        %dma_wait3A_239 = tpu.memref_slice %arg4[%multiple_of3A] : memref<800768xf32, #tpu.memory_space<hbm>> -> memref<128xf32, #tpu.memory_space<hbm>>
        %dma_wait3A_240 = tpu.memref_slice %arg4[%multiple_of3A] : memref<800768xf32, #tpu.memory_space<hbm>> -> memref<128xf32, #tpu.memory_space<hbm>>
        tpu.wait_dma2 semaphore(%run_scoped3A : memref<!tpu.dma_semaphore, #tpu.memory_space<semaphore_mem>>) src(%dma_wait3A_240 : memref<128xf32, #tpu.memory_space<hbm>>) dst(%arg9 : memref<128xf32, #tpu.memory_space<vmem>>)
        tpu.yield
      }) : () -> ()
      %get3A = arith.constant 0 : index
      %get3A_83 = tpu.vector_load %arg7[%get3A] {strides = array<i32>} : memref<128xi32, #tpu.memory_space<vmem>>, vector<16xi32>,
      %get3A_84 = vector.shape_cast %get3A_83 : vector<16xi32> to vector<16xi32>
      %ge3A = vector.broadcast %mul3A_0 : i32 to vector<16xi32>
      %ge3A_85 = arith.cmpi sge, %get3A_84, %ge3A : vector<16xi32>
      %add3A_86 = arith.constant 25000 : i32
      %add3A_87 = arith.addi %mul3A_0, %add3A_86 : i32
      %lt3A_88 = vector.broadcast %add3A_87 : i32 to vector<16xi32>
      %lt3A_89 = arith.cmpi slt, %get3A_84, %lt3A_88 : vector<16xi32>
      %and3A = arith.andi %ge3A_85, %lt3A_89 : vector<16xi1>
      %sub3A = vector.broadcast %mul3A_0 : i32 to vector<16xi32>
      %sub3A_90 = arith.subi %get3A_84, %sub3A : vector<16xi32>
      %jit3A = arith.constant 25000 : i32
      %broadcast_in_dim3A = vector.broadcast %jit3A : i32 to vector<16xi32>
      %select_n3A = arith.select %and3A, %sub3A_90, %broadcast_in_dim3A : vector<16xi1>, vector<16xi32>
      %swap3A = arith.constant 0 : index
      %swap3A_91 = tpu.vector_load %arg10[%swap3A] {strides = array<i32>} : memref<128xi32, #tpu.memory_space<vmem>>, vector<16xi32>,
      %swap3A_92 = vector.shape_cast %swap3A_91 : vector<16xi32> to vector<16xi32>
      %swap3A_93 = vector.shape_cast %select_n3A : vector<16xi32> to vector<16xi32>
      tpu.vector_store %arg10[%swap3A], %swap3A_93 {strides = array<i32>} : memref<128xi32, #tpu.memory_space<vmem>>, vector<16xi32>,
      %get3A_94 = arith.constant 16 : index
      %get3A_95 = tpu.vector_load %arg7[%get3A_94] {strides = array<i32>} : memref<128xi32, #tpu.memory_space<vmem>>, vector<16xi32>,
      %get3A_96 = vector.shape_cast %get3A_95 : vector<16xi32> to vector<16xi32>
      %ge3A_97 = vector.broadcast %mul3A_0 : i32 to vector<16xi32>
      %ge3A_98 = arith.cmpi sge, %get3A_96, %ge3A_97 : vector<16xi32>
      %add3A_99 = arith.constant 25000 : i32
      %add3A_100 = arith.addi %mul3A_0, %add3A_99 : i32
      %lt3A_101 = vector.broadcast %add3A_100 : i32 to vector<16xi32>
      %lt3A_102 = arith.cmpi slt, %get3A_96, %lt3A_101 : vector<16xi32>
      %and3A_103 = arith.andi %ge3A_98, %lt3A_102 : vector<16xi1>
      %sub3A_104 = vector.broadcast %mul3A_0 : i32 to vector<16xi32>
      %sub3A_105 = arith.subi %get3A_96, %sub3A_104 : vector<16xi32>
      %jit3A_106 = arith.constant 25000 : i32
      %broadcast_in_dim3A_107 = vector.broadcast %jit3A_106 : i32 to vector<16xi32>
      %select_n3A_108 = arith.select %and3A_103, %sub3A_105, %broadcast_in_dim3A_107 : vector<16xi1>, vector<16xi32>
      %swap3A_109 = arith.constant 16 : index
      %swap3A_110 = tpu.vector_load %arg10[%swap3A_109] {strides = array<i32>} : memref<128xi32, #tpu.memory_space<vmem>>, vector<16xi32>,
      %swap3A_111 = vector.shape_cast %swap3A_110 : vector<16xi32> to vector<16xi32>
      %swap3A_112 = vector.shape_cast %select_n3A_108 : vector<16xi32> to vector<16xi32>
      tpu.vector_store %arg10[%swap3A_109], %swap3A_112 {strides = array<i32>} : memref<128xi32, #tpu.memory_space<vmem>>, vector<16xi32>,
      %get3A_113 = arith.constant 32 : index
      %get3A_114 = tpu.vector_load %arg7[%get3A_113] {strides = array<i32>} : memref<128xi32, #tpu.memory_space<vmem>>, vector<16xi32>,
      %get3A_115 = vector.shape_cast %get3A_114 : vector<16xi32> to vector<16xi32>
      %ge3A_116 = vector.broadcast %mul3A_0 : i32 to vector<16xi32>
      %ge3A_117 = arith.cmpi sge, %get3A_115, %ge3A_116 : vector<16xi32>
      %add3A_118 = arith.constant 25000 : i32
      %add3A_119 = arith.addi %mul3A_0, %add3A_118 : i32
      %lt3A_120 = vector.broadcast %add3A_119 : i32 to vector<16xi32>
      %lt3A_121 = arith.cmpi slt, %get3A_115, %lt3A_120 : vector<16xi32>
      %and3A_122 = arith.andi %ge3A_117, %lt3A_121 : vector<16xi1>
      %sub3A_123 = vector.broadcast %mul3A_0 : i32 to vector<16xi32>
      %sub3A_124 = arith.subi %get3A_115, %sub3A_123 : vector<16xi32>
      %jit3A_125 = arith.constant 25000 : i32
      %broadcast_in_dim3A_126 = vector.broadcast %jit3A_125 : i32 to vector<16xi32>
      %select_n3A_127 = arith.select %and3A_122, %sub3A_124, %broadcast_in_dim3A_126 : vector<16xi1>, vector<16xi32>
      %swap3A_128 = arith.constant 32 : index
      %swap3A_129 = tpu.vector_load %arg10[%swap3A_128] {strides = array<i32>} : memref<128xi32, #tpu.memory_space<vmem>>, vector<16xi32>,
      %swap3A_130 = vector.shape_cast %swap3A_129 : vector<16xi32> to vector<16xi32>
      %swap3A_131 = vector.shape_cast %select_n3A_127 : vector<16xi32> to vector<16xi32>
      tpu.vector_store %arg10[%swap3A_128], %swap3A_131 {strides = array<i32>} : memref<128xi32, #tpu.memory_space<vmem>>, vector<16xi32>,
      %get3A_132 = arith.constant 48 : index
      %get3A_133 = tpu.vector_load %arg7[%get3A_132] {strides = array<i32>} : memref<128xi32, #tpu.memory_space<vmem>>, vector<16xi32>,
      %get3A_134 = vector.shape_cast %get3A_133 : vector<16xi32> to vector<16xi32>
      %ge3A_135 = vector.broadcast %mul3A_0 : i32 to vector<16xi32>
      %ge3A_136 = arith.cmpi sge, %get3A_134, %ge3A_135 : vector<16xi32>
      %add3A_137 = arith.constant 25000 : i32
      %add3A_138 = arith.addi %mul3A_0, %add3A_137 : i32
      %lt3A_139 = vector.broadcast %add3A_138 : i32 to vector<16xi32>
      %lt3A_140 = arith.cmpi slt, %get3A_134, %lt3A_139 : vector<16xi32>
      %and3A_141 = arith.andi %ge3A_136, %lt3A_140 : vector<16xi1>
      %sub3A_142 = vector.broadcast %mul3A_0 : i32 to vector<16xi32>
      %sub3A_143 = arith.subi %get3A_134, %sub3A_142 : vector<16xi32>
      %jit3A_144 = arith.constant 25000 : i32
      %broadcast_in_dim3A_145 = vector.broadcast %jit3A_144 : i32 to vector<16xi32>
      %select_n3A_146 = arith.select %and3A_141, %sub3A_143, %broadcast_in_dim3A_145 : vector<16xi1>, vector<16xi32>
      %swap3A_147 = arith.constant 48 : index
      %swap3A_148 = tpu.vector_load %arg10[%swap3A_147] {strides = array<i32>} : memref<128xi32, #tpu.memory_space<vmem>>, vector<16xi32>,
      %swap3A_149 = vector.shape_cast %swap3A_148 : vector<16xi32> to vector<16xi32>
      %swap3A_150 = vector.shape_cast %select_n3A_146 : vector<16xi32> to vector<16xi32>
      tpu.vector_store %arg10[%swap3A_147], %swap3A_150 {strides = array<i32>} : memref<128xi32, #tpu.memory_space<vmem>>, vector<16xi32>,
      %get3A_151 = arith.constant 64 : index
      %get3A_152 = tpu.vector_load %arg7[%get3A_151] {strides = array<i32>} : memref<128xi32, #tpu.memory_space<vmem>>, vector<16xi32>,
      %get3A_153 = vector.shape_cast %get3A_152 : vector<16xi32> to vector<16xi32>
      %ge3A_154 = vector.broadcast %mul3A_0 : i32 to vector<16xi32>
      %ge3A_155 = arith.cmpi sge, %get3A_153, %ge3A_154 : vector<16xi32>
      %add3A_156 = arith.constant 25000 : i32
      %add3A_157 = arith.addi %mul3A_0, %add3A_156 : i32
      %lt3A_158 = vector.broadcast %add3A_157 : i32 to vector<16xi32>
      %lt3A_159 = arith.cmpi slt, %get3A_153, %lt3A_158 : vector<16xi32>
      %and3A_160 = arith.andi %ge3A_155, %lt3A_159 : vector<16xi1>
      %sub3A_161 = vector.broadcast %mul3A_0 : i32 to vector<16xi32>
      %sub3A_162 = arith.subi %get3A_153, %sub3A_161 : vector<16xi32>
      %jit3A_163 = arith.constant 25000 : i32
      %broadcast_in_dim3A_164 = vector.broadcast %jit3A_163 : i32 to vector<16xi32>
      %select_n3A_165 = arith.select %and3A_160, %sub3A_162, %broadcast_in_dim3A_164 : vector<16xi1>, vector<16xi32>
      %swap3A_166 = arith.constant 64 : index
      %swap3A_167 = tpu.vector_load %arg10[%swap3A_166] {strides = array<i32>} : memref<128xi32, #tpu.memory_space<vmem>>, vector<16xi32>,
      %swap3A_168 = vector.shape_cast %swap3A_167 : vector<16xi32> to vector<16xi32>
      %swap3A_169 = vector.shape_cast %select_n3A_165 : vector<16xi32> to vector<16xi32>
      tpu.vector_store %arg10[%swap3A_166], %swap3A_169 {strides = array<i32>} : memref<128xi32, #tpu.memory_space<vmem>>, vector<16xi32>,
      %get3A_170 = arith.constant 80 : index
      %get3A_171 = tpu.vector_load %arg7[%get3A_170] {strides = array<i32>} : memref<128xi32, #tpu.memory_space<vmem>>, vector<16xi32>,
      %get3A_172 = vector.shape_cast %get3A_171 : vector<16xi32> to vector<16xi32>
      %ge3A_173 = vector.broadcast %mul3A_0 : i32 to vector<16xi32>
      %ge3A_174 = arith.cmpi sge, %get3A_172, %ge3A_173 : vector<16xi32>
      %add3A_175 = arith.constant 25000 : i32
      %add3A_176 = arith.addi %mul3A_0, %add3A_175 : i32
      %lt3A_177 = vector.broadcast %add3A_176 : i32 to vector<16xi32>
      %lt3A_178 = arith.cmpi slt, %get3A_172, %lt3A_177 : vector<16xi32>
      %and3A_179 = arith.andi %ge3A_174, %lt3A_178 : vector<16xi1>
      %sub3A_180 = vector.broadcast %mul3A_0 : i32 to vector<16xi32>
      %sub3A_181 = arith.subi %get3A_172, %sub3A_180 : vector<16xi32>
      %jit3A_182 = arith.constant 25000 : i32
      %broadcast_in_dim3A_183 = vector.broadcast %jit3A_182 : i32 to vector<16xi32>
      %select_n3A_184 = arith.select %and3A_179, %sub3A_181, %broadcast_in_dim3A_183 : vector<16xi1>, vector<16xi32>
      %swap3A_185 = arith.constant 80 : index
      %swap3A_186 = tpu.vector_load %arg10[%swap3A_185] {strides = array<i32>} : memref<128xi32, #tpu.memory_space<vmem>>, vector<16xi32>,
      %swap3A_187 = vector.shape_cast %swap3A_186 : vector<16xi32> to vector<16xi32>
      %swap3A_188 = vector.shape_cast %select_n3A_184 : vector<16xi32> to vector<16xi32>
      tpu.vector_store %arg10[%swap3A_185], %swap3A_188 {strides = array<i32>} : memref<128xi32, #tpu.memory_space<vmem>>, vector<16xi32>,
      %get3A_189 = arith.constant 96 : index
      %get3A_190 = tpu.vector_load %arg7[%get3A_189] {strides = array<i32>} : memref<128xi32, #tpu.memory_space<vmem>>, vector<16xi32>,
      %get3A_191 = vector.shape_cast %get3A_190 : vector<16xi32> to vector<16xi32>
      %ge3A_192 = vector.broadcast %mul3A_0 : i32 to vector<16xi32>
      %ge3A_193 = arith.cmpi sge, %get3A_191, %ge3A_192 : vector<16xi32>
      %add3A_194 = arith.constant 25000 : i32
      %add3A_195 = arith.addi %mul3A_0, %add3A_194 : i32
      %lt3A_196 = vector.broadcast %add3A_195 : i32 to vector<16xi32>
      %lt3A_197 = arith.cmpi slt, %get3A_191, %lt3A_196 : vector<16xi32>
      %and3A_198 = arith.andi %ge3A_193, %lt3A_197 : vector<16xi1>
      %sub3A_199 = vector.broadcast %mul3A_0 : i32 to vector<16xi32>
      %sub3A_200 = arith.subi %get3A_191, %sub3A_199 : vector<16xi32>
      %jit3A_201 = arith.constant 25000 : i32
      %broadcast_in_dim3A_202 = vector.broadcast %jit3A_201 : i32 to vector<16xi32>
      %select_n3A_203 = arith.select %and3A_198, %sub3A_200, %broadcast_in_dim3A_202 : vector<16xi1>, vector<16xi32>
      %swap3A_204 = arith.constant 96 : index
      %swap3A_205 = tpu.vector_load %arg10[%swap3A_204] {strides = array<i32>} : memref<128xi32, #tpu.memory_space<vmem>>, vector<16xi32>,
      %swap3A_206 = vector.shape_cast %swap3A_205 : vector<16xi32> to vector<16xi32>
      %swap3A_207 = vector.shape_cast %select_n3A_203 : vector<16xi32> to vector<16xi32>
      tpu.vector_store %arg10[%swap3A_204], %swap3A_207 {strides = array<i32>} : memref<128xi32, #tpu.memory_space<vmem>>, vector<16xi32>,
      %get3A_208 = arith.constant 112 : index
      %get3A_209 = tpu.vector_load %arg7[%get3A_208] {strides = array<i32>} : memref<128xi32, #tpu.memory_space<vmem>>, vector<16xi32>,
      %get3A_210 = vector.shape_cast %get3A_209 : vector<16xi32> to vector<16xi32>
      %ge3A_211 = vector.broadcast %mul3A_0 : i32 to vector<16xi32>
      %ge3A_212 = arith.cmpi sge, %get3A_210, %ge3A_211 : vector<16xi32>
      %add3A_213 = arith.constant 25000 : i32
      %add3A_214 = arith.addi %mul3A_0, %add3A_213 : i32
      %lt3A_215 = vector.broadcast %add3A_214 : i32 to vector<16xi32>
      %lt3A_216 = arith.cmpi slt, %get3A_210, %lt3A_215 : vector<16xi32>
      %and3A_217 = arith.andi %ge3A_212, %lt3A_216 : vector<16xi1>
      %sub3A_218 = vector.broadcast %mul3A_0 : i32 to vector<16xi32>
      %sub3A_219 = arith.subi %get3A_210, %sub3A_218 : vector<16xi32>
      %jit3A_220 = arith.constant 25000 : i32
      %broadcast_in_dim3A_221 = vector.broadcast %jit3A_220 : i32 to vector<16xi32>
      %select_n3A_222 = arith.select %and3A_217, %sub3A_219, %broadcast_in_dim3A_221 : vector<16xi1>, vector<16xi32>
      %swap3A_223 = arith.constant 112 : index
      %swap3A_224 = tpu.vector_load %arg10[%swap3A_223] {strides = array<i32>} : memref<128xi32, #tpu.memory_space<vmem>>, vector<16xi32>,
      %swap3A_225 = vector.shape_cast %swap3A_224 : vector<16xi32> to vector<16xi32>
      %swap3A_226 = vector.shape_cast %select_n3A_222 : vector<16xi32> to vector<16xi32>
      tpu.vector_store %arg10[%swap3A_223], %swap3A_226 {strides = array<i32>} : memref<128xi32, #tpu.memory_space<vmem>>, vector<16xi32>,
      %dma_wait3A = arith.constant 0 : i32
      %dma_wait3A_227 = arith.constant 0 : i32
      %dma_wait3A_228 = tpu.memref_slice %arg5[%dma_wait3A, %dma_wait3A_227] : memref<50000x64xf32, #tpu.memory_space<hbm>> -> memref<50000x64xf32, #tpu.memory_space<hbm>>
      tpu.wait_indirect_dma semaphore(%arg14 : memref<!tpu.dma_semaphore, #tpu.memory_space<semaphore_mem>>) src(%dma_wait3A_228 : memref<50000x64xf32, #tpu.memory_space<hbm>>) dst(%arg11 : memref<128x64xf32, #tpu.memory_space<vmem>>)
      %scan3A_229 = arith.constant 0 : i32
      %scan3A_230 = arith.constant 0 : i32
      %scan3A_231 = arith.constant 8 : i32
      %scan3A_232 = arith.addi %scan3A_230, %scan3A_231 : i32
      %scan3A_233 = arith.constant 1 : i32
      %scan3A_234 = scf.for %scan3A_237 = %scan3A_230 to %scan3A_232 step %scan3A_233 iter_args(%scan3A_238 = %scan3A_229) -> (i32)  : i32 {
        %mul3A_239 = arith.constant 16 : i32
        %mul3A_240 = arith.muli %mul3A_239, %scan3A_237 : i32
        %get3A_241 = arith.index_cast %mul3A_240 : i32 to index
        %get3A_242 = tpu.vector_load %arg9[%get3A_241] {strides = array<i32>} : memref<128xf32, #tpu.memory_space<vmem>>, vector<16xf32>,
        %get3A_243 = vector.shape_cast %get3A_242 : vector<16xf32> to vector<16xf32>
        %mul3A_244 = arith.constant 16 : i32
        %mul3A_245 = arith.muli %mul3A_244, %scan3A_237 : i32
        %add3A_246 = arith.constant 0 : i32
        %add3A_247 = arith.addi %mul3A_245, %add3A_246 : i32
        %slice3A = vector.extract_strided_slice %get3A_243 {offsets = [0], sizes = [1], strides = [1]} : vector<16xf32> to vector<1xf32>
        %squeeze3A = vector.extract %slice3A[0] : f32 from vector<1xf32>
        %get3A_248 = arith.index_cast %add3A_247 : i32 to index
        %get3A_249 = arith.constant 0 : index
        %get3A_250 = tpu.vector_load %arg11[%get3A_248, %get3A_249] {strides = array<i32>} : memref<128x64xf32, #tpu.memory_space<vmem>>, vector<1x16xf32>,
        %get3A_251 = vector.shape_cast %get3A_250 : vector<1x16xf32> to vector<16xf32>
        %mul3A_252 = vector.broadcast %squeeze3A : f32 to vector<16xf32>
        %mul3A_253 = arith.mulf %get3A_251, %mul3A_252 : vector<16xf32>
        %swap3A_254 = arith.index_cast %add3A_247 : i32 to index
        %swap3A_255 = arith.constant 0 : index
        %swap3A_256 = tpu.vector_load %arg11[%swap3A_254, %swap3A_255] {strides = array<i32>} : memref<128x64xf32, #tpu.memory_space<vmem>>, vector<1x16xf32>,
        %swap3A_257 = vector.shape_cast %swap3A_256 : vector<1x16xf32> to vector<16xf32>
        %swap3A_258 = vector.shape_cast %mul3A_253 : vector<16xf32> to vector<1x16xf32>
        tpu.vector_store %arg11[%swap3A_254, %swap3A_255], %swap3A_258 {strides = array<i32>} : memref<128x64xf32, #tpu.memory_space<vmem>>, vector<1x16xf32>,
        %get3A_259 = arith.index_cast %add3A_247 : i32 to index
        %get3A_260 = arith.constant 16 : index
        %get3A_261 = tpu.vector_load %arg11[%get3A_259, %get3A_260] {strides = array<i32>} : memref<128x64xf32, #tpu.memory_space<vmem>>, vector<1x16xf32>,
        %get3A_262 = vector.shape_cast %get3A_261 : vector<1x16xf32> to vector<16xf32>
        %mul3A_263 = vector.broadcast %squeeze3A : f32 to vector<16xf32>
        %mul3A_264 = arith.mulf %get3A_262, %mul3A_263 : vector<16xf32>
        %swap3A_265 = arith.index_cast %add3A_247 : i32 to index
        %swap3A_266 = arith.constant 16 : index
        %swap3A_267 = tpu.vector_load %arg11[%swap3A_265, %swap3A_266] {strides = array<i32>} : memref<128x64xf32, #tpu.memory_space<vmem>>, vector<1x16xf32>,
        %swap3A_268 = vector.shape_cast %swap3A_267 : vector<1x16xf32> to vector<16xf32>
        %swap3A_269 = vector.shape_cast %mul3A_264 : vector<16xf32> to vector<1x16xf32>
        tpu.vector_store %arg11[%swap3A_265, %swap3A_266], %swap3A_269 {strides = array<i32>} : memref<128x64xf32, #tpu.memory_space<vmem>>, vector<1x16xf32>,
        %get3A_270 = arith.index_cast %add3A_247 : i32 to index
        %get3A_271 = arith.constant 32 : index
        %get3A_272 = tpu.vector_load %arg11[%get3A_270, %get3A_271] {strides = array<i32>} : memref<128x64xf32, #tpu.memory_space<vmem>>, vector<1x16xf32>,
        %get3A_273 = vector.shape_cast %get3A_272 : vector<1x16xf32> to vector<16xf32>
        %mul3A_274 = vector.broadcast %squeeze3A : f32 to vector<16xf32>
        %mul3A_275 = arith.mulf %get3A_273, %mul3A_274 : vector<16xf32>
        %swap3A_276 = arith.index_cast %add3A_247 : i32 to index
        %swap3A_277 = arith.constant 32 : index
        %swap3A_278 = tpu.vector_load %arg11[%swap3A_276, %swap3A_277] {strides = array<i32>} : memref<128x64xf32, #tpu.memory_space<vmem>>, vector<1x16xf32>,
        %swap3A_279 = vector.shape_cast %swap3A_278 : vector<1x16xf32> to vector<16xf32>
        %swap3A_280 = vector.shape_cast %mul3A_275 : vector<16xf32> to vector<1x16xf32>
        tpu.vector_store %arg11[%swap3A_276, %swap3A_277], %swap3A_280 {strides = array<i32>} : memref<128x64xf32, #tpu.memory_space<vmem>>, vector<1x16xf32>,
        %get3A_281 = arith.index_cast %add3A_247 : i32 to index
        %get3A_282 = arith.constant 48 : index
        %get3A_283 = tpu.vector_load %arg11[%get3A_281, %get3A_282] {strides = array<i32>} : memref<128x64xf32, #tpu.memory_space<vmem>>, vector<1x16xf32>,
        %get3A_284 = vector.shape_cast %get3A_283 : vector<1x16xf32> to vector<16xf32>
        %mul3A_285 = vector.broadcast %squeeze3A : f32 to vector<16xf32>
        %mul3A_286 = arith.mulf %get3A_284, %mul3A_285 : vector<16xf32>
        %swap3A_287 = arith.index_cast %add3A_247 : i32 to index
        %swap3A_288 = arith.constant 48 : index
        %swap3A_289 = tpu.vector_load %arg11[%swap3A_287, %swap3A_288] {strides = array<i32>} : memref<128x64xf32, #tpu.memory_space<vmem>>, vector<1x16xf32>,
        %swap3A_290 = vector.shape_cast %swap3A_289 : vector<1x16xf32> to vector<16xf32>
        %swap3A_291 = vector.shape_cast %mul3A_286 : vector<16xf32> to vector<1x16xf32>
        tpu.vector_store %arg11[%swap3A_287, %swap3A_288], %swap3A_291 {strides = array<i32>} : memref<128x64xf32, #tpu.memory_space<vmem>>, vector<1x16xf32>,
        %mul3A_292 = arith.constant 16 : i32
        %mul3A_293 = arith.muli %mul3A_292, %scan3A_237 : i32
        %add3A_294 = arith.constant 1 : i32
        %add3A_295 = arith.addi %mul3A_293, %add3A_294 : i32
        %slice3A_296 = vector.extract_strided_slice %get3A_243 {offsets = [1], sizes = [1], strides = [1]} : vector<16xf32> to vector<1xf32>
        %squeeze3A_297 = vector.extract %slice3A_296[0] : f32 from vector<1xf32>
        %get3A_298 = arith.index_cast %add3A_295 : i32 to index
        %get3A_299 = arith.constant 0 : index
        %get3A_300 = tpu.vector_load %arg11[%get3A_298, %get3A_299] {strides = array<i32>} : memref<128x64xf32, #tpu.memory_space<vmem>>, vector<1x16xf32>,
        %get3A_301 = vector.shape_cast %get3A_300 : vector<1x16xf32> to vector<16xf32>
        %mul3A_302 = vector.broadcast %squeeze3A_297 : f32 to vector<16xf32>
        %mul3A_303 = arith.mulf %get3A_301, %mul3A_302 : vector<16xf32>
        %swap3A_304 = arith.index_cast %add3A_295 : i32 to index
        %swap3A_305 = arith.constant 0 : index
        %swap3A_306 = tpu.vector_load %arg11[%swap3A_304, %swap3A_305] {strides = array<i32>} : memref<128x64xf32, #tpu.memory_space<vmem>>, vector<1x16xf32>,
        %swap3A_307 = vector.shape_cast %swap3A_306 : vector<1x16xf32> to vector<16xf32>
        %swap3A_308 = vector.shape_cast %mul3A_303 : vector<16xf32> to vector<1x16xf32>
        tpu.vector_store %arg11[%swap3A_304, %swap3A_305], %swap3A_308 {strides = array<i32>} : memref<128x64xf32, #tpu.memory_space<vmem>>, vector<1x16xf32>,
        %get3A_309 = arith.index_cast %add3A_295 : i32 to index
        %get3A_310 = arith.constant 16 : index
        %get3A_311 = tpu.vector_load %arg11[%get3A_309, %get3A_310] {strides = array<i32>} : memref<128x64xf32, #tpu.memory_space<vmem>>, vector<1x16xf32>,
        %get3A_312 = vector.shape_cast %get3A_311 : vector<1x16xf32> to vector<16xf32>
        %mul3A_313 = vector.broadcast %squeeze3A_297 : f32 to vector<16xf32>
        %mul3A_314 = arith.mulf %get3A_312, %mul3A_313 : vector<16xf32>
        %swap3A_315 = arith.index_cast %add3A_295 : i32 to index
        %swap3A_316 = arith.constant 16 : index
        %swap3A_317 = tpu.vector_load %arg11[%swap3A_315, %swap3A_316] {strides = array<i32>} : memref<128x64xf32, #tpu.memory_space<vmem>>, vector<1x16xf32>,
        %swap3A_318 = vector.shape_cast %swap3A_317 : vector<1x16xf32> to vector<16xf32>
        %swap3A_319 = vector.shape_cast %mul3A_314 : vector<16xf32> to vector<1x16xf32>
        tpu.vector_store %arg11[%swap3A_315, %swap3A_316], %swap3A_319 {strides = array<i32>} : memref<128x64xf32, #tpu.memory_space<vmem>>, vector<1x16xf32>,
        %get3A_320 = arith.index_cast %add3A_295 : i32 to index
        %get3A_321 = arith.constant 32 : index
        %get3A_322 = tpu.vector_load %arg11[%get3A_320, %get3A_321] {strides = array<i32>} : memref<128x64xf32, #tpu.memory_space<vmem>>, vector<1x16xf32>,
        %get3A_323 = vector.shape_cast %get3A_322 : vector<1x16xf32> to vector<16xf32>
        %mul3A_324 = vector.broadcast %squeeze3A_297 : f32 to vector<16xf32>
        %mul3A_325 = arith.mulf %get3A_323, %mul3A_324 : vector<16xf32>
        %swap3A_326 = arith.index_cast %add3A_295 : i32 to index
        %swap3A_327 = arith.constant 32 : index
        %swap3A_328 = tpu.vector_load %arg11[%swap3A_326, %swap3A_327] {strides = array<i32>} : memref<128x64xf32, #tpu.memory_space<vmem>>, vector<1x16xf32>,
        %swap3A_329 = vector.shape_cast %swap3A_328 : vector<1x16xf32> to vector<16xf32>
        %swap3A_330 = vector.shape_cast %mul3A_325 : vector<16xf32> to vector<1x16xf32>
        tpu.vector_store %arg11[%swap3A_326, %swap3A_327], %swap3A_330 {strides = array<i32>} : memref<128x64xf32, #tpu.memory_space<vmem>>, vector<1x16xf32>,
        %get3A_331 = arith.index_cast %add3A_295 : i32 to index
        %get3A_332 = arith.constant 48 : index
        %get3A_333 = tpu.vector_load %arg11[%get3A_331, %get3A_332] {strides = array<i32>} : memref<128x64xf32, #tpu.memory_space<vmem>>, vector<1x16xf32>,
        %get3A_334 = vector.shape_cast %get3A_333 : vector<1x16xf32> to vector<16xf32>
        %mul3A_335 = vector.broadcast %squeeze3A_297 : f32 to vector<16xf32>
        %mul3A_336 = arith.mulf %get3A_334, %mul3A_335 : vector<16xf32>
        %swap3A_337 = arith.index_cast %add3A_295 : i32 to index
        %swap3A_338 = arith.constant 48 : index
        %swap3A_339 = tpu.vector_load %arg11[%swap3A_337, %swap3A_338] {strides = array<i32>} : memref<128x64xf32, #tpu.memory_space<vmem>>, vector<1x16xf32>,
        %swap3A_340 = vector.shape_cast %swap3A_339 : vector<1x16xf32> to vector<16xf32>
        %swap3A_341 = vector.shape_cast %mul3A_336 : vector<16xf32> to vector<1x16xf32>
        tpu.vector_store %arg11[%swap3A_337, %swap3A_338], %swap3A_341 {strides = array<i32>} : memref<128x64xf32, #tpu.memory_space<vmem>>, vector<1x16xf32>,
        %mul3A_342 = arith.constant 16 : i32
        %mul3A_343 = arith.muli %mul3A_342, %scan3A_237 : i32
        %add3A_344 = arith.constant 2 : i32
        %add3A_345 = arith.addi %mul3A_343, %add3A_344 : i32
        %slice3A_346 = vector.extract_strided_slice %get3A_243 {offsets = [2], sizes = [1], strides = [1]} : vector<16xf32> to vector<1xf32>
        %squeeze3A_347 = vector.extract %slice3A_346[0] : f32 from vector<1xf32>
        %get3A_348 = arith.index_cast %add3A_345 : i32 to index
        %get3A_349 = arith.constant 0 : index
        %get3A_350 = tpu.vector_load %arg11[%get3A_348, %get3A_349] {strides = array<i32>} : memref<128x64xf32, #tpu.memory_space<vmem>>, vector<1x16xf32>,
        %get3A_351 = vector.shape_cast %get3A_350 : vector<1x16xf32> to vector<16xf32>
        %mul3A_352 = vector.broadcast %squeeze3A_347 : f32 to vector<16xf32>
        %mul3A_353 = arith.mulf %get3A_351, %mul3A_352 : vector<16xf32>
        %swap3A_354 = arith.index_cast %add3A_345 : i32 to index
        %swap3A_355 = arith.constant 0 : index
        %swap3A_356 = tpu.vector_load %arg11[%swap3A_354, %swap3A_355] {strides = array<i32>} : memref<128x64xf32, #tpu.memory_space<vmem>>, vector<1x16xf32>,
        %swap3A_357 = vector.shape_cast %swap3A_356 : vector<1x16xf32> to vector<16xf32>
        %swap3A_358 = vector.shape_cast %mul3A_353 : vector<16xf32> to vector<1x16xf32>
        tpu.vector_store %arg11[%swap3A_354, %swap3A_355], %swap3A_358 {strides = array<i32>} : memref<128x64xf32, #tpu.memory_space<vmem>>, vector<1x16xf32>,
        %get3A_359 = arith.index_cast %add3A_345 : i32 to index
        %get3A_360 = arith.constant 16 : index
        %get3A_361 = tpu.vector_load %arg11[%get3A_359, %get3A_360] {strides = array<i32>} : memref<128x64xf32, #tpu.memory_space<vmem>>, vector<1x16xf32>,
        %get3A_362 = vector.shape_cast %get3A_361 : vector<1x16xf32> to vector<16xf32>
        %mul3A_363 = vector.broadcast %squeeze3A_347 : f32 to vector<16xf32>
        %mul3A_364 = arith.mulf %get3A_362, %mul3A_363 : vector<16xf32>
        %swap3A_365 = arith.index_cast %add3A_345 : i32 to index
        %swap3A_366 = arith.constant 16 : index
        %swap3A_367 = tpu.vector_load %arg11[%swap3A_365, %swap3A_366] {strides = array<i32>} : memref<128x64xf32, #tpu.memory_space<vmem>>, vector<1x16xf32>,
        %swap3A_368 = vector.shape_cast %swap3A_367 : vector<1x16xf32> to vector<16xf32>
        %swap3A_369 = vector.shape_cast %mul3A_364 : vector<16xf32> to vector<1x16xf32>
        tpu.vector_store %arg11[%swap3A_365, %swap3A_366], %swap3A_369 {strides = array<i32>} : memref<128x64xf32, #tpu.memory_space<vmem>>, vector<1x16xf32>,
        %get3A_370 = arith.index_cast %add3A_345 : i32 to index
        %get3A_371 = arith.constant 32 : index
        %get3A_372 = tpu.vector_load %arg11[%get3A_370, %get3A_371] {strides = array<i32>} : memref<128x64xf32, #tpu.memory_space<vmem>>, vector<1x16xf32>,
        %get3A_373 = vector.shape_cast %get3A_372 : vector<1x16xf32> to vector<16xf32>
        %mul3A_374 = vector.broadcast %squeeze3A_347 : f32 to vector<16xf32>
        %mul3A_375 = arith.mulf %get3A_373, %mul3A_374 : vector<16xf32>
        %swap3A_376 = arith.index_cast %add3A_345 : i32 to index
        %swap3A_377 = arith.constant 32 : index
        %swap3A_378 = tpu.vector_load %arg11[%swap3A_376, %swap3A_377] {strides = array<i32>} : memref<128x64xf32, #tpu.memory_space<vmem>>, vector<1x16xf32>,
        %swap3A_379 = vector.shape_cast %swap3A_378 : vector<1x16xf32> to vector<16xf32>
        %swap3A_380 = vector.shape_cast %mul3A_375 : vector<16xf32> to vector<1x16xf32>
        tpu.vector_store %arg11[%swap3A_376, %swap3A_377], %swap3A_380 {strides = array<i32>} : memref<128x64xf32, #tpu.memory_space<vmem>>, vector<1x16xf32>,
        %get3A_381 = arith.index_cast %add3A_345 : i32 to index
        %get3A_382 = arith.constant 48 : index
        %get3A_383 = tpu.vector_load %arg11[%get3A_381, %get3A_382] {strides = array<i32>} : memref<128x64xf32, #tpu.memory_space<vmem>>, vector<1x16xf32>,
        %get3A_384 = vector.shape_cast %get3A_383 : vector<1x16xf32> to vector<16xf32>
        %mul3A_385 = vector.broadcast %squeeze3A_347 : f32 to vector<16xf32>
        %mul3A_386 = arith.mulf %get3A_384, %mul3A_385 : vector<16xf32>
        %swap3A_387 = arith.index_cast %add3A_345 : i32 to index
        %swap3A_388 = arith.constant 48 : index
        %swap3A_389 = tpu.vector_load %arg11[%swap3A_387, %swap3A_388] {strides = array<i32>} : memref<128x64xf32, #tpu.memory_space<vmem>>, vector<1x16xf32>,
        %swap3A_390 = vector.shape_cast %swap3A_389 : vector<1x16xf32> to vector<16xf32>
        %swap3A_391 = vector.shape_cast %mul3A_386 : vector<16xf32> to vector<1x16xf32>
        tpu.vector_store %arg11[%swap3A_387, %swap3A_388], %swap3A_391 {strides = array<i32>} : memref<128x64xf32, #tpu.memory_space<vmem>>, vector<1x16xf32>,
        %mul3A_392 = arith.constant 16 : i32
        %mul3A_393 = arith.muli %mul3A_392, %scan3A_237 : i32
        %add3A_394 = arith.constant 3 : i32
        %add3A_395 = arith.addi %mul3A_393, %add3A_394 : i32
        %slice3A_396 = vector.extract_strided_slice %get3A_243 {offsets = [3], sizes = [1], strides = [1]} : vector<16xf32> to vector<1xf32>
        %squeeze3A_397 = vector.extract %slice3A_396[0] : f32 from vector<1xf32>
        %get3A_398 = arith.index_cast %add3A_395 : i32 to index
        %get3A_399 = arith.constant 0 : index
        %get3A_400 = tpu.vector_load %arg11[%get3A_398, %get3A_399] {strides = array<i32>} : memref<128x64xf32, #tpu.memory_space<vmem>>, vector<1x16xf32>,
        %get3A_401 = vector.shape_cast %get3A_400 : vector<1x16xf32> to vector<16xf32>
        %mul3A_402 = vector.broadcast %squeeze3A_397 : f32 to vector<16xf32>
        %mul3A_403 = arith.mulf %get3A_401, %mul3A_402 : vector<16xf32>
        %swap3A_404 = arith.index_cast %add3A_395 : i32 to index
        %swap3A_405 = arith.constant 0 : index
        %swap3A_406 = tpu.vector_load %arg11[%swap3A_404, %swap3A_405] {strides = array<i32>} : memref<128x64xf32, #tpu.memory_space<vmem>>, vector<1x16xf32>,
        %swap3A_407 = vector.shape_cast %swap3A_406 : vector<1x16xf32> to vector<16xf32>
        %swap3A_408 = vector.shape_cast %mul3A_403 : vector<16xf32> to vector<1x16xf32>
        tpu.vector_store %arg11[%swap3A_404, %swap3A_405], %swap3A_408 {strides = array<i32>} : memref<128x64xf32, #tpu.memory_space<vmem>>, vector<1x16xf32>,
        %get3A_409 = arith.index_cast %add3A_395 : i32 to index
        %get3A_410 = arith.constant 16 : index
        %get3A_411 = tpu.vector_load %arg11[%get3A_409, %get3A_410] {strides = array<i32>} : memref<128x64xf32, #tpu.memory_space<vmem>>, vector<1x16xf32>,
        %get3A_412 = vector.shape_cast %get3A_411 : vector<1x16xf32> to vector<16xf32>
        %mul3A_413 = vector.broadcast %squeeze3A_397 : f32 to vector<16xf32>
        %mul3A_414 = arith.mulf %get3A_412, %mul3A_413 : vector<16xf32>
        %swap3A_415 = arith.index_cast %add3A_395 : i32 to index
        %swap3A_416 = arith.constant 16 : index
        %swap3A_417 = tpu.vector_load %arg11[%swap3A_415, %swap3A_416] {strides = array<i32>} : memref<128x64xf32, #tpu.memory_space<vmem>>, vector<1x16xf32>,
        %swap3A_418 = vector.shape_cast %swap3A_417 : vector<1x16xf32> to vector<16xf32>
        %swap3A_419 = vector.shape_cast %mul3A_414 : vector<16xf32> to vector<1x16xf32>
        tpu.vector_store %arg11[%swap3A_415, %swap3A_416], %swap3A_419 {strides = array<i32>} : memref<128x64xf32, #tpu.memory_space<vmem>>, vector<1x16xf32>,
        %get3A_420 = arith.index_cast %add3A_395 : i32 to index
        %get3A_421 = arith.constant 32 : index
        %get3A_422 = tpu.vector_load %arg11[%get3A_420, %get3A_421] {strides = array<i32>} : memref<128x64xf32, #tpu.memory_space<vmem>>, vector<1x16xf32>,
        %get3A_423 = vector.shape_cast %get3A_422 : vector<1x16xf32> to vector<16xf32>
        %mul3A_424 = vector.broadcast %squeeze3A_397 : f32 to vector<16xf32>
        %mul3A_425 = arith.mulf %get3A_423, %mul3A_424 : vector<16xf32>
        %swap3A_426 = arith.index_cast %add3A_395 : i32 to index
        %swap3A_427 = arith.constant 32 : index
        %swap3A_428 = tpu.vector_load %arg11[%swap3A_426, %swap3A_427] {strides = array<i32>} : memref<128x64xf32, #tpu.memory_space<vmem>>, vector<1x16xf32>,
        %swap3A_429 = vector.shape_cast %swap3A_428 : vector<1x16xf32> to vector<16xf32>
        %swap3A_430 = vector.shape_cast %mul3A_425 : vector<16xf32> to vector<1x16xf32>
        tpu.vector_store %arg11[%swap3A_426, %swap3A_427], %swap3A_430 {strides = array<i32>} : memref<128x64xf32, #tpu.memory_space<vmem>>, vector<1x16xf32>,
        %get3A_431 = arith.index_cast %add3A_395 : i32 to index
        %get3A_432 = arith.constant 48 : index
        %get3A_433 = tpu.vector_load %arg11[%get3A_431, %get3A_432] {strides = array<i32>} : memref<128x64xf32, #tpu.memory_space<vmem>>, vector<1x16xf32>,
        %get3A_434 = vector.shape_cast %get3A_433 : vector<1x16xf32> to vector<16xf32>
        %mul3A_435 = vector.broadcast %squeeze3A_397 : f32 to vector<16xf32>
        %mul3A_436 = arith.mulf %get3A_434, %mul3A_435 : vector<16xf32>
        %swap3A_437 = arith.index_cast %add3A_395 : i32 to index
        %swap3A_438 = arith.constant 48 : index
        %swap3A_439 = tpu.vector_load %arg11[%swap3A_437, %swap3A_438] {strides = array<i32>} : memref<128x64xf32, #tpu.memory_space<vmem>>, vector<1x16xf32>,
        %swap3A_440 = vector.shape_cast %swap3A_439 : vector<1x16xf32> to vector<16xf32>
        %swap3A_441 = vector.shape_cast %mul3A_436 : vector<16xf32> to vector<1x16xf32>
        tpu.vector_store %arg11[%swap3A_437, %swap3A_438], %swap3A_441 {strides = array<i32>} : memref<128x64xf32, #tpu.memory_space<vmem>>, vector<1x16xf32>,
        %mul3A_442 = arith.constant 16 : i32
        %mul3A_443 = arith.muli %mul3A_442, %scan3A_237 : i32
        %add3A_444 = arith.constant 4 : i32
        %add3A_445 = arith.addi %mul3A_443, %add3A_444 : i32
        %slice3A_446 = vector.extract_strided_slice %get3A_243 {offsets = [4], sizes = [1], strides = [1]} : vector<16xf32> to vector<1xf32>
        %squeeze3A_447 = vector.extract %slice3A_446[0] : f32 from vector<1xf32>
        %get3A_448 = arith.index_cast %add3A_445 : i32 to index
        %get3A_449 = arith.constant 0 : index
        %get3A_450 = tpu.vector_load %arg11[%get3A_448, %get3A_449] {strides = array<i32>} : memref<128x64xf32, #tpu.memory_space<vmem>>, vector<1x16xf32>,
        %get3A_451 = vector.shape_cast %get3A_450 : vector<1x16xf32> to vector<16xf32>
        %mul3A_452 = vector.broadcast %squeeze3A_447 : f32 to vector<16xf32>
        %mul3A_453 = arith.mulf %get3A_451, %mul3A_452 : vector<16xf32>
        %swap3A_454 = arith.index_cast %add3A_445 : i32 to index
        %swap3A_455 = arith.constant 0 : index
        %swap3A_456 = tpu.vector_load %arg11[%swap3A_454, %swap3A_455] {strides = array<i32>} : memref<128x64xf32, #tpu.memory_space<vmem>>, vector<1x16xf32>,
        %swap3A_457 = vector.shape_cast %swap3A_456 : vector<1x16xf32> to vector<16xf32>
        %swap3A_458 = vector.shape_cast %mul3A_453 : vector<16xf32> to vector<1x16xf32>
        tpu.vector_store %arg11[%swap3A_454, %swap3A_455], %swap3A_458 {strides = array<i32>} : memref<128x64xf32, #tpu.memory_space<vmem>>, vector<1x16xf32>,
        %get3A_459 = arith.index_cast %add3A_445 : i32 to index
        %get3A_460 = arith.constant 16 : index
        %get3A_461 = tpu.vector_load %arg11[%get3A_459, %get3A_460] {strides = array<i32>} : memref<128x64xf32, #tpu.memory_space<vmem>>, vector<1x16xf32>,
        %get3A_462 = vector.shape_cast %get3A_461 : vector<1x16xf32> to vector<16xf32>
        %mul3A_463 = vector.broadcast %squeeze3A_447 : f32 to vector<16xf32>
        %mul3A_464 = arith.mulf %get3A_462, %mul3A_463 : vector<16xf32>
        %swap3A_465 = arith.index_cast %add3A_445 : i32 to index
        %swap3A_466 = arith.constant 16 : index
        %swap3A_467 = tpu.vector_load %arg11[%swap3A_465, %swap3A_466] {strides = array<i32>} : memref<128x64xf32, #tpu.memory_space<vmem>>, vector<1x16xf32>,
        %swap3A_468 = vector.shape_cast %swap3A_467 : vector<1x16xf32> to vector<16xf32>
        %swap3A_469 = vector.shape_cast %mul3A_464 : vector<16xf32> to vector<1x16xf32>
        tpu.vector_store %arg11[%swap3A_465, %swap3A_466], %swap3A_469 {strides = array<i32>} : memref<128x64xf32, #tpu.memory_space<vmem>>, vector<1x16xf32>,
        %get3A_470 = arith.index_cast %add3A_445 : i32 to index
        %get3A_471 = arith.constant 32 : index
        %get3A_472 = tpu.vector_load %arg11[%get3A_470, %get3A_471] {strides = array<i32>} : memref<128x64xf32, #tpu.memory_space<vmem>>, vector<1x16xf32>,
        %get3A_473 = vector.shape_cast %get3A_472 : vector<1x16xf32> to vector<16xf32>
        %mul3A_474 = vector.broadcast %squeeze3A_447 : f32 to vector<16xf32>
        %mul3A_475 = arith.mulf %get3A_473, %mul3A_474 : vector<16xf32>
        %swap3A_476 = arith.index_cast %add3A_445 : i32 to index
        %swap3A_477 = arith.constant 32 : index
        %swap3A_478 = tpu.vector_load %arg11[%swap3A_476, %swap3A_477] {strides = array<i32>} : memref<128x64xf32, #tpu.memory_space<vmem>>, vector<1x16xf32>,
        %swap3A_479 = vector.shape_cast %swap3A_478 : vector<1x16xf32> to vector<16xf32>
        %swap3A_480 = vector.shape_cast %mul3A_475 : vector<16xf32> to vector<1x16xf32>
        tpu.vector_store %arg11[%swap3A_476, %swap3A_477], %swap3A_480 {strides = array<i32>} : memref<128x64xf32, #tpu.memory_space<vmem>>, vector<1x16xf32>,
        %get3A_481 = arith.index_cast %add3A_445 : i32 to index
        %get3A_482 = arith.constant 48 : index
        %get3A_483 = tpu.vector_load %arg11[%get3A_481, %get3A_482] {strides = array<i32>} : memref<128x64xf32, #tpu.memory_space<vmem>>, vector<1x16xf32>,
        %get3A_484 = vector.shape_cast %get3A_483 : vector<1x16xf32> to vector<16xf32>
        %mul3A_485 = vector.broadcast %squeeze3A_447 : f32 to vector<16xf32>
        %mul3A_486 = arith.mulf %get3A_484, %mul3A_485 : vector<16xf32>
        %swap3A_487 = arith.index_cast %add3A_445 : i32 to index
        %swap3A_488 = arith.constant 48 : index
        %swap3A_489 = tpu.vector_load %arg11[%swap3A_487, %swap3A_488] {strides = array<i32>} : memref<128x64xf32, #tpu.memory_space<vmem>>, vector<1x16xf32>,
        %swap3A_490 = vector.shape_cast %swap3A_489 : vector<1x16xf32> to vector<16xf32>
        %swap3A_491 = vector.shape_cast %mul3A_486 : vector<16xf32> to vector<1x16xf32>
        tpu.vector_store %arg11[%swap3A_487, %swap3A_488], %swap3A_491 {strides = array<i32>} : memref<128x64xf32, #tpu.memory_space<vmem>>, vector<1x16xf32>,
        %mul3A_492 = arith.constant 16 : i32
        %mul3A_493 = arith.muli %mul3A_492, %scan3A_237 : i32
        %add3A_494 = arith.constant 5 : i32
        %add3A_495 = arith.addi %mul3A_493, %add3A_494 : i32
        %slice3A_496 = vector.extract_strided_slice %get3A_243 {offsets = [5], sizes = [1], strides = [1]} : vector<16xf32> to vector<1xf32>
        %squeeze3A_497 = vector.extract %slice3A_496[0] : f32 from vector<1xf32>
        %get3A_498 = arith.index_cast %add3A_495 : i32 to index
        %get3A_499 = arith.constant 0 : index
        %get3A_500 = tpu.vector_load %arg11[%get3A_498, %get3A_499] {strides = array<i32>} : memref<128x64xf32, #tpu.memory_space<vmem>>, vector<1x16xf32>,
        %get3A_501 = vector.shape_cast %get3A_500 : vector<1x16xf32> to vector<16xf32>
        %mul3A_502 = vector.broadcast %squeeze3A_497 : f32 to vector<16xf32>
        %mul3A_503 = arith.mulf %get3A_501, %mul3A_502 : vector<16xf32>
        %swap3A_504 = arith.index_cast %add3A_495 : i32 to index
        %swap3A_505 = arith.constant 0 : index
        %swap3A_506 = tpu.vector_load %arg11[%swap3A_504, %swap3A_505] {strides = array<i32>} : memref<128x64xf32, #tpu.memory_space<vmem>>, vector<1x16xf32>,
        %swap3A_507 = vector.shape_cast %swap3A_506 : vector<1x16xf32> to vector<16xf32>
        %swap3A_508 = vector.shape_cast %mul3A_503 : vector<16xf32> to vector<1x16xf32>
        tpu.vector_store %arg11[%swap3A_504, %swap3A_505], %swap3A_508 {strides = array<i32>} : memref<128x64xf32, #tpu.memory_space<vmem>>, vector<1x16xf32>,
        %get3A_509 = arith.index_cast %add3A_495 : i32 to index
        %get3A_510 = arith.constant 16 : index
        %get3A_511 = tpu.vector_load %arg11[%get3A_509, %get3A_510] {strides = array<i32>} : memref<128x64xf32, #tpu.memory_space<vmem>>, vector<1x16xf32>,
        %get3A_512 = vector.shape_cast %get3A_511 : vector<1x16xf32> to vector<16xf32>
        %mul3A_513 = vector.broadcast %squeeze3A_497 : f32 to vector<16xf32>
        %mul3A_514 = arith.mulf %get3A_512, %mul3A_513 : vector<16xf32>
        %swap3A_515 = arith.index_cast %add3A_495 : i32 to index
        %swap3A_516 = arith.constant 16 : index
        %swap3A_517 = tpu.vector_load %arg11[%swap3A_515, %swap3A_516] {strides = array<i32>} : memref<128x64xf32, #tpu.memory_space<vmem>>, vector<1x16xf32>,
        %swap3A_518 = vector.shape_cast %swap3A_517 : vector<1x16xf32> to vector<16xf32>
        %swap3A_519 = vector.shape_cast %mul3A_514 : vector<16xf32> to vector<1x16xf32>
        tpu.vector_store %arg11[%swap3A_515, %swap3A_516], %swap3A_519 {strides = array<i32>} : memref<128x64xf32, #tpu.memory_space<vmem>>, vector<1x16xf32>,
        %get3A_520 = arith.index_cast %add3A_495 : i32 to index
        %get3A_521 = arith.constant 32 : index
        %get3A_522 = tpu.vector_load %arg11[%get3A_520, %get3A_521] {strides = array<i32>} : memref<128x64xf32, #tpu.memory_space<vmem>>, vector<1x16xf32>,
        %get3A_523 = vector.shape_cast %get3A_522 : vector<1x16xf32> to vector<16xf32>
        %mul3A_524 = vector.broadcast %squeeze3A_497 : f32 to vector<16xf32>
        %mul3A_525 = arith.mulf %get3A_523, %mul3A_524 : vector<16xf32>
        %swap3A_526 = arith.index_cast %add3A_495 : i32 to index
        %swap3A_527 = arith.constant 32 : index
        %swap3A_528 = tpu.vector_load %arg11[%swap3A_526, %swap3A_527] {strides = array<i32>} : memref<128x64xf32, #tpu.memory_space<vmem>>, vector<1x16xf32>,
        %swap3A_529 = vector.shape_cast %swap3A_528 : vector<1x16xf32> to vector<16xf32>
        %swap3A_530 = vector.shape_cast %mul3A_525 : vector<16xf32> to vector<1x16xf32>
        tpu.vector_store %arg11[%swap3A_526, %swap3A_527], %swap3A_530 {strides = array<i32>} : memref<128x64xf32, #tpu.memory_space<vmem>>, vector<1x16xf32>,
        %get3A_531 = arith.index_cast %add3A_495 : i32 to index
        %get3A_532 = arith.constant 48 : index
        %get3A_533 = tpu.vector_load %arg11[%get3A_531, %get3A_532] {strides = array<i32>} : memref<128x64xf32, #tpu.memory_space<vmem>>, vector<1x16xf32>,
        %get3A_534 = vector.shape_cast %get3A_533 : vector<1x16xf32> to vector<16xf32>
        %mul3A_535 = vector.broadcast %squeeze3A_497 : f32 to vector<16xf32>
        %mul3A_536 = arith.mulf %get3A_534, %mul3A_535 : vector<16xf32>
        %swap3A_537 = arith.index_cast %add3A_495 : i32 to index
        %swap3A_538 = arith.constant 48 : index
        %swap3A_539 = tpu.vector_load %arg11[%swap3A_537, %swap3A_538] {strides = array<i32>} : memref<128x64xf32, #tpu.memory_space<vmem>>, vector<1x16xf32>,
        %swap3A_540 = vector.shape_cast %swap3A_539 : vector<1x16xf32> to vector<16xf32>
        %swap3A_541 = vector.shape_cast %mul3A_536 : vector<16xf32> to vector<1x16xf32>
        tpu.vector_store %arg11[%swap3A_537, %swap3A_538], %swap3A_541 {strides = array<i32>} : memref<128x64xf32, #tpu.memory_space<vmem>>, vector<1x16xf32>,
        %mul3A_542 = arith.constant 16 : i32
        %mul3A_543 = arith.muli %mul3A_542, %scan3A_237 : i32
        %add3A_544 = arith.constant 6 : i32
        %add3A_545 = arith.addi %mul3A_543, %add3A_544 : i32
        %slice3A_546 = vector.extract_strided_slice %get3A_243 {offsets = [6], sizes = [1], strides = [1]} : vector<16xf32> to vector<1xf32>
        %squeeze3A_547 = vector.extract %slice3A_546[0] : f32 from vector<1xf32>
        %get3A_548 = arith.index_cast %add3A_545 : i32 to index
        %get3A_549 = arith.constant 0 : index
        %get3A_550 = tpu.vector_load %arg11[%get3A_548, %get3A_549] {strides = array<i32>} : memref<128x64xf32, #tpu.memory_space<vmem>>, vector<1x16xf32>,
        %get3A_551 = vector.shape_cast %get3A_550 : vector<1x16xf32> to vector<16xf32>
        %mul3A_552 = vector.broadcast %squeeze3A_547 : f32 to vector<16xf32>
        %mul3A_553 = arith.mulf %get3A_551, %mul3A_552 : vector<16xf32>
        %swap3A_554 = arith.index_cast %add3A_545 : i32 to index
        %swap3A_555 = arith.constant 0 : index
        %swap3A_556 = tpu.vector_load %arg11[%swap3A_554, %swap3A_555] {strides = array<i32>} : memref<128x64xf32, #tpu.memory_space<vmem>>, vector<1x16xf32>,
        %swap3A_557 = vector.shape_cast %swap3A_556 : vector<1x16xf32> to vector<16xf32>
        %swap3A_558 = vector.shape_cast %mul3A_553 : vector<16xf32> to vector<1x16xf32>
        tpu.vector_store %arg11[%swap3A_554, %swap3A_555], %swap3A_558 {strides = array<i32>} : memref<128x64xf32, #tpu.memory_space<vmem>>, vector<1x16xf32>,
        %get3A_559 = arith.index_cast %add3A_545 : i32 to index
        %get3A_560 = arith.constant 16 : index
        %get3A_561 = tpu.vector_load %arg11[%get3A_559, %get3A_560] {strides = array<i32>} : memref<128x64xf32, #tpu.memory_space<vmem>>, vector<1x16xf32>,
        %get3A_562 = vector.shape_cast %get3A_561 : vector<1x16xf32> to vector<16xf32>
        %mul3A_563 = vector.broadcast %squeeze3A_547 : f32 to vector<16xf32>
        %mul3A_564 = arith.mulf %get3A_562, %mul3A_563 : vector<16xf32>
        %swap3A_565 = arith.index_cast %add3A_545 : i32 to index
        %swap3A_566 = arith.constant 16 : index
        %swap3A_567 = tpu.vector_load %arg11[%swap3A_565, %swap3A_566] {strides = array<i32>} : memref<128x64xf32, #tpu.memory_space<vmem>>, vector<1x16xf32>,
        %swap3A_568 = vector.shape_cast %swap3A_567 : vector<1x16xf32> to vector<16xf32>
        %swap3A_569 = vector.shape_cast %mul3A_564 : vector<16xf32> to vector<1x16xf32>
        tpu.vector_store %arg11[%swap3A_565, %swap3A_566], %swap3A_569 {strides = array<i32>} : memref<128x64xf32, #tpu.memory_space<vmem>>, vector<1x16xf32>,
        %get3A_570 = arith.index_cast %add3A_545 : i32 to index
        %get3A_571 = arith.constant 32 : index
        %get3A_572 = tpu.vector_load %arg11[%get3A_570, %get3A_571] {strides = array<i32>} : memref<128x64xf32, #tpu.memory_space<vmem>>, vector<1x16xf32>,
        %get3A_573 = vector.shape_cast %get3A_572 : vector<1x16xf32> to vector<16xf32>
        %mul3A_574 = vector.broadcast %squeeze3A_547 : f32 to vector<16xf32>
        %mul3A_575 = arith.mulf %get3A_573, %mul3A_574 : vector<16xf32>
        %swap3A_576 = arith.index_cast %add3A_545 : i32 to index
        %swap3A_577 = arith.constant 32 : index
        %swap3A_578 = tpu.vector_load %arg11[%swap3A_576, %swap3A_577] {strides = array<i32>} : memref<128x64xf32, #tpu.memory_space<vmem>>, vector<1x16xf32>,
        %swap3A_579 = vector.shape_cast %swap3A_578 : vector<1x16xf32> to vector<16xf32>
        %swap3A_580 = vector.shape_cast %mul3A_575 : vector<16xf32> to vector<1x16xf32>
        tpu.vector_store %arg11[%swap3A_576, %swap3A_577], %swap3A_580 {strides = array<i32>} : memref<128x64xf32, #tpu.memory_space<vmem>>, vector<1x16xf32>,
        %get3A_581 = arith.index_cast %add3A_545 : i32 to index
        %get3A_582 = arith.constant 48 : index
        %get3A_583 = tpu.vector_load %arg11[%get3A_581, %get3A_582] {strides = array<i32>} : memref<128x64xf32, #tpu.memory_space<vmem>>, vector<1x16xf32>,
        %get3A_584 = vector.shape_cast %get3A_583 : vector<1x16xf32> to vector<16xf32>
        %mul3A_585 = vector.broadcast %squeeze3A_547 : f32 to vector<16xf32>
        %mul3A_586 = arith.mulf %get3A_584, %mul3A_585 : vector<16xf32>
        %swap3A_587 = arith.index_cast %add3A_545 : i32 to index
        %swap3A_588 = arith.constant 48 : index
        %swap3A_589 = tpu.vector_load %arg11[%swap3A_587, %swap3A_588] {strides = array<i32>} : memref<128x64xf32, #tpu.memory_space<vmem>>, vector<1x16xf32>,
        %swap3A_590 = vector.shape_cast %swap3A_589 : vector<1x16xf32> to vector<16xf32>
        %swap3A_591 = vector.shape_cast %mul3A_586 : vector<16xf32> to vector<1x16xf32>
        tpu.vector_store %arg11[%swap3A_587, %swap3A_588], %swap3A_591 {strides = array<i32>} : memref<128x64xf32, #tpu.memory_space<vmem>>, vector<1x16xf32>,
        %mul3A_592 = arith.constant 16 : i32
        %mul3A_593 = arith.muli %mul3A_592, %scan3A_237 : i32
        %add3A_594 = arith.constant 7 : i32
        %add3A_595 = arith.addi %mul3A_593, %add3A_594 : i32
        %slice3A_596 = vector.extract_strided_slice %get3A_243 {offsets = [7], sizes = [1], strides = [1]} : vector<16xf32> to vector<1xf32>
        %squeeze3A_597 = vector.extract %slice3A_596[0] : f32 from vector<1xf32>
        %get3A_598 = arith.index_cast %add3A_595 : i32 to index
        %get3A_599 = arith.constant 0 : index
        %get3A_600 = tpu.vector_load %arg11[%get3A_598, %get3A_599] {strides = array<i32>} : memref<128x64xf32, #tpu.memory_space<vmem>>, vector<1x16xf32>,
        %get3A_601 = vector.shape_cast %get3A_600 : vector<1x16xf32> to vector<16xf32>
        %mul3A_602 = vector.broadcast %squeeze3A_597 : f32 to vector<16xf32>
        %mul3A_603 = arith.mulf %get3A_601, %mul3A_602 : vector<16xf32>
        %swap3A_604 = arith.index_cast %add3A_595 : i32 to index
        %swap3A_605 = arith.constant 0 : index
        %swap3A_606 = tpu.vector_load %arg11[%swap3A_604, %swap3A_605] {strides = array<i32>} : memref<128x64xf32, #tpu.memory_space<vmem>>, vector<1x16xf32>,
        %swap3A_607 = vector.shape_cast %swap3A_606 : vector<1x16xf32> to vector<16xf32>
        %swap3A_608 = vector.shape_cast %mul3A_603 : vector<16xf32> to vector<1x16xf32>
        tpu.vector_store %arg11[%swap3A_604, %swap3A_605], %swap3A_608 {strides = array<i32>} : memref<128x64xf32, #tpu.memory_space<vmem>>, vector<1x16xf32>,
        %get3A_609 = arith.index_cast %add3A_595 : i32 to index
        %get3A_610 = arith.constant 16 : index
        %get3A_611 = tpu.vector_load %arg11[%get3A_609, %get3A_610] {strides = array<i32>} : memref<128x64xf32, #tpu.memory_space<vmem>>, vector<1x16xf32>,
        %get3A_612 = vector.shape_cast %get3A_611 : vector<1x16xf32> to vector<16xf32>
        %mul3A_613 = vector.broadcast %squeeze3A_597 : f32 to vector<16xf32>
        %mul3A_614 = arith.mulf %get3A_612, %mul3A_613 : vector<16xf32>
        %swap3A_615 = arith.index_cast %add3A_595 : i32 to index
        %swap3A_616 = arith.constant 16 : index
        %swap3A_617 = tpu.vector_load %arg11[%swap3A_615, %swap3A_616] {strides = array<i32>} : memref<128x64xf32, #tpu.memory_space<vmem>>, vector<1x16xf32>,
        %swap3A_618 = vector.shape_cast %swap3A_617 : vector<1x16xf32> to vector<16xf32>
        %swap3A_619 = vector.shape_cast %mul3A_614 : vector<16xf32> to vector<1x16xf32>
        tpu.vector_store %arg11[%swap3A_615, %swap3A_616], %swap3A_619 {strides = array<i32>} : memref<128x64xf32, #tpu.memory_space<vmem>>, vector<1x16xf32>,
        %get3A_620 = arith.index_cast %add3A_595 : i32 to index
        %get3A_621 = arith.constant 32 : index
        %get3A_622 = tpu.vector_load %arg11[%get3A_620, %get3A_621] {strides = array<i32>} : memref<128x64xf32, #tpu.memory_space<vmem>>, vector<1x16xf32>,
        %get3A_623 = vector.shape_cast %get3A_622 : vector<1x16xf32> to vector<16xf32>
        %mul3A_624 = vector.broadcast %squeeze3A_597 : f32 to vector<16xf32>
        %mul3A_625 = arith.mulf %get3A_623, %mul3A_624 : vector<16xf32>
        %swap3A_626 = arith.index_cast %add3A_595 : i32 to index
        %swap3A_627 = arith.constant 32 : index
        %swap3A_628 = tpu.vector_load %arg11[%swap3A_626, %swap3A_627] {strides = array<i32>} : memref<128x64xf32, #tpu.memory_space<vmem>>, vector<1x16xf32>,
        %swap3A_629 = vector.shape_cast %swap3A_628 : vector<1x16xf32> to vector<16xf32>
        %swap3A_630 = vector.shape_cast %mul3A_625 : vector<16xf32> to vector<1x16xf32>
        tpu.vector_store %arg11[%swap3A_626, %swap3A_627], %swap3A_630 {strides = array<i32>} : memref<128x64xf32, #tpu.memory_space<vmem>>, vector<1x16xf32>,
        %get3A_631 = arith.index_cast %add3A_595 : i32 to index
        %get3A_632 = arith.constant 48 : index
        %get3A_633 = tpu.vector_load %arg11[%get3A_631, %get3A_632] {strides = array<i32>} : memref<128x64xf32, #tpu.memory_space<vmem>>, vector<1x16xf32>,
        %get3A_634 = vector.shape_cast %get3A_633 : vector<1x16xf32> to vector<16xf32>
        %mul3A_635 = vector.broadcast %squeeze3A_597 : f32 to vector<16xf32>
        %mul3A_636 = arith.mulf %get3A_634, %mul3A_635 : vector<16xf32>
        %swap3A_637 = arith.index_cast %add3A_595 : i32 to index
        %swap3A_638 = arith.constant 48 : index
        %swap3A_639 = tpu.vector_load %arg11[%swap3A_637, %swap3A_638] {strides = array<i32>} : memref<128x64xf32, #tpu.memory_space<vmem>>, vector<1x16xf32>,
        %swap3A_640 = vector.shape_cast %swap3A_639 : vector<1x16xf32> to vector<16xf32>
        %swap3A_641 = vector.shape_cast %mul3A_636 : vector<16xf32> to vector<1x16xf32>
        tpu.vector_store %arg11[%swap3A_637, %swap3A_638], %swap3A_641 {strides = array<i32>} : memref<128x64xf32, #tpu.memory_space<vmem>>, vector<1x16xf32>,
        %mul3A_642 = arith.constant 16 : i32
        %mul3A_643 = arith.muli %mul3A_642, %scan3A_237 : i32
        %add3A_644 = arith.constant 8 : i32
        %add3A_645 = arith.addi %mul3A_643, %add3A_644 : i32
        %slice3A_646 = vector.extract_strided_slice %get3A_243 {offsets = [8], sizes = [1], strides = [1]} : vector<16xf32> to vector<1xf32>
        %squeeze3A_647 = vector.extract %slice3A_646[0] : f32 from vector<1xf32>
        %get3A_648 = arith.index_cast %add3A_645 : i32 to index
        %get3A_649 = arith.constant 0 : index
        %get3A_650 = tpu.vector_load %arg11[%get3A_648, %get3A_649] {strides = array<i32>} : memref<128x64xf32, #tpu.memory_space<vmem>>, vector<1x16xf32>,
        %get3A_651 = vector.shape_cast %get3A_650 : vector<1x16xf32> to vector<16xf32>
        %mul3A_652 = vector.broadcast %squeeze3A_647 : f32 to vector<16xf32>
        %mul3A_653 = arith.mulf %get3A_651, %mul3A_652 : vector<16xf32>
        %swap3A_654 = arith.index_cast %add3A_645 : i32 to index
        %swap3A_655 = arith.constant 0 : index
        %swap3A_656 = tpu.vector_load %arg11[%swap3A_654, %swap3A_655] {strides = array<i32>} : memref<128x64xf32, #tpu.memory_space<vmem>>, vector<1x16xf32>,
        %swap3A_657 = vector.shape_cast %swap3A_656 : vector<1x16xf32> to vector<16xf32>
        %swap3A_658 = vector.shape_cast %mul3A_653 : vector<16xf32> to vector<1x16xf32>
        tpu.vector_store %arg11[%swap3A_654, %swap3A_655], %swap3A_658 {strides = array<i32>} : memref<128x64xf32, #tpu.memory_space<vmem>>, vector<1x16xf32>,
        %get3A_659 = arith.index_cast %add3A_645 : i32 to index
        %get3A_660 = arith.constant 16 : index
        %get3A_661 = tpu.vector_load %arg11[%get3A_659, %get3A_660] {strides = array<i32>} : memref<128x64xf32, #tpu.memory_space<vmem>>, vector<1x16xf32>,
        %get3A_662 = vector.shape_cast %get3A_661 : vector<1x16xf32> to vector<16xf32>
        %mul3A_663 = vector.broadcast %squeeze3A_647 : f32 to vector<16xf32>
        %mul3A_664 = arith.mulf %get3A_662, %mul3A_663 : vector<16xf32>
        %swap3A_665 = arith.index_cast %add3A_645 : i32 to index
        %swap3A_666 = arith.constant 16 : index
        %swap3A_667 = tpu.vector_load %arg11[%swap3A_665, %swap3A_666] {strides = array<i32>} : memref<128x64xf32, #tpu.memory_space<vmem>>, vector<1x16xf32>,
        %swap3A_668 = vector.shape_cast %swap3A_667 : vector<1x16xf32> to vector<16xf32>
        %swap3A_669 = vector.shape_cast %mul3A_664 : vector<16xf32> to vector<1x16xf32>
        tpu.vector_store %arg11[%swap3A_665, %swap3A_666], %swap3A_669 {strides = array<i32>} : memref<128x64xf32, #tpu.memory_space<vmem>>, vector<1x16xf32>,
        %get3A_670 = arith.index_cast %add3A_645 : i32 to index
        %get3A_671 = arith.constant 32 : index
        %get3A_672 = tpu.vector_load %arg11[%get3A_670, %get3A_671] {strides = array<i32>} : memref<128x64xf32, #tpu.memory_space<vmem>>, vector<1x16xf32>,
        %get3A_673 = vector.shape_cast %get3A_672 : vector<1x16xf32> to vector<16xf32>
        %mul3A_674 = vector.broadcast %squeeze3A_647 : f32 to vector<16xf32>
        %mul3A_675 = arith.mulf %get3A_673, %mul3A_674 : vector<16xf32>
        %swap3A_676 = arith.index_cast %add3A_645 : i32 to index
        %swap3A_677 = arith.constant 32 : index
        %swap3A_678 = tpu.vector_load %arg11[%swap3A_676, %swap3A_677] {strides = array<i32>} : memref<128x64xf32, #tpu.memory_space<vmem>>, vector<1x16xf32>,
        %swap3A_679 = vector.shape_cast %swap3A_678 : vector<1x16xf32> to vector<16xf32>
        %swap3A_680 = vector.shape_cast %mul3A_675 : vector<16xf32> to vector<1x16xf32>
        tpu.vector_store %arg11[%swap3A_676, %swap3A_677], %swap3A_680 {strides = array<i32>} : memref<128x64xf32, #tpu.memory_space<vmem>>, vector<1x16xf32>,
        %get3A_681 = arith.index_cast %add3A_645 : i32 to index
        %get3A_682 = arith.constant 48 : index
        %get3A_683 = tpu.vector_load %arg11[%get3A_681, %get3A_682] {strides = array<i32>} : memref<128x64xf32, #tpu.memory_space<vmem>>, vector<1x16xf32>,
        %get3A_684 = vector.shape_cast %get3A_683 : vector<1x16xf32> to vector<16xf32>
        %mul3A_685 = vector.broadcast %squeeze3A_647 : f32 to vector<16xf32>
        %mul3A_686 = arith.mulf %get3A_684, %mul3A_685 : vector<16xf32>
        %swap3A_687 = arith.index_cast %add3A_645 : i32 to index
        %swap3A_688 = arith.constant 48 : index
        %swap3A_689 = tpu.vector_load %arg11[%swap3A_687, %swap3A_688] {strides = array<i32>} : memref<128x64xf32, #tpu.memory_space<vmem>>, vector<1x16xf32>,
        %swap3A_690 = vector.shape_cast %swap3A_689 : vector<1x16xf32> to vector<16xf32>
        %swap3A_691 = vector.shape_cast %mul3A_686 : vector<16xf32> to vector<1x16xf32>
        tpu.vector_store %arg11[%swap3A_687, %swap3A_688], %swap3A_691 {strides = array<i32>} : memref<128x64xf32, #tpu.memory_space<vmem>>, vector<1x16xf32>,
        %mul3A_692 = arith.constant 16 : i32
        %mul3A_693 = arith.muli %mul3A_692, %scan3A_237 : i32
        %add3A_694 = arith.constant 9 : i32
        %add3A_695 = arith.addi %mul3A_693, %add3A_694 : i32
        %slice3A_696 = vector.extract_strided_slice %get3A_243 {offsets = [9], sizes = [1], strides = [1]} : vector<16xf32> to vector<1xf32>
        %squeeze3A_697 = vector.extract %slice3A_696[0] : f32 from vector<1xf32>
        %get3A_698 = arith.index_cast %add3A_695 : i32 to index
        %get3A_699 = arith.constant 0 : index
        %get3A_700 = tpu.vector_load %arg11[%get3A_698, %get3A_699] {strides = array<i32>} : memref<128x64xf32, #tpu.memory_space<vmem>>, vector<1x16xf32>,
        %get3A_701 = vector.shape_cast %get3A_700 : vector<1x16xf32> to vector<16xf32>
        %mul3A_702 = vector.broadcast %squeeze3A_697 : f32 to vector<16xf32>
        %mul3A_703 = arith.mulf %get3A_701, %mul3A_702 : vector<16xf32>
        %swap3A_704 = arith.index_cast %add3A_695 : i32 to index
        %swap3A_705 = arith.constant 0 : index
        %swap3A_706 = tpu.vector_load %arg11[%swap3A_704, %swap3A_705] {strides = array<i32>} : memref<128x64xf32, #tpu.memory_space<vmem>>, vector<1x16xf32>,
        %swap3A_707 = vector.shape_cast %swap3A_706 : vector<1x16xf32> to vector<16xf32>
        %swap3A_708 = vector.shape_cast %mul3A_703 : vector<16xf32> to vector<1x16xf32>
        tpu.vector_store %arg11[%swap3A_704, %swap3A_705], %swap3A_708 {strides = array<i32>} : memref<128x64xf32, #tpu.memory_space<vmem>>, vector<1x16xf32>,
        %get3A_709 = arith.index_cast %add3A_695 : i32 to index
        %get3A_710 = arith.constant 16 : index
        %get3A_711 = tpu.vector_load %arg11[%get3A_709, %get3A_710] {strides = array<i32>} : memref<128x64xf32, #tpu.memory_space<vmem>>, vector<1x16xf32>,
        %get3A_712 = vector.shape_cast %get3A_711 : vector<1x16xf32> to vector<16xf32>
        %mul3A_713 = vector.broadcast %squeeze3A_697 : f32 to vector<16xf32>
        %mul3A_714 = arith.mulf %get3A_712, %mul3A_713 : vector<16xf32>
        %swap3A_715 = arith.index_cast %add3A_695 : i32 to index
        %swap3A_716 = arith.constant 16 : index
        %swap3A_717 = tpu.vector_load %arg11[%swap3A_715, %swap3A_716] {strides = array<i32>} : memref<128x64xf32, #tpu.memory_space<vmem>>, vector<1x16xf32>,
        %swap3A_718 = vector.shape_cast %swap3A_717 : vector<1x16xf32> to vector<16xf32>
        %swap3A_719 = vector.shape_cast %mul3A_714 : vector<16xf32> to vector<1x16xf32>
        tpu.vector_store %arg11[%swap3A_715, %swap3A_716], %swap3A_719 {strides = array<i32>} : memref<128x64xf32, #tpu.memory_space<vmem>>, vector<1x16xf32>,
        %get3A_720 = arith.index_cast %add3A_695 : i32 to index
        %get3A_721 = arith.constant 32 : index
        %get3A_722 = tpu.vector_load %arg11[%get3A_720, %get3A_721] {strides = array<i32>} : memref<128x64xf32, #tpu.memory_space<vmem>>, vector<1x16xf32>,
        %get3A_723 = vector.shape_cast %get3A_722 : vector<1x16xf32> to vector<16xf32>
        %mul3A_724 = vector.broadcast %squeeze3A_697 : f32 to vector<16xf32>
        %mul3A_725 = arith.mulf %get3A_723, %mul3A_724 : vector<16xf32>
        %swap3A_726 = arith.index_cast %add3A_695 : i32 to index
        %swap3A_727 = arith.constant 32 : index
        %swap3A_728 = tpu.vector_load %arg11[%swap3A_726, %swap3A_727] {strides = array<i32>} : memref<128x64xf32, #tpu.memory_space<vmem>>, vector<1x16xf32>,
        %swap3A_729 = vector.shape_cast %swap3A_728 : vector<1x16xf32> to vector<16xf32>
        %swap3A_730 = vector.shape_cast %mul3A_725 : vector<16xf32> to vector<1x16xf32>
        tpu.vector_store %arg11[%swap3A_726, %swap3A_727], %swap3A_730 {strides = array<i32>} : memref<128x64xf32, #tpu.memory_space<vmem>>, vector<1x16xf32>,
        %get3A_731 = arith.index_cast %add3A_695 : i32 to index
        %get3A_732 = arith.constant 48 : index
        %get3A_733 = tpu.vector_load %arg11[%get3A_731, %get3A_732] {strides = array<i32>} : memref<128x64xf32, #tpu.memory_space<vmem>>, vector<1x16xf32>,
        %get3A_734 = vector.shape_cast %get3A_733 : vector<1x16xf32> to vector<16xf32>
        %mul3A_735 = vector.broadcast %squeeze3A_697 : f32 to vector<16xf32>
        %mul3A_736 = arith.mulf %get3A_734, %mul3A_735 : vector<16xf32>
        %swap3A_737 = arith.index_cast %add3A_695 : i32 to index
        %swap3A_738 = arith.constant 48 : index
        %swap3A_739 = tpu.vector_load %arg11[%swap3A_737, %swap3A_738] {strides = array<i32>} : memref<128x64xf32, #tpu.memory_space<vmem>>, vector<1x16xf32>,
        %swap3A_740 = vector.shape_cast %swap3A_739 : vector<1x16xf32> to vector<16xf32>
        %swap3A_741 = vector.shape_cast %mul3A_736 : vector<16xf32> to vector<1x16xf32>
        tpu.vector_store %arg11[%swap3A_737, %swap3A_738], %swap3A_741 {strides = array<i32>} : memref<128x64xf32, #tpu.memory_space<vmem>>, vector<1x16xf32>,
        %mul3A_742 = arith.constant 16 : i32
        %mul3A_743 = arith.muli %mul3A_742, %scan3A_237 : i32
        %add3A_744 = arith.constant 10 : i32
        %add3A_745 = arith.addi %mul3A_743, %add3A_744 : i32
        %slice3A_746 = vector.extract_strided_slice %get3A_243 {offsets = [10], sizes = [1], strides = [1]} : vector<16xf32> to vector<1xf32>
        %squeeze3A_747 = vector.extract %slice3A_746[0] : f32 from vector<1xf32>
        %get3A_748 = arith.index_cast %add3A_745 : i32 to index
        %get3A_749 = arith.constant 0 : index
        %get3A_750 = tpu.vector_load %arg11[%get3A_748, %get3A_749] {strides = array<i32>} : memref<128x64xf32, #tpu.memory_space<vmem>>, vector<1x16xf32>,
        %get3A_751 = vector.shape_cast %get3A_750 : vector<1x16xf32> to vector<16xf32>
        %mul3A_752 = vector.broadcast %squeeze3A_747 : f32 to vector<16xf32>
        %mul3A_753 = arith.mulf %get3A_751, %mul3A_752 : vector<16xf32>
        %swap3A_754 = arith.index_cast %add3A_745 : i32 to index
        %swap3A_755 = arith.constant 0 : index
        %swap3A_756 = tpu.vector_load %arg11[%swap3A_754, %swap3A_755] {strides = array<i32>} : memref<128x64xf32, #tpu.memory_space<vmem>>, vector<1x16xf32>,
        %swap3A_757 = vector.shape_cast %swap3A_756 : vector<1x16xf32> to vector<16xf32>
        %swap3A_758 = vector.shape_cast %mul3A_753 : vector<16xf32> to vector<1x16xf32>
        tpu.vector_store %arg11[%swap3A_754, %swap3A_755], %swap3A_758 {strides = array<i32>} : memref<128x64xf32, #tpu.memory_space<vmem>>, vector<1x16xf32>,
        %get3A_759 = arith.index_cast %add3A_745 : i32 to index
        %get3A_760 = arith.constant 16 : index
        %get3A_761 = tpu.vector_load %arg11[%get3A_759, %get3A_760] {strides = array<i32>} : memref<128x64xf32, #tpu.memory_space<vmem>>, vector<1x16xf32>,
        %get3A_762 = vector.shape_cast %get3A_761 : vector<1x16xf32> to vector<16xf32>
        %mul3A_763 = vector.broadcast %squeeze3A_747 : f32 to vector<16xf32>
        %mul3A_764 = arith.mulf %get3A_762, %mul3A_763 : vector<16xf32>
        %swap3A_765 = arith.index_cast %add3A_745 : i32 to index
        %swap3A_766 = arith.constant 16 : index
        %swap3A_767 = tpu.vector_load %arg11[%swap3A_765, %swap3A_766] {strides = array<i32>} : memref<128x64xf32, #tpu.memory_space<vmem>>, vector<1x16xf32>,
        %swap3A_768 = vector.shape_cast %swap3A_767 : vector<1x16xf32> to vector<16xf32>
        %swap3A_769 = vector.shape_cast %mul3A_764 : vector<16xf32> to vector<1x16xf32>
        tpu.vector_store %arg11[%swap3A_765, %swap3A_766], %swap3A_769 {strides = array<i32>} : memref<128x64xf32, #tpu.memory_space<vmem>>, vector<1x16xf32>,
        %get3A_770 = arith.index_cast %add3A_745 : i32 to index
        %get3A_771 = arith.constant 32 : index
        %get3A_772 = tpu.vector_load %arg11[%get3A_770, %get3A_771] {strides = array<i32>} : memref<128x64xf32, #tpu.memory_space<vmem>>, vector<1x16xf32>,
        %get3A_773 = vector.shape_cast %get3A_772 : vector<1x16xf32> to vector<16xf32>
        %mul3A_774 = vector.broadcast %squeeze3A_747 : f32 to vector<16xf32>
        %mul3A_775 = arith.mulf %get3A_773, %mul3A_774 : vector<16xf32>
        %swap3A_776 = arith.index_cast %add3A_745 : i32 to index
        %swap3A_777 = arith.constant 32 : index
        %swap3A_778 = tpu.vector_load %arg11[%swap3A_776, %swap3A_777] {strides = array<i32>} : memref<128x64xf32, #tpu.memory_space<vmem>>, vector<1x16xf32>,
        %swap3A_779 = vector.shape_cast %swap3A_778 : vector<1x16xf32> to vector<16xf32>
        %swap3A_780 = vector.shape_cast %mul3A_775 : vector<16xf32> to vector<1x16xf32>
        tpu.vector_store %arg11[%swap3A_776, %swap3A_777], %swap3A_780 {strides = array<i32>} : memref<128x64xf32, #tpu.memory_space<vmem>>, vector<1x16xf32>,
        %get3A_781 = arith.index_cast %add3A_745 : i32 to index
        %get3A_782 = arith.constant 48 : index
        %get3A_783 = tpu.vector_load %arg11[%get3A_781, %get3A_782] {strides = array<i32>} : memref<128x64xf32, #tpu.memory_space<vmem>>, vector<1x16xf32>,
        %get3A_784 = vector.shape_cast %get3A_783 : vector<1x16xf32> to vector<16xf32>
        %mul3A_785 = vector.broadcast %squeeze3A_747 : f32 to vector<16xf32>
        %mul3A_786 = arith.mulf %get3A_784, %mul3A_785 : vector<16xf32>
        %swap3A_787 = arith.index_cast %add3A_745 : i32 to index
        %swap3A_788 = arith.constant 48 : index
        %swap3A_789 = tpu.vector_load %arg11[%swap3A_787, %swap3A_788] {strides = array<i32>} : memref<128x64xf32, #tpu.memory_space<vmem>>, vector<1x16xf32>,
        %swap3A_790 = vector.shape_cast %swap3A_789 : vector<1x16xf32> to vector<16xf32>
        %swap3A_791 = vector.shape_cast %mul3A_786 : vector<16xf32> to vector<1x16xf32>
        tpu.vector_store %arg11[%swap3A_787, %swap3A_788], %swap3A_791 {strides = array<i32>} : memref<128x64xf32, #tpu.memory_space<vmem>>, vector<1x16xf32>,
        %mul3A_792 = arith.constant 16 : i32
        %mul3A_793 = arith.muli %mul3A_792, %scan3A_237 : i32
        %add3A_794 = arith.constant 11 : i32
        %add3A_795 = arith.addi %mul3A_793, %add3A_794 : i32
        %slice3A_796 = vector.extract_strided_slice %get3A_243 {offsets = [11], sizes = [1], strides = [1]} : vector<16xf32> to vector<1xf32>
        %squeeze3A_797 = vector.extract %slice3A_796[0] : f32 from vector<1xf32>
        %get3A_798 = arith.index_cast %add3A_795 : i32 to index
        %get3A_799 = arith.constant 0 : index
        %get3A_800 = tpu.vector_load %arg11[%get3A_798, %get3A_799] {strides = array<i32>} : memref<128x64xf32, #tpu.memory_space<vmem>>, vector<1x16xf32>,
        %get3A_801 = vector.shape_cast %get3A_800 : vector<1x16xf32> to vector<16xf32>
        %mul3A_802 = vector.broadcast %squeeze3A_797 : f32 to vector<16xf32>
        %mul3A_803 = arith.mulf %get3A_801, %mul3A_802 : vector<16xf32>
        %swap3A_804 = arith.index_cast %add3A_795 : i32 to index
        %swap3A_805 = arith.constant 0 : index
        %swap3A_806 = tpu.vector_load %arg11[%swap3A_804, %swap3A_805] {strides = array<i32>} : memref<128x64xf32, #tpu.memory_space<vmem>>, vector<1x16xf32>,
        %swap3A_807 = vector.shape_cast %swap3A_806 : vector<1x16xf32> to vector<16xf32>
        %swap3A_808 = vector.shape_cast %mul3A_803 : vector<16xf32> to vector<1x16xf32>
        tpu.vector_store %arg11[%swap3A_804, %swap3A_805], %swap3A_808 {strides = array<i32>} : memref<128x64xf32, #tpu.memory_space<vmem>>, vector<1x16xf32>,
        %get3A_809 = arith.index_cast %add3A_795 : i32 to index
        %get3A_810 = arith.constant 16 : index
        %get3A_811 = tpu.vector_load %arg11[%get3A_809, %get3A_810] {strides = array<i32>} : memref<128x64xf32, #tpu.memory_space<vmem>>, vector<1x16xf32>,
        %get3A_812 = vector.shape_cast %get3A_811 : vector<1x16xf32> to vector<16xf32>
        %mul3A_813 = vector.broadcast %squeeze3A_797 : f32 to vector<16xf32>
        %mul3A_814 = arith.mulf %get3A_812, %mul3A_813 : vector<16xf32>
        %swap3A_815 = arith.index_cast %add3A_795 : i32 to index
        %swap3A_816 = arith.constant 16 : index
        %swap3A_817 = tpu.vector_load %arg11[%swap3A_815, %swap3A_816] {strides = array<i32>} : memref<128x64xf32, #tpu.memory_space<vmem>>, vector<1x16xf32>,
        %swap3A_818 = vector.shape_cast %swap3A_817 : vector<1x16xf32> to vector<16xf32>
        %swap3A_819 = vector.shape_cast %mul3A_814 : vector<16xf32> to vector<1x16xf32>
        tpu.vector_store %arg11[%swap3A_815, %swap3A_816], %swap3A_819 {strides = array<i32>} : memref<128x64xf32, #tpu.memory_space<vmem>>, vector<1x16xf32>,
        %get3A_820 = arith.index_cast %add3A_795 : i32 to index
        %get3A_821 = arith.constant 32 : index
        %get3A_822 = tpu.vector_load %arg11[%get3A_820, %get3A_821] {strides = array<i32>} : memref<128x64xf32, #tpu.memory_space<vmem>>, vector<1x16xf32>,
        %get3A_823 = vector.shape_cast %get3A_822 : vector<1x16xf32> to vector<16xf32>
        %mul3A_824 = vector.broadcast %squeeze3A_797 : f32 to vector<16xf32>
        %mul3A_825 = arith.mulf %get3A_823, %mul3A_824 : vector<16xf32>
        %swap3A_826 = arith.index_cast %add3A_795 : i32 to index
        %swap3A_827 = arith.constant 32 : index
        %swap3A_828 = tpu.vector_load %arg11[%swap3A_826, %swap3A_827] {strides = array<i32>} : memref<128x64xf32, #tpu.memory_space<vmem>>, vector<1x16xf32>,
        %swap3A_829 = vector.shape_cast %swap3A_828 : vector<1x16xf32> to vector<16xf32>
        %swap3A_830 = vector.shape_cast %mul3A_825 : vector<16xf32> to vector<1x16xf32>
        tpu.vector_store %arg11[%swap3A_826, %swap3A_827], %swap3A_830 {strides = array<i32>} : memref<128x64xf32, #tpu.memory_space<vmem>>, vector<1x16xf32>,
        %get3A_831 = arith.index_cast %add3A_795 : i32 to index
        %get3A_832 = arith.constant 48 : index
        %get3A_833 = tpu.vector_load %arg11[%get3A_831, %get3A_832] {strides = array<i32>} : memref<128x64xf32, #tpu.memory_space<vmem>>, vector<1x16xf32>,
        %get3A_834 = vector.shape_cast %get3A_833 : vector<1x16xf32> to vector<16xf32>
        %mul3A_835 = vector.broadcast %squeeze3A_797 : f32 to vector<16xf32>
        %mul3A_836 = arith.mulf %get3A_834, %mul3A_835 : vector<16xf32>
        %swap3A_837 = arith.index_cast %add3A_795 : i32 to index
        %swap3A_838 = arith.constant 48 : index
        %swap3A_839 = tpu.vector_load %arg11[%swap3A_837, %swap3A_838] {strides = array<i32>} : memref<128x64xf32, #tpu.memory_space<vmem>>, vector<1x16xf32>,
        %swap3A_840 = vector.shape_cast %swap3A_839 : vector<1x16xf32> to vector<16xf32>
        %swap3A_841 = vector.shape_cast %mul3A_836 : vector<16xf32> to vector<1x16xf32>
        tpu.vector_store %arg11[%swap3A_837, %swap3A_838], %swap3A_841 {strides = array<i32>} : memref<128x64xf32, #tpu.memory_space<vmem>>, vector<1x16xf32>,
        %mul3A_842 = arith.constant 16 : i32
        %mul3A_843 = arith.muli %mul3A_842, %scan3A_237 : i32
        %add3A_844 = arith.constant 12 : i32
        %add3A_845 = arith.addi %mul3A_843, %add3A_844 : i32
        %slice3A_846 = vector.extract_strided_slice %get3A_243 {offsets = [12], sizes = [1], strides = [1]} : vector<16xf32> to vector<1xf32>
        %squeeze3A_847 = vector.extract %slice3A_846[0] : f32 from vector<1xf32>
        %get3A_848 = arith.index_cast %add3A_845 : i32 to index
        %get3A_849 = arith.constant 0 : index
        %get3A_850 = tpu.vector_load %arg11[%get3A_848, %get3A_849] {strides = array<i32>} : memref<128x64xf32, #tpu.memory_space<vmem>>, vector<1x16xf32>,
        %get3A_851 = vector.shape_cast %get3A_850 : vector<1x16xf32> to vector<16xf32>
        %mul3A_852 = vector.broadcast %squeeze3A_847 : f32 to vector<16xf32>
        %mul3A_853 = arith.mulf %get3A_851, %mul3A_852 : vector<16xf32>
        %swap3A_854 = arith.index_cast %add3A_845 : i32 to index
        %swap3A_855 = arith.constant 0 : index
        %swap3A_856 = tpu.vector_load %arg11[%swap3A_854, %swap3A_855] {strides = array<i32>} : memref<128x64xf32, #tpu.memory_space<vmem>>, vector<1x16xf32>,
        %swap3A_857 = vector.shape_cast %swap3A_856 : vector<1x16xf32> to vector<16xf32>
        %swap3A_858 = vector.shape_cast %mul3A_853 : vector<16xf32> to vector<1x16xf32>
        tpu.vector_store %arg11[%swap3A_854, %swap3A_855], %swap3A_858 {strides = array<i32>} : memref<128x64xf32, #tpu.memory_space<vmem>>, vector<1x16xf32>,
        %get3A_859 = arith.index_cast %add3A_845 : i32 to index
        %get3A_860 = arith.constant 16 : index
        %get3A_861 = tpu.vector_load %arg11[%get3A_859, %get3A_860] {strides = array<i32>} : memref<128x64xf32, #tpu.memory_space<vmem>>, vector<1x16xf32>,
        %get3A_862 = vector.shape_cast %get3A_861 : vector<1x16xf32> to vector<16xf32>
        %mul3A_863 = vector.broadcast %squeeze3A_847 : f32 to vector<16xf32>
        %mul3A_864 = arith.mulf %get3A_862, %mul3A_863 : vector<16xf32>
        %swap3A_865 = arith.index_cast %add3A_845 : i32 to index
        %swap3A_866 = arith.constant 16 : index
        %swap3A_867 = tpu.vector_load %arg11[%swap3A_865, %swap3A_866] {strides = array<i32>} : memref<128x64xf32, #tpu.memory_space<vmem>>, vector<1x16xf32>,
        %swap3A_868 = vector.shape_cast %swap3A_867 : vector<1x16xf32> to vector<16xf32>
        %swap3A_869 = vector.shape_cast %mul3A_864 : vector<16xf32> to vector<1x16xf32>
        tpu.vector_store %arg11[%swap3A_865, %swap3A_866], %swap3A_869 {strides = array<i32>} : memref<128x64xf32, #tpu.memory_space<vmem>>, vector<1x16xf32>,
        %get3A_870 = arith.index_cast %add3A_845 : i32 to index
        %get3A_871 = arith.constant 32 : index
        %get3A_872 = tpu.vector_load %arg11[%get3A_870, %get3A_871] {strides = array<i32>} : memref<128x64xf32, #tpu.memory_space<vmem>>, vector<1x16xf32>,
        %get3A_873 = vector.shape_cast %get3A_872 : vector<1x16xf32> to vector<16xf32>
        %mul3A_874 = vector.broadcast %squeeze3A_847 : f32 to vector<16xf32>
        %mul3A_875 = arith.mulf %get3A_873, %mul3A_874 : vector<16xf32>
        %swap3A_876 = arith.index_cast %add3A_845 : i32 to index
        %swap3A_877 = arith.constant 32 : index
        %swap3A_878 = tpu.vector_load %arg11[%swap3A_876, %swap3A_877] {strides = array<i32>} : memref<128x64xf32, #tpu.memory_space<vmem>>, vector<1x16xf32>,
        %swap3A_879 = vector.shape_cast %swap3A_878 : vector<1x16xf32> to vector<16xf32>
        %swap3A_880 = vector.shape_cast %mul3A_875 : vector<16xf32> to vector<1x16xf32>
        tpu.vector_store %arg11[%swap3A_876, %swap3A_877], %swap3A_880 {strides = array<i32>} : memref<128x64xf32, #tpu.memory_space<vmem>>, vector<1x16xf32>,
        %get3A_881 = arith.index_cast %add3A_845 : i32 to index
        %get3A_882 = arith.constant 48 : index
        %get3A_883 = tpu.vector_load %arg11[%get3A_881, %get3A_882] {strides = array<i32>} : memref<128x64xf32, #tpu.memory_space<vmem>>, vector<1x16xf32>,
        %get3A_884 = vector.shape_cast %get3A_883 : vector<1x16xf32> to vector<16xf32>
        %mul3A_885 = vector.broadcast %squeeze3A_847 : f32 to vector<16xf32>
        %mul3A_886 = arith.mulf %get3A_884, %mul3A_885 : vector<16xf32>
        %swap3A_887 = arith.index_cast %add3A_845 : i32 to index
        %swap3A_888 = arith.constant 48 : index
        %swap3A_889 = tpu.vector_load %arg11[%swap3A_887, %swap3A_888] {strides = array<i32>} : memref<128x64xf32, #tpu.memory_space<vmem>>, vector<1x16xf32>,
        %swap3A_890 = vector.shape_cast %swap3A_889 : vector<1x16xf32> to vector<16xf32>
        %swap3A_891 = vector.shape_cast %mul3A_886 : vector<16xf32> to vector<1x16xf32>
        tpu.vector_store %arg11[%swap3A_887, %swap3A_888], %swap3A_891 {strides = array<i32>} : memref<128x64xf32, #tpu.memory_space<vmem>>, vector<1x16xf32>,
        %mul3A_892 = arith.constant 16 : i32
        %mul3A_893 = arith.muli %mul3A_892, %scan3A_237 : i32
        %add3A_894 = arith.constant 13 : i32
        %add3A_895 = arith.addi %mul3A_893, %add3A_894 : i32
        %slice3A_896 = vector.extract_strided_slice %get3A_243 {offsets = [13], sizes = [1], strides = [1]} : vector<16xf32> to vector<1xf32>
        %squeeze3A_897 = vector.extract %slice3A_896[0] : f32 from vector<1xf32>
        %get3A_898 = arith.index_cast %add3A_895 : i32 to index
        %get3A_899 = arith.constant 0 : index
        %get3A_900 = tpu.vector_load %arg11[%get3A_898, %get3A_899] {strides = array<i32>} : memref<128x64xf32, #tpu.memory_space<vmem>>, vector<1x16xf32>,
        %get3A_901 = vector.shape_cast %get3A_900 : vector<1x16xf32> to vector<16xf32>
        %mul3A_902 = vector.broadcast %squeeze3A_897 : f32 to vector<16xf32>
        %mul3A_903 = arith.mulf %get3A_901, %mul3A_902 : vector<16xf32>
        %swap3A_904 = arith.index_cast %add3A_895 : i32 to index
        %swap3A_905 = arith.constant 0 : index
        %swap3A_906 = tpu.vector_load %arg11[%swap3A_904, %swap3A_905] {strides = array<i32>} : memref<128x64xf32, #tpu.memory_space<vmem>>, vector<1x16xf32>,
        %swap3A_907 = vector.shape_cast %swap3A_906 : vector<1x16xf32> to vector<16xf32>
        %swap3A_908 = vector.shape_cast %mul3A_903 : vector<16xf32> to vector<1x16xf32>
        tpu.vector_store %arg11[%swap3A_904, %swap3A_905], %swap3A_908 {strides = array<i32>} : memref<128x64xf32, #tpu.memory_space<vmem>>, vector<1x16xf32>,
        %get3A_909 = arith.index_cast %add3A_895 : i32 to index
        %get3A_910 = arith.constant 16 : index
        %get3A_911 = tpu.vector_load %arg11[%get3A_909, %get3A_910] {strides = array<i32>} : memref<128x64xf32, #tpu.memory_space<vmem>>, vector<1x16xf32>,
        %get3A_912 = vector.shape_cast %get3A_911 : vector<1x16xf32> to vector<16xf32>
        %mul3A_913 = vector.broadcast %squeeze3A_897 : f32 to vector<16xf32>
        %mul3A_914 = arith.mulf %get3A_912, %mul3A_913 : vector<16xf32>
        %swap3A_915 = arith.index_cast %add3A_895 : i32 to index
        %swap3A_916 = arith.constant 16 : index
        %swap3A_917 = tpu.vector_load %arg11[%swap3A_915, %swap3A_916] {strides = array<i32>} : memref<128x64xf32, #tpu.memory_space<vmem>>, vector<1x16xf32>,
        %swap3A_918 = vector.shape_cast %swap3A_917 : vector<1x16xf32> to vector<16xf32>
        %swap3A_919 = vector.shape_cast %mul3A_914 : vector<16xf32> to vector<1x16xf32>
        tpu.vector_store %arg11[%swap3A_915, %swap3A_916], %swap3A_919 {strides = array<i32>} : memref<128x64xf32, #tpu.memory_space<vmem>>, vector<1x16xf32>,
        %get3A_920 = arith.index_cast %add3A_895 : i32 to index
        %get3A_921 = arith.constant 32 : index
        %get3A_922 = tpu.vector_load %arg11[%get3A_920, %get3A_921] {strides = array<i32>} : memref<128x64xf32, #tpu.memory_space<vmem>>, vector<1x16xf32>,
        %get3A_923 = vector.shape_cast %get3A_922 : vector<1x16xf32> to vector<16xf32>
        %mul3A_924 = vector.broadcast %squeeze3A_897 : f32 to vector<16xf32>
        %mul3A_925 = arith.mulf %get3A_923, %mul3A_924 : vector<16xf32>
        %swap3A_926 = arith.index_cast %add3A_895 : i32 to index
        %swap3A_927 = arith.constant 32 : index
        %swap3A_928 = tpu.vector_load %arg11[%swap3A_926, %swap3A_927] {strides = array<i32>} : memref<128x64xf32, #tpu.memory_space<vmem>>, vector<1x16xf32>,
        %swap3A_929 = vector.shape_cast %swap3A_928 : vector<1x16xf32> to vector<16xf32>
        %swap3A_930 = vector.shape_cast %mul3A_925 : vector<16xf32> to vector<1x16xf32>
        tpu.vector_store %arg11[%swap3A_926, %swap3A_927], %swap3A_930 {strides = array<i32>} : memref<128x64xf32, #tpu.memory_space<vmem>>, vector<1x16xf32>,
        %get3A_931 = arith.index_cast %add3A_895 : i32 to index
        %get3A_932 = arith.constant 48 : index
        %get3A_933 = tpu.vector_load %arg11[%get3A_931, %get3A_932] {strides = array<i32>} : memref<128x64xf32, #tpu.memory_space<vmem>>, vector<1x16xf32>,
        %get3A_934 = vector.shape_cast %get3A_933 : vector<1x16xf32> to vector<16xf32>
        %mul3A_935 = vector.broadcast %squeeze3A_897 : f32 to vector<16xf32>
        %mul3A_936 = arith.mulf %get3A_934, %mul3A_935 : vector<16xf32>
        %swap3A_937 = arith.index_cast %add3A_895 : i32 to index
        %swap3A_938 = arith.constant 48 : index
        %swap3A_939 = tpu.vector_load %arg11[%swap3A_937, %swap3A_938] {strides = array<i32>} : memref<128x64xf32, #tpu.memory_space<vmem>>, vector<1x16xf32>,
        %swap3A_940 = vector.shape_cast %swap3A_939 : vector<1x16xf32> to vector<16xf32>
        %swap3A_941 = vector.shape_cast %mul3A_936 : vector<16xf32> to vector<1x16xf32>
        tpu.vector_store %arg11[%swap3A_937, %swap3A_938], %swap3A_941 {strides = array<i32>} : memref<128x64xf32, #tpu.memory_space<vmem>>, vector<1x16xf32>,
        %mul3A_942 = arith.constant 16 : i32
        %mul3A_943 = arith.muli %mul3A_942, %scan3A_237 : i32
        %add3A_944 = arith.constant 14 : i32
        %add3A_945 = arith.addi %mul3A_943, %add3A_944 : i32
        %slice3A_946 = vector.extract_strided_slice %get3A_243 {offsets = [14], sizes = [1], strides = [1]} : vector<16xf32> to vector<1xf32>
        %squeeze3A_947 = vector.extract %slice3A_946[0] : f32 from vector<1xf32>
        %get3A_948 = arith.index_cast %add3A_945 : i32 to index
        %get3A_949 = arith.constant 0 : index
        %get3A_950 = tpu.vector_load %arg11[%get3A_948, %get3A_949] {strides = array<i32>} : memref<128x64xf32, #tpu.memory_space<vmem>>, vector<1x16xf32>,
        %get3A_951 = vector.shape_cast %get3A_950 : vector<1x16xf32> to vector<16xf32>
        %mul3A_952 = vector.broadcast %squeeze3A_947 : f32 to vector<16xf32>
        %mul3A_953 = arith.mulf %get3A_951, %mul3A_952 : vector<16xf32>
        %swap3A_954 = arith.index_cast %add3A_945 : i32 to index
        %swap3A_955 = arith.constant 0 : index
        %swap3A_956 = tpu.vector_load %arg11[%swap3A_954, %swap3A_955] {strides = array<i32>} : memref<128x64xf32, #tpu.memory_space<vmem>>, vector<1x16xf32>,
        %swap3A_957 = vector.shape_cast %swap3A_956 : vector<1x16xf32> to vector<16xf32>
        %swap3A_958 = vector.shape_cast %mul3A_953 : vector<16xf32> to vector<1x16xf32>
        tpu.vector_store %arg11[%swap3A_954, %swap3A_955], %swap3A_958 {strides = array<i32>} : memref<128x64xf32, #tpu.memory_space<vmem>>, vector<1x16xf32>,
        %get3A_959 = arith.index_cast %add3A_945 : i32 to index
        %get3A_960 = arith.constant 16 : index
        %get3A_961 = tpu.vector_load %arg11[%get3A_959, %get3A_960] {strides = array<i32>} : memref<128x64xf32, #tpu.memory_space<vmem>>, vector<1x16xf32>,
        %get3A_962 = vector.shape_cast %get3A_961 : vector<1x16xf32> to vector<16xf32>
        %mul3A_963 = vector.broadcast %squeeze3A_947 : f32 to vector<16xf32>
        %mul3A_964 = arith.mulf %get3A_962, %mul3A_963 : vector<16xf32>
        %swap3A_965 = arith.index_cast %add3A_945 : i32 to index
        %swap3A_966 = arith.constant 16 : index
        %swap3A_967 = tpu.vector_load %arg11[%swap3A_965, %swap3A_966] {strides = array<i32>} : memref<128x64xf32, #tpu.memory_space<vmem>>, vector<1x16xf32>,
        %swap3A_968 = vector.shape_cast %swap3A_967 : vector<1x16xf32> to vector<16xf32>
        %swap3A_969 = vector.shape_cast %mul3A_964 : vector<16xf32> to vector<1x16xf32>
        tpu.vector_store %arg11[%swap3A_965, %swap3A_966], %swap3A_969 {strides = array<i32>} : memref<128x64xf32, #tpu.memory_space<vmem>>, vector<1x16xf32>,
        %get3A_970 = arith.index_cast %add3A_945 : i32 to index
        %get3A_971 = arith.constant 32 : index
        %get3A_972 = tpu.vector_load %arg11[%get3A_970, %get3A_971] {strides = array<i32>} : memref<128x64xf32, #tpu.memory_space<vmem>>, vector<1x16xf32>,
        %get3A_973 = vector.shape_cast %get3A_972 : vector<1x16xf32> to vector<16xf32>
        %mul3A_974 = vector.broadcast %squeeze3A_947 : f32 to vector<16xf32>
        %mul3A_975 = arith.mulf %get3A_973, %mul3A_974 : vector<16xf32>
        %swap3A_976 = arith.index_cast %add3A_945 : i32 to index
        %swap3A_977 = arith.constant 32 : index
        %swap3A_978 = tpu.vector_load %arg11[%swap3A_976, %swap3A_977] {strides = array<i32>} : memref<128x64xf32, #tpu.memory_space<vmem>>, vector<1x16xf32>,
        %swap3A_979 = vector.shape_cast %swap3A_978 : vector<1x16xf32> to vector<16xf32>
        %swap3A_980 = vector.shape_cast %mul3A_975 : vector<16xf32> to vector<1x16xf32>
        tpu.vector_store %arg11[%swap3A_976, %swap3A_977], %swap3A_980 {strides = array<i32>} : memref<128x64xf32, #tpu.memory_space<vmem>>, vector<1x16xf32>,
        %get3A_981 = arith.index_cast %add3A_945 : i32 to index
        %get3A_982 = arith.constant 48 : index
        %get3A_983 = tpu.vector_load %arg11[%get3A_981, %get3A_982] {strides = array<i32>} : memref<128x64xf32, #tpu.memory_space<vmem>>, vector<1x16xf32>,
        %get3A_984 = vector.shape_cast %get3A_983 : vector<1x16xf32> to vector<16xf32>
        %mul3A_985 = vector.broadcast %squeeze3A_947 : f32 to vector<16xf32>
        %mul3A_986 = arith.mulf %get3A_984, %mul3A_985 : vector<16xf32>
        %swap3A_987 = arith.index_cast %add3A_945 : i32 to index
        %swap3A_988 = arith.constant 48 : index
        %swap3A_989 = tpu.vector_load %arg11[%swap3A_987, %swap3A_988] {strides = array<i32>} : memref<128x64xf32, #tpu.memory_space<vmem>>, vector<1x16xf32>,
        %swap3A_990 = vector.shape_cast %swap3A_989 : vector<1x16xf32> to vector<16xf32>
        %swap3A_991 = vector.shape_cast %mul3A_986 : vector<16xf32> to vector<1x16xf32>
        tpu.vector_store %arg11[%swap3A_987, %swap3A_988], %swap3A_991 {strides = array<i32>} : memref<128x64xf32, #tpu.memory_space<vmem>>, vector<1x16xf32>,
        %mul3A_992 = arith.constant 16 : i32
        %mul3A_993 = arith.muli %mul3A_992, %scan3A_237 : i32
        %add3A_994 = arith.constant 15 : i32
        %add3A_995 = arith.addi %mul3A_993, %add3A_994 : i32
        %slice3A_996 = vector.extract_strided_slice %get3A_243 {offsets = [15], sizes = [1], strides = [1]} : vector<16xf32> to vector<1xf32>
        %squeeze3A_997 = vector.extract %slice3A_996[0] : f32 from vector<1xf32>
        %get3A_998 = arith.index_cast %add3A_995 : i32 to index
        %get3A_999 = arith.constant 0 : index
        %get3A_1000 = tpu.vector_load %arg11[%get3A_998, %get3A_999] {strides = array<i32>} : memref<128x64xf32, #tpu.memory_space<vmem>>, vector<1x16xf32>,
        %get3A_1001 = vector.shape_cast %get3A_1000 : vector<1x16xf32> to vector<16xf32>
        %mul3A_1002 = vector.broadcast %squeeze3A_997 : f32 to vector<16xf32>
        %mul3A_1003 = arith.mulf %get3A_1001, %mul3A_1002 : vector<16xf32>
        %swap3A_1004 = arith.index_cast %add3A_995 : i32 to index
        %swap3A_1005 = arith.constant 0 : index
        %swap3A_1006 = tpu.vector_load %arg11[%swap3A_1004, %swap3A_1005] {strides = array<i32>} : memref<128x64xf32, #tpu.memory_space<vmem>>, vector<1x16xf32>,
        %swap3A_1007 = vector.shape_cast %swap3A_1006 : vector<1x16xf32> to vector<16xf32>
        %swap3A_1008 = vector.shape_cast %mul3A_1003 : vector<16xf32> to vector<1x16xf32>
        tpu.vector_store %arg11[%swap3A_1004, %swap3A_1005], %swap3A_1008 {strides = array<i32>} : memref<128x64xf32, #tpu.memory_space<vmem>>, vector<1x16xf32>,
        %get3A_1009 = arith.index_cast %add3A_995 : i32 to index
        %get3A_1010 = arith.constant 16 : index
        %get3A_1011 = tpu.vector_load %arg11[%get3A_1009, %get3A_1010] {strides = array<i32>} : memref<128x64xf32, #tpu.memory_space<vmem>>, vector<1x16xf32>,
        %get3A_1012 = vector.shape_cast %get3A_1011 : vector<1x16xf32> to vector<16xf32>
        %mul3A_1013 = vector.broadcast %squeeze3A_997 : f32 to vector<16xf32>
        %mul3A_1014 = arith.mulf %get3A_1012, %mul3A_1013 : vector<16xf32>
        %swap3A_1015 = arith.index_cast %add3A_995 : i32 to index
        %swap3A_1016 = arith.constant 16 : index
        %swap3A_1017 = tpu.vector_load %arg11[%swap3A_1015, %swap3A_1016] {strides = array<i32>} : memref<128x64xf32, #tpu.memory_space<vmem>>, vector<1x16xf32>,
        %swap3A_1018 = vector.shape_cast %swap3A_1017 : vector<1x16xf32> to vector<16xf32>
        %swap3A_1019 = vector.shape_cast %mul3A_1014 : vector<16xf32> to vector<1x16xf32>
        tpu.vector_store %arg11[%swap3A_1015, %swap3A_1016], %swap3A_1019 {strides = array<i32>} : memref<128x64xf32, #tpu.memory_space<vmem>>, vector<1x16xf32>,
        %get3A_1020 = arith.index_cast %add3A_995 : i32 to index
        %get3A_1021 = arith.constant 32 : index
        %get3A_1022 = tpu.vector_load %arg11[%get3A_1020, %get3A_1021] {strides = array<i32>} : memref<128x64xf32, #tpu.memory_space<vmem>>, vector<1x16xf32>,
        %get3A_1023 = vector.shape_cast %get3A_1022 : vector<1x16xf32> to vector<16xf32>
        %mul3A_1024 = vector.broadcast %squeeze3A_997 : f32 to vector<16xf32>
        %mul3A_1025 = arith.mulf %get3A_1023, %mul3A_1024 : vector<16xf32>
        %swap3A_1026 = arith.index_cast %add3A_995 : i32 to index
        %swap3A_1027 = arith.constant 32 : index
        %swap3A_1028 = tpu.vector_load %arg11[%swap3A_1026, %swap3A_1027] {strides = array<i32>} : memref<128x64xf32, #tpu.memory_space<vmem>>, vector<1x16xf32>,
        %swap3A_1029 = vector.shape_cast %swap3A_1028 : vector<1x16xf32> to vector<16xf32>
        %swap3A_1030 = vector.shape_cast %mul3A_1025 : vector<16xf32> to vector<1x16xf32>
        tpu.vector_store %arg11[%swap3A_1026, %swap3A_1027], %swap3A_1030 {strides = array<i32>} : memref<128x64xf32, #tpu.memory_space<vmem>>, vector<1x16xf32>,
        %get3A_1031 = arith.index_cast %add3A_995 : i32 to index
        %get3A_1032 = arith.constant 48 : index
        %get3A_1033 = tpu.vector_load %arg11[%get3A_1031, %get3A_1032] {strides = array<i32>} : memref<128x64xf32, #tpu.memory_space<vmem>>, vector<1x16xf32>,
        %get3A_1034 = vector.shape_cast %get3A_1033 : vector<1x16xf32> to vector<16xf32>
        %mul3A_1035 = vector.broadcast %squeeze3A_997 : f32 to vector<16xf32>
        %mul3A_1036 = arith.mulf %get3A_1034, %mul3A_1035 : vector<16xf32>
        %swap3A_1037 = arith.index_cast %add3A_995 : i32 to index
        %swap3A_1038 = arith.constant 48 : index
        %swap3A_1039 = tpu.vector_load %arg11[%swap3A_1037, %swap3A_1038] {strides = array<i32>} : memref<128x64xf32, #tpu.memory_space<vmem>>, vector<1x16xf32>,
        %swap3A_1040 = vector.shape_cast %swap3A_1039 : vector<1x16xf32> to vector<16xf32>
        %swap3A_1041 = vector.shape_cast %mul3A_1036 : vector<16xf32> to vector<1x16xf32>
        tpu.vector_store %arg11[%swap3A_1037, %swap3A_1038], %swap3A_1041 {strides = array<i32>} : memref<128x64xf32, #tpu.memory_space<vmem>>, vector<1x16xf32>,
        %scan3A_1042 = arith.constant 0 : i32
        scf.yield %scan3A_1042 : i32
      }
      %scan3A_235 = arith.constant 8 : i32
      "tpu.region"() ({
        %run_scoped3A = tpu.sem_alloc : memref<!tpu.dma_semaphore, #tpu.memory_space<semaphore_mem>>
        %dma_start3A_237 = arith.constant 0 : i32
        %dma_start3A_238 = arith.constant 0 : i32
        %dma_start3A_239 = tpu.memref_slice %arg13[%dma_start3A_237, %dma_start3A_238] : memref<25600x64xf32, #tpu.memory_space<vmem_shared>> -> memref<25600x64xf32, #tpu.memory_space<vmem_shared>>
        tpu.enqueue_indirect_dma source(%arg11 : memref<128x64xf32, #tpu.memory_space<vmem>>) target(%dma_start3A_239 : memref<25600x64xf32, #tpu.memory_space<vmem_shared>>) offsets(%arg10 : memref<128xi32, #tpu.memory_space<vmem>>) semaphore(%run_scoped3A : memref<!tpu.dma_semaphore, #tpu.memory_space<semaphore_mem>>) {add = true}
        %dma_wait3A_240 = arith.constant 0 : i32
        %dma_wait3A_241 = arith.constant 0 : i32
        %dma_wait3A_242 = tpu.memref_slice %arg13[%dma_wait3A_240, %dma_wait3A_241] : memref<25600x64xf32, #tpu.memory_space<vmem_shared>> -> memref<25600x64xf32, #tpu.memory_space<vmem_shared>>
        tpu.wait_indirect_dma semaphore(%run_scoped3A : memref<!tpu.dma_semaphore, #tpu.memory_space<semaphore_mem>>) src(%arg11 : memref<128x64xf32, #tpu.memory_space<vmem>>) dst(%dma_wait3A_242 : memref<25600x64xf32, #tpu.memory_space<vmem_shared>>)
        tpu.yield
      }) : () -> ()
      %scan3A_236 = arith.constant 0 : i32
      scf.yield %scan3A_236 : i32
    }
    %scan3A_22 = arith.constant 391 : i32
    %barrier3A_23 = arith.constant 0 : index
    tpu.barrier barrier_id(%barrier3A_23)
    %add3A = arith.constant 0 : i32
    %add3A_24 = arith.addi %arg1, %add3A : i32
    %lt3A = arith.constant 125 : i32
    %lt3A_25 = arith.cmpi slt, %add3A_24, %lt3A : i32
    %convert_element_type3A = arith.extui %lt3A_25 : i1 to i32
    %cond3A = arith.constant 0 : i32
    %cond3A_26 = arith.cmpi ne, %convert_element_type3A, %cond3A : i32
    scf.if %cond3A_26 {
      %mul3A_76 = arith.constant 200 : i32
      %mul3A_77 = arith.muli %add3A_24, %mul3A_76 : i32
      %multiple_of3A = tpu.assume_multiple %mul3A_77, 8 : i32
      %mul3A_78 = arith.constant 200 : i32
      %mul3A_79 = arith.muli %add3A_24, %mul3A_78 : i32
      %add3A_80 = arith.addi %mul3A_0, %mul3A_79 : i32
      %multiple_of3A_81 = tpu.assume_multiple %add3A_80, 8 : i32
      "tpu.region"() ({
        %run_scoped3A = tpu.sem_alloc : memref<!tpu.dma_semaphore, #tpu.memory_space<semaphore_mem>>
        %dma_start3A = arith.constant 0 : i32
        %dma_start3A_82 = tpu.memref_slice %arg6[%multiple_of3A_81, %dma_start3A] : memref<50000x64xf32, #tpu.memory_space<hbm>> -> memref<200x64xf32, #tpu.memory_space<hbm>>
        %dma_start3A_83 = arith.constant 0 : i32
        %dma_start3A_84 = tpu.memref_slice %arg13[%multiple_of3A, %dma_start3A_83] : memref<25600x64xf32, #tpu.memory_space<vmem_shared>> -> memref<200x64xf32, #tpu.memory_space<vmem_shared>>
        tpu.enqueue_dma source(%dma_start3A_84 : memref<200x64xf32, #tpu.memory_space<vmem_shared>>) target(%dma_start3A_82 : memref<200x64xf32, #tpu.memory_space<hbm>>) target_semaphore(%run_scoped3A : memref<!tpu.dma_semaphore, #tpu.memory_space<semaphore_mem>>)
        %dma_wait3A = arith.constant 0 : i32
        %dma_wait3A_85 = tpu.memref_slice %arg6[%multiple_of3A_81, %dma_wait3A] : memref<50000x64xf32, #tpu.memory_space<hbm>> -> memref<200x64xf32, #tpu.memory_space<hbm>>
        %dma_wait3A_86 = arith.constant 0 : i32
        %dma_wait3A_87 = tpu.memref_slice %arg13[%multiple_of3A, %dma_wait3A_86] : memref<25600x64xf32, #tpu.memory_space<vmem_shared>> -> memref<200x64xf32, #tpu.memory_space<vmem_shared>>
        tpu.wait_dma2 semaphore(%run_scoped3A : memref<!tpu.dma_semaphore, #tpu.memory_space<semaphore_mem>>) src(%dma_wait3A_87 : memref<200x64xf32, #tpu.memory_space<vmem_shared>>) dst(%dma_wait3A_85 : memref<200x64xf32, #tpu.memory_space<hbm>>)
        tpu.yield
      }) : () -> ()
    } else {
    }
    %add3A_27 = arith.constant 16 : i32
    %add3A_28 = arith.addi %arg1, %add3A_27 : i32
    %lt3A_29 = arith.constant 125 : i32
    %lt3A_30 = arith.cmpi slt, %add3A_28, %lt3A_29 : i32
    %convert_element_type3A_31 = arith.extui %lt3A_30 : i1 to i32
    %cond3A_32 = arith.constant 0 : i32
    %cond3A_33 = arith.cmpi ne, %convert_element_type3A_31, %cond3A_32 : i32
    scf.if %cond3A_33 {
      %mul3A_76 = arith.constant 200 : i32
      %mul3A_77 = arith.muli %add3A_28, %mul3A_76 : i32
      %multiple_of3A = tpu.assume_multiple %mul3A_77, 8 : i32
      %mul3A_78 = arith.constant 200 : i32
      %mul3A_79 = arith.muli %add3A_28, %mul3A_78 : i32
      %add3A_80 = arith.addi %mul3A_0, %mul3A_79 : i32
      %multiple_of3A_81 = tpu.assume_multiple %add3A_80, 8 : i32
      "tpu.region"() ({
        %run_scoped3A = tpu.sem_alloc : memref<!tpu.dma_semaphore, #tpu.memory_space<semaphore_mem>>
        %dma_start3A = arith.constant 0 : i32
        %dma_start3A_82 = tpu.memref_slice %arg6[%multiple_of3A_81, %dma_start3A] : memref<50000x64xf32, #tpu.memory_space<hbm>> -> memref<200x64xf32, #tpu.memory_space<hbm>>
        %dma_start3A_83 = arith.constant 0 : i32
        %dma_start3A_84 = tpu.memref_slice %arg13[%multiple_of3A, %dma_start3A_83] : memref<25600x64xf32, #tpu.memory_space<vmem_shared>> -> memref<200x64xf32, #tpu.memory_space<vmem_shared>>
        tpu.enqueue_dma source(%dma_start3A_84 : memref<200x64xf32, #tpu.memory_space<vmem_shared>>) target(%dma_start3A_82 : memref<200x64xf32, #tpu.memory_space<hbm>>) target_semaphore(%run_scoped3A : memref<!tpu.dma_semaphore, #tpu.memory_space<semaphore_mem>>)
        %dma_wait3A = arith.constant 0 : i32
        %dma_wait3A_85 = tpu.memref_slice %arg6[%multiple_of3A_81, %dma_wait3A] : memref<50000x64xf32, #tpu.memory_space<hbm>> -> memref<200x64xf32, #tpu.memory_space<hbm>>
        %dma_wait3A_86 = arith.constant 0 : i32
        %dma_wait3A_87 = tpu.memref_slice %arg13[%multiple_of3A, %dma_wait3A_86] : memref<25600x64xf32, #tpu.memory_space<vmem_shared>> -> memref<200x64xf32, #tpu.memory_space<vmem_shared>>
        tpu.wait_dma2 semaphore(%run_scoped3A : memref<!tpu.dma_semaphore, #tpu.memory_space<semaphore_mem>>) src(%dma_wait3A_87 : memref<200x64xf32, #tpu.memory_space<vmem_shared>>) dst(%dma_wait3A_85 : memref<200x64xf32, #tpu.memory_space<hbm>>)
        tpu.yield
      }) : () -> ()
    } else {
    }
    %add3A_34 = arith.constant 32 : i32
    %add3A_35 = arith.addi %arg1, %add3A_34 : i32
    %lt3A_36 = arith.constant 125 : i32
    %lt3A_37 = arith.cmpi slt, %add3A_35, %lt3A_36 : i32
    %convert_element_type3A_38 = arith.extui %lt3A_37 : i1 to i32
    %cond3A_39 = arith.constant 0 : i32
    %cond3A_40 = arith.cmpi ne, %convert_element_type3A_38, %cond3A_39 : i32
    scf.if %cond3A_40 {
      %mul3A_76 = arith.constant 200 : i32
      %mul3A_77 = arith.muli %add3A_35, %mul3A_76 : i32
      %multiple_of3A = tpu.assume_multiple %mul3A_77, 8 : i32
      %mul3A_78 = arith.constant 200 : i32
      %mul3A_79 = arith.muli %add3A_35, %mul3A_78 : i32
      %add3A_80 = arith.addi %mul3A_0, %mul3A_79 : i32
      %multiple_of3A_81 = tpu.assume_multiple %add3A_80, 8 : i32
      "tpu.region"() ({
        %run_scoped3A = tpu.sem_alloc : memref<!tpu.dma_semaphore, #tpu.memory_space<semaphore_mem>>
        %dma_start3A = arith.constant 0 : i32
        %dma_start3A_82 = tpu.memref_slice %arg6[%multiple_of3A_81, %dma_start3A] : memref<50000x64xf32, #tpu.memory_space<hbm>> -> memref<200x64xf32, #tpu.memory_space<hbm>>
        %dma_start3A_83 = arith.constant 0 : i32
        %dma_start3A_84 = tpu.memref_slice %arg13[%multiple_of3A, %dma_start3A_83] : memref<25600x64xf32, #tpu.memory_space<vmem_shared>> -> memref<200x64xf32, #tpu.memory_space<vmem_shared>>
        tpu.enqueue_dma source(%dma_start3A_84 : memref<200x64xf32, #tpu.memory_space<vmem_shared>>) target(%dma_start3A_82 : memref<200x64xf32, #tpu.memory_space<hbm>>) target_semaphore(%run_scoped3A : memref<!tpu.dma_semaphore, #tpu.memory_space<semaphore_mem>>)
        %dma_wait3A = arith.constant 0 : i32
        %dma_wait3A_85 = tpu.memref_slice %arg6[%multiple_of3A_81, %dma_wait3A] : memref<50000x64xf32, #tpu.memory_space<hbm>> -> memref<200x64xf32, #tpu.memory_space<hbm>>
        %dma_wait3A_86 = arith.constant 0 : i32
        %dma_wait3A_87 = tpu.memref_slice %arg13[%multiple_of3A, %dma_wait3A_86] : memref<25600x64xf32, #tpu.memory_space<vmem_shared>> -> memref<200x64xf32, #tpu.memory_space<vmem_shared>>
        tpu.wait_dma2 semaphore(%run_scoped3A : memref<!tpu.dma_semaphore, #tpu.memory_space<semaphore_mem>>) src(%dma_wait3A_87 : memref<200x64xf32, #tpu.memory_space<vmem_shared>>) dst(%dma_wait3A_85 : memref<200x64xf32, #tpu.memory_space<hbm>>)
        tpu.yield
      }) : () -> ()
    } else {
    }
    %add3A_41 = arith.constant 48 : i32
    %add3A_42 = arith.addi %arg1, %add3A_41 : i32
    %lt3A_43 = arith.constant 125 : i32
    %lt3A_44 = arith.cmpi slt, %add3A_42, %lt3A_43 : i32
    %convert_element_type3A_45 = arith.extui %lt3A_44 : i1 to i32
    %cond3A_46 = arith.constant 0 : i32
    %cond3A_47 = arith.cmpi ne, %convert_element_type3A_45, %cond3A_46 : i32
    scf.if %cond3A_47 {
      %mul3A_76 = arith.constant 200 : i32
      %mul3A_77 = arith.muli %add3A_42, %mul3A_76 : i32
      %multiple_of3A = tpu.assume_multiple %mul3A_77, 8 : i32
      %mul3A_78 = arith.constant 200 : i32
      %mul3A_79 = arith.muli %add3A_42, %mul3A_78 : i32
      %add3A_80 = arith.addi %mul3A_0, %mul3A_79 : i32
      %multiple_of3A_81 = tpu.assume_multiple %add3A_80, 8 : i32
      "tpu.region"() ({
        %run_scoped3A = tpu.sem_alloc : memref<!tpu.dma_semaphore, #tpu.memory_space<semaphore_mem>>
        %dma_start3A = arith.constant 0 : i32
        %dma_start3A_82 = tpu.memref_slice %arg6[%multiple_of3A_81, %dma_start3A] : memref<50000x64xf32, #tpu.memory_space<hbm>> -> memref<200x64xf32, #tpu.memory_space<hbm>>
        %dma_start3A_83 = arith.constant 0 : i32
        %dma_start3A_84 = tpu.memref_slice %arg13[%multiple_of3A, %dma_start3A_83] : memref<25600x64xf32, #tpu.memory_space<vmem_shared>> -> memref<200x64xf32, #tpu.memory_space<vmem_shared>>
        tpu.enqueue_dma source(%dma_start3A_84 : memref<200x64xf32, #tpu.memory_space<vmem_shared>>) target(%dma_start3A_82 : memref<200x64xf32, #tpu.memory_space<hbm>>) target_semaphore(%run_scoped3A : memref<!tpu.dma_semaphore, #tpu.memory_space<semaphore_mem>>)
        %dma_wait3A = arith.constant 0 : i32
        %dma_wait3A_85 = tpu.memref_slice %arg6[%multiple_of3A_81, %dma_wait3A] : memref<50000x64xf32, #tpu.memory_space<hbm>> -> memref<200x64xf32, #tpu.memory_space<hbm>>
        %dma_wait3A_86 = arith.constant 0 : i32
        %dma_wait3A_87 = tpu.memref_slice %arg13[%multiple_of3A, %dma_wait3A_86] : memref<25600x64xf32, #tpu.memory_space<vmem_shared>> -> memref<200x64xf32, #tpu.memory_space<vmem_shared>>
        tpu.wait_dma2 semaphore(%run_scoped3A : memref<!tpu.dma_semaphore, #tpu.memory_space<semaphore_mem>>) src(%dma_wait3A_87 : memref<200x64xf32, #tpu.memory_space<vmem_shared>>) dst(%dma_wait3A_85 : memref<200x64xf32, #tpu.memory_space<hbm>>)
        tpu.yield
      }) : () -> ()
    } else {
    }
    %add3A_48 = arith.constant 64 : i32
    %add3A_49 = arith.addi %arg1, %add3A_48 : i32
    %lt3A_50 = arith.constant 125 : i32
    %lt3A_51 = arith.cmpi slt, %add3A_49, %lt3A_50 : i32
    %convert_element_type3A_52 = arith.extui %lt3A_51 : i1 to i32
    %cond3A_53 = arith.constant 0 : i32
    %cond3A_54 = arith.cmpi ne, %convert_element_type3A_52, %cond3A_53 : i32
    scf.if %cond3A_54 {
      %mul3A_76 = arith.constant 200 : i32
      %mul3A_77 = arith.muli %add3A_49, %mul3A_76 : i32
      %multiple_of3A = tpu.assume_multiple %mul3A_77, 8 : i32
      %mul3A_78 = arith.constant 200 : i32
      %mul3A_79 = arith.muli %add3A_49, %mul3A_78 : i32
      %add3A_80 = arith.addi %mul3A_0, %mul3A_79 : i32
      %multiple_of3A_81 = tpu.assume_multiple %add3A_80, 8 : i32
      "tpu.region"() ({
        %run_scoped3A = tpu.sem_alloc : memref<!tpu.dma_semaphore, #tpu.memory_space<semaphore_mem>>
        %dma_start3A = arith.constant 0 : i32
        %dma_start3A_82 = tpu.memref_slice %arg6[%multiple_of3A_81, %dma_start3A] : memref<50000x64xf32, #tpu.memory_space<hbm>> -> memref<200x64xf32, #tpu.memory_space<hbm>>
        %dma_start3A_83 = arith.constant 0 : i32
        %dma_start3A_84 = tpu.memref_slice %arg13[%multiple_of3A, %dma_start3A_83] : memref<25600x64xf32, #tpu.memory_space<vmem_shared>> -> memref<200x64xf32, #tpu.memory_space<vmem_shared>>
        tpu.enqueue_dma source(%dma_start3A_84 : memref<200x64xf32, #tpu.memory_space<vmem_shared>>) target(%dma_start3A_82 : memref<200x64xf32, #tpu.memory_space<hbm>>) target_semaphore(%run_scoped3A : memref<!tpu.dma_semaphore, #tpu.memory_space<semaphore_mem>>)
        %dma_wait3A = arith.constant 0 : i32
        %dma_wait3A_85 = tpu.memref_slice %arg6[%multiple_of3A_81, %dma_wait3A] : memref<50000x64xf32, #tpu.memory_space<hbm>> -> memref<200x64xf32, #tpu.memory_space<hbm>>
        %dma_wait3A_86 = arith.constant 0 : i32
        %dma_wait3A_87 = tpu.memref_slice %arg13[%multiple_of3A, %dma_wait3A_86] : memref<25600x64xf32, #tpu.memory_space<vmem_shared>> -> memref<200x64xf32, #tpu.memory_space<vmem_shared>>
        tpu.wait_dma2 semaphore(%run_scoped3A : memref<!tpu.dma_semaphore, #tpu.memory_space<semaphore_mem>>) src(%dma_wait3A_87 : memref<200x64xf32, #tpu.memory_space<vmem_shared>>) dst(%dma_wait3A_85 : memref<200x64xf32, #tpu.memory_space<hbm>>)
        tpu.yield
      }) : () -> ()
    } else {
    }
    %add3A_55 = arith.constant 80 : i32
    %add3A_56 = arith.addi %arg1, %add3A_55 : i32
    %lt3A_57 = arith.constant 125 : i32
    %lt3A_58 = arith.cmpi slt, %add3A_56, %lt3A_57 : i32
    %convert_element_type3A_59 = arith.extui %lt3A_58 : i1 to i32
    %cond3A_60 = arith.constant 0 : i32
    %cond3A_61 = arith.cmpi ne, %convert_element_type3A_59, %cond3A_60 : i32
    scf.if %cond3A_61 {
      %mul3A_76 = arith.constant 200 : i32
      %mul3A_77 = arith.muli %add3A_56, %mul3A_76 : i32
      %multiple_of3A = tpu.assume_multiple %mul3A_77, 8 : i32
      %mul3A_78 = arith.constant 200 : i32
      %mul3A_79 = arith.muli %add3A_56, %mul3A_78 : i32
      %add3A_80 = arith.addi %mul3A_0, %mul3A_79 : i32
      %multiple_of3A_81 = tpu.assume_multiple %add3A_80, 8 : i32
      "tpu.region"() ({
        %run_scoped3A = tpu.sem_alloc : memref<!tpu.dma_semaphore, #tpu.memory_space<semaphore_mem>>
        %dma_start3A = arith.constant 0 : i32
        %dma_start3A_82 = tpu.memref_slice %arg6[%multiple_of3A_81, %dma_start3A] : memref<50000x64xf32, #tpu.memory_space<hbm>> -> memref<200x64xf32, #tpu.memory_space<hbm>>
        %dma_start3A_83 = arith.constant 0 : i32
        %dma_start3A_84 = tpu.memref_slice %arg13[%multiple_of3A, %dma_start3A_83] : memref<25600x64xf32, #tpu.memory_space<vmem_shared>> -> memref<200x64xf32, #tpu.memory_space<vmem_shared>>
        tpu.enqueue_dma source(%dma_start3A_84 : memref<200x64xf32, #tpu.memory_space<vmem_shared>>) target(%dma_start3A_82 : memref<200x64xf32, #tpu.memory_space<hbm>>) target_semaphore(%run_scoped3A : memref<!tpu.dma_semaphore, #tpu.memory_space<semaphore_mem>>)
        %dma_wait3A = arith.constant 0 : i32
        %dma_wait3A_85 = tpu.memref_slice %arg6[%multiple_of3A_81, %dma_wait3A] : memref<50000x64xf32, #tpu.memory_space<hbm>> -> memref<200x64xf32, #tpu.memory_space<hbm>>
        %dma_wait3A_86 = arith.constant 0 : i32
        %dma_wait3A_87 = tpu.memref_slice %arg13[%multiple_of3A, %dma_wait3A_86] : memref<25600x64xf32, #tpu.memory_space<vmem_shared>> -> memref<200x64xf32, #tpu.memory_space<vmem_shared>>
        tpu.wait_dma2 semaphore(%run_scoped3A : memref<!tpu.dma_semaphore, #tpu.memory_space<semaphore_mem>>) src(%dma_wait3A_87 : memref<200x64xf32, #tpu.memory_space<vmem_shared>>) dst(%dma_wait3A_85 : memref<200x64xf32, #tpu.memory_space<hbm>>)
        tpu.yield
      }) : () -> ()
    } else {
    }
    %add3A_62 = arith.constant 96 : i32
    %add3A_63 = arith.addi %arg1, %add3A_62 : i32
    %lt3A_64 = arith.constant 125 : i32
    %lt3A_65 = arith.cmpi slt, %add3A_63, %lt3A_64 : i32
    %convert_element_type3A_66 = arith.extui %lt3A_65 : i1 to i32
    %cond3A_67 = arith.constant 0 : i32
    %cond3A_68 = arith.cmpi ne, %convert_element_type3A_66, %cond3A_67 : i32
    scf.if %cond3A_68 {
      %mul3A_76 = arith.constant 200 : i32
      %mul3A_77 = arith.muli %add3A_63, %mul3A_76 : i32
      %multiple_of3A = tpu.assume_multiple %mul3A_77, 8 : i32
      %mul3A_78 = arith.constant 200 : i32
      %mul3A_79 = arith.muli %add3A_63, %mul3A_78 : i32
      %add3A_80 = arith.addi %mul3A_0, %mul3A_79 : i32
      %multiple_of3A_81 = tpu.assume_multiple %add3A_80, 8 : i32
      "tpu.region"() ({
        %run_scoped3A = tpu.sem_alloc : memref<!tpu.dma_semaphore, #tpu.memory_space<semaphore_mem>>
        %dma_start3A = arith.constant 0 : i32
        %dma_start3A_82 = tpu.memref_slice %arg6[%multiple_of3A_81, %dma_start3A] : memref<50000x64xf32, #tpu.memory_space<hbm>> -> memref<200x64xf32, #tpu.memory_space<hbm>>
        %dma_start3A_83 = arith.constant 0 : i32
        %dma_start3A_84 = tpu.memref_slice %arg13[%multiple_of3A, %dma_start3A_83] : memref<25600x64xf32, #tpu.memory_space<vmem_shared>> -> memref<200x64xf32, #tpu.memory_space<vmem_shared>>
        tpu.enqueue_dma source(%dma_start3A_84 : memref<200x64xf32, #tpu.memory_space<vmem_shared>>) target(%dma_start3A_82 : memref<200x64xf32, #tpu.memory_space<hbm>>) target_semaphore(%run_scoped3A : memref<!tpu.dma_semaphore, #tpu.memory_space<semaphore_mem>>)
        %dma_wait3A = arith.constant 0 : i32
        %dma_wait3A_85 = tpu.memref_slice %arg6[%multiple_of3A_81, %dma_wait3A] : memref<50000x64xf32, #tpu.memory_space<hbm>> -> memref<200x64xf32, #tpu.memory_space<hbm>>
        %dma_wait3A_86 = arith.constant 0 : i32
        %dma_wait3A_87 = tpu.memref_slice %arg13[%multiple_of3A, %dma_wait3A_86] : memref<25600x64xf32, #tpu.memory_space<vmem_shared>> -> memref<200x64xf32, #tpu.memory_space<vmem_shared>>
        tpu.wait_dma2 semaphore(%run_scoped3A : memref<!tpu.dma_semaphore, #tpu.memory_space<semaphore_mem>>) src(%dma_wait3A_87 : memref<200x64xf32, #tpu.memory_space<vmem_shared>>) dst(%dma_wait3A_85 : memref<200x64xf32, #tpu.memory_space<hbm>>)
        tpu.yield
      }) : () -> ()
    } else {
    }
    %add3A_69 = arith.constant 112 : i32
    %add3A_70 = arith.addi %arg1, %add3A_69 : i32
    %lt3A_71 = arith.constant 125 : i32
    %lt3A_72 = arith.cmpi slt, %add3A_70, %lt3A_71 : i32
    %convert_element_type3A_73 = arith.extui %lt3A_72 : i1 to i32
    %cond3A_74 = arith.constant 0 : i32
    %cond3A_75 = arith.cmpi ne, %convert_element_type3A_73, %cond3A_74 : i32
    scf.if %cond3A_75 {
      %mul3A_76 = arith.constant 200 : i32
      %mul3A_77 = arith.muli %add3A_70, %mul3A_76 : i32
      %multiple_of3A = tpu.assume_multiple %mul3A_77, 8 : i32
      %mul3A_78 = arith.constant 200 : i32
      %mul3A_79 = arith.muli %add3A_70, %mul3A_78 : i32
      %add3A_80 = arith.addi %mul3A_0, %mul3A_79 : i32
      %multiple_of3A_81 = tpu.assume_multiple %add3A_80, 8 : i32
      "tpu.region"() ({
        %run_scoped3A = tpu.sem_alloc : memref<!tpu.dma_semaphore, #tpu.memory_space<semaphore_mem>>
        %dma_start3A = arith.constant 0 : i32
        %dma_start3A_82 = tpu.memref_slice %arg6[%multiple_of3A_81, %dma_start3A] : memref<50000x64xf32, #tpu.memory_space<hbm>> -> memref<200x64xf32, #tpu.memory_space<hbm>>
        %dma_start3A_83 = arith.constant 0 : i32
        %dma_start3A_84 = tpu.memref_slice %arg13[%multiple_of3A, %dma_start3A_83] : memref<25600x64xf32, #tpu.memory_space<vmem_shared>> -> memref<200x64xf32, #tpu.memory_space<vmem_shared>>
        tpu.enqueue_dma source(%dma_start3A_84 : memref<200x64xf32, #tpu.memory_space<vmem_shared>>) target(%dma_start3A_82 : memref<200x64xf32, #tpu.memory_space<hbm>>) target_semaphore(%run_scoped3A : memref<!tpu.dma_semaphore, #tpu.memory_space<semaphore_mem>>)
        %dma_wait3A = arith.constant 0 : i32
        %dma_wait3A_85 = tpu.memref_slice %arg6[%multiple_of3A_81, %dma_wait3A] : memref<50000x64xf32, #tpu.memory_space<hbm>> -> memref<200x64xf32, #tpu.memory_space<hbm>>
        %dma_wait3A_86 = arith.constant 0 : i32
        %dma_wait3A_87 = tpu.memref_slice %arg13[%multiple_of3A, %dma_wait3A_86] : memref<25600x64xf32, #tpu.memory_space<vmem_shared>> -> memref<200x64xf32, #tpu.memory_space<vmem_shared>>
        tpu.wait_dma2 semaphore(%run_scoped3A : memref<!tpu.dma_semaphore, #tpu.memory_space<semaphore_mem>>) src(%dma_wait3A_87 : memref<200x64xf32, #tpu.memory_space<vmem_shared>>) dst(%dma_wait3A_85 : memref<200x64xf32, #tpu.memory_space<hbm>>)
        tpu.yield
      }) : () -> ()
    } else {
    }
    return
  }
}

module attributes {stable_mosaic.version = 14 : i64} {
  func.func @body(%arg0: i32, %arg1: memref<2000x64xf32, #tpu.memory_space<vmem>>, %arg2: memref<2000x64xf32, #tpu.memory_space<vmem>>, %arg3: memref<64x64xf32, #tpu.memory_space<vmem>>, %arg4: memref<1x64xf32, #tpu.memory_space<vmem>>, %arg5: memref<64x64xf32, #tpu.memory_space<vmem>>, %arg6: memref<1x64xf32, #tpu.memory_space<vmem>>, %arg7: memref<2000x64xf32, #tpu.memory_space<vmem>>, %arg8: memref<2000x64xf32, #tpu.memory_space<vmem>>) attributes {dimension_semantics = [#tpu.dimension_semantics<arbitrary>], iteration_bounds = array<i64: 25>, scalar_prefetch = 0 : i64, scratch_operands = 0 : i64, tpu.core_type = #tpu.core_type<tc>, window_params = [{transform_indices = @transform_0, window_bounds = array<i64: 2000, 64>}, {transform_indices = @transform_1, window_bounds = array<i64: 2000, 64>}, {pipeline_mode = #tpu.pipeline_mode<synchronous>, transform_indices = @transform_2, window_bounds = array<i64: 64, 64>}, {pipeline_mode = #tpu.pipeline_mode<synchronous>, transform_indices = @transform_3, window_bounds = array<i64: 1, 64>}, {pipeline_mode = #tpu.pipeline_mode<synchronous>, transform_indices = @transform_4, window_bounds = array<i64: 64, 64>}, {pipeline_mode = #tpu.pipeline_mode<synchronous>, transform_indices = @transform_5, window_bounds = array<i64: 1, 64>}, {transform_indices = @transform_6, window_bounds = array<i64: 2000, 64>}, {transform_indices = @transform_7, window_bounds = array<i64: 2000, 64>}]} {
    %get3A = arith.constant 0 : index
    %get3A_0 = arith.constant 0 : index
    %get3A_1 = vector.load %arg1[%get3A, %get3A_0] : memref<2000x64xf32, #tpu.memory_space<vmem>>, vector<2000x64xf32>
    %get3A_2 = arith.constant 0 : index
    %get3A_3 = arith.constant 0 : index
    %get3A_4 = vector.load %arg2[%get3A_2, %get3A_3] : memref<2000x64xf32, #tpu.memory_space<vmem>>, vector<2000x64xf32>
    %get3A_5 = arith.constant 0 : index
    %get3A_6 = arith.constant 0 : index
    %get3A_7 = vector.load %arg3[%get3A_5, %get3A_6] : memref<64x64xf32, #tpu.memory_space<vmem>>, vector<64x64xf32>
    %dot_general3A = arith.constant dense<0.000000e+00> : vector<2000x64xf32>
    %dot_general3A_8 = tpu.matmul %get3A_1, %get3A_7, %dot_general3A {dimension_numbers = #tpu.dot_dimension_numbers<[1], [0], [0], [1], [0, 0, 1, 1], [], []>, precision = #tpu.contract_precision<fp32>, transpose_lhs_hint = false} : vector<2000x64xf32>, vector<64x64xf32>, vector<2000x64xf32> -> vector<2000x64xf32>
    %get3A_9 = arith.constant 0 : index
    %get3A_10 = arith.constant 0 : index
    %get3A_11 = vector.load %arg4[%get3A_9, %get3A_10] : memref<1x64xf32, #tpu.memory_space<vmem>>, vector<1x64xf32>
    %add3A = vector.broadcast %get3A_11 : vector<1x64xf32> to vector<2000x64xf32>
    %add3A_12 = arith.addf %dot_general3A_8, %add3A : vector<2000x64xf32>
    %ge3A = arith.constant 0.000000e+00 : f32
    %ge3A_13 = vector.broadcast %ge3A : f32 to vector<2000x64xf32>
    %ge3A_14 = arith.cmpf oge, %add3A_12, %ge3A_13 : vector<2000x64xf32>
    %mul3A = arith.constant 2.000000e-01 : f32
    %mul3A_15 = vector.broadcast %mul3A : f32 to vector<2000x64xf32>
    %mul3A_16 = arith.mulf %mul3A_15, %add3A_12 : vector<2000x64xf32>
    %select_n3A = arith.select %ge3A_14, %add3A_12, %mul3A_16 : vector<2000x64xi1>, vector<2000x64xf32>
    %mul3A_17 = arith.mulf %get3A_1, %get3A_4 : vector<2000x64xf32>
    %get3A_18 = arith.constant 0 : index
    %get3A_19 = arith.constant 0 : index
    %get3A_20 = vector.load %arg5[%get3A_18, %get3A_19] : memref<64x64xf32, #tpu.memory_space<vmem>>, vector<64x64xf32>
    %dot_general3A_21 = arith.constant dense<0.000000e+00> : vector<2000x64xf32>
    %dot_general3A_22 = tpu.matmul %mul3A_17, %get3A_20, %dot_general3A_21 {dimension_numbers = #tpu.dot_dimension_numbers<[1], [0], [0], [1], [0, 0, 1, 1], [], []>, precision = #tpu.contract_precision<fp32>, transpose_lhs_hint = false} : vector<2000x64xf32>, vector<64x64xf32>, vector<2000x64xf32> -> vector<2000x64xf32>
    %get3A_23 = arith.constant 0 : index
    %get3A_24 = arith.constant 0 : index
    %get3A_25 = vector.load %arg6[%get3A_23, %get3A_24] : memref<1x64xf32, #tpu.memory_space<vmem>>, vector<1x64xf32>
    %add3A_26 = vector.broadcast %get3A_25 : vector<1x64xf32> to vector<2000x64xf32>
    %add3A_27 = arith.addf %dot_general3A_22, %add3A_26 : vector<2000x64xf32>
    %ge3A_28 = arith.constant 0.000000e+00 : f32
    %ge3A_29 = vector.broadcast %ge3A_28 : f32 to vector<2000x64xf32>
    %ge3A_30 = arith.cmpf oge, %add3A_27, %ge3A_29 : vector<2000x64xf32>
    %mul3A_31 = arith.constant 2.000000e-01 : f32
    %mul3A_32 = vector.broadcast %mul3A_31 : f32 to vector<2000x64xf32>
    %mul3A_33 = arith.mulf %mul3A_32, %add3A_27 : vector<2000x64xf32>
    %select_n3A_34 = arith.select %ge3A_30, %add3A_27, %mul3A_33 : vector<2000x64xi1>, vector<2000x64xf32>
    %add3A_35 = arith.addf %select_n3A, %select_n3A_34 : vector<2000x64xf32>
    %swap3A = arith.constant 0 : index
    %swap3A_36 = arith.constant 0 : index
    %swap3A_37 = vector.load %arg7[%swap3A, %swap3A_36] : memref<2000x64xf32, #tpu.memory_space<vmem>>, vector<2000x64xf32>
    tpu.vector_store %arg7[%swap3A, %swap3A_36], %add3A_35 {strides = array<i32>} : memref<2000x64xf32, #tpu.memory_space<vmem>>, vector<2000x64xf32>,
    %mul3A_38 = arith.mulf %add3A_35, %add3A_35 : vector<2000x64xf32>
    %reduce_sum3A = arith.constant dense<0.000000e+00> : vector<2000xf32>
    %reduce_sum3A_39 = vector.multi_reduction <add>, %mul3A_38, %reduce_sum3A [1] : vector<2000x64xf32> to vector<2000xf32>
    %broadcast_in_dim3A = vector.shape_cast %reduce_sum3A_39 : vector<2000xf32> to vector<2000x1xf32>
    %sqrt3A = math.sqrt %broadcast_in_dim3A : vector<2000x1xf32>
    %max3A = arith.constant 9.99999996E-13 : f32
    %max3A_40 = vector.broadcast %max3A : f32 to vector<2000x1xf32>
    %max3A_41 = arith.maximumf %sqrt3A, %max3A_40 : vector<2000x1xf32>
    %div3A = vector.broadcast %max3A_41 : vector<2000x1xf32> to vector<2000x64xf32>
    %div3A_42 = arith.divf %add3A_35, %div3A : vector<2000x64xf32>
    %swap3A_43 = arith.constant 0 : index
    %swap3A_44 = arith.constant 0 : index
    %swap3A_45 = vector.load %arg8[%swap3A_43, %swap3A_44] : memref<2000x64xf32, #tpu.memory_space<vmem>>, vector<2000x64xf32>
    tpu.vector_store %arg8[%swap3A_43, %swap3A_44], %div3A_42 {strides = array<i32>} : memref<2000x64xf32, #tpu.memory_space<vmem>>, vector<2000x64xf32>,
    return
  }
  func.func @transform_0(%arg0: i32) -> (i32, i32) {
    %c0_i32 = arith.constant 0 : i32
    %c0_i32_0 = arith.constant 0 : i32
    return %arg0, %c0_i32 : i32, i32
  }
  func.func @transform_1(%arg0: i32) -> (i32, i32) {
    %c0_i32 = arith.constant 0 : i32
    %c0_i32_0 = arith.constant 0 : i32
    return %arg0, %c0_i32 : i32, i32
  }
  func.func @transform_2(%arg0: i32) -> (i32, i32) {
    %c0_i32 = arith.constant 0 : i32
    %c0_i32_0 = arith.constant 0 : i32
    %c0_i32_1 = arith.constant 0 : i32
    return %c0_i32, %c0_i32_0 : i32, i32
  }
  func.func @transform_3(%arg0: i32) -> (i32, i32) {
    %c0_i32 = arith.constant 0 : i32
    %c0_i32_0 = arith.constant 0 : i32
    %c0_i32_1 = arith.constant 0 : i32
    return %c0_i32, %c0_i32_0 : i32, i32
  }
  func.func @transform_4(%arg0: i32) -> (i32, i32) {
    %c0_i32 = arith.constant 0 : i32
    %c0_i32_0 = arith.constant 0 : i32
    %c0_i32_1 = arith.constant 0 : i32
    return %c0_i32, %c0_i32_0 : i32, i32
  }
  func.func @transform_5(%arg0: i32) -> (i32, i32) {
    %c0_i32 = arith.constant 0 : i32
    %c0_i32_0 = arith.constant 0 : i32
    %c0_i32_1 = arith.constant 0 : i32
    return %c0_i32, %c0_i32_0 : i32, i32
  }
  func.func @transform_6(%arg0: i32) -> (i32, i32) {
    %c0_i32 = arith.constant 0 : i32
    %c0_i32_0 = arith.constant 0 : i32
    return %arg0, %c0_i32 : i32, i32
  }
  func.func @transform_7(%arg0: i32) -> (i32, i32) {
    %c0_i32 = arith.constant 0 : i32
    %c0_i32_0 = arith.constant 0 : i32
    return %arg0, %c0_i32 : i32, i32
  }
}

</mosaic_0001>

<sc_bundles>
// kernel: kernel.6.cloned.1.call-start
scs
__scs_entry_jumppad:
0x0: {  	(pc) =	sbr.rel $0x88, $3  }
0x1: {  	(tag) =	ssettag $0x0;
	lr =	simm.s32 $0x1  }
0x2: {  	[smem:$0x3F96] =	sst lr;
	_ =	strace $0xD0000000  }
0x3: {  	_ = 	snop  }
0x4: {  	_ = 	snop  }
0x5: {  	_ = 	snop  }
0x6: {  	_ = 	snop  }
0x7: {  	_ = 	snop  }
__scs_overlays_trampoline_lowered:
0x8: {  	[smem:$0x3FA5] =	sst s0  }
0x9: {  	[smem:$0x3FA6] =	sst s1  }
0xa: {  	[smem:$0x3FA7] =	sst s2  }
0xb: {  	[smem:$0x3FA8] =	sst s3  }
0xc: {  	[smem:$0x3FA9] =	sst s4  }
0xd: {  	[smem:$0x3FAA] =	sst s5  }
0xe: {  	[smem:$0x3FAB] =	sst s6  }
0xf: {  	[smem:$0x3FAC] =	sst s7  }
0x10: {  	[smem:$0x3FAD] =	sst s8  }
0x11: {  	[smem:$0x3FAE] =	sst s9;
	s0 =	simm.s32 @!p0 $0x0  }
0x12: {  	s1 =	sld [smem:$0x3F94];
	s0 =	simm.s32 @p0 $0x1  }
0x13: {  	[smem:$0x3FAF] =	sst s0;
	s0 =	simm.s32 @!p1 $0x0  }
0x14: {  	s2 =	sld [smem:$0x3F93];
	s0 =	simm.s32 @p1 $0x1  }
0x15: {  	[smem:$0x3FB0] =	sst s0;
	s0 =	simm.s32 @!p2 $0x0  }
0x16: {  	s3 =	sld [smem:$0x3FDB];
	s0 =	simm.s32 @p2 $0x1  }
0x17: {  	s4 =	simm.s32 $0x1BF5;
	[smem:$0x3FB2] =	sst s0  }
0x18: {  	s0 =	sld [smem:$0x3F95];
	_ =	swait.ge [sflag:s4], $0x0  }
0x19: {  	s7 =	sld [smem:$0x3F96]  }
0x1a: {  	s8 =	sadd.s32 $0xFFFFE003, lr  }
0x1b: {  	s9 =	sadd.s32 $0xFFFFFEF7, lr;
	s5 =	simm.s32 $0xFFFFFFFF;
	p2 =	slt.u32 s8, $0xFFFFF086  }
0x1c: {  	p1 =	slt.u32 s9, $0xF7A;
	s5 =	simm.s32 @!p2 $0x0  }
0x1d: {  	s5 =	simm.s32 @p1 $0x1;
	p0 =	seq.s32 s7, s2  }
0x1e: {  	s7 =	smul.u32 @!p0 $0xF7A, s2;
	p2 =	seq.s32 @!p0 s5, $0x0  }
0x1f: {  	s9 =	smul.u32 $0xF7A, s1;
	s8 =	simm.s32 @!p0 $0x1BF5;
	p2 =	por !p2, p0  }
0x20: {  	[sflag:s8] =	ssyncset.s32 @!p0 $0xFFFFF086;
	s6 =	sadd.s32 @!p0 s3, s7;
	s7 =	simm.s32 @!p0 $0x108  }
0x21: {  	s3 =	sadd.s32 s3, s9;
	s6 =	sadd.s32 @!p0 $0x88, s6;
	s7 =	simm.s32 @p2 $0x1082  }
0x22: {  	[simem:s7], [sflag:s8] =	dma.local @!p0 [hbm:s6], $0xF7A  }
0x23: {  	s9 =	sor.u32 $0xD0000000, s2;
	s6 =	simm.s32 $0x108;
	_ =	swait.ge @!p0 [sflag:s8], $0x0  }
0x24: {  	s3 =	sadd.s32 $0x88, s3;
	s6 =	simm.s32 @!p1 $0x1082;
	[sflag:s4] =	ssyncset.s32 $0xFFFFF086  }
0x25: {  	[simem:s6], [sflag:s4] =	dma.local [hbm:s3], $0xF7A  }
0x26: {  	[smem:$0x3F96] =	sst s1;
	(tag) =	ssettag s2;
	_ =	strace s9  }
0x27: {  	s1 =	sld [smem:$0x3FA6]  }
0x28: {  	s2 =	sld [smem:$0x3FA7]  }
0x29: {  	s4 =	sld [smem:$0x3FA9]  }
0x2a: {  	p0 =	seq.s32 s5, $0x0;
	s5 =	sld [smem:$0x3FAA]  }
0x2b: {  	s6 =	sld [smem:$0x3FAB]  }
0x2c: {  	s7 =	sld [smem:$0x3FAC]  }
0x2d: {  	s3 =	simm.s32 $0x108;
	s8 =	sld [smem:$0x3FAD]  }
0x2e: {  	s3 =	simm.s32 @!p0 $0x1082;
	s9 =	sld [smem:$0x3FAE]  }
0x2f: {  	lr =	sadd.s32 s0, s3;
	s0 =	sld [smem:$0x3FA5]  }
0x30: {  	s3 =	sld [smem:$0x3FA8]  }
0x31: {  	[smem:$0x3FB1] =	sst s10  }
0x32: {  	s10 =	sld [smem:$0x3FAF];
	_ =	sdelay $0x3  }
0x33: {  	p0 =	seq.s32 s10, $0x1;
	s10 =	sld [smem:$0x3FB1];
	_ =	sdelay $0x3  }
0x34: {  	[smem:$0x3FB1] =	sst s10  }
0x35: {  	s10 =	sld [smem:$0x3FB0];
	_ =	sdelay $0x3  }
0x36: {  	p1 =	seq.s32 s10, $0x1;
	s10 =	sld [smem:$0x3FB1];
	_ =	sdelay $0x3  }
0x37: {  	[smem:$0x3FB1] =	sst s10  }
0x38: {  	s10 =	sld [smem:$0x3FB2]  }
0x39: {  	_ = 	snop;
	(pc) =	sbr.ind lr, $3  }
0x3a: {  	_ = 	snop  }
0x3b: {  	_ = 	snop  }
0x3c: {  	p2 =	seq.s32 s10, $0x1;
	s10 =	sld [smem:$0x3FB1]  }
0x3d: {  	_ =	shalt  }
0x3e: {  	_ =	shalt  }
0x3f: {  	_ =	shalt  }
0x40: {  	_ =	shalt  }
0x41: {  	_ =	shalt  }
0x42: {  	_ =	shalt  }
0x43: {  	_ =	shalt  }
0x44: {  	_ =	shalt  }
0x45: {  	_ =	shalt  }
0x46: {  	_ =	shalt  }
0x47: {  	_ =	shalt  }
0x48: {  	_ =	shalt  }
0x49: {  	_ =	shalt  }
0x4a: {  	_ =	shalt  }
0x4b: {  	_ =	shalt  }
0x4c: {  	_ =	shalt  }
0x4d: {  	_ =	shalt  }
0x4e: {  	_ =	shalt  }
0x4f: {  	_ =	shalt  }
0x50: {  	_ =	shalt  }
0x51: {  	_ =	shalt  }
0x52: {  	_ =	shalt  }
0x53: {  	_ =	shalt  }
0x54: {  	_ =	shalt  }
0x55: {  	_ =	shalt  }
0x56: {  	_ =	shalt  }
0x57: {  	_ =	shalt  }
0x58: {  	_ =	shalt  }
0x59: {  	_ =	shalt  }
0x5a: {  	_ =	shalt  }
0x5b: {  	_ =	shalt  }
0x5c: {  	_ =	shalt  }
0x5d: {  	_ =	shalt  }
0x5e: {  	_ =	shalt  }
0x5f: {  	_ =	shalt  }
0x60: {  	_ =	shalt  }
0x61: {  	_ =	shalt  }
0x62: {  	_ =	shalt  }
0x63: {  	_ =	shalt  }
0x64: {  	_ =	shalt  }
0x65: {  	_ =	shalt  }
0x66: {  	_ =	shalt  }
0x67: {  	_ =	shalt  }
0x68: {  	_ =	shalt  }
0x69: {  	_ =	shalt  }
0x6a: {  	_ =	shalt  }
0x6b: {  	_ =	shalt  }
0x6c: {  	_ =	shalt  }
0x6d: {  	_ =	shalt  }
0x6e: {  	_ =	shalt  }
0x6f: {  	_ =	shalt  }
0x70: {  	_ =	shalt  }
0x71: {  	_ =	shalt  }
0x72: {  	_ =	shalt  }
0x73: {  	_ =	shalt  }
0x74: {  	_ =	shalt  }
0x75: {  	_ =	shalt  }
0x76: {  	_ =	shalt  }
0x77: {  	_ =	shalt  }
0x78: {  	_ =	shalt  }
0x79: {  	_ =	shalt  }
0x7a: {  	_ =	shalt  }
0x7b: {  	_ =	shalt  }
0x7c: {  	_ =	shalt  }
0x7d: {  	_ =	shalt  }
0x7e: {  	_ =	shalt  }
0x7f: {  	_ =	shalt  }
0x80: {  	_ =	shalt  }
0x81: {  	_ =	shalt  }
0x82: {  	_ =	shalt  }
0x83: {  	_ =	shalt  }
0x84: {  	_ =	shalt  }
0x85: {  	_ =	shalt  }
0x86: {  	_ =	shalt  }
0x87: {  	_ =	shalt  }
.Lfunc_end0:
.L_simem_size_0:
called_computation_lowered:
.L_overlay_start_0:
0x88: {  	s2 =	sld [smem:$0x3FD9]  }
0x89: {  	s3 =	sld [smem:$0x3FFE];
	_ =	sdelay $0x1  }
0x8a: {  	s1 =	srdreg.scid  }
0x8b: {  	s0 =	sand.u32 $0x1, s1  }
0x8c: {  	s14 =	sshll.u32 s0, $0xA;
	s2 =	sadd.s32 s3, s2  }
0x8d: {  	s2 =	sadd.s32 s2, s14  }
0x8e: {  	[smem:$0x3FBD] =	sst s2  }
0x8f: {  	_ = 	snop  }
0x90: {  	s2 =	sld [smem:$0x3FD0];
	_ =	sdelay $0x2  }
0x91: {  	s15 =	simm.s32 $0xA;
	s4 =	simm.s32 $0x10  }
0x92: {  	[smem:s4], [sflag:s15] =	dma.local [hbm:s2], $0x1  }
0x93: {  	_ =	swait.eq [sflag:s15], $0x1  }
0x94: {  	[sflag:s15] =	ssyncset.done $0x0  }
0x95: {  	s16 =	sld [smem:$0x11];
	[sflag:s15] =	ssyncadd.s32 $0xFFFFFFFF  }
0x96: {  	s17 =	sld [smem:$0x12];
	(tm) =	ssettm $0x1  }
0x97: {  	s18 =	sld [smem:$0x3FFB];
	_ =	sdelay $0x3  }
0x98: {  	_ =	strace s18  }
0x99: {  	s4 =	sld [smem:$0x3FFC];
	_ =	sdelay $0x3  }
0x9a: {  	_ =	strace s4  }
0x9b: {  	s4 =	sld [smem:$0x3FFD];
	_ =	sdelay $0x3  }
0x9c: {  	_ =	strace s4  }
0x9d: {  	_ =	strace $0x8FFFFFFF  }
0x9e: {  	s19 =	sld [smem:$0x3FDB];
	_ =	sdelay $0x1  }
0x9f: {  	s5 =	simm.s32 $_scs_section_size  }
0xa0: {  	s6 =	simm.s32 $_size__tile_overlayer_lowered;
	s7 =	simm.s32 $_tile_overlayer_lowered  }
0xa1: {  	s22 =	simm.s32 $0x1BFF;
	s21 =	sshll.u32 s7, $0x1;
	s4 =	sadd.s32 s5, s19  }
0xa2: {  	s8 =	simm.s32 $0x0;
	s20 =	sshll.u32 s6, $0x1;
	s6 =	sadd.s32 s21, s4  }
0xa3: {  	[timem:s8], [sflag:s22] =	dma.local [hbm:s6], s20  }
0xa4: {  	_ =	swait.ge [sflag:s22], s20  }
0xa5: {  	s5 =	ssub.s32 $0x0, s20;
	[sflag:s22] =	ssyncset.done $0x0  }
0xa6: {  	[sflag:s22] =	ssyncadd.s32 s5;
	_ =	sdelay $0x1  }
0xa7: {  	s23 =	simm.s32 $0x1B8B  }
0xa8: {  	_ =	swait.ge [sflag:s23], $0x1  }
0xa9: {  	[sflag:s23] =	ssyncset.done $0x0  }
0xaa: {  	s25 =	simm.s32 $0x1B8E;
	s24 =	sld [smem:$0x3FFE];
	[sflag:s23] =	ssyncadd.s32 $0xFFFFFFFF  }
0xab: {  	s26 =	simm.s32 $execute0_lowered;
	[smem:$0x3FD2] =	sst s25  }
0xac: {  	s6 =	sshll.u32 s26, $0x1;
	_ =	strace $0x80000046;
	[dreg:$0x1] =	wrdreg $0xFFFFFFFF  }
0xad: {  	s28 =	simm.s32 $_size_execute0_lowered;
	s4 =	sadd.s32 s4, s6;
	[dreg:$0x0] =	wrdreg $0x0  }
0xae: {  	s6 =	sshll.u32 s28, $0x1;
	[dreg:$0x2] =	wrdreg s4  }
0xaf: {  	[dreg:$0x3] =	wrdreg s6  }
0xb0: {  	[dreg:$0x4] =	wrdreg $0xC0  }
0xb1: {  	_ =	task [dreg:s8], $0x5FFFF  }
0xb2: {  	[dreg:$0x1] =	wrdreg $0xFFFFFFFF  }
0xb3: {  	[dreg:$0x0] =	wrdreg $0x60  }
0xb4: {  	[dreg:$0x2] =	wrdreg s24  }
0xb5: {  	[dreg:$0x3] =	wrdreg s17  }
0xb6: {  	[dreg:$0x4] =	wrdreg s16  }
0xb7: {  	[dreg:$0x5] =	wrdreg $0x54000  }
0xb8: {  	[dreg:$0x6] =	wrdreg $0x9  }
0xb9: {  	_ =	task.clear_ibuf [dreg:s8], $0x7FFFF;
	_ =	strace $0x90000046  }
0xba: {  	s29 =	simm.s32 $0x9;
	_ =	strace $0x80000048  }
0xbb: {  	_ =	swait.ge [sflag:s29], $0x1  }
0xbc: {  	[sflag:s29] =	ssyncadd.s32 $0xFFFFFFFF  }
0xbd: {  	_ =	strace $0x90000048  }
0xbe: {  	_ =	sfence  }
0xbf: {  	s30 =	sld [smem:$0x0];
	_ =	sdelay $0x2  }
0xc0: {  	s31 =	sshll.u32 s1, $0xD;
	s1 =	sshrl.u32 s1, $0x2  }
0xc1: {  	s3 =	sand.u32 $0x4000, s31;
	s1 =	sadd.s32 s1, s30  }
0xc2: {  	s0 =	sor.u32 s3, s0;
	s1 =	sshll.u32 s1, $0x11  }
0xc3: {  	s0 =	sor.u32 s1, s0  }
0xc4: {  	s0 =	sadd.s32 $0x8F2B, s0  }
0xc5: {  	[sflag:s0] =	ssyncadd.remote.s32 $0x1  }
0xc6: {  	_ =	sfence.sel $0xFFFF  }
0xc7: {  	[dreg:$0x0] =	wrdreg $0xFFFFFFFF;
	(pc) =	sbr.abs _section_cstart, $3  }
0xc8: {  	[dreg:$0x1] =	wrdreg $0xFFFFFFFF  }
0xc9: {  	_ =	task.clear_ibuf [dreg:s8], $0x2FFFF;
	_ =	strace $0x9FFFFFFF  }
0xca: {  	(tm) =	ssettm $0x7FFFFFFF  }
0xcb: {  	_ =	shalt  }
tec
execute0_lowered:
.L_overlay_start_1:
0x0: {  	(tag) =	ssettag $0x1  }
0x1: {  	s3 =	rddreg [dreg:$0x0]  }
0x2: {  	s1 =	rddreg [dreg:$0x1]  }
0x3: {  	s6 =	rddreg [dreg:$0x2]  }
0x4: {  	s0 =	srdreg.scid;
	s20 =	stileid.u32  }
0x5: {  	s2 =	rddreg [dreg:$0x3];
	s0 =	sand.u32 $0x1, s0;
	s7 =	smul.u32 $0xC8, s20  }
0x6: {  	s4 =	simm.s32 $0x0;
	s9 =	sor.u32 $0x10, s20;
	s11 =	smul.u32 $0x61A8, s0  }
0x7: {  	[smem:$0x7FF] =	sst s4;
	s12 =	sor.u32 $0x20, s20;
	s10 =	smul.u32 $0xC8, s9  }
0x8: {  	s5 =	sadd.s32 $0x1CC00, s3;
	s13 =	sor.u32 $0x30, s20;
	s19 =	smul.u32 $0xC8, s12  }
0x9: {  	s16 =	sor.u32 $0x50, s20;
	s17 =	sor.u32 $0x60, s20;
	s21 =	smul.u32 $0xC8, s13  }
0xa: {  	p0 =	sgt.u32 s20, $0xC;
	s0 =	ssub.s32 $0x2, s0;
	s9 =	smul.u32 $0xC800, s9  }
0xb: {  	_ =	strace $0x80000047;
	s15 =	smul.u32 $0xC8, s16;
	s8 =	sshrl.u32 s0, $0x1  }
0xc: {  	s18 =	smul.u32 $0xC8, s17;
	s7 =	sadd.s32 s7, s11;
	s0 =	ssub.s32 s0, s8  }
0xd: {  	s10 =	sadd.s32 s11, s10;
	s8 =	sadd.s32 s11, s19;
	s19 =	sor.u32 $0x70, s20  }
0xe: {  	s24 =	sadd.s32 s11, s15;
	s25 =	sadd.s32 s11, s18;
	s18 =	smul.u32 $0xC800, s12  }
0xf: {  	s9 =	sshrl.u32 s9, $0x2;
	s7 =	sshll.u32 s7, $0x3;
	s10 =	sshll.u32 s10, $0x3  }
0x10: {  	s8 =	sshll.u32 s8, $0x3;
	s23 =	smul.u32 $0xC8, s19;
	s15 =	sshll.u32 s25, $0x3  }
0x11: {  	s9 =	sadd.s32 s9, s2;
	s25 =	smul.u32 $0xC800, s19;
	s0 =	smax.u32 s0, $0x1  }
0x12: {  	s7 =	sadd.s32 s6, s7;
	s10 =	sadd.s32 s6, s10;
	[dreg:$0xd] =	wrdreg s0  }
0x13: {  	s8 =	sadd.s32 s6, s8;
	s26 =	sadd.s32 s6, s15;
	[dreg:$0x5] =	wrdreg s7  }
0x14: {  	s7 =	smul.u32 $0xC800, s20;
	[dreg:$0x7] =	wrdreg s8;
	s8 =	sor.u32 $0x40, s20  }
0x15: {  	[dreg:$0x6] =	wrdreg s10;
	s10 =	sadd.s32 s11, s21;
	s14 =	smul.u32 $0xC8, s8  }
0x16: {  	[dreg:$0xb] =	wrdreg s26;
	s10 =	sshll.u32 s10, $0x3;
	s8 =	smul.u32 $0xC800, s8  }
0x17: {  	s26 =	smul.u32 $0x64000, s20;
	s10 =	sadd.s32 s6, s10;
	s21 =	sshrl.u32 s7, $0x2  }
0x18: {  	s14 =	sadd.s32 s11, s14;
	[dreg:$0x8] =	wrdreg s10;
	s8 =	sshrl.u32 s8, $0x2  }
0x19: {  	s22 =	sshll.u32 s14, $0x3;
	s14 =	sadd.s32 s11, s23;
	s23 =	smul.u32 $0xC800, s16  }
0x1a: {  	s8 =	sadd.s32 s8, s2;
	s16 =	sshrl.u32 s26, $0x2;
	s26 =	smul.u32 $0xC380, s20  }
0x1b: {  	s10 =	sadd.s32 s6, s22;
	s15 =	sshll.u32 s14, $0x3;
	s14 =	sadd.s32 $0x4400, s3  }
0x1c: {  	s22 =	smul.u32 $0xC800, s13;
	s13 =	sshrl.u32 s25, $0x2;
	[dreg:$0x9] =	wrdreg s10  }
0x1d: {  	s10 =	sshll.u32 s24, $0x3;
	s24 =	smul.u32 $0xC800, s17;
	s13 =	sadd.s32 s13, s2  }
0x1e: {  	s17 =	sadd.s32 s16, s2;
	s16 =	sshrl.u32 s9, $0x3;
	s9 =	simm.s32 $0x80  }
0x1f: {  	s10 =	sadd.s32 s6, s10;
	s6 =	sadd.s32 s6, s15;
	s15 =	sadd.s32 $0xF8A00, s3  }
0x20: {  	s3 =	sadd.s32 s21, s2;
	s7 =	sshrl.u32 s22, $0x2;
	[dreg:$0xf] =	wrdreg s16  }
0x21: {  	s22 =	sshrl.u32 s8, $0x3;
	s25 =	sshrl.u32 @!p0 s13, $0x3;
	s21 =	sadd.s32 $0x61A8, s11  }
0x22: {  	s28 =	sadd.s32 $0x3200, s17;
	s29 =	sadd.s32 $0x6400, s17;
	s30 =	sadd.s32 $0x9600, s17  }
0x23: {  	s31 =	sadd.s32 $0xC800, s17;
	s0 =	sadd.s32 $0xFA00, s17;
	s8 =	simm.s32 $0x2  }
0x24: {  	v0 =	vmov s11;
	s11 =	simm.s32 $0x100;
	s13 =	simm.s32 $0x180;
	[dreg:$0xa] =	wrdreg s10  }
0x25: {  	[dreg:$0xc] =	wrdreg s6;
	s6 =	sshrl.u32 s18, $0x2;
	s7 =	sadd.s32 s7, s2  }
0x26: {  	s10 =	sshrl.u32 s23, $0x2;
	s12 =	sshrl.u32 s24, $0x2;
	s3 =	sshrl.u32 s3, $0x3  }
0x27: {  	s6 =	sadd.s32 s6, s2;
	s10 =	sadd.s32 s10, s2;
	s12 =	sadd.s32 s12, s2  }
0x28: {  	[dreg:$0xe] =	wrdreg s3;
	s19 =	sshrl.u32 s7, $0x3;
	s3 =	sadd.s32 $0x12C00, s17  }
0x29: {  	s7 =	simm.s32 $0x2200;
	s18 =	sshrl.u32 s6, $0x3;
	[dreg:$0x11] =	wrdreg s19  }
0x2a: {  	s23 =	sshrl.u32 s10, $0x3;
	s24 =	sshrl.u32 s12, $0x3;
	s6 =	sadd.s32 $0x15E00, s17  }
0x2b: {  	v2 =	vimm.f32 $0.0e+00;
	v1 =	vmov s21;
	s10 =	simm.s32 $0x200;
	s12 =	simm.s32 $0x1;
	[dreg:$0x10] =	wrdreg s18  }
.LBB2_1:
0x2c: {  	s18 =	simm.s32 $0x100;
	s16 =	simm.s32 $0x0  }
.LBB2_2:
0x2d: {  	p1 =	sne.s32 s18, $0xC700;
	[tilespmem:s16+$0x2230] =	vst v2;
	s19 =	smov.u32 s18;
	s18 =	sadd.s32 $0x100, s18  }
.Ltmp0:
0x2e: {  	[tilespmem:s16+$0x2220] =	vst v2;
	(pc) =	sbr.rel @p1 .LBB2_2-.Ltmp0, $3  }
0x2f: {  	[tilespmem:s16+$0x2200] =	vst v2  }
0x30: {  	[tilespmem:s16+$0x2210] =	vst v2;
	_ =	sdelay $0x1  }
0x31: {  	s16 =	sshra.s32 s19, $0x2  }
0x32: {  	[tilespmem:s16+$0x2230] =	vst v2  }
0x33: {  	[tilespmem:s16+$0x2220] =	vst v2  }
0x34: {  	[tilespmem:s16+$0x2200] =	vst v2  }
0x35: {  	[tilespmem:s16+$0x2210] =	vst v2  }
0x36: {  	[spmem:s17] =	stream.linear.scatter [tilespmem:s7], [sflag:$0x2], $0x3200, $0x38;
	[tilespmem:$0x1E400] =	vst v63  }
0x37: {  	_ =	swait.ge [sflag:s8], $0x3200  }
0x38: {  	[sflag:s8] =	ssyncset.done $0x0  }
0x39: {  	[sflag:s8] =	ssyncadd.s32 $0xFFFFCE00  }
0x3a: {  	[spmem:s28] =	stream.linear.scatter [tilespmem:s7], [sflag:$0x2], $0x3200, $0x38;
	[tilespmem:$0x1E400] =	vst v63  }
0x3b: {  	_ =	swait.ge [sflag:s8], $0x3200  }
0x3c: {  	[sflag:s8] =	ssyncset.done $0x0  }
0x3d: {  	[sflag:s8] =	ssyncadd.s32 $0xFFFFCE00  }
0x3e: {  	[spmem:s29] =	stream.linear.scatter [tilespmem:s7], [sflag:$0x2], $0x3200, $0x38;
	[tilespmem:$0x1E400] =	vst v63  }
0x3f: {  	_ =	swait.ge [sflag:s8], $0x3200  }
0x40: {  	[sflag:s8] =	ssyncset.done $0x0  }
0x41: {  	[sflag:s8] =	ssyncadd.s32 $0xFFFFCE00  }
0x42: {  	[spmem:s30] =	stream.linear.scatter [tilespmem:s7], [sflag:$0x2], $0x3200, $0x38;
	[tilespmem:$0x1E400] =	vst v63  }
0x43: {  	_ =	swait.ge [sflag:s8], $0x3200  }
0x44: {  	[sflag:s8] =	ssyncset.done $0x0  }
0x45: {  	[sflag:s8] =	ssyncadd.s32 $0xFFFFCE00  }
0x46: {  	[spmem:s31] =	stream.linear.scatter [tilespmem:s7], [sflag:$0x2], $0x3200, $0x38;
	[tilespmem:$0x1E400] =	vst v63  }
0x47: {  	_ =	swait.ge [sflag:s8], $0x3200  }
0x48: {  	[sflag:s8] =	ssyncset.done $0x0  }
0x49: {  	[sflag:s8] =	ssyncadd.s32 $0xFFFFCE00  }
0x4a: {  	[spmem:s0] =	stream.linear.scatter [tilespmem:s7], [sflag:$0x2], $0x3200, $0x38;
	[tilespmem:$0x1E400] =	vst v63  }
0x4b: {  	_ =	swait.ge [sflag:s8], $0x3200  }
0x4c: {  	[sflag:s8] =	ssyncset.done $0x0  }
0x4d: {  	[sflag:s8] =	ssyncadd.s32 $0xFFFFCE00  }
0x4e: {  	[spmem:s3] =	stream.linear.scatter [tilespmem:s7], [sflag:$0x2], $0x3200, $0x38;
	[tilespmem:$0x1E400] =	vst v63  }
0x4f: {  	_ =	swait.ge [sflag:s8], $0x3200  }
0x50: {  	[sflag:s8] =	ssyncset.done $0x0  }
0x51: {  	[sflag:s8] =	ssyncadd.s32 $0xFFFFCE00  }
0x52: {  	[spmem:s6] =	stream.linear.scatter [tilespmem:s7], [sflag:$0x2], $0x3200, $0x38;
	[tilespmem:$0x1E400] =	vst v63  }
0x53: {  	_ =	swait.ge [sflag:s8], $0x3200  }
0x54: {  	[sflag:s8] =	ssyncset.done $0x0  }
0x55: {  	[sflag:s8] =	ssyncadd.s32 $0xFFFFCE00  }
0x56: {  	s16 =	simm.s32 $0x0;
	s18 =	simm.s32 $0x0;
	[bflag:$0x0] =	sbarrier.arrive $0xFFFF  }
.LBB2_4:
0x57: {  	s19 =	sshll.u32 s18, $0x7  }
0x58: {  	s19 =	sadd.s32 s26, s19  }
0x59: {  	s19 =	sshrl.u32 s19, $0x3  }
0x5a: {  	s20 =	sadd.s32 s14, s19  }
0x5b: {  	[tilespmem:s9], [sflag:$0x2] =	stream.linear.gather [hbm4b:s20+s16], $0x80, $0x38;
	[tilespmem:$0x1E400] =	vst v63  }
0x5c: {  	_ =	swait.ge [sflag:s8], $0x80  }
0x5d: {  	[sflag:s8] =	ssyncset.done $0x0  }
0x5e: {  	[sflag:s8] =	ssyncadd.s32 $0xFFFFFF80  }
0x5f: {  	[tilespmem:s10], [sflag:$0x1] =	stream.indirect.gather [hbm4b:s1+s9], $0x40, s9, s9, $0xb8;
	[tilespmem:$0x1E400] =	vst v63  }
0x60: {  	s21 =	sadd.s32 s5, s19  }
0x61: {  	[tilespmem:s16], [sflag:$0x2] =	stream.linear.gather [hbm4b:s21+s16], $0x80, $0x38;
	[tilespmem:$0x1E400] =	vst v63  }
0x62: {  	_ =	swait.ge [sflag:s8], $0x80  }
0x63: {  	[sflag:s8] =	ssyncset.done $0x0  }
0x64: {  	s19 =	sadd.s32 s15, s19;
	[sflag:s8] =	ssyncadd.s32 $0xFFFFFF80  }
0x65: {  	[tilespmem:s11], [sflag:$0x2] =	stream.linear.gather [hbm4b:s19+s16], $0x80, $0x38;
	[tilespmem:$0x1E400] =	vst v63  }
0x66: {  	_ =	swait.ge [sflag:s8], $0x80  }
0x67: {  	[sflag:s8] =	ssyncset.done $0x0  }
0x68: {  	[sflag:s8] =	ssyncadd.s32 $0xFFFFFF80  }
0x69: {  	v3 =	vld [tilespmem:$0x0]  }
0x6a: {  	v4 =	vld [tilespmem:$0x10]  }
0x6b: {  	v5 =	vld [tilespmem:$0x20]  }
0x6c: {  	v6 =	vld [tilespmem:$0x30]  }
0x6d: {  	v7 =	vld [tilespmem:$0x40]  }
0x6e: {  	v8 =	vld [tilespmem:$0x50]  }
0x6f: {  	vm0 =	vge.s32 v3, v0;
	vm1 =	vlt.s32 v3, v1;
	v3 =	vsub.s32 v3, v0  }
0x70: {  	v9 =	vld [tilespmem:$0x60];
	vm12 =	vge.s32 v4, v0;
	vm2 =	vlt.s32 v4, v1;
	v4 =	vsub.s32 v4, v0  }
0x71: {  	vm14 =	vge.s32 v5, v0;
	vm15 =	vlt.s32 v5, v1;
	vm4 =	vge.s32 v6, v0  }
0x72: {  	vm5 =	vlt.s32 v6, v1;
	v5 =	vsub.s32 v5, v0;
	v6 =	vsub.s32 v6, v0  }
0x73: {  	vm6 =	vge.s32 v7, v0;
	vm7 =	vlt.s32 v7, v1;
	vm8 =	vge.s32 v8, v0  }
0x74: {  	v10 =	vld [tilespmem:$0x70];
	vm3 =	vlt.s32 v8, v1;
	v62 =	vsub.s32 v8, v0;
	vm0 =	vmand vm0, vm1  }
0x75: {  	vm10 =	vge.s32 v9, v0;
	vm13 =	vmand vm12, vm2;
	v3 =	vnsel vm0, $0x61A8, v3  }
0x76: {  	vm11 =	vlt.s32 v9, v1;
	vm1 =	vmand vm4, vm5;
	v4 =	vnsel vm13, $0x61A8, v4;
	[tilespmem:$0x180] =	vst v3  }
0x77: {  	vm9 =	vmand vm8, vm3;
	vm0 =	vmand vm14, vm15;
	v6 =	vnsel vm1, $0x61A8, v6;
	[tilespmem:$0x190] =	vst v4  }
0x78: {  	v5 =	vnsel vm0, $0x61A8, v5;
	vm0 =	vmand vm6, vm7;
	v3 =	vsub.s32 v7, v0;
	[tilespmem:$0x1B0] =	vst v6  }
0x79: {  	vm12 =	vmand vm10, vm11;
	vm13 =	vge.s32 v10, v0;
	[tilespmem:$0x1A0] =	vst v5;
	v3 =	vnsel vm0, $0x61A8, v3  }
0x7a: {  	vm14 =	vlt.s32 v10, v1;
	v4 =	vnsel vm9, $0x61A8, v62;
	[tilespmem:$0x1C0] =	vst v3;
	v3 =	vsub.s32 v9, v0  }
0x7b: {  	v63 =	vsub.s32 v10, v0;
	vm15 =	vmand vm13, vm14;
	[tilespmem:$0x1D0] =	vst v4;
	v3 =	vnsel vm12, $0x61A8, v3  }
0x7c: {  	[tilespmem:$0x1E0] =	vst v3;
	v3 =	vnsel vm15, $0x61A8, v63  }
0x7d: {  	[tilespmem:$0x1F0] =	vst v3  }
0x7e: {  	_ =	swait.ge [sflag:s12], $0x2000  }
0x7f: {  	[sflag:s12] =	ssyncset.done $0x0  }
0x80: {  	s20 =	simm.s32 $0x0;
	s19 =	simm.s32 $0x400;
	[sflag:s12] =	ssyncadd.s32 $0xFFFFE000  }
.LBB2_5:
0x81: {  	s21 =	sshra.s32 s20, $0x2  }
0x82: {  	v3 =	vld [tilespmem:s21+$0x100];
	_ =	sdelay $0x1  }
0x83: {  	v4 =	vld [tilespmem:s19+$0xFFFFFE00];
	_ =	sdelay $0x1  }
0x84: {  	v43 =	vld [tilespmem:s19+$0xFFFFFE10]  }
0x85: {  	v5 =	vbroadcast v3, $0x0  }
0x86: {  	v44 =	vld [tilespmem:s19+$0xFFFFFE20]  }
0x87: {  	v4 =	vmul.f32 v5, v4  }
0x88: {  	v45 =	vld [tilespmem:s19+$0xFFFFFE30]  }
0x89: {  	[tilespmem:s19+$0xFFFFFE00] =	vst v4;
	v4 =	vmul.f32 v43, v5  }
0x8a: {  	v46 =	vld [tilespmem:s19+$0xFFFFFE40]  }
0x8b: {  	[tilespmem:s19+$0xFFFFFE10] =	vst v4;
	v4 =	vmul.f32 v44, v5  }
0x8c: {  	v48 =	vld [tilespmem:s19+$0xFFFFFE50]  }
0x8d: {  	v47 =	vbroadcast v3, $0x1;
	[tilespmem:s19+$0xFFFFFE20] =	vst v4;
	v4 =	vmul.f32 v45, v5  }
0x8e: {  	v49 =	vld [tilespmem:s19+$0xFFFFFE60]  }
0x8f: {  	[tilespmem:s19+$0xFFFFFE30] =	vst v4;
	v4 =	vmul.f32 v46, v47  }
0x90: {  	v50 =	vld [tilespmem:s19+$0xFFFFFE70]  }
0x91: {  	[tilespmem:s19+$0xFFFFFE40] =	vst v4;
	v4 =	vmul.f32 v48, v47  }
0x92: {  	v51 =	vld [tilespmem:s19+$0xFFFFFE80]  }
0x93: {  	[tilespmem:s19+$0xFFFFFE50] =	vst v4;
	v4 =	vmul.f32 v49, v47  }
0x94: {  	v53 =	vld [tilespmem:s19+$0xFFFFFE90]  }
0x95: {  	v52 =	vbroadcast v3, $0x2;
	[tilespmem:s19+$0xFFFFFE60] =	vst v4;
	v4 =	vmul.f32 v50, v47  }
0x96: {  	v54 =	vld [tilespmem:s19+$0xFFFFFEA0]  }
0x97: {  	[tilespmem:s19+$0xFFFFFE70] =	vst v4;
	v4 =	vmul.f32 v51, v52  }
0x98: {  	v55 =	vld [tilespmem:s19+$0xFFFFFEB0]  }
0x99: {  	[tilespmem:s19+$0xFFFFFE80] =	vst v4;
	v4 =	vmul.f32 v53, v52  }
0x9a: {  	v56 =	vld [tilespmem:s19+$0xFFFFFEC0]  }
0x9b: {  	[tilespmem:s19+$0xFFFFFE90] =	vst v4;
	v4 =	vmul.f32 v54, v52  }
0x9c: {  	v58 =	vld [tilespmem:s19+$0xFFFFFED0]  }
0x9d: {  	v57 =	vbroadcast v3, $0x3;
	[tilespmem:s19+$0xFFFFFEA0] =	vst v4;
	v4 =	vmul.f32 v55, v52  }
0x9e: {  	v59 =	vld [tilespmem:s19+$0xFFFFFEE0]  }
0x9f: {  	[tilespmem:s19+$0xFFFFFEB0] =	vst v4;
	v4 =	vmul.f32 v56, v57  }
0xa0: {  	v60 =	vld [tilespmem:s19+$0xFFFFFEF0]  }
0xa1: {  	[tilespmem:s19+$0xFFFFFEC0] =	vst v4;
	v4 =	vmul.f32 v58, v57  }
0xa2: {  	v61 =	vld [tilespmem:s19+$0xFFFFFF00]  }
0xa3: {  	[tilespmem:s19+$0xFFFFFED0] =	vst v4;
	v4 =	vmul.f32 v59, v57  }
0xa4: {  	v63 =	vld [tilespmem:s19+$0xFFFFFF10]  }
0xa5: {  	v62 =	vbroadcast v3, $0x4;
	[tilespmem:s19+$0xFFFFFEE0] =	vst v4;
	v4 =	vmul.f32 v60, v57  }
0xa6: {  	v8 =	vld [tilespmem:s19+$0xFFFFFF20]  }
0xa7: {  	[tilespmem:s19+$0xFFFFFEF0] =	vst v4;
	v4 =	vmul.f32 v61, v62  }
0xa8: {  	v9 =	vld [tilespmem:s19+$0xFFFFFF30]  }
0xa9: {  	[tilespmem:s19+$0xFFFFFF00] =	vst v4;
	v4 =	vmul.f32 v63, v62  }
0xaa: {  	v10 =	vld [tilespmem:s19+$0xFFFFFF40]  }
0xab: {  	[tilespmem:s19+$0xFFFFFF10] =	vst v4;
	v4 =	vmul.f32 v8, v62  }
0xac: {  	v12 =	vld [tilespmem:s19+$0xFFFFFF50]  }
0xad: {  	v11 =	vbroadcast v3, $0x5;
	[tilespmem:s19+$0xFFFFFF20] =	vst v4;
	v4 =	vmul.f32 v9, v62  }
0xae: {  	v13 =	vld [tilespmem:s19+$0xFFFFFF60]  }
0xaf: {  	[tilespmem:s19+$0xFFFFFF30] =	vst v4;
	v4 =	vmul.f32 v10, v11  }
0xb0: {  	v14 =	vld [tilespmem:s19+$0xFFFFFF70]  }
0xb1: {  	[tilespmem:s19+$0xFFFFFF40] =	vst v4;
	v4 =	vmul.f32 v12, v11  }
0xb2: {  	v15 =	vld [tilespmem:s19+$0xFFFFFF80]  }
0xb3: {  	[tilespmem:s19+$0xFFFFFF50] =	vst v4;
	v4 =	vmul.f32 v13, v11  }
0xb4: {  	v17 =	vld [tilespmem:s19+$0xFFFFFF90]  }
0xb5: {  	v16 =	vbroadcast v3, $0x6;
	[tilespmem:s19+$0xFFFFFF60] =	vst v4;
	v4 =	vmul.f32 v14, v11  }
0xb6: {  	v18 =	vld [tilespmem:s19+$0xFFFFFFA0]  }
0xb7: {  	[tilespmem:s19+$0xFFFFFF70] =	vst v4;
	v4 =	vmul.f32 v15, v16  }
0xb8: {  	v19 =	vld [tilespmem:s19+$0xFFFFFFB0]  }
0xb9: {  	[tilespmem:s19+$0xFFFFFF80] =	vst v4;
	v4 =	vmul.f32 v17, v16  }
0xba: {  	v20 =	vld [tilespmem:s19+$0xFFFFFFC0]  }
0xbb: {  	[tilespmem:s19+$0xFFFFFF90] =	vst v4;
	v4 =	vmul.f32 v18, v16  }
0xbc: {  	v22 =	vld [tilespmem:s19+$0xFFFFFFD0]  }
0xbd: {  	v21 =	vbroadcast v3, $0x7;
	[tilespmem:s19+$0xFFFFFFA0] =	vst v4;
	v4 =	vmul.f32 v19, v16  }
0xbe: {  	v23 =	vld [tilespmem:s19+$0xFFFFFFE0]  }
0xbf: {  	[tilespmem:s19+$0xFFFFFFB0] =	vst v4;
	v4 =	vmul.f32 v20, v21  }
0xc0: {  	v24 =	vld [tilespmem:s19+$0xFFFFFFF0]  }
0xc1: {  	[tilespmem:s19+$0xFFFFFFC0] =	vst v4;
	v4 =	vmul.f32 v22, v21  }
0xc2: {  	v25 =	vld [tilespmem:s19+$0x0]  }
0xc3: {  	[tilespmem:s19+$0xFFFFFFD0] =	vst v4;
	v4 =	vmul.f32 v23, v21  }
0xc4: {  	v27 =	vld [tilespmem:s19+$0x10]  }
0xc5: {  	v26 =	vbroadcast v3, $0x8;
	[tilespmem:s19+$0xFFFFFFE0] =	vst v4;
	v4 =	vmul.f32 v24, v21  }
0xc6: {  	v28 =	vld [tilespmem:s19+$0x20]  }
0xc7: {  	[tilespmem:s19+$0xFFFFFFF0] =	vst v4;
	v4 =	vmul.f32 v25, v26  }
0xc8: {  	v29 =	vld [tilespmem:s19+$0x30]  }
0xc9: {  	[tilespmem:s19+$0x0] =	vst v4;
	v4 =	vmul.f32 v27, v26  }
0xca: {  	v30 =	vld [tilespmem:s19+$0x40]  }
0xcb: {  	[tilespmem:s19+$0x10] =	vst v4;
	v4 =	vmul.f32 v28, v26  }
0xcc: {  	v32 =	vld [tilespmem:s19+$0x50]  }
0xcd: {  	v31 =	vbroadcast v3, $0x9;
	[tilespmem:s19+$0x20] =	vst v4;
	v4 =	vmul.f32 v29, v26  }
0xce: {  	v33 =	vld [tilespmem:s19+$0x60]  }
0xcf: {  	[tilespmem:s19+$0x30] =	vst v4;
	v4 =	vmul.f32 v30, v31  }
0xd0: {  	v34 =	vld [tilespmem:s19+$0x70]  }
0xd1: {  	[tilespmem:s19+$0x40] =	vst v4;
	v4 =	vmul.f32 v32, v31  }
0xd2: {  	v35 =	vld [tilespmem:s19+$0x80]  }
0xd3: {  	[tilespmem:s19+$0x50] =	vst v4;
	v4 =	vmul.f32 v33, v31  }
0xd4: {  	v37 =	vld [tilespmem:s19+$0x90]  }
0xd5: {  	v36 =	vbroadcast v3, $0xA;
	[tilespmem:s19+$0x60] =	vst v4;
	v4 =	vmul.f32 v34, v31  }
0xd6: {  	v38 =	vld [tilespmem:s19+$0xA0]  }
0xd7: {  	[tilespmem:s19+$0x70] =	vst v4;
	v4 =	vmul.f32 v35, v36  }
0xd8: {  	v39 =	vld [tilespmem:s19+$0xB0]  }
0xd9: {  	[tilespmem:s19+$0x80] =	vst v4;
	v4 =	vmul.f32 v37, v36  }
0xda: {  	v40 =	vld [tilespmem:s19+$0xC0]  }
0xdb: {  	[tilespmem:s19+$0x90] =	vst v4;
	v4 =	vmul.f32 v38, v36  }
0xdc: {  	v42 =	vld [tilespmem:s19+$0xD0]  }
0xdd: {  	v41 =	vbroadcast v3, $0xB;
	[tilespmem:s19+$0xA0] =	vst v4;
	v4 =	vmul.f32 v39, v36  }
0xde: {  	v43 =	vld [tilespmem:s19+$0xE0]  }
0xdf: {  	[tilespmem:s19+$0xB0] =	vst v4;
	v4 =	vmul.f32 v40, v41  }
0xe0: {  	v44 =	vld [tilespmem:s19+$0xF0]  }
0xe1: {  	[tilespmem:s19+$0xC0] =	vst v4;
	v4 =	vmul.f32 v42, v41  }
0xe2: {  	v45 =	vld [tilespmem:s19+$0x100]  }
0xe3: {  	[tilespmem:s19+$0xD0] =	vst v4;
	v4 =	vmul.f32 v43, v41  }
0xe4: {  	v47 =	vld [tilespmem:s19+$0x110]  }
0xe5: {  	v46 =	vbroadcast v3, $0xC;
	[tilespmem:s19+$0xE0] =	vst v4;
	v4 =	vmul.f32 v44, v41  }
0xe6: {  	v48 =	vld [tilespmem:s19+$0x120]  }
0xe7: {  	[tilespmem:s19+$0xF0] =	vst v4;
	v4 =	vmul.f32 v45, v46  }
0xe8: {  	v49 =	vld [tilespmem:s19+$0x130]  }
0xe9: {  	[tilespmem:s19+$0x100] =	vst v4;
	v4 =	vmul.f32 v47, v46  }
0xea: {  	v50 =	vld [tilespmem:s19+$0x140]  }
0xeb: {  	[tilespmem:s19+$0x110] =	vst v4;
	v4 =	vmul.f32 v48, v46  }
0xec: {  	v52 =	vld [tilespmem:s19+$0x150]  }
0xed: {  	v51 =	vbroadcast v3, $0xD;
	[tilespmem:s19+$0x120] =	vst v4;
	v4 =	vmul.f32 v49, v46  }
0xee: {  	v53 =	vld [tilespmem:s19+$0x160]  }
0xef: {  	[tilespmem:s19+$0x130] =	vst v4;
	v4 =	vmul.f32 v50, v51  }
0xf0: {  	v54 =	vld [tilespmem:s19+$0x170]  }
0xf1: {  	[tilespmem:s19+$0x140] =	vst v4;
	v4 =	vmul.f32 v52, v51  }
0xf2: {  	v55 =	vld [tilespmem:s19+$0x180]  }
0xf3: {  	[tilespmem:s19+$0x150] =	vst v4;
	v4 =	vmul.f32 v53, v51  }
0xf4: {  	v57 =	vld [tilespmem:s19+$0x190]  }
0xf5: {  	v56 =	vbroadcast v3, $0xE;
	[tilespmem:s19+$0x160] =	vst v4;
	v4 =	vmul.f32 v54, v51  }
0xf6: {  	v58 =	vld [tilespmem:s19+$0x1A0]  }
0xf7: {  	[tilespmem:s19+$0x170] =	vst v4;
	v4 =	vmul.f32 v55, v56  }
0xf8: {  	v59 =	vld [tilespmem:s19+$0x1B0]  }
0xf9: {  	[tilespmem:s19+$0x180] =	vst v4;
	v4 =	vmul.f32 v57, v56  }
0xfa: {  	v60 =	vld [tilespmem:s19+$0x1C0]  }
0xfb: {  	[tilespmem:s19+$0x190] =	vst v4;
	v4 =	vmul.f32 v58, v56  }
0xfc: {  	v61 =	vld [tilespmem:s19+$0x1D0]  }
0xfd: {  	v3 =	vbroadcast v3, $0xF;
	[tilespmem:s19+$0x1A0] =	vst v4;
	v4 =	vmul.f32 v59, v56  }
0xfe: {  	v62 =	vld [tilespmem:s19+$0x1E0]  }
0xff: {  	v63 =	vld [tilespmem:s19+$0x1F0];
	[tilespmem:s19+$0x1B0] =	vst v4;
	v4 =	vmul.f32 v60, v3;
	_ =	sdelay $0x1  }
0x100: {  	p1 =	sne.s32 s20, $0x1C0;
	[tilespmem:s19+$0x1C0] =	vst v4;
	v4 =	vmul.f32 v61, v3  }
.Ltmp1:
0x101: {  	_ = 	snop;
	(pc) =	sbr.rel @p1 .LBB2_5-.Ltmp1, $4  }
0x102: {  	[tilespmem:s19+$0x1D0] =	vst v4;
	v4 =	vmul.f32 v62, v3  }
0x103: {  	v3 =	vmul.f32 v63, v3  }
0x104: {  	[tilespmem:s19+$0x1E0] =	vst v4  }
0x105: {  	s20 =	sadd.s32 $0x40, s20;
	[tilespmem:s19+$0x1F0] =	vst v3;
	s19 =	sadd.s32 $0x400, s19  }
0x106: {  	s18 =	sadd.s32 $0x1, s18  }
0x107: {  	p1 =	sne.s32 s18, $0x187  }
.Ltmp2:
0x108: {  	_ = 	snop;
	(pc) =	sbr.rel @p1 .LBB2_4-.Ltmp2, $4  }
0x109: {  	[spmem:s2] =	stream.indirect.scatter.add.f32 [tilespmem:s10], [sflag:$0x2], $0x40, s13, s9, $0xb8;
	[tilespmem:$0x1E400] =	vst v63  }
0x10a: {  	_ =	swait.ge [sflag:s8], $0x2000  }
0x10b: {  	[sflag:s8] =	ssyncset.done $0x0  }
0x10c: {  	[sflag:s8] =	ssyncadd.s32 $0xFFFFE000  }
0x10d: {  	s16 =	stileid.u32;
	[bflag:$0x0] =	sbarrier.arrive $0xFFFF  }
0x10e: {  	s16 =	sshll.u32 s16, $0x6;
	s18 =	rddreg [dreg:$0x5]  }
0x10f: {  	s19 =	rddreg [dreg:$0xe];
	s16 =	sor.u32 $0x1C02, s16  }
0x110: {  	[hbm:s18], [sflag:s16] =	dma.local [spmem:s19], $0x640  }
0x111: {  	_ =	swait.ge [sflag:s8], $0x640  }
0x112: {  	[sflag:s8] =	ssyncset.done $0x0;
	s20 =	rddreg [dreg:$0x6]  }
0x113: {  	s21 =	rddreg [dreg:$0xf];
	[sflag:s8] =	ssyncadd.s32 $0xFFFFF9C0  }
0x114: {  	[hbm:s20], [sflag:s16] =	dma.local [spmem:s21], $0x640  }
0x115: {  	_ =	swait.ge [sflag:s8], $0x640  }
0x116: {  	[sflag:s8] =	ssyncset.done $0x0;
	s20 =	rddreg [dreg:$0x7]  }
0x117: {  	s21 =	rddreg [dreg:$0x10];
	[sflag:s8] =	ssyncadd.s32 $0xFFFFF9C0  }
0x118: {  	[hbm:s20], [sflag:s16] =	dma.local [spmem:s21], $0x640  }
0x119: {  	_ =	swait.ge [sflag:s8], $0x640  }
0x11a: {  	[sflag:s8] =	ssyncset.done $0x0;
	s19 =	rddreg [dreg:$0x8]  }
0x11b: {  	s20 =	rddreg [dreg:$0x11];
	[sflag:s8] =	ssyncadd.s32 $0xFFFFF9C0  }
0x11c: {  	[hbm:s19], [sflag:s16] =	dma.local [spmem:s20], $0x640  }
0x11d: {  	_ =	swait.ge [sflag:s8], $0x640  }
0x11e: {  	[sflag:s8] =	ssyncset.done $0x0  }
0x11f: {  	s21 =	rddreg [dreg:$0x9];
	[sflag:s8] =	ssyncadd.s32 $0xFFFFF9C0  }
0x120: {  	[hbm:s21], [sflag:s16] =	dma.local [spmem:s22], $0x640  }
0x121: {  	_ =	swait.ge [sflag:s8], $0x640  }
0x122: {  	[sflag:s8] =	ssyncset.done $0x0  }
0x123: {  	s19 =	rddreg [dreg:$0xa];
	[sflag:s8] =	ssyncadd.s32 $0xFFFFF9C0  }
0x124: {  	[hbm:s19], [sflag:s16] =	dma.local [spmem:s23], $0x640  }
0x125: {  	_ =	swait.ge [sflag:s8], $0x640  }
0x126: {  	[sflag:s8] =	ssyncset.done $0x0  }
0x127: {  	s20 =	rddreg [dreg:$0xb];
	[sflag:s8] =	ssyncadd.s32 $0xFFFFF9C0  }
0x128: {  	[hbm:s20], [sflag:s16] =	dma.local [spmem:s24], $0x640  }
0x129: {  	_ =	swait.ge [sflag:s8], $0x640  }
0x12a: {  	[sflag:s8] =	ssyncset.done $0x0  }
0x12b: {  	s18 =	rddreg [dreg:$0xc];
	[sflag:s8] =	ssyncadd.s32 $0xFFFFF9C0  }
0x12c: {  	[hbm:s18], [sflag:s16] =	dma.local @!p0 [spmem:s25], $0x640  }
0x12d: {  	s16 =	simm.s32 @!p0 $0x2  }
0x12e: {  	_ =	swait.ge @!p0 [sflag:s16], $0x640  }
0x12f: {  	s4 =	sadd.s32 $0x1, s4;
	s21 =	rddreg [dreg:$0xd]  }
0x130: {  	p1 =	sne.s32 s4, s21  }
.Ltmp3:
0x131: {  	_ = 	snop;
	(pc) =	sbr.rel @p1 .LBB2_1-.Ltmp3, $3  }
0x132: {  	_ =	sdelay $0x1  }
0x133: {  	[sflag:s16] =	ssyncset.done @!p0 $0x0  }
0x134: {  	[sflag:s16] =	ssyncadd.s32 @!p0 $0xFFFFF9C0  }
0x135: {  	_ =	sfence.sel $0x180000  }
0x136: {  	[bflag:$0x0] =	sbarrier.arrive $0xFFFF  }
0x137: {  	_ =	strace $0x90000047  }
0x138: {  	s0 =	stileid.u32;
	[bflag:$0x2] =	sbarrier.arrive $0xFFFF  }
0x139: {  	p0 =	sne.s32 s0, $0x0;
	s0 =	rddreg [dreg:$0x4]  }
0x13a: {  	s0 =	sadd.s32 @!p0 $0x100000, s0  }
0x13b: {  	[sflag:s0] =	ssyncadd.tile.s32 @!p0 $0x1;
	_ =	shalt  }
.Lfunc_end2:
_tile_overlayer_lowered:
.L_overlay_start_2:
0x13c: {  	(tag) =	ssettag $0x2  }
0x13d: {  	s0 =	rddreg [dreg:$0x0];
	s2 =	stileid.u32  }
0x13e: {  	s1 =	rddreg [dreg:$0x1];
	p0 =	sne.s32 s2, $0x0  }
0x13f: {  	s3 =	rddreg [dreg:$0x2];
	[bflag:$0x3] =	sbarrier.arrive $0xFFFF;
	s2 =	simm.s32 @!p0 $0x1C02  }
0x140: {  	[timem:s3], [sflag:s2] =	dma.local @!p0 [hbm:s0], s1  }
0x141: {  	s0 =	simm.s32 @!p0 $0x2  }
0x142: {  	_ =	swait.ge @!p0 [sflag:s0], s1  }
0x143: {  	s1 =	ssub.s32 @!p0 $0x0, s1;
	[sflag:s0] =	ssyncset.done @!p0 $0x0  }
0x144: {  	[sflag:s0] =	ssyncadd.s32 @!p0 s1  }
0x145: {  	[bflag:$0x3] =	sbarrier.arrive $0xFFFF  }
0x146: {  	_ =	shalt  }

// kernel: kernel.9.cloned.1.call-start
scs
__scs_entry_jumppad:
0x0: {  	(pc) =	sbr.rel $0x88, $3  }
0x1: {  	(tag) =	ssettag $0x0;
	lr =	simm.s32 $0x1  }
0x2: {  	[smem:$0x3F96] =	sst lr;
	_ =	strace $0xD0000000  }
0x3: {  	_ = 	snop  }
0x4: {  	_ = 	snop  }
0x5: {  	_ = 	snop  }
0x6: {  	_ = 	snop  }
0x7: {  	_ = 	snop  }
__scs_overlays_trampoline_lowered:
0x8: {  	[smem:$0x3FA5] =	sst s0  }
0x9: {  	[smem:$0x3FA6] =	sst s1  }
0xa: {  	[smem:$0x3FA7] =	sst s2  }
0xb: {  	[smem:$0x3FA8] =	sst s3  }
0xc: {  	[smem:$0x3FA9] =	sst s4  }
0xd: {  	[smem:$0x3FAA] =	sst s5  }
0xe: {  	[smem:$0x3FAB] =	sst s6  }
0xf: {  	[smem:$0x3FAC] =	sst s7  }
0x10: {  	[smem:$0x3FAD] =	sst s8  }
0x11: {  	[smem:$0x3FAE] =	sst s9;
	s0 =	simm.s32 @!p0 $0x0  }
0x12: {  	s1 =	sld [smem:$0x3F94];
	s0 =	simm.s32 @p0 $0x1  }
0x13: {  	[smem:$0x3FAF] =	sst s0;
	s0 =	simm.s32 @!p1 $0x0  }
0x14: {  	s2 =	sld [smem:$0x3F93];
	s0 =	simm.s32 @p1 $0x1  }
0x15: {  	[smem:$0x3FB0] =	sst s0;
	s0 =	simm.s32 @!p2 $0x0  }
0x16: {  	s3 =	sld [smem:$0x3FDB];
	s0 =	simm.s32 @p2 $0x1  }
0x17: {  	s4 =	simm.s32 $0x1BF5;
	[smem:$0x3FB2] =	sst s0  }
0x18: {  	s0 =	sld [smem:$0x3F95];
	_ =	swait.ge [sflag:s4], $0x0  }
0x19: {  	s7 =	sld [smem:$0x3F96]  }
0x1a: {  	s8 =	sadd.s32 $0xFFFFE003, lr  }
0x1b: {  	s9 =	sadd.s32 $0xFFFFFEF7, lr;
	s5 =	simm.s32 $0xFFFFFFFF;
	p2 =	slt.u32 s8, $0xFFFFF086  }
0x1c: {  	p1 =	slt.u32 s9, $0xF7A;
	s5 =	simm.s32 @!p2 $0x0  }
0x1d: {  	s5 =	simm.s32 @p1 $0x1;
	p0 =	seq.s32 s7, s2  }
0x1e: {  	s7 =	smul.u32 @!p0 $0xF7A, s2;
	p2 =	seq.s32 @!p0 s5, $0x0  }
0x1f: {  	s9 =	smul.u32 $0xF7A, s1;
	s8 =	simm.s32 @!p0 $0x1BF5;
	p2 =	por !p2, p0  }
0x20: {  	[sflag:s8] =	ssyncset.s32 @!p0 $0xFFFFF086;
	s6 =	sadd.s32 @!p0 s3, s7;
	s7 =	simm.s32 @!p0 $0x108  }
0x21: {  	s3 =	sadd.s32 s3, s9;
	s6 =	sadd.s32 @!p0 $0x88, s6;
	s7 =	simm.s32 @p2 $0x1082  }
0x22: {  	[simem:s7], [sflag:s8] =	dma.local @!p0 [hbm:s6], $0xF7A  }
0x23: {  	s9 =	sor.u32 $0xD0000000, s2;
	s6 =	simm.s32 $0x108;
	_ =	swait.ge @!p0 [sflag:s8], $0x0  }
0x24: {  	s3 =	sadd.s32 $0x88, s3;
	s6 =	simm.s32 @!p1 $0x1082;
	[sflag:s4] =	ssyncset.s32 $0xFFFFF086  }
0x25: {  	[simem:s6], [sflag:s4] =	dma.local [hbm:s3], $0xF7A  }
0x26: {  	[smem:$0x3F96] =	sst s1;
	(tag) =	ssettag s2;
	_ =	strace s9  }
0x27: {  	s1 =	sld [smem:$0x3FA6]  }
0x28: {  	s2 =	sld [smem:$0x3FA7]  }
0x29: {  	s4 =	sld [smem:$0x3FA9]  }
0x2a: {  	p0 =	seq.s32 s5, $0x0;
	s5 =	sld [smem:$0x3FAA]  }
0x2b: {  	s6 =	sld [smem:$0x3FAB]  }
0x2c: {  	s7 =	sld [smem:$0x3FAC]  }
0x2d: {  	s3 =	simm.s32 $0x108;
	s8 =	sld [smem:$0x3FAD]  }
0x2e: {  	s3 =	simm.s32 @!p0 $0x1082;
	s9 =	sld [smem:$0x3FAE]  }
0x2f: {  	lr =	sadd.s32 s0, s3;
	s0 =	sld [smem:$0x3FA5]  }
0x30: {  	s3 =	sld [smem:$0x3FA8]  }
0x31: {  	[smem:$0x3FB1] =	sst s10  }
0x32: {  	s10 =	sld [smem:$0x3FAF];
	_ =	sdelay $0x3  }
0x33: {  	p0 =	seq.s32 s10, $0x1;
	s10 =	sld [smem:$0x3FB1];
	_ =	sdelay $0x3  }
0x34: {  	[smem:$0x3FB1] =	sst s10  }
0x35: {  	s10 =	sld [smem:$0x3FB0];
	_ =	sdelay $0x3  }
0x36: {  	p1 =	seq.s32 s10, $0x1;
	s10 =	sld [smem:$0x3FB1];
	_ =	sdelay $0x3  }
0x37: {  	[smem:$0x3FB1] =	sst s10  }
0x38: {  	s10 =	sld [smem:$0x3FB2]  }
0x39: {  	_ = 	snop;
	(pc) =	sbr.ind lr, $3  }
0x3a: {  	_ = 	snop  }
0x3b: {  	_ = 	snop  }
0x3c: {  	p2 =	seq.s32 s10, $0x1;
	s10 =	sld [smem:$0x3FB1]  }
0x3d: {  	_ =	shalt  }
0x3e: {  	_ =	shalt  }
0x3f: {  	_ =	shalt  }
0x40: {  	_ =	shalt  }
0x41: {  	_ =	shalt  }
0x42: {  	_ =	shalt  }
0x43: {  	_ =	shalt  }
0x44: {  	_ =	shalt  }
0x45: {  	_ =	shalt  }
0x46: {  	_ =	shalt  }
0x47: {  	_ =	shalt  }
0x48: {  	_ =	shalt  }
0x49: {  	_ =	shalt  }
0x4a: {  	_ =	shalt  }
0x4b: {  	_ =	shalt  }
0x4c: {  	_ =	shalt  }
0x4d: {  	_ =	shalt  }
0x4e: {  	_ =	shalt  }
0x4f: {  	_ =	shalt  }
0x50: {  	_ =	shalt  }
0x51: {  	_ =	shalt  }
0x52: {  	_ =	shalt  }
0x53: {  	_ =	shalt  }
0x54: {  	_ =	shalt  }
0x55: {  	_ =	shalt  }
0x56: {  	_ =	shalt  }
0x57: {  	_ =	shalt  }
0x58: {  	_ =	shalt  }
0x59: {  	_ =	shalt  }
0x5a: {  	_ =	shalt  }
0x5b: {  	_ =	shalt  }
0x5c: {  	_ =	shalt  }
0x5d: {  	_ =	shalt  }
0x5e: {  	_ =	shalt  }
0x5f: {  	_ =	shalt  }
0x60: {  	_ =	shalt  }
0x61: {  	_ =	shalt  }
0x62: {  	_ =	shalt  }
0x63: {  	_ =	shalt  }
0x64: {  	_ =	shalt  }
0x65: {  	_ =	shalt  }
0x66: {  	_ =	shalt  }
0x67: {  	_ =	shalt  }
0x68: {  	_ =	shalt  }
0x69: {  	_ =	shalt  }
0x6a: {  	_ =	shalt  }
0x6b: {  	_ =	shalt  }
0x6c: {  	_ =	shalt  }
0x6d: {  	_ =	shalt  }
0x6e: {  	_ =	shalt  }
0x6f: {  	_ =	shalt  }
0x70: {  	_ =	shalt  }
0x71: {  	_ =	shalt  }
0x72: {  	_ =	shalt  }
0x73: {  	_ =	shalt  }
0x74: {  	_ =	shalt  }
0x75: {  	_ =	shalt  }
0x76: {  	_ =	shalt  }
0x77: {  	_ =	shalt  }
0x78: {  	_ =	shalt  }
0x79: {  	_ =	shalt  }
0x7a: {  	_ =	shalt  }
0x7b: {  	_ =	shalt  }
0x7c: {  	_ =	shalt  }
0x7d: {  	_ =	shalt  }
0x7e: {  	_ =	shalt  }
0x7f: {  	_ =	shalt  }
0x80: {  	_ =	shalt  }
0x81: {  	_ =	shalt  }
0x82: {  	_ =	shalt  }
0x83: {  	_ =	shalt  }
0x84: {  	_ =	shalt  }
0x85: {  	_ =	shalt  }
0x86: {  	_ =	shalt  }
0x87: {  	_ =	shalt  }
.Lfunc_end0:
.L_simem_size_0:
called_computation.1_lowered:
.L_overlay_start_0:
0x88: {  	s2 =	sld [smem:$0x3FD9]  }
0x89: {  	s3 =	sld [smem:$0x3FFE];
	_ =	sdelay $0x1  }
0x8a: {  	s1 =	srdreg.scid  }
0x8b: {  	s0 =	sand.u32 $0x1, s1  }
0x8c: {  	s14 =	sshll.u32 s0, $0xA;
	s2 =	sadd.s32 s3, s2  }
0x8d: {  	s2 =	sadd.s32 s2, s14  }
0x8e: {  	[smem:$0x3FBD] =	sst s2  }
0x8f: {  	_ = 	snop  }
0x90: {  	s2 =	sld [smem:$0x3FD0];
	_ =	sdelay $0x2  }
0x91: {  	s15 =	simm.s32 $0xA;
	s4 =	simm.s32 $0x10  }
0x92: {  	[smem:s4], [sflag:s15] =	dma.local [hbm:s2], $0x1  }
0x93: {  	_ =	swait.eq [sflag:s15], $0x1  }
0x94: {  	[sflag:s15] =	ssyncset.done $0x0  }
0x95: {  	s16 =	sld [smem:$0x10];
	[sflag:s15] =	ssyncadd.s32 $0xFFFFFFFF  }
0x96: {  	s17 =	sld [smem:$0x12];
	(tm) =	ssettm $0x1  }
0x97: {  	s18 =	sld [smem:$0x3FFB];
	_ =	sdelay $0x3  }
0x98: {  	_ =	strace s18  }
0x99: {  	s4 =	sld [smem:$0x3FFC];
	_ =	sdelay $0x3  }
0x9a: {  	_ =	strace s4  }
0x9b: {  	s4 =	sld [smem:$0x3FFD];
	_ =	sdelay $0x3  }
0x9c: {  	_ =	strace s4  }
0x9d: {  	_ =	strace $0x8FFFFFFF  }
0x9e: {  	s19 =	sld [smem:$0x3FDB];
	_ =	sdelay $0x1  }
0x9f: {  	s5 =	simm.s32 $_scs_section_size  }
0xa0: {  	s6 =	simm.s32 $_size__tile_overlayer_lowered;
	s7 =	simm.s32 $_tile_overlayer_lowered  }
0xa1: {  	s22 =	simm.s32 $0x1BFF;
	s21 =	sshll.u32 s7, $0x1;
	s4 =	sadd.s32 s5, s19  }
0xa2: {  	s8 =	simm.s32 $0x0;
	s20 =	sshll.u32 s6, $0x1;
	s6 =	sadd.s32 s21, s4  }
0xa3: {  	[timem:s8], [sflag:s22] =	dma.local [hbm:s6], s20  }
0xa4: {  	_ =	swait.ge [sflag:s22], s20  }
0xa5: {  	s5 =	ssub.s32 $0x0, s20;
	[sflag:s22] =	ssyncset.done $0x0  }
0xa6: {  	[sflag:s22] =	ssyncadd.s32 s5;
	_ =	sdelay $0x1  }
0xa7: {  	s23 =	simm.s32 $0x1B8B  }
0xa8: {  	_ =	swait.ge [sflag:s23], $0x1  }
0xa9: {  	[sflag:s23] =	ssyncset.done $0x0  }
0xaa: {  	s25 =	simm.s32 $0x1B8E;
	s24 =	sld [smem:$0x3FFE];
	[sflag:s23] =	ssyncadd.s32 $0xFFFFFFFF  }
0xab: {  	s26 =	simm.s32 $execute0_lowered;
	[smem:$0x3FD2] =	sst s25  }
0xac: {  	s6 =	sshll.u32 s26, $0x1;
	_ =	strace $0x80000049;
	[dreg:$0x1] =	wrdreg $0xFFFFFFFF  }
0xad: {  	s28 =	simm.s32 $_size_execute0_lowered;
	s4 =	sadd.s32 s4, s6;
	[dreg:$0x0] =	wrdreg $0x0  }
0xae: {  	s6 =	sshll.u32 s28, $0x1;
	[dreg:$0x2] =	wrdreg s4  }
0xaf: {  	[dreg:$0x3] =	wrdreg s6  }
0xb0: {  	[dreg:$0x4] =	wrdreg $0xC0  }
0xb1: {  	_ =	task [dreg:s8], $0x5FFFF  }
0xb2: {  	[dreg:$0x1] =	wrdreg $0xFFFFFFFF  }
0xb3: {  	[dreg:$0x0] =	wrdreg $0x60  }
0xb4: {  	[dreg:$0x2] =	wrdreg s24  }
0xb5: {  	[dreg:$0x3] =	wrdreg s17  }
0xb6: {  	[dreg:$0x4] =	wrdreg s16  }
0xb7: {  	[dreg:$0x5] =	wrdreg $0x54000  }
0xb8: {  	[dreg:$0x6] =	wrdreg $0x9  }
0xb9: {  	_ =	task.clear_ibuf [dreg:s8], $0x7FFFF;
	_ =	strace $0x90000049  }
0xba: {  	s29 =	simm.s32 $0x9;
	_ =	strace $0x8000004B  }
0xbb: {  	_ =	swait.ge [sflag:s29], $0x1  }
0xbc: {  	[sflag:s29] =	ssyncadd.s32 $0xFFFFFFFF  }
0xbd: {  	_ =	strace $0x9000004B  }
0xbe: {  	_ =	sfence  }
0xbf: {  	s30 =	sld [smem:$0x0];
	_ =	sdelay $0x2  }
0xc0: {  	s31 =	sshll.u32 s1, $0xD;
	s1 =	sshrl.u32 s1, $0x2  }
0xc1: {  	s3 =	sand.u32 $0x4000, s31;
	s1 =	sadd.s32 s1, s30  }
0xc2: {  	s0 =	sor.u32 s3, s0;
	s1 =	sshll.u32 s1, $0x11  }
0xc3: {  	s0 =	sor.u32 s1, s0  }
0xc4: {  	s0 =	sadd.s32 $0x8F2B, s0  }
0xc5: {  	[sflag:s0] =	ssyncadd.remote.s32 $0x1  }
0xc6: {  	_ =	sfence.sel $0xFFFF  }
0xc7: {  	[dreg:$0x0] =	wrdreg $0xFFFFFFFF;
	(pc) =	sbr.abs _section_cstart, $3  }
0xc8: {  	[dreg:$0x1] =	wrdreg $0xFFFFFFFF  }
0xc9: {  	_ =	task.clear_ibuf [dreg:s8], $0x2FFFF;
	_ =	strace $0x9FFFFFFF  }
0xca: {  	(tm) =	ssettm $0x7FFFFFFF  }
0xcb: {  	_ =	shalt  }
tec
execute0_lowered:
.L_overlay_start_1:
0x0: {  	(tag) =	ssettag $0x1  }
0x1: {  	s3 =	rddreg [dreg:$0x0]  }
0x2: {  	s1 =	rddreg [dreg:$0x1]  }
0x3: {  	s6 =	rddreg [dreg:$0x2]  }
0x4: {  	s0 =	srdreg.scid;
	s20 =	stileid.u32  }
0x5: {  	s2 =	rddreg [dreg:$0x3];
	s0 =	sand.u32 $0x1, s0;
	s7 =	smul.u32 $0xC8, s20  }
0x6: {  	s4 =	simm.s32 $0x0;
	s9 =	sor.u32 $0x10, s20;
	s11 =	smul.u32 $0x61A8, s0  }
0x7: {  	[smem:$0x7FF] =	sst s4;
	s12 =	sor.u32 $0x20, s20;
	s10 =	smul.u32 $0xC8, s9  }
0x8: {  	s5 =	sadd.s32 $0x1CC00, s3;
	s13 =	sor.u32 $0x30, s20;
	s19 =	smul.u32 $0xC8, s12  }
0x9: {  	s16 =	sor.u32 $0x50, s20;
	s17 =	sor.u32 $0x60, s20;
	s21 =	smul.u32 $0xC8, s13  }
0xa: {  	p0 =	sgt.u32 s20, $0xC;
	s0 =	ssub.s32 $0x2, s0;
	s9 =	smul.u32 $0xC800, s9  }
0xb: {  	_ =	strace $0x8000004A;
	s15 =	smul.u32 $0xC8, s16;
	s8 =	sshrl.u32 s0, $0x1  }
0xc: {  	s18 =	smul.u32 $0xC8, s17;
	s7 =	sadd.s32 s7, s11;
	s0 =	ssub.s32 s0, s8  }
0xd: {  	s10 =	sadd.s32 s11, s10;
	s8 =	sadd.s32 s11, s19;
	s19 =	sor.u32 $0x70, s20  }
0xe: {  	s24 =	sadd.s32 s11, s15;
	s25 =	sadd.s32 s11, s18;
	s18 =	smul.u32 $0xC800, s12  }
0xf: {  	s9 =	sshrl.u32 s9, $0x2;
	s7 =	sshll.u32 s7, $0x3;
	s10 =	sshll.u32 s10, $0x3  }
0x10: {  	s8 =	sshll.u32 s8, $0x3;
	s23 =	smul.u32 $0xC8, s19;
	s15 =	sshll.u32 s25, $0x3  }
0x11: {  	s9 =	sadd.s32 s9, s2;
	s25 =	smul.u32 $0xC800, s19;
	s0 =	smax.u32 s0, $0x1  }
0x12: {  	s7 =	sadd.s32 s6, s7;
	s10 =	sadd.s32 s6, s10;
	[dreg:$0xd] =	wrdreg s0  }
0x13: {  	s8 =	sadd.s32 s6, s8;
	s26 =	sadd.s32 s6, s15;
	[dreg:$0x5] =	wrdreg s7  }
0x14: {  	s7 =	smul.u32 $0xC800, s20;
	[dreg:$0x7] =	wrdreg s8;
	s8 =	sor.u32 $0x40, s20  }
0x15: {  	[dreg:$0x6] =	wrdreg s10;
	s10 =	sadd.s32 s11, s21;
	s14 =	smul.u32 $0xC8, s8  }
0x16: {  	[dreg:$0xb] =	wrdreg s26;
	s10 =	sshll.u32 s10, $0x3;
	s8 =	smul.u32 $0xC800, s8  }
0x17: {  	s26 =	smul.u32 $0x64000, s20;
	s10 =	sadd.s32 s6, s10;
	s21 =	sshrl.u32 s7, $0x2  }
0x18: {  	s14 =	sadd.s32 s11, s14;
	[dreg:$0x8] =	wrdreg s10;
	s8 =	sshrl.u32 s8, $0x2  }
0x19: {  	s22 =	sshll.u32 s14, $0x3;
	s14 =	sadd.s32 s11, s23;
	s23 =	smul.u32 $0xC800, s16  }
0x1a: {  	s8 =	sadd.s32 s8, s2;
	s16 =	sshrl.u32 s26, $0x2;
	s26 =	smul.u32 $0xC380, s20  }
0x1b: {  	s10 =	sadd.s32 s6, s22;
	s15 =	sshll.u32 s14, $0x3;
	s14 =	sadd.s32 $0x4400, s3  }
0x1c: {  	s22 =	smul.u32 $0xC800, s13;
	s13 =	sshrl.u32 s25, $0x2;
	[dreg:$0x9] =	wrdreg s10  }
0x1d: {  	s10 =	sshll.u32 s24, $0x3;
	s24 =	smul.u32 $0xC800, s17;
	s13 =	sadd.s32 s13, s2  }
0x1e: {  	s17 =	sadd.s32 s16, s2;
	s16 =	sshrl.u32 s9, $0x3;
	s9 =	simm.s32 $0x80  }
0x1f: {  	s10 =	sadd.s32 s6, s10;
	s6 =	sadd.s32 s6, s15;
	s15 =	sadd.s32 $0xF8A00, s3  }
0x20: {  	s3 =	sadd.s32 s21, s2;
	s7 =	sshrl.u32 s22, $0x2;
	[dreg:$0xf] =	wrdreg s16  }
0x21: {  	s22 =	sshrl.u32 s8, $0x3;
	s25 =	sshrl.u32 @!p0 s13, $0x3;
	s21 =	sadd.s32 $0x61A8, s11  }
0x22: {  	s28 =	sadd.s32 $0x3200, s17;
	s29 =	sadd.s32 $0x6400, s17;
	s30 =	sadd.s32 $0x9600, s17  }
0x23: {  	s31 =	sadd.s32 $0xC800, s17;
	s0 =	sadd.s32 $0xFA00, s17;
	s8 =	simm.s32 $0x2  }
0x24: {  	v0 =	vmov s11;
	s11 =	simm.s32 $0x100;
	s13 =	simm.s32 $0x180;
	[dreg:$0xa] =	wrdreg s10  }
0x25: {  	[dreg:$0xc] =	wrdreg s6;
	s6 =	sshrl.u32 s18, $0x2;
	s7 =	sadd.s32 s7, s2  }
0x26: {  	s10 =	sshrl.u32 s23, $0x2;
	s12 =	sshrl.u32 s24, $0x2;
	s3 =	sshrl.u32 s3, $0x3  }
0x27: {  	s6 =	sadd.s32 s6, s2;
	s10 =	sadd.s32 s10, s2;
	s12 =	sadd.s32 s12, s2  }
0x28: {  	[dreg:$0xe] =	wrdreg s3;
	s19 =	sshrl.u32 s7, $0x3;
	s3 =	sadd.s32 $0x12C00, s17  }
0x29: {  	s7 =	simm.s32 $0x2200;
	s18 =	sshrl.u32 s6, $0x3;
	[dreg:$0x11] =	wrdreg s19  }
0x2a: {  	s23 =	sshrl.u32 s10, $0x3;
	s24 =	sshrl.u32 s12, $0x3;
	s6 =	sadd.s32 $0x15E00, s17  }
0x2b: {  	v2 =	vimm.f32 $0.0e+00;
	v1 =	vmov s21;
	s10 =	simm.s32 $0x200;
	s12 =	simm.s32 $0x1;
	[dreg:$0x10] =	wrdreg s18  }
.LBB2_1:
0x2c: {  	s18 =	simm.s32 $0x100;
	s16 =	simm.s32 $0x0  }
.LBB2_2:
0x2d: {  	p1 =	sne.s32 s18, $0xC700;
	[tilespmem:s16+$0x2230] =	vst v2;
	s19 =	smov.u32 s18;
	s18 =	sadd.s32 $0x100, s18  }
.Ltmp0:
0x2e: {  	[tilespmem:s16+$0x2220] =	vst v2;
	(pc) =	sbr.rel @p1 .LBB2_2-.Ltmp0, $3  }
0x2f: {  	[tilespmem:s16+$0x2200] =	vst v2  }
0x30: {  	[tilespmem:s16+$0x2210] =	vst v2;
	_ =	sdelay $0x1  }
0x31: {  	s16 =	sshra.s32 s19, $0x2  }
0x32: {  	[tilespmem:s16+$0x2230] =	vst v2  }
0x33: {  	[tilespmem:s16+$0x2220] =	vst v2  }
0x34: {  	[tilespmem:s16+$0x2200] =	vst v2  }
0x35: {  	[tilespmem:s16+$0x2210] =	vst v2  }
0x36: {  	[spmem:s17] =	stream.linear.scatter [tilespmem:s7], [sflag:$0x2], $0x3200, $0x38;
	[tilespmem:$0x1E400] =	vst v63  }
0x37: {  	_ =	swait.ge [sflag:s8], $0x3200  }
0x38: {  	[sflag:s8] =	ssyncset.done $0x0  }
0x39: {  	[sflag:s8] =	ssyncadd.s32 $0xFFFFCE00  }
0x3a: {  	[spmem:s28] =	stream.linear.scatter [tilespmem:s7], [sflag:$0x2], $0x3200, $0x38;
	[tilespmem:$0x1E400] =	vst v63  }
0x3b: {  	_ =	swait.ge [sflag:s8], $0x3200  }
0x3c: {  	[sflag:s8] =	ssyncset.done $0x0  }
0x3d: {  	[sflag:s8] =	ssyncadd.s32 $0xFFFFCE00  }
0x3e: {  	[spmem:s29] =	stream.linear.scatter [tilespmem:s7], [sflag:$0x2], $0x3200, $0x38;
	[tilespmem:$0x1E400] =	vst v63  }
0x3f: {  	_ =	swait.ge [sflag:s8], $0x3200  }
0x40: {  	[sflag:s8] =	ssyncset.done $0x0  }
0x41: {  	[sflag:s8] =	ssyncadd.s32 $0xFFFFCE00  }
0x42: {  	[spmem:s30] =	stream.linear.scatter [tilespmem:s7], [sflag:$0x2], $0x3200, $0x38;
	[tilespmem:$0x1E400] =	vst v63  }
0x43: {  	_ =	swait.ge [sflag:s8], $0x3200  }
0x44: {  	[sflag:s8] =	ssyncset.done $0x0  }
0x45: {  	[sflag:s8] =	ssyncadd.s32 $0xFFFFCE00  }
0x46: {  	[spmem:s31] =	stream.linear.scatter [tilespmem:s7], [sflag:$0x2], $0x3200, $0x38;
	[tilespmem:$0x1E400] =	vst v63  }
0x47: {  	_ =	swait.ge [sflag:s8], $0x3200  }
0x48: {  	[sflag:s8] =	ssyncset.done $0x0  }
0x49: {  	[sflag:s8] =	ssyncadd.s32 $0xFFFFCE00  }
0x4a: {  	[spmem:s0] =	stream.linear.scatter [tilespmem:s7], [sflag:$0x2], $0x3200, $0x38;
	[tilespmem:$0x1E400] =	vst v63  }
0x4b: {  	_ =	swait.ge [sflag:s8], $0x3200  }
0x4c: {  	[sflag:s8] =	ssyncset.done $0x0  }
0x4d: {  	[sflag:s8] =	ssyncadd.s32 $0xFFFFCE00  }
0x4e: {  	[spmem:s3] =	stream.linear.scatter [tilespmem:s7], [sflag:$0x2], $0x3200, $0x38;
	[tilespmem:$0x1E400] =	vst v63  }
0x4f: {  	_ =	swait.ge [sflag:s8], $0x3200  }
0x50: {  	[sflag:s8] =	ssyncset.done $0x0  }
0x51: {  	[sflag:s8] =	ssyncadd.s32 $0xFFFFCE00  }
0x52: {  	[spmem:s6] =	stream.linear.scatter [tilespmem:s7], [sflag:$0x2], $0x3200, $0x38;
	[tilespmem:$0x1E400] =	vst v63  }
0x53: {  	_ =	swait.ge [sflag:s8], $0x3200  }
0x54: {  	[sflag:s8] =	ssyncset.done $0x0  }
0x55: {  	[sflag:s8] =	ssyncadd.s32 $0xFFFFCE00  }
0x56: {  	s16 =	simm.s32 $0x0;
	s18 =	simm.s32 $0x0;
	[bflag:$0x0] =	sbarrier.arrive $0xFFFF  }
.LBB2_4:
0x57: {  	s19 =	sshll.u32 s18, $0x7  }
0x58: {  	s19 =	sadd.s32 s26, s19  }
0x59: {  	s19 =	sshrl.u32 s19, $0x3  }
0x5a: {  	s20 =	sadd.s32 s14, s19  }
0x5b: {  	[tilespmem:s9], [sflag:$0x2] =	stream.linear.gather [hbm4b:s20+s16], $0x80, $0x38;
	[tilespmem:$0x1E400] =	vst v63  }
0x5c: {  	_ =	swait.ge [sflag:s8], $0x80  }
0x5d: {  	[sflag:s8] =	ssyncset.done $0x0  }
0x5e: {  	[sflag:s8] =	ssyncadd.s32 $0xFFFFFF80  }
0x5f: {  	[tilespmem:s10], [sflag:$0x1] =	stream.indirect.gather [hbm4b:s1+s9], $0x40, s9, s9, $0xb8;
	[tilespmem:$0x1E400] =	vst v63  }
0x60: {  	s21 =	sadd.s32 s5, s19  }
0x61: {  	[tilespmem:s16], [sflag:$0x2] =	stream.linear.gather [hbm4b:s21+s16], $0x80, $0x38;
	[tilespmem:$0x1E400] =	vst v63  }
0x62: {  	_ =	swait.ge [sflag:s8], $0x80  }
0x63: {  	[sflag:s8] =	ssyncset.done $0x0  }
0x64: {  	s19 =	sadd.s32 s15, s19;
	[sflag:s8] =	ssyncadd.s32 $0xFFFFFF80  }
0x65: {  	[tilespmem:s11], [sflag:$0x2] =	stream.linear.gather [hbm4b:s19+s16], $0x80, $0x38;
	[tilespmem:$0x1E400] =	vst v63  }
0x66: {  	_ =	swait.ge [sflag:s8], $0x80  }
0x67: {  	[sflag:s8] =	ssyncset.done $0x0  }
0x68: {  	[sflag:s8] =	ssyncadd.s32 $0xFFFFFF80  }
0x69: {  	v3 =	vld [tilespmem:$0x0]  }
0x6a: {  	v4 =	vld [tilespmem:$0x10]  }
0x6b: {  	v5 =	vld [tilespmem:$0x20]  }
0x6c: {  	v6 =	vld [tilespmem:$0x30]  }
0x6d: {  	v7 =	vld [tilespmem:$0x40]  }
0x6e: {  	v8 =	vld [tilespmem:$0x50]  }
0x6f: {  	vm0 =	vge.s32 v3, v0;
	vm1 =	vlt.s32 v3, v1;
	v3 =	vsub.s32 v3, v0  }
0x70: {  	v9 =	vld [tilespmem:$0x60];
	vm12 =	vge.s32 v4, v0;
	vm2 =	vlt.s32 v4, v1;
	v4 =	vsub.s32 v4, v0  }
0x71: {  	vm14 =	vge.s32 v5, v0;
	vm15 =	vlt.s32 v5, v1;
	vm4 =	vge.s32 v6, v0  }
0x72: {  	vm5 =	vlt.s32 v6, v1;
	v5 =	vsub.s32 v5, v0;
	v6 =	vsub.s32 v6, v0  }
0x73: {  	vm6 =	vge.s32 v7, v0;
	vm7 =	vlt.s32 v7, v1;
	vm8 =	vge.s32 v8, v0  }
0x74: {  	v10 =	vld [tilespmem:$0x70];
	vm3 =	vlt.s32 v8, v1;
	v62 =	vsub.s32 v8, v0;
	vm0 =	vmand vm0, vm1  }
0x75: {  	vm10 =	vge.s32 v9, v0;
	vm13 =	vmand vm12, vm2;
	v3 =	vnsel vm0, $0x61A8, v3  }
0x76: {  	vm11 =	vlt.s32 v9, v1;
	vm1 =	vmand vm4, vm5;
	v4 =	vnsel vm13, $0x61A8, v4;
	[tilespmem:$0x180] =	vst v3  }
0x77: {  	vm9 =	vmand vm8, vm3;
	vm0 =	vmand vm14, vm15;
	v6 =	vnsel vm1, $0x61A8, v6;
	[tilespmem:$0x190] =	vst v4  }
0x78: {  	v5 =	vnsel vm0, $0x61A8, v5;
	vm0 =	vmand vm6, vm7;
	v3 =	vsub.s32 v7, v0;
	[tilespmem:$0x1B0] =	vst v6  }
0x79: {  	vm12 =	vmand vm10, vm11;
	vm13 =	vge.s32 v10, v0;
	[tilespmem:$0x1A0] =	vst v5;
	v3 =	vnsel vm0, $0x61A8, v3  }
0x7a: {  	vm14 =	vlt.s32 v10, v1;
	v4 =	vnsel vm9, $0x61A8, v62;
	[tilespmem:$0x1C0] =	vst v3;
	v3 =	vsub.s32 v9, v0  }
0x7b: {  	v63 =	vsub.s32 v10, v0;
	vm15 =	vmand vm13, vm14;
	[tilespmem:$0x1D0] =	vst v4;
	v3 =	vnsel vm12, $0x61A8, v3  }
0x7c: {  	[tilespmem:$0x1E0] =	vst v3;
	v3 =	vnsel vm15, $0x61A8, v63  }
0x7d: {  	[tilespmem:$0x1F0] =	vst v3  }
0x7e: {  	_ =	swait.ge [sflag:s12], $0x2000  }
0x7f: {  	[sflag:s12] =	ssyncset.done $0x0  }
0x80: {  	s20 =	simm.s32 $0x0;
	s19 =	simm.s32 $0x400;
	[sflag:s12] =	ssyncadd.s32 $0xFFFFE000  }
.LBB2_5:
0x81: {  	s21 =	sshra.s32 s20, $0x2  }
0x82: {  	v3 =	vld [tilespmem:s21+$0x100];
	_ =	sdelay $0x1  }
0x83: {  	v4 =	vld [tilespmem:s19+$0xFFFFFE00];
	_ =	sdelay $0x1  }
0x84: {  	v43 =	vld [tilespmem:s19+$0xFFFFFE10]  }
0x85: {  	v5 =	vbroadcast v3, $0x0  }
0x86: {  	v44 =	vld [tilespmem:s19+$0xFFFFFE20]  }
0x87: {  	v4 =	vmul.f32 v5, v4  }
0x88: {  	v45 =	vld [tilespmem:s19+$0xFFFFFE30]  }
0x89: {  	[tilespmem:s19+$0xFFFFFE00] =	vst v4;
	v4 =	vmul.f32 v43, v5  }
0x8a: {  	v46 =	vld [tilespmem:s19+$0xFFFFFE40]  }
0x8b: {  	[tilespmem:s19+$0xFFFFFE10] =	vst v4;
	v4 =	vmul.f32 v44, v5  }
0x8c: {  	v48 =	vld [tilespmem:s19+$0xFFFFFE50]  }
0x8d: {  	v47 =	vbroadcast v3, $0x1;
	[tilespmem:s19+$0xFFFFFE20] =	vst v4;
	v4 =	vmul.f32 v45, v5  }
0x8e: {  	v49 =	vld [tilespmem:s19+$0xFFFFFE60]  }
0x8f: {  	[tilespmem:s19+$0xFFFFFE30] =	vst v4;
	v4 =	vmul.f32 v46, v47  }
0x90: {  	v50 =	vld [tilespmem:s19+$0xFFFFFE70]  }
0x91: {  	[tilespmem:s19+$0xFFFFFE40] =	vst v4;
	v4 =	vmul.f32 v48, v47  }
0x92: {  	v51 =	vld [tilespmem:s19+$0xFFFFFE80]  }
0x93: {  	[tilespmem:s19+$0xFFFFFE50] =	vst v4;
	v4 =	vmul.f32 v49, v47  }
0x94: {  	v53 =	vld [tilespmem:s19+$0xFFFFFE90]  }
0x95: {  	v52 =	vbroadcast v3, $0x2;
	[tilespmem:s19+$0xFFFFFE60] =	vst v4;
	v4 =	vmul.f32 v50, v47  }
0x96: {  	v54 =	vld [tilespmem:s19+$0xFFFFFEA0]  }
0x97: {  	[tilespmem:s19+$0xFFFFFE70] =	vst v4;
	v4 =	vmul.f32 v51, v52  }
0x98: {  	v55 =	vld [tilespmem:s19+$0xFFFFFEB0]  }
0x99: {  	[tilespmem:s19+$0xFFFFFE80] =	vst v4;
	v4 =	vmul.f32 v53, v52  }
0x9a: {  	v56 =	vld [tilespmem:s19+$0xFFFFFEC0]  }
0x9b: {  	[tilespmem:s19+$0xFFFFFE90] =	vst v4;
	v4 =	vmul.f32 v54, v52  }
0x9c: {  	v58 =	vld [tilespmem:s19+$0xFFFFFED0]  }
0x9d: {  	v57 =	vbroadcast v3, $0x3;
	[tilespmem:s19+$0xFFFFFEA0] =	vst v4;
	v4 =	vmul.f32 v55, v52  }
0x9e: {  	v59 =	vld [tilespmem:s19+$0xFFFFFEE0]  }
0x9f: {  	[tilespmem:s19+$0xFFFFFEB0] =	vst v4;
	v4 =	vmul.f32 v56, v57  }
0xa0: {  	v60 =	vld [tilespmem:s19+$0xFFFFFEF0]  }
0xa1: {  	[tilespmem:s19+$0xFFFFFEC0] =	vst v4;
	v4 =	vmul.f32 v58, v57  }
0xa2: {  	v61 =	vld [tilespmem:s19+$0xFFFFFF00]  }
0xa3: {  	[tilespmem:s19+$0xFFFFFED0] =	vst v4;
	v4 =	vmul.f32 v59, v57  }
0xa4: {  	v63 =	vld [tilespmem:s19+$0xFFFFFF10]  }
0xa5: {  	v62 =	vbroadcast v3, $0x4;
	[tilespmem:s19+$0xFFFFFEE0] =	vst v4;
	v4 =	vmul.f32 v60, v57  }
0xa6: {  	v8 =	vld [tilespmem:s19+$0xFFFFFF20]  }
0xa7: {  	[tilespmem:s19+$0xFFFFFEF0] =	vst v4;
	v4 =	vmul.f32 v61, v62  }
0xa8: {  	v9 =	vld [tilespmem:s19+$0xFFFFFF30]  }
0xa9: {  	[tilespmem:s19+$0xFFFFFF00] =	vst v4;
	v4 =	vmul.f32 v63, v62  }
0xaa: {  	v10 =	vld [tilespmem:s19+$0xFFFFFF40]  }
0xab: {  	[tilespmem:s19+$0xFFFFFF10] =	vst v4;
	v4 =	vmul.f32 v8, v62  }
0xac: {  	v12 =	vld [tilespmem:s19+$0xFFFFFF50]  }
0xad: {  	v11 =	vbroadcast v3, $0x5;
	[tilespmem:s19+$0xFFFFFF20] =	vst v4;
	v4 =	vmul.f32 v9, v62  }
0xae: {  	v13 =	vld [tilespmem:s19+$0xFFFFFF60]  }
0xaf: {  	[tilespmem:s19+$0xFFFFFF30] =	vst v4;
	v4 =	vmul.f32 v10, v11  }
0xb0: {  	v14 =	vld [tilespmem:s19+$0xFFFFFF70]  }
0xb1: {  	[tilespmem:s19+$0xFFFFFF40] =	vst v4;
	v4 =	vmul.f32 v12, v11  }
0xb2: {  	v15 =	vld [tilespmem:s19+$0xFFFFFF80]  }
0xb3: {  	[tilespmem:s19+$0xFFFFFF50] =	vst v4;
	v4 =	vmul.f32 v13, v11  }
0xb4: {  	v17 =	vld [tilespmem:s19+$0xFFFFFF90]  }
0xb5: {  	v16 =	vbroadcast v3, $0x6;
	[tilespmem:s19+$0xFFFFFF60] =	vst v4;
	v4 =	vmul.f32 v14, v11  }
0xb6: {  	v18 =	vld [tilespmem:s19+$0xFFFFFFA0]  }
0xb7: {  	[tilespmem:s19+$0xFFFFFF70] =	vst v4;
	v4 =	vmul.f32 v15, v16  }
0xb8: {  	v19 =	vld [tilespmem:s19+$0xFFFFFFB0]  }
0xb9: {  	[tilespmem:s19+$0xFFFFFF80] =	vst v4;
	v4 =	vmul.f32 v17, v16  }
0xba: {  	v20 =	vld [tilespmem:s19+$0xFFFFFFC0]  }
0xbb: {  	[tilespmem:s19+$0xFFFFFF90] =	vst v4;
	v4 =	vmul.f32 v18, v16  }
0xbc: {  	v22 =	vld [tilespmem:s19+$0xFFFFFFD0]  }
0xbd: {  	v21 =	vbroadcast v3, $0x7;
	[tilespmem:s19+$0xFFFFFFA0] =	vst v4;
	v4 =	vmul.f32 v19, v16  }
0xbe: {  	v23 =	vld [tilespmem:s19+$0xFFFFFFE0]  }
0xbf: {  	[tilespmem:s19+$0xFFFFFFB0] =	vst v4;
	v4 =	vmul.f32 v20, v21  }
0xc0: {  	v24 =	vld [tilespmem:s19+$0xFFFFFFF0]  }
0xc1: {  	[tilespmem:s19+$0xFFFFFFC0] =	vst v4;
	v4 =	vmul.f32 v22, v21  }
0xc2: {  	v25 =	vld [tilespmem:s19+$0x0]  }
0xc3: {  	[tilespmem:s19+$0xFFFFFFD0] =	vst v4;
	v4 =	vmul.f32 v23, v21  }
0xc4: {  	v27 =	vld [tilespmem:s19+$0x10]  }
0xc5: {  	v26 =	vbroadcast v3, $0x8;
	[tilespmem:s19+$0xFFFFFFE0] =	vst v4;
	v4 =	vmul.f32 v24, v21  }
0xc6: {  	v28 =	vld [tilespmem:s19+$0x20]  }
0xc7: {  	[tilespmem:s19+$0xFFFFFFF0] =	vst v4;
	v4 =	vmul.f32 v25, v26  }
0xc8: {  	v29 =	vld [tilespmem:s19+$0x30]  }
0xc9: {  	[tilespmem:s19+$0x0] =	vst v4;
	v4 =	vmul.f32 v27, v26  }
0xca: {  	v30 =	vld [tilespmem:s19+$0x40]  }
0xcb: {  	[tilespmem:s19+$0x10] =	vst v4;
	v4 =	vmul.f32 v28, v26  }
0xcc: {  	v32 =	vld [tilespmem:s19+$0x50]  }
0xcd: {  	v31 =	vbroadcast v3, $0x9;
	[tilespmem:s19+$0x20] =	vst v4;
	v4 =	vmul.f32 v29, v26  }
0xce: {  	v33 =	vld [tilespmem:s19+$0x60]  }
0xcf: {  	[tilespmem:s19+$0x30] =	vst v4;
	v4 =	vmul.f32 v30, v31  }
0xd0: {  	v34 =	vld [tilespmem:s19+$0x70]  }
0xd1: {  	[tilespmem:s19+$0x40] =	vst v4;
	v4 =	vmul.f32 v32, v31  }
0xd2: {  	v35 =	vld [tilespmem:s19+$0x80]  }
0xd3: {  	[tilespmem:s19+$0x50] =	vst v4;
	v4 =	vmul.f32 v33, v31  }
0xd4: {  	v37 =	vld [tilespmem:s19+$0x90]  }
0xd5: {  	v36 =	vbroadcast v3, $0xA;
	[tilespmem:s19+$0x60] =	vst v4;
	v4 =	vmul.f32 v34, v31  }
0xd6: {  	v38 =	vld [tilespmem:s19+$0xA0]  }
0xd7: {  	[tilespmem:s19+$0x70] =	vst v4;
	v4 =	vmul.f32 v35, v36  }
0xd8: {  	v39 =	vld [tilespmem:s19+$0xB0]  }
0xd9: {  	[tilespmem:s19+$0x80] =	vst v4;
	v4 =	vmul.f32 v37, v36  }
0xda: {  	v40 =	vld [tilespmem:s19+$0xC0]  }
0xdb: {  	[tilespmem:s19+$0x90] =	vst v4;
	v4 =	vmul.f32 v38, v36  }
0xdc: {  	v42 =	vld [tilespmem:s19+$0xD0]  }
0xdd: {  	v41 =	vbroadcast v3, $0xB;
	[tilespmem:s19+$0xA0] =	vst v4;
	v4 =	vmul.f32 v39, v36  }
0xde: {  	v43 =	vld [tilespmem:s19+$0xE0]  }
0xdf: {  	[tilespmem:s19+$0xB0] =	vst v4;
	v4 =	vmul.f32 v40, v41  }
0xe0: {  	v44 =	vld [tilespmem:s19+$0xF0]  }
0xe1: {  	[tilespmem:s19+$0xC0] =	vst v4;
	v4 =	vmul.f32 v42, v41  }
0xe2: {  	v45 =	vld [tilespmem:s19+$0x100]  }
0xe3: {  	[tilespmem:s19+$0xD0] =	vst v4;
	v4 =	vmul.f32 v43, v41  }
0xe4: {  	v47 =	vld [tilespmem:s19+$0x110]  }
0xe5: {  	v46 =	vbroadcast v3, $0xC;
	[tilespmem:s19+$0xE0] =	vst v4;
	v4 =	vmul.f32 v44, v41  }
0xe6: {  	v48 =	vld [tilespmem:s19+$0x120]  }
0xe7: {  	[tilespmem:s19+$0xF0] =	vst v4;
	v4 =	vmul.f32 v45, v46  }
0xe8: {  	v49 =	vld [tilespmem:s19+$0x130]  }
0xe9: {  	[tilespmem:s19+$0x100] =	vst v4;
	v4 =	vmul.f32 v47, v46  }
0xea: {  	v50 =	vld [tilespmem:s19+$0x140]  }
0xeb: {  	[tilespmem:s19+$0x110] =	vst v4;
	v4 =	vmul.f32 v48, v46  }
0xec: {  	v52 =	vld [tilespmem:s19+$0x150]  }
0xed: {  	v51 =	vbroadcast v3, $0xD;
	[tilespmem:s19+$0x120] =	vst v4;
	v4 =	vmul.f32 v49, v46  }
0xee: {  	v53 =	vld [tilespmem:s19+$0x160]  }
0xef: {  	[tilespmem:s19+$0x130] =	vst v4;
	v4 =	vmul.f32 v50, v51  }
0xf0: {  	v54 =	vld [tilespmem:s19+$0x170]  }
0xf1: {  	[tilespmem:s19+$0x140] =	vst v4;
	v4 =	vmul.f32 v52, v51  }
0xf2: {  	v55 =	vld [tilespmem:s19+$0x180]  }
0xf3: {  	[tilespmem:s19+$0x150] =	vst v4;
	v4 =	vmul.f32 v53, v51  }
0xf4: {  	v57 =	vld [tilespmem:s19+$0x190]  }
0xf5: {  	v56 =	vbroadcast v3, $0xE;
	[tilespmem:s19+$0x160] =	vst v4;
	v4 =	vmul.f32 v54, v51  }
0xf6: {  	v58 =	vld [tilespmem:s19+$0x1A0]  }
0xf7: {  	[tilespmem:s19+$0x170] =	vst v4;
	v4 =	vmul.f32 v55, v56  }
0xf8: {  	v59 =	vld [tilespmem:s19+$0x1B0]  }
0xf9: {  	[tilespmem:s19+$0x180] =	vst v4;
	v4 =	vmul.f32 v57, v56  }
0xfa: {  	v60 =	vld [tilespmem:s19+$0x1C0]  }
0xfb: {  	[tilespmem:s19+$0x190] =	vst v4;
	v4 =	vmul.f32 v58, v56  }
0xfc: {  	v61 =	vld [tilespmem:s19+$0x1D0]  }
0xfd: {  	v3 =	vbroadcast v3, $0xF;
	[tilespmem:s19+$0x1A0] =	vst v4;
	v4 =	vmul.f32 v59, v56  }
0xfe: {  	v62 =	vld [tilespmem:s19+$0x1E0]  }
0xff: {  	v63 =	vld [tilespmem:s19+$0x1F0];
	[tilespmem:s19+$0x1B0] =	vst v4;
	v4 =	vmul.f32 v60, v3;
	_ =	sdelay $0x1  }
0x100: {  	p1 =	sne.s32 s20, $0x1C0;
	[tilespmem:s19+$0x1C0] =	vst v4;
	v4 =	vmul.f32 v61, v3  }
.Ltmp1:
0x101: {  	_ = 	snop;
	(pc) =	sbr.rel @p1 .LBB2_5-.Ltmp1, $4  }
0x102: {  	[tilespmem:s19+$0x1D0] =	vst v4;
	v4 =	vmul.f32 v62, v3  }
0x103: {  	v3 =	vmul.f32 v63, v3  }
0x104: {  	[tilespmem:s19+$0x1E0] =	vst v4  }
0x105: {  	s20 =	sadd.s32 $0x40, s20;
	[tilespmem:s19+$0x1F0] =	vst v3;
	s19 =	sadd.s32 $0x400, s19  }
0x106: {  	s18 =	sadd.s32 $0x1, s18  }
0x107: {  	p1 =	sne.s32 s18, $0x187  }
.Ltmp2:
0x108: {  	_ = 	snop;
	(pc) =	sbr.rel @p1 .LBB2_4-.Ltmp2, $4  }
0x109: {  	[spmem:s2] =	stream.indirect.scatter.add.f32 [tilespmem:s10], [sflag:$0x2], $0x40, s13, s9, $0xb8;
	[tilespmem:$0x1E400] =	vst v63  }
0x10a: {  	_ =	swait.ge [sflag:s8], $0x2000  }
0x10b: {  	[sflag:s8] =	ssyncset.done $0x0  }
0x10c: {  	[sflag:s8] =	ssyncadd.s32 $0xFFFFE000  }
0x10d: {  	s16 =	stileid.u32;
	[bflag:$0x0] =	sbarrier.arrive $0xFFFF  }
0x10e: {  	s16 =	sshll.u32 s16, $0x6;
	s18 =	rddreg [dreg:$0x5]  }
0x10f: {  	s19 =	rddreg [dreg:$0xe];
	s16 =	sor.u32 $0x1C02, s16  }
0x110: {  	[hbm:s18], [sflag:s16] =	dma.local [spmem:s19], $0x640  }
0x111: {  	_ =	swait.ge [sflag:s8], $0x640  }
0x112: {  	[sflag:s8] =	ssyncset.done $0x0;
	s20 =	rddreg [dreg:$0x6]  }
0x113: {  	s21 =	rddreg [dreg:$0xf];
	[sflag:s8] =	ssyncadd.s32 $0xFFFFF9C0  }
0x114: {  	[hbm:s20], [sflag:s16] =	dma.local [spmem:s21], $0x640  }
0x115: {  	_ =	swait.ge [sflag:s8], $0x640  }
0x116: {  	[sflag:s8] =	ssyncset.done $0x0;
	s20 =	rddreg [dreg:$0x7]  }
0x117: {  	s21 =	rddreg [dreg:$0x10];
	[sflag:s8] =	ssyncadd.s32 $0xFFFFF9C0  }
0x118: {  	[hbm:s20], [sflag:s16] =	dma.local [spmem:s21], $0x640  }
0x119: {  	_ =	swait.ge [sflag:s8], $0x640  }
0x11a: {  	[sflag:s8] =	ssyncset.done $0x0;
	s19 =	rddreg [dreg:$0x8]  }
0x11b: {  	s20 =	rddreg [dreg:$0x11];
	[sflag:s8] =	ssyncadd.s32 $0xFFFFF9C0  }
0x11c: {  	[hbm:s19], [sflag:s16] =	dma.local [spmem:s20], $0x640  }
0x11d: {  	_ =	swait.ge [sflag:s8], $0x640  }
0x11e: {  	[sflag:s8] =	ssyncset.done $0x0  }
0x11f: {  	s21 =	rddreg [dreg:$0x9];
	[sflag:s8] =	ssyncadd.s32 $0xFFFFF9C0  }
0x120: {  	[hbm:s21], [sflag:s16] =	dma.local [spmem:s22], $0x640  }
0x121: {  	_ =	swait.ge [sflag:s8], $0x640  }
0x122: {  	[sflag:s8] =	ssyncset.done $0x0  }
0x123: {  	s19 =	rddreg [dreg:$0xa];
	[sflag:s8] =	ssyncadd.s32 $0xFFFFF9C0  }
0x124: {  	[hbm:s19], [sflag:s16] =	dma.local [spmem:s23], $0x640  }
0x125: {  	_ =	swait.ge [sflag:s8], $0x640  }
0x126: {  	[sflag:s8] =	ssyncset.done $0x0  }
0x127: {  	s20 =	rddreg [dreg:$0xb];
	[sflag:s8] =	ssyncadd.s32 $0xFFFFF9C0  }
0x128: {  	[hbm:s20], [sflag:s16] =	dma.local [spmem:s24], $0x640  }
0x129: {  	_ =	swait.ge [sflag:s8], $0x640  }
0x12a: {  	[sflag:s8] =	ssyncset.done $0x0  }
0x12b: {  	s18 =	rddreg [dreg:$0xc];
	[sflag:s8] =	ssyncadd.s32 $0xFFFFF9C0  }
0x12c: {  	[hbm:s18], [sflag:s16] =	dma.local @!p0 [spmem:s25], $0x640  }
0x12d: {  	s16 =	simm.s32 @!p0 $0x2  }
0x12e: {  	_ =	swait.ge @!p0 [sflag:s16], $0x640  }
0x12f: {  	s4 =	sadd.s32 $0x1, s4;
	s21 =	rddreg [dreg:$0xd]  }
0x130: {  	p1 =	sne.s32 s4, s21  }
.Ltmp3:
0x131: {  	_ = 	snop;
	(pc) =	sbr.rel @p1 .LBB2_1-.Ltmp3, $3  }
0x132: {  	_ =	sdelay $0x1  }
0x133: {  	[sflag:s16] =	ssyncset.done @!p0 $0x0  }
0x134: {  	[sflag:s16] =	ssyncadd.s32 @!p0 $0xFFFFF9C0  }
0x135: {  	_ =	sfence.sel $0x180000  }
0x136: {  	[bflag:$0x0] =	sbarrier.arrive $0xFFFF  }
0x137: {  	_ =	strace $0x9000004A  }
0x138: {  	s0 =	stileid.u32;
	[bflag:$0x2] =	sbarrier.arrive $0xFFFF  }
0x139: {  	p0 =	sne.s32 s0, $0x0;
	s0 =	rddreg [dreg:$0x4]  }
0x13a: {  	s0 =	sadd.s32 @!p0 $0x100000, s0  }
0x13b: {  	[sflag:s0] =	ssyncadd.tile.s32 @!p0 $0x1;
	_ =	shalt  }
.Lfunc_end2:
_tile_overlayer_lowered:
.L_overlay_start_2:
0x13c: {  	(tag) =	ssettag $0x2  }
0x13d: {  	s0 =	rddreg [dreg:$0x0];
	s2 =	stileid.u32  }
0x13e: {  	s1 =	rddreg [dreg:$0x1];
	p0 =	sne.s32 s2, $0x0  }
0x13f: {  	s3 =	rddreg [dreg:$0x2];
	[bflag:$0x3] =	sbarrier.arrive $0xFFFF;
	s2 =	simm.s32 @!p0 $0x1C02  }
0x140: {  	[timem:s3], [sflag:s2] =	dma.local @!p0 [hbm:s0], s1  }
0x141: {  	s0 =	simm.s32 @!p0 $0x2  }
0x142: {  	_ =	swait.ge @!p0 [sflag:s0], s1  }
0x143: {  	s1 =	ssub.s32 @!p0 $0x0, s1;
	[sflag:s0] =	ssyncset.done @!p0 $0x0  }
0x144: {  	[sflag:s0] =	ssyncadd.s32 @!p0 s1  }
0x145: {  	[bflag:$0x3] =	sbarrier.arrive $0xFFFF  }
0x146: {  	_ =	shalt  }

</sc_bundles>
